<compile_context>
chip_gen: v7x
topology: tpu7x:2x2x1
jax: 0.10.2.dev20260603
libtpu: 0.0.44.dev20260713+nightly
codegen_flags: <defaults>
</compile_context>

<pallas_src>
import jax
import jax.numpy as jnp
from jax import lax
from jax.experimental import pallas as pl
from jax.experimental.pallas import tpu as pltpu
from jax.experimental.pallas import tpu_sc as plsc

L = 16
C = 16
NW = 32
B = 4
HO = 512
WO = 512
HOWO = HO * WO
N = B * HOWO
NPW = N // NW
K = 256
NCHUNK = NPW // K
SIZES = (1024, 512, 256, 128)
ISLICE = 128
HIMASK = -65536


def _coords(xv, yv, size):
    gx = xv * 2.0 - 1.0
    gy = yv * 2.0 - 1.0
    fx = (gx + 1.0) * 0.5 * float(size - 1)
    fy = (gy + 1.0) * 0.5 * float(size - 1)
    xi = fx.astype(jnp.int32)
    yi = fy.astype(jnp.int32)
    return fx, fy, xi, yi


def _body(inp, t1, t2, t3, t4, out,
          in_v, i1, i2, i3, i4, r1, r2, r3, r4, acc,
          sg0, sg1, si0, si1, so0, so1):
    tabs = (t1, t2, t3, t4)
    idxs = (i1, i2, i3, i4)
    rows = (r1, r2, r3, r4)
    sems_g = (sg0, sg1)
    sems_i = (si0, si1)
    sems_o = (so0, so1)
    cid = lax.axis_index("c")
    sid = lax.axis_index("s")
    wid = sid * 2 + cid
    batch = wid // (NW // B)
    obase = (wid % (NW // B)) * NPW
    iota = lax.iota(jnp.int32, L)

    def fire_in(t, p):
        gp = wid * NPW + t * K
        pltpu.async_copy(inp.at[:, pl.ds(gp, K)], in_v.at[p], sems_i[p])

    def drain_in(p):
        pltpu.make_async_copy(inp.at[:, pl.ds(0, K)], in_v.at[p],
                              sems_i[p]).wait()

    def pass_a(p):
        def grp_a(g, c2):
            xv = in_v[p, 0, pl.ds(g * L, L)]
            yv = in_v[p, 1, pl.ds(g * L, L)]
            for lvl, size in enumerate(SIZES):
                _, _, xi, yi = _coords(xv, yv, size)
                xi = jnp.minimum(xi, size - 2)
                yi = jnp.minimum(yi, size - 2)
                r00 = yi * size + xi
                idx_l = idxs[lvl]
                idx_l[p, pl.ds(0 * K + g * L, L)] = r00
                idx_l[p, pl.ds(1 * K + g * L, L)] = r00 + size
            return c2
        lax.fori_loop(0, K // L, grp_a, 0)

    def fire_gathers(p):
        for lvl in range(4):
            for j in range(2 * K // ISLICE):
                pltpu.async_copy(
                    tabs[lvl].at[idxs[lvl].at[p, pl.ds(j * ISLICE, ISLICE)]],
                    rows[lvl].at[p, pl.ds(j * ISLICE, ISLICE)],
                    sems_g[p])

    def drain_gathers(p):
        for lvl in range(4):
            pltpu.make_async_copy(
                tabs[lvl].at[idxs[lvl].at[p]],
                rows[lvl].at[p],
                sems_g[p]).wait()

    def combine(p):
        @plsc.parallel_loop(0, K // L, 1)
        def grp_b(g):
            xv = in_v[p, 0, pl.ds(g * L, L)]
            yv = in_v[p, 1, pl.ds(g * L, L)]
            mv = in_v[p, 2, pl.ds(g * L, L)]
            ws = []
            for size in SIZES:
                fx, fy, xi, yi = _coords(xv, yv, size)
                wx1 = fx - xi.astype(jnp.float32)
                wy1 = fy - yi.astype(jnp.float32)
                wx0 = 1.0 - wx1
                wy0 = 1.0 - wy1
                ws.append(((wy0 * wx0, wy0 * wx1), (wy1 * wx0, wy1 * wx1)))
            point = g * L + iota
            rys = (point, point + K)
            @plsc.parallel_loop(0, C, 1, unroll=4)
            def _dloop(d):
                cold = (d + iota) & (C - 1)
                terms = []
                for lvl in range(4):
                    for yc in range(2):
                        w = plsc.load_gather(rows[lvl].at[p], [rys[yc], cold])
                        v0 = plsc.bitcast(w << 16, jnp.float32)
                        v1 = plsc.bitcast(w & HIMASK, jnp.float32)
                        terms.append(ws[lvl][yc][0] * v0
                                     + ws[lvl][yc][1] * v1)
                while len(terms) > 1:
                    terms = [terms[i] + terms[i + 1]
                             for i in range(0, len(terms), 2)]
                plsc.store_scatter(acc.at[p], [cold, point], terms[0] * mv)

    def fire_out(t, p):
        pltpu.async_copy(acc.at[p], out.at[batch, :, pl.ds(obase + t * K, K)],
                         sems_o[p])

    def drain_out(p):
        pltpu.make_async_copy(acc.at[p], out.at[batch, :, pl.ds(obase, K)],
                              sems_o[p]).wait()

    fire_in(0, 0)
    drain_in(0)
    pass_a(0)
    fire_gathers(0)

    def body(tt, carry):
        for p in (0, 1):
            t = 2 * tt + p
            q = 1 - p
            if p == 0:
                fire_in(t + 1, q)
            else:
                @pl.when(t + 1 < NCHUNK)
                def _():
                    fire_in(t + 1, q)
            drain_gathers(p)

            @pl.when(tt >= 1)
            def _():
                drain_out(p)
            combine(p)
            fire_out(t, p)

            if p == 0:
                drain_in(q)
                pass_a(q)
                fire_gathers(q)
            else:
                @pl.when(t + 1 < NCHUNK)
                def _():
                    drain_in(q)
                    pass_a(q)
                    fire_gathers(q)
        return carry

    lax.fori_loop(0, NCHUNK // 2, body, 0)
    drain_out(0)
    drain_out(1)


def _pack_tab(layer):
    t = layer[0]
    lo = jax.lax.bitcast_convert_type(t.astype(jnp.bfloat16),
                                      jnp.uint16).astype(jnp.uint32)
    w = lo | (jnp.roll(lo, -1, axis=2) << 16)
    w = jax.lax.bitcast_convert_type(w, jnp.int32)
    return jnp.transpose(w, (1, 2, 0)).reshape(-1, C)


def kernel(x, x_msk, layer1, layer2, layer3, layer4):
    inp = jnp.stack([x[..., 0].reshape(-1), x[..., 1].reshape(-1),
                     x_msk.reshape(-1)])
    tabs = [_pack_tab(l) for l in (layer1, layer2, layer3, layer4)]

    mesh = plsc.VectorSubcoreMesh(core_axis_name="c", subcore_axis_name="s")
    func = pl.kernel(
        _body,
        out_type=jax.ShapeDtypeStruct((B, C, HOWO), jnp.float32),
        mesh=mesh,
        compiler_params=pltpu.CompilerParams(
            needs_layout_passes=False, use_tc_tiling_on_sc=False),
        scratch_types=[
            pltpu.VMEM((2, 3, K), jnp.float32),
            pltpu.VMEM((2, 2 * K), jnp.int32),
            pltpu.VMEM((2, 2 * K), jnp.int32),
            pltpu.VMEM((2, 2 * K), jnp.int32),
            pltpu.VMEM((2, 2 * K), jnp.int32),
            pltpu.VMEM((2, 2 * K, C), jnp.int32),
            pltpu.VMEM((2, 2 * K, C), jnp.int32),
            pltpu.VMEM((2, 2 * K, C), jnp.int32),
            pltpu.VMEM((2, 2 * K, C), jnp.int32),
            pltpu.VMEM((2, C, K), jnp.float32),
            pltpu.SemaphoreType.DMA,
            pltpu.SemaphoreType.DMA,
            pltpu.SemaphoreType.DMA,
            pltpu.SemaphoreType.DMA,
            pltpu.SemaphoreType.DMA,
            pltpu.SemaphoreType.DMA,
        ],
    )
    y = func(inp, *tabs)
    return y.reshape(B, C, HO, WO)

# --- scband reference (transcript-rebuilt; emitter-appended) ---
"""Pipeline reference for scband-texture-46222438040249 (READ-ONLY COPY).

The authoritative reference and input builder live on the scoring server;
editing this copy changes nothing except your own understanding.
"""

import jax, jax.numpy as jnp
import numpy as np

W = 1024
H = 1024
FEATURE_DIM = 16
BATCH = 4
HO = 512
WO = 512


def setup_inputs(seed: int = 0) -> dict:
    key = jax.random.key(seed)
    k1, k2, k3, k4, k5, k6 = jax.random.split(key, 6)
    x = jax.random.uniform(k1, (BATCH, HO, WO, 2), dtype=jnp.float32)
    x_msk = jax.random.uniform(k2, (BATCH, HO, WO), dtype=jnp.float32)
    layer1 = jax.random.normal(k3, (1, FEATURE_DIM, W, H), dtype=jnp.float32)
    layer2 = jax.random.normal(k4, (1, FEATURE_DIM, W // 2, H // 2), dtype=jnp.float32)
    layer3 = jax.random.normal(k5, (1, FEATURE_DIM, W // 4, H // 4), dtype=jnp.float32)
    layer4 = jax.random.normal(k6, (1, FEATURE_DIM, W // 8, H // 8), dtype=jnp.float32)
    return {"x": x, "x_msk": x_msk, "layer1": layer1, "layer2": layer2, "layer3": layer3, "layer4": layer4}


def _grid_sample_bilinear(tex, grid):
    # tex: [1, C, Hin, Win]; grid: [B, Ho, Wo, 2] in [-1, 1], (x=width, y=height)
    # align_corners=True, padding_mode='zeros' (matches torch F.grid_sample defaults used)
    Hin = tex.shape[2]
    Win = tex.shape[3]
    gx = grid[..., 0]
    gy = grid[..., 1]
    ix = (gx + 1.0) * 0.5 * (Win - 1)
    iy = (gy + 1.0) * 0.5 * (Hin - 1)
    ix0 = jnp.floor(ix)
    iy0 = jnp.floor(iy)
    ix1 = ix0 + 1.0
    iy1 = iy0 + 1.0
    wx1 = ix - ix0
    wx0 = 1.0 - wx1
    wy1 = iy - iy0
    wy0 = 1.0 - wy1
    t = tex[0]  # [C, Hin, Win]

    def corner(iyc, ixc, w):
        valid = (iyc >= 0) & (iyc <= Hin - 1) & (ixc >= 0) & (ixc <= Win - 1)
        iyi = jnp.clip(iyc, 0, Hin - 1).astype(jnp.int32)
        ixi = jnp.clip(ixc, 0, Win - 1).astype(jnp.int32)
        v = t[:, iyi, ixi]  # gather -> [C, B, Ho, Wo]
        v = jnp.transpose(v, (1, 0, 2, 3))  # [B, C, Ho, Wo]
        w = jnp.where(valid, w, 0.0)
        return v * w[:, None, :, :]

    return (corner(iy0, ix0, wy0 * wx0) + corner(iy0, ix1, wy0 * wx1)
            + corner(iy1, ix0, wy1 * wx0) + corner(iy1, ix1, wy1 * wx1))


def reference(x, x_msk, layer1, layer2, layer3, layer4):
    g = x * 2.0 - 1.0
    y1 = _grid_sample_bilinear(layer1, g)
    y2 = _grid_sample_bilinear(layer2, g)
    y3 = _grid_sample_bilinear(layer3, g)
    y4 = _grid_sample_bilinear(layer4, g)
    y = y1 + y2 + y3 + y4
    y = y * x_msk[:, None, :, :]
    return y

if __name__ == "__main__":
    import jax
    _d = setup_inputs()
    print(jax.jit(kernel)(*tuple(_d.values())))

</pallas_src>

<mosaic_0001>
#map = affine_map<(d0, d1) -> (0, 0)>
#map1 = affine_map<(d0, d1) -> (0, 0, 0)>
module attributes {stable_mosaic.version = 14 : i64} {
  func.func @_body(%arg0: i32, %arg1: i32, %arg2: memref<3x1048576xf32, #tpu.memory_space<hbm>>, %arg3: memref<1048576x16xi32, #tpu.memory_space<hbm>>, %arg4: memref<262144x16xi32, #tpu.memory_space<hbm>>, %arg5: memref<65536x16xi32, #tpu.memory_space<hbm>>, %arg6: memref<16384x16xi32, #tpu.memory_space<hbm>>, %arg7: memref<4x16x262144xf32, #tpu.memory_space<hbm>>, %arg8: memref<2x3x256xf32, #tpu.memory_space<vmem>>, %arg9: memref<2x512xi32, #tpu.memory_space<vmem>>, %arg10: memref<2x512xi32, #tpu.memory_space<vmem>>, %arg11: memref<2x512xi32, #tpu.memory_space<vmem>>, %arg12: memref<2x512xi32, #tpu.memory_space<vmem>>, %arg13: memref<2x512x16xi32, #tpu.memory_space<vmem>>, %arg14: memref<2x512x16xi32, #tpu.memory_space<vmem>>, %arg15: memref<2x512x16xi32, #tpu.memory_space<vmem>>, %arg16: memref<2x512x16xi32, #tpu.memory_space<vmem>>, %arg17: memref<2x16x256xf32, #tpu.memory_space<vmem>>, %arg18: memref<!tpu.dma_semaphore, #tpu.memory_space<semaphore_mem>>, %arg19: memref<!tpu.dma_semaphore, #tpu.memory_space<semaphore_mem>>, %arg20: memref<!tpu.dma_semaphore, #tpu.memory_space<semaphore_mem>>, %arg21: memref<!tpu.dma_semaphore, #tpu.memory_space<semaphore_mem>>, %arg22: memref<!tpu.dma_semaphore, #tpu.memory_space<semaphore_mem>>, %arg23: memref<!tpu.dma_semaphore, #tpu.memory_space<semaphore_mem>>) attributes {dimension_semantics = [#tpu.dimension_semantics<core_parallel>, #tpu.dimension_semantics<subcore_parallel>], iteration_bounds = array<i64: 2, 16>, scalar_prefetch = 0 : i64, scratch_operands = 16 : i64, tpu.core_type = #tpu.core_type<sc_vector_subcore>, window_params = [{transform_indices = #map}, {transform_indices = #map}, {transform_indices = #map}, {transform_indices = #map}, {transform_indices = #map}, {transform_indices = #map1}]} {
    %mul3A = arith.constant 2 : i32
    %mul3A_0 = arith.muli %arg1, %mul3A : i32
    %add3A = arith.addi %mul3A_0, %arg0 : i32
    %jit3A = arith.constant 8 : i32
    %div3A = arith.divsi %add3A, %jit3A : i32
    %sign3A = arith.constant 0 : i32
    %sign3A_1 = arith.cmpi sgt, %add3A, %sign3A : i32
    %sign3A_2 = arith.extui %sign3A_1 : i1 to i32
    %sign3A_3 = arith.constant 0 : i32
    %sign3A_4 = arith.cmpi slt, %add3A, %sign3A_3 : i32
    %sign3A_5 = arith.extui %sign3A_4 : i1 to i32
    %sign3A_6 = arith.subi %sign3A_2, %sign3A_5 : i32
    %sign3A_7 = arith.constant 0 : i32
    %sign3A_8 = arith.cmpi sgt, %jit3A, %sign3A_7 : i32
    %sign3A_9 = arith.extui %sign3A_8 : i1 to i32
    %sign3A_10 = arith.constant 0 : i32
    %sign3A_11 = arith.cmpi slt, %jit3A, %sign3A_10 : i32
    %sign3A_12 = arith.extui %sign3A_11 : i1 to i32
    %sign3A_13 = arith.subi %sign3A_9, %sign3A_12 : i32
    %ne3A = arith.cmpi ne, %sign3A_6, %sign3A_13 : i32
    %rem3A = arith.remsi %add3A, %jit3A : i32
    %ne3A_14 = arith.constant 0 : i32
    %ne3A_15 = arith.cmpi ne, %rem3A, %ne3A_14 : i32
    %and3A = arith.andi %ne3A, %ne3A_15 : i1
    %sub3A = arith.constant 1 : i32
    %sub3A_16 = arith.subi %div3A, %sub3A : i32
    %select_n3A = arith.select %and3A, %sub3A_16, %div3A : i32
    %jit3A_17 = arith.constant 8 : i32
    %eq3A = arith.constant 0 : i32
    %eq3A_18 = arith.cmpi eq, %jit3A_17, %eq3A : i32
    %jit3A_19 = arith.constant 1 : i32
    %select_n3A_20 = arith.select %eq3A_18, %jit3A_19, %jit3A_17 : i32
    %rem3A_21 = arith.remsi %add3A, %select_n3A_20 : i32
    %ne3A_22 = arith.constant 0 : i32
    %ne3A_23 = arith.cmpi ne, %rem3A_21, %ne3A_22 : i32
    %lt3A = arith.constant 0 : i32
    %lt3A_24 = arith.cmpi slt, %rem3A_21, %lt3A : i32
    %lt3A_25 = arith.constant 0 : i32
    %lt3A_26 = arith.cmpi slt, %select_n3A_20, %lt3A_25 : i32
    %ne3A_27 = arith.xori %lt3A_24, %lt3A_26 : i1
    %and3A_28 = arith.andi %ne3A_27, %ne3A_23 : i1
    %add3A_29 = arith.addi %rem3A_21, %select_n3A_20 : i32
    %select_n3A_30 = arith.select %and3A_28, %add3A_29, %rem3A_21 : i32
    %mul3A_31 = arith.constant 32768 : i32
    %mul3A_32 = arith.muli %select_n3A_30, %mul3A_31 : i32
    %iota3A = tpu.iota {dimensions = array<i32: 0>} : vector<16xi32>
    %mul3A_33 = arith.constant 32768 : i32
    %mul3A_34 = arith.muli %add3A, %mul3A_33 : i32
    %add3A_35 = arith.constant 0 : i32
    %add3A_36 = arith.addi %mul3A_34, %add3A_35 : i32
    %dma_start3A = arith.constant 0 : i32
    %dma_start3A_37 = arith.constant 0 : i32
    %dma_start3A_38 = arith.constant 0 : i32
    %dma_start3A_39 = tpu.memref_slice %arg8[%dma_start3A, %dma_start3A_37, %dma_start3A_38] : memref<2x3x256xf32, #tpu.memory_space<vmem>> -> memref<1x3x256xf32, #tpu.memory_space<vmem>>
    %dma_start3A_40 = tpu.memref_squeeze %dma_start3A_39 : memref<1x3x256xf32, #tpu.memory_space<vmem>> -> memref<3x256xf32, #tpu.memory_space<vmem>>
    %dma_start3A_41 = arith.constant 0 : i32
    %dma_start3A_42 = tpu.memref_slice %arg2[%dma_start3A_41, %add3A_36] : memref<3x1048576xf32, #tpu.memory_space<hbm>> -> memref<3x256xf32, #tpu.memory_space<hbm>>
    %dma_start3A_43 = arith.constant 0 : i32
    %dma_start3A_44 = arith.constant 0 : i32
    %dma_start3A_45 = tpu.memref_slice %arg8[%dma_start3A, %dma_start3A_43, %dma_start3A_44] : memref<2x3x256xf32, #tpu.memory_space<vmem>> -> memref<1x3x256xf32, #tpu.memory_space<vmem>>
    %dma_start3A_46 = tpu.memref_squeeze %dma_start3A_45 : memref<1x3x256xf32, #tpu.memory_space<vmem>> -> memref<3x256xf32, #tpu.memory_space<vmem>>
    %dma_start3A_47 = arith.constant 0 : i32
    %dma_start3A_48 = tpu.memref_slice %arg2[%dma_start3A_47, %add3A_36] : memref<3x1048576xf32, #tpu.memory_space<hbm>> -> memref<3x256xf32, #tpu.memory_space<hbm>>
    tpu.enqueue_dma source(%dma_start3A_48 : memref<3x256xf32, #tpu.memory_space<hbm>>) target(%dma_start3A_46 : memref<3x256xf32, #tpu.memory_space<vmem>>) target_semaphore(%arg20 : memref<!tpu.dma_semaphore, #tpu.memory_space<semaphore_mem>>)
    %dma_wait3A = arith.constant 0 : i32
    %dma_wait3A_49 = arith.constant 0 : i32
    %dma_wait3A_50 = arith.constant 0 : i32
    %dma_wait3A_51 = tpu.memref_slice %arg8[%dma_wait3A, %dma_wait3A_49, %dma_wait3A_50] : memref<2x3x256xf32, #tpu.memory_space<vmem>> -> memref<1x3x256xf32, #tpu.memory_space<vmem>>
    %dma_wait3A_52 = tpu.memref_squeeze %dma_wait3A_51 : memref<1x3x256xf32, #tpu.memory_space<vmem>> -> memref<3x256xf32, #tpu.memory_space<vmem>>
    %dma_wait3A_53 = arith.constant 0 : i32
    %dma_wait3A_54 = arith.constant 0 : i32
    %dma_wait3A_55 = tpu.memref_slice %arg2[%dma_wait3A_53, %dma_wait3A_54] : memref<3x1048576xf32, #tpu.memory_space<hbm>> -> memref<3x256xf32, #tpu.memory_space<hbm>>
    %dma_wait3A_56 = arith.constant 0 : i32
    %dma_wait3A_57 = arith.constant 0 : i32
    %dma_wait3A_58 = tpu.memref_slice %arg8[%dma_wait3A, %dma_wait3A_56, %dma_wait3A_57] : memref<2x3x256xf32, #tpu.memory_space<vmem>> -> memref<1x3x256xf32, #tpu.memory_space<vmem>>
    %dma_wait3A_59 = tpu.memref_squeeze %dma_wait3A_58 : memref<1x3x256xf32, #tpu.memory_space<vmem>> -> memref<3x256xf32, #tpu.memory_space<vmem>>
    %dma_wait3A_60 = arith.constant 0 : i32
    %dma_wait3A_61 = arith.constant 0 : i32
    %dma_wait3A_62 = tpu.memref_slice %arg2[%dma_wait3A_60, %dma_wait3A_61] : memref<3x1048576xf32, #tpu.memory_space<hbm>> -> memref<3x256xf32, #tpu.memory_space<hbm>>
    tpu.wait_dma2 semaphore(%arg20 : memref<!tpu.dma_semaphore, #tpu.memory_space<semaphore_mem>>) src(%dma_wait3A_62 : memref<3x256xf32, #tpu.memory_space<hbm>>) dst(%dma_wait3A_59 : memref<3x256xf32, #tpu.memory_space<vmem>>)
    %scan3A = arith.constant 0 : i32
    %scan3A_63 = arith.constant 0 : i32
    %scan3A_64 = arith.constant 16 : i32
    %scan3A_65 = arith.addi %scan3A_63, %scan3A_64 : i32
    %scan3A_66 = arith.constant 1 : i32
    scf.for %scan3A_296 = %scan3A_63 to %scan3A_65 step %scan3A_66  : i32 {
      %mul3A_297 = arith.constant 16 : i32
      %mul3A_298 = arith.muli %scan3A_296, %mul3A_297 : i32
      %get3A = arith.constant 0 : i32
      %get3A_299 = arith.constant 0 : i32
      %get3A_300 = arith.index_cast %get3A : i32 to index
      %get3A_301 = arith.index_cast %get3A_299 : i32 to index
      %get3A_302 = arith.index_cast %mul3A_298 : i32 to index
      %get3A_303 = tpu.vector_load %arg8[%get3A_300, %get3A_301, %get3A_302] {strides = array<i32>} : memref<2x3x256xf32, #tpu.memory_space<vmem>>, vector<16xf32>,
      %mul3A_304 = arith.constant 16 : i32
      %mul3A_305 = arith.muli %scan3A_296, %mul3A_304 : i32
      %get3A_306 = arith.constant 0 : i32
      %get3A_307 = arith.constant 1 : i32
      %get3A_308 = arith.index_cast %get3A_306 : i32 to index
      %get3A_309 = arith.index_cast %get3A_307 : i32 to index
      %get3A_310 = arith.index_cast %mul3A_305 : i32 to index
      %get3A_311 = tpu.vector_load %arg8[%get3A_308, %get3A_309, %get3A_310] {strides = array<i32>} : memref<2x3x256xf32, #tpu.memory_space<vmem>>, vector<16xf32>,
      %mul3A_312 = arith.constant 2.000000e+00 : f32
      %mul3A_313 = vector.broadcast %mul3A_312 : f32 to vector<16xf32>
      %mul3A_314 = arith.mulf %get3A_303, %mul3A_313 : vector<16xf32>
      %sub3A_315 = arith.constant 1.000000e+00 : f32
      %sub3A_316 = vector.broadcast %sub3A_315 : f32 to vector<16xf32>
      %sub3A_317 = arith.subf %mul3A_314, %sub3A_316 : vector<16xf32>
      %mul3A_318 = arith.constant 2.000000e+00 : f32
      %mul3A_319 = vector.broadcast %mul3A_318 : f32 to vector<16xf32>
      %mul3A_320 = arith.mulf %get3A_311, %mul3A_319 : vector<16xf32>
      %sub3A_321 = arith.constant 1.000000e+00 : f32
      %sub3A_322 = vector.broadcast %sub3A_321 : f32 to vector<16xf32>
      %sub3A_323 = arith.subf %mul3A_320, %sub3A_322 : vector<16xf32>
      %add3A_324 = arith.constant 1.000000e+00 : f32
      %add3A_325 = vector.broadcast %add3A_324 : f32 to vector<16xf32>
      %add3A_326 = arith.addf %sub3A_317, %add3A_325 : vector<16xf32>
      %mul3A_327 = arith.constant 5.000000e-01 : f32
      %mul3A_328 = vector.broadcast %mul3A_327 : f32 to vector<16xf32>
      %mul3A_329 = arith.mulf %add3A_326, %mul3A_328 : vector<16xf32>
      %mul3A_330 = arith.constant 1.023000e+03 : f32
      %mul3A_331 = vector.broadcast %mul3A_330 : f32 to vector<16xf32>
      %mul3A_332 = arith.mulf %mul3A_329, %mul3A_331 : vector<16xf32>
      %add3A_333 = arith.constant 1.000000e+00 : f32
      %add3A_334 = vector.broadcast %add3A_333 : f32 to vector<16xf32>
      %add3A_335 = arith.addf %sub3A_323, %add3A_334 : vector<16xf32>
      %mul3A_336 = arith.constant 5.000000e-01 : f32
      %mul3A_337 = vector.broadcast %mul3A_336 : f32 to vector<16xf32>
      %mul3A_338 = arith.mulf %add3A_335, %mul3A_337 : vector<16xf32>
      %mul3A_339 = arith.constant 1.023000e+03 : f32
      %mul3A_340 = vector.broadcast %mul3A_339 : f32 to vector<16xf32>
      %mul3A_341 = arith.mulf %mul3A_338, %mul3A_340 : vector<16xf32>
      %convert_element_type3A = arith.fptosi %mul3A_332 : vector<16xf32> to vector<16xi32>
      %convert_element_type3A_342 = arith.fptosi %mul3A_341 : vector<16xf32> to vector<16xi32>
      %min3A = arith.constant 1022 : i32
      %min3A_343 = vector.broadcast %min3A : i32 to vector<16xi32>
      %min3A_344 = arith.minsi %convert_element_type3A, %min3A_343 : vector<16xi32>
      %min3A_345 = arith.constant 1022 : i32
      %min3A_346 = vector.broadcast %min3A_345 : i32 to vector<16xi32>
      %min3A_347 = arith.minsi %convert_element_type3A_342, %min3A_346 : vector<16xi32>
      %mul3A_348 = arith.constant 1024 : i32
      %mul3A_349 = vector.broadcast %mul3A_348 : i32 to vector<16xi32>
      %mul3A_350 = arith.muli %min3A_347, %mul3A_349 : vector<16xi32>
      %add3A_351 = arith.addi %mul3A_350, %min3A_344 : vector<16xi32>
      %mul3A_352 = arith.constant 16 : i32
      %mul3A_353 = arith.muli %scan3A_296, %mul3A_352 : i32
      %add3A_354 = arith.constant 0 : i32
      %add3A_355 = arith.addi %add3A_354, %mul3A_353 : i32
      %swap3A = arith.constant 0 : i32
      %swap3A_356 = arith.index_cast %swap3A : i32 to index
      %swap3A_357 = arith.index_cast %add3A_355 : i32 to index
      %swap3A_358 = tpu.vector_load %arg9[%swap3A_356, %swap3A_357] {strides = array<i32>} : memref<2x512xi32, #tpu.memory_space<vmem>>, vector<16xi32>,
      tpu.vector_store %arg9[%swap3A_356, %swap3A_357], %add3A_351 {strides = array<i32>} : memref<2x512xi32, #tpu.memory_space<vmem>>, vector<16xi32>,
      %add3A_359 = arith.constant 1024 : i32
      %add3A_360 = vector.broadcast %add3A_359 : i32 to vector<16xi32>
      %add3A_361 = arith.addi %add3A_351, %add3A_360 : vector<16xi32>
      %mul3A_362 = arith.constant 16 : i32
      %mul3A_363 = arith.muli %scan3A_296, %mul3A_362 : i32
      %add3A_364 = arith.constant 256 : i32
      %add3A_365 = arith.addi %add3A_364, %mul3A_363 : i32
      %swap3A_366 = arith.constant 0 : i32
      %swap3A_367 = arith.index_cast %swap3A_366 : i32 to index
      %swap3A_368 = arith.index_cast %add3A_365 : i32 to index
      %swap3A_369 = tpu.vector_load %arg9[%swap3A_367, %swap3A_368] {strides = array<i32>} : memref<2x512xi32, #tpu.memory_space<vmem>>, vector<16xi32>,
      tpu.vector_store %arg9[%swap3A_367, %swap3A_368], %add3A_361 {strides = array<i32>} : memref<2x512xi32, #tpu.memory_space<vmem>>, vector<16xi32>,
      %mul3A_370 = arith.constant 2.000000e+00 : f32
      %mul3A_371 = vector.broadcast %mul3A_370 : f32 to vector<16xf32>
      %mul3A_372 = arith.mulf %get3A_303, %mul3A_371 : vector<16xf32>
      %sub3A_373 = arith.constant 1.000000e+00 : f32
      %sub3A_374 = vector.broadcast %sub3A_373 : f32 to vector<16xf32>
      %sub3A_375 = arith.subf %mul3A_372, %sub3A_374 : vector<16xf32>
      %mul3A_376 = arith.constant 2.000000e+00 : f32
      %mul3A_377 = vector.broadcast %mul3A_376 : f32 to vector<16xf32>
      %mul3A_378 = arith.mulf %get3A_311, %mul3A_377 : vector<16xf32>
      %sub3A_379 = arith.constant 1.000000e+00 : f32
      %sub3A_380 = vector.broadcast %sub3A_379 : f32 to vector<16xf32>
      %sub3A_381 = arith.subf %mul3A_378, %sub3A_380 : vector<16xf32>
      %add3A_382 = arith.constant 1.000000e+00 : f32
      %add3A_383 = vector.broadcast %add3A_382 : f32 to vector<16xf32>
      %add3A_384 = arith.addf %sub3A_375, %add3A_383 : vector<16xf32>
      %mul3A_385 = arith.constant 5.000000e-01 : f32
      %mul3A_386 = vector.broadcast %mul3A_385 : f32 to vector<16xf32>
      %mul3A_387 = arith.mulf %add3A_384, %mul3A_386 : vector<16xf32>
      %mul3A_388 = arith.constant 5.110000e+02 : f32
      %mul3A_389 = vector.broadcast %mul3A_388 : f32 to vector<16xf32>
      %mul3A_390 = arith.mulf %mul3A_387, %mul3A_389 : vector<16xf32>
      %add3A_391 = arith.constant 1.000000e+00 : f32
      %add3A_392 = vector.broadcast %add3A_391 : f32 to vector<16xf32>
      %add3A_393 = arith.addf %sub3A_381, %add3A_392 : vector<16xf32>
      %mul3A_394 = arith.constant 5.000000e-01 : f32
      %mul3A_395 = vector.broadcast %mul3A_394 : f32 to vector<16xf32>
      %mul3A_396 = arith.mulf %add3A_393, %mul3A_395 : vector<16xf32>
      %mul3A_397 = arith.constant 5.110000e+02 : f32
      %mul3A_398 = vector.broadcast %mul3A_397 : f32 to vector<16xf32>
      %mul3A_399 = arith.mulf %mul3A_396, %mul3A_398 : vector<16xf32>
      %convert_element_type3A_400 = arith.fptosi %mul3A_390 : vector<16xf32> to vector<16xi32>
      %convert_element_type3A_401 = arith.fptosi %mul3A_399 : vector<16xf32> to vector<16xi32>
      %min3A_402 = arith.constant 510 : i32
      %min3A_403 = vector.broadcast %min3A_402 : i32 to vector<16xi32>
      %min3A_404 = arith.minsi %convert_element_type3A_400, %min3A_403 : vector<16xi32>
      %min3A_405 = arith.constant 510 : i32
      %min3A_406 = vector.broadcast %min3A_405 : i32 to vector<16xi32>
      %min3A_407 = arith.minsi %convert_element_type3A_401, %min3A_406 : vector<16xi32>
      %mul3A_408 = arith.constant 512 : i32
      %mul3A_409 = vector.broadcast %mul3A_408 : i32 to vector<16xi32>
      %mul3A_410 = arith.muli %min3A_407, %mul3A_409 : vector<16xi32>
      %add3A_411 = arith.addi %mul3A_410, %min3A_404 : vector<16xi32>
      %mul3A_412 = arith.constant 16 : i32
      %mul3A_413 = arith.muli %scan3A_296, %mul3A_412 : i32
      %add3A_414 = arith.constant 0 : i32
      %add3A_415 = arith.addi %add3A_414, %mul3A_413 : i32
      %swap3A_416 = arith.constant 0 : i32
      %swap3A_417 = arith.index_cast %swap3A_416 : i32 to index
      %swap3A_418 = arith.index_cast %add3A_415 : i32 to index
      %swap3A_419 = tpu.vector_load %arg10[%swap3A_417, %swap3A_418] {strides = array<i32>} : memref<2x512xi32, #tpu.memory_space<vmem>>, vector<16xi32>,
      tpu.vector_store %arg10[%swap3A_417, %swap3A_418], %add3A_411 {strides = array<i32>} : memref<2x512xi32, #tpu.memory_space<vmem>>, vector<16xi32>,
      %add3A_420 = arith.constant 512 : i32
      %add3A_421 = vector.broadcast %add3A_420 : i32 to vector<16xi32>
      %add3A_422 = arith.addi %add3A_411, %add3A_421 : vector<16xi32>
      %mul3A_423 = arith.constant 16 : i32
      %mul3A_424 = arith.muli %scan3A_296, %mul3A_423 : i32
      %add3A_425 = arith.constant 256 : i32
      %add3A_426 = arith.addi %add3A_425, %mul3A_424 : i32
      %swap3A_427 = arith.constant 0 : i32
      %swap3A_428 = arith.index_cast %swap3A_427 : i32 to index
      %swap3A_429 = arith.index_cast %add3A_426 : i32 to index
      %swap3A_430 = tpu.vector_load %arg10[%swap3A_428, %swap3A_429] {strides = array<i32>} : memref<2x512xi32, #tpu.memory_space<vmem>>, vector<16xi32>,
      tpu.vector_store %arg10[%swap3A_428, %swap3A_429], %add3A_422 {strides = array<i32>} : memref<2x512xi32, #tpu.memory_space<vmem>>, vector<16xi32>,
      %mul3A_431 = arith.constant 2.000000e+00 : f32
      %mul3A_432 = vector.broadcast %mul3A_431 : f32 to vector<16xf32>
      %mul3A_433 = arith.mulf %get3A_303, %mul3A_432 : vector<16xf32>
      %sub3A_434 = arith.constant 1.000000e+00 : f32
      %sub3A_435 = vector.broadcast %sub3A_434 : f32 to vector<16xf32>
      %sub3A_436 = arith.subf %mul3A_433, %sub3A_435 : vector<16xf32>
      %mul3A_437 = arith.constant 2.000000e+00 : f32
      %mul3A_438 = vector.broadcast %mul3A_437 : f32 to vector<16xf32>
      %mul3A_439 = arith.mulf %get3A_311, %mul3A_438 : vector<16xf32>
      %sub3A_440 = arith.constant 1.000000e+00 : f32
      %sub3A_441 = vector.broadcast %sub3A_440 : f32 to vector<16xf32>
      %sub3A_442 = arith.subf %mul3A_439, %sub3A_441 : vector<16xf32>
      %add3A_443 = arith.constant 1.000000e+00 : f32
      %add3A_444 = vector.broadcast %add3A_443 : f32 to vector<16xf32>
      %add3A_445 = arith.addf %sub3A_436, %add3A_444 : vector<16xf32>
      %mul3A_446 = arith.constant 5.000000e-01 : f32
      %mul3A_447 = vector.broadcast %mul3A_446 : f32 to vector<16xf32>
      %mul3A_448 = arith.mulf %add3A_445, %mul3A_447 : vector<16xf32>
      %mul3A_449 = arith.constant 2.550000e+02 : f32
      %mul3A_450 = vector.broadcast %mul3A_449 : f32 to vector<16xf32>
      %mul3A_451 = arith.mulf %mul3A_448, %mul3A_450 : vector<16xf32>
      %add3A_452 = arith.constant 1.000000e+00 : f32
      %add3A_453 = vector.broadcast %add3A_452 : f32 to vector<16xf32>
      %add3A_454 = arith.addf %sub3A_442, %add3A_453 : vector<16xf32>
      %mul3A_455 = arith.constant 5.000000e-01 : f32
      %mul3A_456 = vector.broadcast %mul3A_455 : f32 to vector<16xf32>
      %mul3A_457 = arith.mulf %add3A_454, %mul3A_456 : vector<16xf32>
      %mul3A_458 = arith.constant 2.550000e+02 : f32
      %mul3A_459 = vector.broadcast %mul3A_458 : f32 to vector<16xf32>
      %mul3A_460 = arith.mulf %mul3A_457, %mul3A_459 : vector<16xf32>
      %convert_element_type3A_461 = arith.fptosi %mul3A_451 : vector<16xf32> to vector<16xi32>
      %convert_element_type3A_462 = arith.fptosi %mul3A_460 : vector<16xf32> to vector<16xi32>
      %min3A_463 = arith.constant 254 : i32
      %min3A_464 = vector.broadcast %min3A_463 : i32 to vector<16xi32>
      %min3A_465 = arith.minsi %convert_element_type3A_461, %min3A_464 : vector<16xi32>
      %min3A_466 = arith.constant 254 : i32
      %min3A_467 = vector.broadcast %min3A_466 : i32 to vector<16xi32>
      %min3A_468 = arith.minsi %convert_element_type3A_462, %min3A_467 : vector<16xi32>
      %mul3A_469 = arith.constant 256 : i32
      %mul3A_470 = vector.broadcast %mul3A_469 : i32 to vector<16xi32>
      %mul3A_471 = arith.muli %min3A_468, %mul3A_470 : vector<16xi32>
      %add3A_472 = arith.addi %mul3A_471, %min3A_465 : vector<16xi32>
      %mul3A_473 = arith.constant 16 : i32
      %mul3A_474 = arith.muli %scan3A_296, %mul3A_473 : i32
      %add3A_475 = arith.constant 0 : i32
      %add3A_476 = arith.addi %add3A_475, %mul3A_474 : i32
      %swap3A_477 = arith.constant 0 : i32
      %swap3A_478 = arith.index_cast %swap3A_477 : i32 to index
      %swap3A_479 = arith.index_cast %add3A_476 : i32 to index
      %swap3A_480 = tpu.vector_load %arg11[%swap3A_478, %swap3A_479] {strides = array<i32>} : memref<2x512xi32, #tpu.memory_space<vmem>>, vector<16xi32>,
      tpu.vector_store %arg11[%swap3A_478, %swap3A_479], %add3A_472 {strides = array<i32>} : memref<2x512xi32, #tpu.memory_space<vmem>>, vector<16xi32>,
      %add3A_481 = arith.constant 256 : i32
      %add3A_482 = vector.broadcast %add3A_481 : i32 to vector<16xi32>
      %add3A_483 = arith.addi %add3A_472, %add3A_482 : vector<16xi32>
      %mul3A_484 = arith.constant 16 : i32
      %mul3A_485 = arith.muli %scan3A_296, %mul3A_484 : i32
      %add3A_486 = arith.constant 256 : i32
      %add3A_487 = arith.addi %add3A_486, %mul3A_485 : i32
      %swap3A_488 = arith.constant 0 : i32
      %swap3A_489 = arith.index_cast %swap3A_488 : i32 to index
      %swap3A_490 = arith.index_cast %add3A_487 : i32 to index
      %swap3A_491 = tpu.vector_load %arg11[%swap3A_489, %swap3A_490] {strides = array<i32>} : memref<2x512xi32, #tpu.memory_space<vmem>>, vector<16xi32>,
      tpu.vector_store %arg11[%swap3A_489, %swap3A_490], %add3A_483 {strides = array<i32>} : memref<2x512xi32, #tpu.memory_space<vmem>>, vector<16xi32>,
      %mul3A_492 = arith.constant 2.000000e+00 : f32
      %mul3A_493 = vector.broadcast %mul3A_492 : f32 to vector<16xf32>
      %mul3A_494 = arith.mulf %get3A_303, %mul3A_493 : vector<16xf32>
      %sub3A_495 = arith.constant 1.000000e+00 : f32
      %sub3A_496 = vector.broadcast %sub3A_495 : f32 to vector<16xf32>
      %sub3A_497 = arith.subf %mul3A_494, %sub3A_496 : vector<16xf32>
      %mul3A_498 = arith.constant 2.000000e+00 : f32
      %mul3A_499 = vector.broadcast %mul3A_498 : f32 to vector<16xf32>
      %mul3A_500 = arith.mulf %get3A_311, %mul3A_499 : vector<16xf32>
      %sub3A_501 = arith.constant 1.000000e+00 : f32
      %sub3A_502 = vector.broadcast %sub3A_501 : f32 to vector<16xf32>
      %sub3A_503 = arith.subf %mul3A_500, %sub3A_502 : vector<16xf32>
      %add3A_504 = arith.constant 1.000000e+00 : f32
      %add3A_505 = vector.broadcast %add3A_504 : f32 to vector<16xf32>
      %add3A_506 = arith.addf %sub3A_497, %add3A_505 : vector<16xf32>
      %mul3A_507 = arith.constant 5.000000e-01 : f32
      %mul3A_508 = vector.broadcast %mul3A_507 : f32 to vector<16xf32>
      %mul3A_509 = arith.mulf %add3A_506, %mul3A_508 : vector<16xf32>
      %mul3A_510 = arith.constant 1.270000e+02 : f32
      %mul3A_511 = vector.broadcast %mul3A_510 : f32 to vector<16xf32>
      %mul3A_512 = arith.mulf %mul3A_509, %mul3A_511 : vector<16xf32>
      %add3A_513 = arith.constant 1.000000e+00 : f32
      %add3A_514 = vector.broadcast %add3A_513 : f32 to vector<16xf32>
      %add3A_515 = arith.addf %sub3A_503, %add3A_514 : vector<16xf32>
      %mul3A_516 = arith.constant 5.000000e-01 : f32
      %mul3A_517 = vector.broadcast %mul3A_516 : f32 to vector<16xf32>
      %mul3A_518 = arith.mulf %add3A_515, %mul3A_517 : vector<16xf32>
      %mul3A_519 = arith.constant 1.270000e+02 : f32
      %mul3A_520 = vector.broadcast %mul3A_519 : f32 to vector<16xf32>
      %mul3A_521 = arith.mulf %mul3A_518, %mul3A_520 : vector<16xf32>
      %convert_element_type3A_522 = arith.fptosi %mul3A_512 : vector<16xf32> to vector<16xi32>
      %convert_element_type3A_523 = arith.fptosi %mul3A_521 : vector<16xf32> to vector<16xi32>
      %min3A_524 = arith.constant 126 : i32
      %min3A_525 = vector.broadcast %min3A_524 : i32 to vector<16xi32>
      %min3A_526 = arith.minsi %convert_element_type3A_522, %min3A_525 : vector<16xi32>
      %min3A_527 = arith.constant 126 : i32
      %min3A_528 = vector.broadcast %min3A_527 : i32 to vector<16xi32>
      %min3A_529 = arith.minsi %convert_element_type3A_523, %min3A_528 : vector<16xi32>
      %mul3A_530 = arith.constant 128 : i32
      %mul3A_531 = vector.broadcast %mul3A_530 : i32 to vector<16xi32>
      %mul3A_532 = arith.muli %min3A_529, %mul3A_531 : vector<16xi32>
      %add3A_533 = arith.addi %mul3A_532, %min3A_526 : vector<16xi32>
      %mul3A_534 = arith.constant 16 : i32
      %mul3A_535 = arith.muli %scan3A_296, %mul3A_534 : i32
      %add3A_536 = arith.constant 0 : i32
      %add3A_537 = arith.addi %add3A_536, %mul3A_535 : i32
      %swap3A_538 = arith.constant 0 : i32
      %swap3A_539 = arith.index_cast %swap3A_538 : i32 to index
      %swap3A_540 = arith.index_cast %add3A_537 : i32 to index
      %swap3A_541 = tpu.vector_load %arg12[%swap3A_539, %swap3A_540] {strides = array<i32>} : memref<2x512xi32, #tpu.memory_space<vmem>>, vector<16xi32>,
      tpu.vector_store %arg12[%swap3A_539, %swap3A_540], %add3A_533 {strides = array<i32>} : memref<2x512xi32, #tpu.memory_space<vmem>>, vector<16xi32>,
      %add3A_542 = arith.constant 128 : i32
      %add3A_543 = vector.broadcast %add3A_542 : i32 to vector<16xi32>
      %add3A_544 = arith.addi %add3A_533, %add3A_543 : vector<16xi32>
      %mul3A_545 = arith.constant 16 : i32
      %mul3A_546 = arith.muli %scan3A_296, %mul3A_545 : i32
      %add3A_547 = arith.constant 256 : i32
      %add3A_548 = arith.addi %add3A_547, %mul3A_546 : i32
      %swap3A_549 = arith.constant 0 : i32
      %swap3A_550 = arith.index_cast %swap3A_549 : i32 to index
      %swap3A_551 = arith.index_cast %add3A_548 : i32 to index
      %swap3A_552 = tpu.vector_load %arg12[%swap3A_550, %swap3A_551] {strides = array<i32>} : memref<2x512xi32, #tpu.memory_space<vmem>>, vector<16xi32>,
      tpu.vector_store %arg12[%swap3A_550, %swap3A_551], %add3A_544 {strides = array<i32>} : memref<2x512xi32, #tpu.memory_space<vmem>>, vector<16xi32>,
    }
    %scan3A_67 = arith.constant 16 : i32
    %dma_start3A_68 = arith.constant 0 : i32
    %dma_start3A_69 = arith.constant 0 : i32
    %dma_start3A_70 = arith.constant 0 : i32
    %dma_start3A_71 = arith.constant 0 : i32
    %dma_start3A_72 = tpu.memref_slice %arg13[%dma_start3A_69, %dma_start3A_70, %dma_start3A_71] : memref<2x512x16xi32, #tpu.memory_space<vmem>> -> memref<1x128x16xi32, #tpu.memory_space<vmem>>
    %dma_start3A_73 = tpu.memref_squeeze %dma_start3A_72 : memref<1x128x16xi32, #tpu.memory_space<vmem>> -> memref<128x16xi32, #tpu.memory_space<vmem>>
    %dma_start3A_74 = arith.constant 0 : i32
    %dma_start3A_75 = tpu.memref_slice %arg9[%dma_start3A_68, %dma_start3A_74] : memref<2x512xi32, #tpu.memory_space<vmem>> -> memref<1x128xi32, #tpu.memory_space<vmem>>
    %dma_start3A_76 = tpu.memref_squeeze %dma_start3A_75 : memref<1x128xi32, #tpu.memory_space<vmem>> -> memref<128xi32, #tpu.memory_space<vmem>>
    %dma_start3A_77 = arith.constant 0 : i32
    %dma_start3A_78 = arith.constant 0 : i32
    %dma_start3A_79 = tpu.memref_slice %arg3[%dma_start3A_77, %dma_start3A_78] : memref<1048576x16xi32, #tpu.memory_space<hbm>> -> memref<1048576x16xi32, #tpu.memory_space<hbm>>
    tpu.enqueue_indirect_dma source(%dma_start3A_79 : memref<1048576x16xi32, #tpu.memory_space<hbm>>) target(%dma_start3A_73 : memref<128x16xi32, #tpu.memory_space<vmem>>) offsets(%dma_start3A_76 : memref<128xi32, #tpu.memory_space<vmem>>) semaphore(%arg18 : memref<!tpu.dma_semaphore, #tpu.memory_space<semaphore_mem>>)
    %dma_start3A_80 = arith.constant 0 : i32
    %dma_start3A_81 = arith.constant 0 : i32
    %dma_start3A_82 = arith.constant 128 : i32
    %dma_start3A_83 = arith.constant 0 : i32
    %dma_start3A_84 = tpu.memref_slice %arg13[%dma_start3A_81, %dma_start3A_82, %dma_start3A_83] : memref<2x512x16xi32, #tpu.memory_space<vmem>> -> memref<1x128x16xi32, #tpu.memory_space<vmem>>
    %dma_start3A_85 = tpu.memref_squeeze %dma_start3A_84 : memref<1x128x16xi32, #tpu.memory_space<vmem>> -> memref<128x16xi32, #tpu.memory_space<vmem>>
    %dma_start3A_86 = arith.constant 128 : i32
    %dma_start3A_87 = tpu.memref_slice %arg9[%dma_start3A_80, %dma_start3A_86] : memref<2x512xi32, #tpu.memory_space<vmem>> -> memref<1x128xi32, #tpu.memory_space<vmem>>
    %dma_start3A_88 = tpu.memref_squeeze %dma_start3A_87 : memref<1x128xi32, #tpu.memory_space<vmem>> -> memref<128xi32, #tpu.memory_space<vmem>>
    %dma_start3A_89 = arith.constant 0 : i32
    %dma_start3A_90 = arith.constant 0 : i32
    %dma_start3A_91 = tpu.memref_slice %arg3[%dma_start3A_89, %dma_start3A_90] : memref<1048576x16xi32, #tpu.memory_space<hbm>> -> memref<1048576x16xi32, #tpu.memory_space<hbm>>
    tpu.enqueue_indirect_dma source(%dma_start3A_91 : memref<1048576x16xi32, #tpu.memory_space<hbm>>) target(%dma_start3A_85 : memref<128x16xi32, #tpu.memory_space<vmem>>) offsets(%dma_start3A_88 : memref<128xi32, #tpu.memory_space<vmem>>) semaphore(%arg18 : memref<!tpu.dma_semaphore, #tpu.memory_space<semaphore_mem>>)
    %dma_start3A_92 = arith.constant 0 : i32
    %dma_start3A_93 = arith.constant 0 : i32
    %dma_start3A_94 = arith.constant 256 : i32
    %dma_start3A_95 = arith.constant 0 : i32
    %dma_start3A_96 = tpu.memref_slice %arg13[%dma_start3A_93, %dma_start3A_94, %dma_start3A_95] : memref<2x512x16xi32, #tpu.memory_space<vmem>> -> memref<1x128x16xi32, #tpu.memory_space<vmem>>
    %dma_start3A_97 = tpu.memref_squeeze %dma_start3A_96 : memref<1x128x16xi32, #tpu.memory_space<vmem>> -> memref<128x16xi32, #tpu.memory_space<vmem>>
    %dma_start3A_98 = arith.constant 256 : i32
    %dma_start3A_99 = tpu.memref_slice %arg9[%dma_start3A_92, %dma_start3A_98] : memref<2x512xi32, #tpu.memory_space<vmem>> -> memref<1x128xi32, #tpu.memory_space<vmem>>
    %dma_start3A_100 = tpu.memref_squeeze %dma_start3A_99 : memref<1x128xi32, #tpu.memory_space<vmem>> -> memref<128xi32, #tpu.memory_space<vmem>>
    %dma_start3A_101 = arith.constant 0 : i32
    %dma_start3A_102 = arith.constant 0 : i32
    %dma_start3A_103 = tpu.memref_slice %arg3[%dma_start3A_101, %dma_start3A_102] : memref<1048576x16xi32, #tpu.memory_space<hbm>> -> memref<1048576x16xi32, #tpu.memory_space<hbm>>
    tpu.enqueue_indirect_dma source(%dma_start3A_103 : memref<1048576x16xi32, #tpu.memory_space<hbm>>) target(%dma_start3A_97 : memref<128x16xi32, #tpu.memory_space<vmem>>) offsets(%dma_start3A_100 : memref<128xi32, #tpu.memory_space<vmem>>) semaphore(%arg18 : memref<!tpu.dma_semaphore, #tpu.memory_space<semaphore_mem>>)
    %dma_start3A_104 = arith.constant 0 : i32
    %dma_start3A_105 = arith.constant 0 : i32
    %dma_start3A_106 = arith.constant 384 : i32
    %dma_start3A_107 = arith.constant 0 : i32
    %dma_start3A_108 = tpu.memref_slice %arg13[%dma_start3A_105, %dma_start3A_106, %dma_start3A_107] : memref<2x512x16xi32, #tpu.memory_space<vmem>> -> memref<1x128x16xi32, #tpu.memory_space<vmem>>
    %dma_start3A_109 = tpu.memref_squeeze %dma_start3A_108 : memref<1x128x16xi32, #tpu.memory_space<vmem>> -> memref<128x16xi32, #tpu.memory_space<vmem>>
    %dma_start3A_110 = arith.constant 384 : i32
    %dma_start3A_111 = tpu.memref_slice %arg9[%dma_start3A_104, %dma_start3A_110] : memref<2x512xi32, #tpu.memory_space<vmem>> -> memref<1x128xi32, #tpu.memory_space<vmem>>
    %dma_start3A_112 = tpu.memref_squeeze %dma_start3A_111 : memref<1x128xi32, #tpu.memory_space<vmem>> -> memref<128xi32, #tpu.memory_space<vmem>>
    %dma_start3A_113 = arith.constant 0 : i32
    %dma_start3A_114 = arith.constant 0 : i32
    %dma_start3A_115 = tpu.memref_slice %arg3[%dma_start3A_113, %dma_start3A_114] : memref<1048576x16xi32, #tpu.memory_space<hbm>> -> memref<1048576x16xi32, #tpu.memory_space<hbm>>
    tpu.enqueue_indirect_dma source(%dma_start3A_115 : memref<1048576x16xi32, #tpu.memory_space<hbm>>) target(%dma_start3A_109 : memref<128x16xi32, #tpu.memory_space<vmem>>) offsets(%dma_start3A_112 : memref<128xi32, #tpu.memory_space<vmem>>) semaphore(%arg18 : memref<!tpu.dma_semaphore, #tpu.memory_space<semaphore_mem>>)
    %dma_start3A_116 = arith.constant 0 : i32
    %dma_start3A_117 = arith.constant 0 : i32
    %dma_start3A_118 = arith.constant 0 : i32
    %dma_start3A_119 = arith.constant 0 : i32
    %dma_start3A_120 = tpu.memref_slice %arg14[%dma_start3A_117, %dma_start3A_118, %dma_start3A_119] : memref<2x512x16xi32, #tpu.memory_space<vmem>> -> memref<1x128x16xi32, #tpu.memory_space<vmem>>
    %dma_start3A_121 = tpu.memref_squeeze %dma_start3A_120 : memref<1x128x16xi32, #tpu.memory_space<vmem>> -> memref<128x16xi32, #tpu.memory_space<vmem>>
    %dma_start3A_122 = arith.constant 0 : i32
    %dma_start3A_123 = tpu.memref_slice %arg10[%dma_start3A_116, %dma_start3A_122] : memref<2x512xi32, #tpu.memory_space<vmem>> -> memref<1x128xi32, #tpu.memory_space<vmem>>
    %dma_start3A_124 = tpu.memref_squeeze %dma_start3A_123 : memref<1x128xi32, #tpu.memory_space<vmem>> -> memref<128xi32, #tpu.memory_space<vmem>>
    %dma_start3A_125 = arith.constant 0 : i32
    %dma_start3A_126 = arith.constant 0 : i32
    %dma_start3A_127 = tpu.memref_slice %arg4[%dma_start3A_125, %dma_start3A_126] : memref<262144x16xi32, #tpu.memory_space<hbm>> -> memref<262144x16xi32, #tpu.memory_space<hbm>>
    tpu.enqueue_indirect_dma source(%dma_start3A_127 : memref<262144x16xi32, #tpu.memory_space<hbm>>) target(%dma_start3A_121 : memref<128x16xi32, #tpu.memory_space<vmem>>) offsets(%dma_start3A_124 : memref<128xi32, #tpu.memory_space<vmem>>) semaphore(%arg18 : memref<!tpu.dma_semaphore, #tpu.memory_space<semaphore_mem>>)
    %dma_start3A_128 = arith.constant 0 : i32
    %dma_start3A_129 = arith.constant 0 : i32
    %dma_start3A_130 = arith.constant 128 : i32
    %dma_start3A_131 = arith.constant 0 : i32
    %dma_start3A_132 = tpu.memref_slice %arg14[%dma_start3A_129, %dma_start3A_130, %dma_start3A_131] : memref<2x512x16xi32, #tpu.memory_space<vmem>> -> memref<1x128x16xi32, #tpu.memory_space<vmem>>
    %dma_start3A_133 = tpu.memref_squeeze %dma_start3A_132 : memref<1x128x16xi32, #tpu.memory_space<vmem>> -> memref<128x16xi32, #tpu.memory_space<vmem>>
    %dma_start3A_134 = arith.constant 128 : i32
    %dma_start3A_135 = tpu.memref_slice %arg10[%dma_start3A_128, %dma_start3A_134] : memref<2x512xi32, #tpu.memory_space<vmem>> -> memref<1x128xi32, #tpu.memory_space<vmem>>
    %dma_start3A_136 = tpu.memref_squeeze %dma_start3A_135 : memref<1x128xi32, #tpu.memory_space<vmem>> -> memref<128xi32, #tpu.memory_space<vmem>>
    %dma_start3A_137 = arith.constant 0 : i32
    %dma_start3A_138 = arith.constant 0 : i32
    %dma_start3A_139 = tpu.memref_slice %arg4[%dma_start3A_137, %dma_start3A_138] : memref<262144x16xi32, #tpu.memory_space<hbm>> -> memref<262144x16xi32, #tpu.memory_space<hbm>>
    tpu.enqueue_indirect_dma source(%dma_start3A_139 : memref<262144x16xi32, #tpu.memory_space<hbm>>) target(%dma_start3A_133 : memref<128x16xi32, #tpu.memory_space<vmem>>) offsets(%dma_start3A_136 : memref<128xi32, #tpu.memory_space<vmem>>) semaphore(%arg18 : memref<!tpu.dma_semaphore, #tpu.memory_space<semaphore_mem>>)
    %dma_start3A_140 = arith.constant 0 : i32
    %dma_start3A_141 = arith.constant 0 : i32
    %dma_start3A_142 = arith.constant 256 : i32
    %dma_start3A_143 = arith.constant 0 : i32
    %dma_start3A_144 = tpu.memref_slice %arg14[%dma_start3A_141, %dma_start3A_142, %dma_start3A_143] : memref<2x512x16xi32, #tpu.memory_space<vmem>> -> memref<1x128x16xi32, #tpu.memory_space<vmem>>
    %dma_start3A_145 = tpu.memref_squeeze %dma_start3A_144 : memref<1x128x16xi32, #tpu.memory_space<vmem>> -> memref<128x16xi32, #tpu.memory_space<vmem>>
    %dma_start3A_146 = arith.constant 256 : i32
    %dma_start3A_147 = tpu.memref_slice %arg10[%dma_start3A_140, %dma_start3A_146] : memref<2x512xi32, #tpu.memory_space<vmem>> -> memref<1x128xi32, #tpu.memory_space<vmem>>
    %dma_start3A_148 = tpu.memref_squeeze %dma_start3A_147 : memref<1x128xi32, #tpu.memory_space<vmem>> -> memref<128xi32, #tpu.memory_space<vmem>>
    %dma_start3A_149 = arith.constant 0 : i32
    %dma_start3A_150 = arith.constant 0 : i32
    %dma_start3A_151 = tpu.memref_slice %arg4[%dma_start3A_149, %dma_start3A_150] : memref<262144x16xi32, #tpu.memory_space<hbm>> -> memref<262144x16xi32, #tpu.memory_space<hbm>>
    tpu.enqueue_indirect_dma source(%dma_start3A_151 : memref<262144x16xi32, #tpu.memory_space<hbm>>) target(%dma_start3A_145 : memref<128x16xi32, #tpu.memory_space<vmem>>) offsets(%dma_start3A_148 : memref<128xi32, #tpu.memory_space<vmem>>) semaphore(%arg18 : memref<!tpu.dma_semaphore, #tpu.memory_space<semaphore_mem>>)
    %dma_start3A_152 = arith.constant 0 : i32
    %dma_start3A_153 = arith.constant 0 : i32
    %dma_start3A_154 = arith.constant 384 : i32
    %dma_start3A_155 = arith.constant 0 : i32
    %dma_start3A_156 = tpu.memref_slice %arg14[%dma_start3A_153, %dma_start3A_154, %dma_start3A_155] : memref<2x512x16xi32, #tpu.memory_space<vmem>> -> memref<1x128x16xi32, #tpu.memory_space<vmem>>
    %dma_start3A_157 = tpu.memref_squeeze %dma_start3A_156 : memref<1x128x16xi32, #tpu.memory_space<vmem>> -> memref<128x16xi32, #tpu.memory_space<vmem>>
    %dma_start3A_158 = arith.constant 384 : i32
    %dma_start3A_159 = tpu.memref_slice %arg10[%dma_start3A_152, %dma_start3A_158] : memref<2x512xi32, #tpu.memory_space<vmem>> -> memref<1x128xi32, #tpu.memory_space<vmem>>
    %dma_start3A_160 = tpu.memref_squeeze %dma_start3A_159 : memref<1x128xi32, #tpu.memory_space<vmem>> -> memref<128xi32, #tpu.memory_space<vmem>>
    %dma_start3A_161 = arith.constant 0 : i32
    %dma_start3A_162 = arith.constant 0 : i32
    %dma_start3A_163 = tpu.memref_slice %arg4[%dma_start3A_161, %dma_start3A_162] : memref<262144x16xi32, #tpu.memory_space<hbm>> -> memref<262144x16xi32, #tpu.memory_space<hbm>>
    tpu.enqueue_indirect_dma source(%dma_start3A_163 : memref<262144x16xi32, #tpu.memory_space<hbm>>) target(%dma_start3A_157 : memref<128x16xi32, #tpu.memory_space<vmem>>) offsets(%dma_start3A_160 : memref<128xi32, #tpu.memory_space<vmem>>) semaphore(%arg18 : memref<!tpu.dma_semaphore, #tpu.memory_space<semaphore_mem>>)
    %dma_start3A_164 = arith.constant 0 : i32
    %dma_start3A_165 = arith.constant 0 : i32
    %dma_start3A_166 = arith.constant 0 : i32
    %dma_start3A_167 = arith.constant 0 : i32
    %dma_start3A_168 = tpu.memref_slice %arg15[%dma_start3A_165, %dma_start3A_166, %dma_start3A_167] : memref<2x512x16xi32, #tpu.memory_space<vmem>> -> memref<1x128x16xi32, #tpu.memory_space<vmem>>
    %dma_start3A_169 = tpu.memref_squeeze %dma_start3A_168 : memref<1x128x16xi32, #tpu.memory_space<vmem>> -> memref<128x16xi32, #tpu.memory_space<vmem>>
    %dma_start3A_170 = arith.constant 0 : i32
    %dma_start3A_171 = tpu.memref_slice %arg11[%dma_start3A_164, %dma_start3A_170] : memref<2x512xi32, #tpu.memory_space<vmem>> -> memref<1x128xi32, #tpu.memory_space<vmem>>
    %dma_start3A_172 = tpu.memref_squeeze %dma_start3A_171 : memref<1x128xi32, #tpu.memory_space<vmem>> -> memref<128xi32, #tpu.memory_space<vmem>>
    %dma_start3A_173 = arith.constant 0 : i32
    %dma_start3A_174 = arith.constant 0 : i32
    %dma_start3A_175 = tpu.memref_slice %arg5[%dma_start3A_173, %dma_start3A_174] : memref<65536x16xi32, #tpu.memory_space<hbm>> -> memref<65536x16xi32, #tpu.memory_space<hbm>>
    tpu.enqueue_indirect_dma source(%dma_start3A_175 : memref<65536x16xi32, #tpu.memory_space<hbm>>) target(%dma_start3A_169 : memref<128x16xi32, #tpu.memory_space<vmem>>) offsets(%dma_start3A_172 : memref<128xi32, #tpu.memory_space<vmem>>) semaphore(%arg18 : memref<!tpu.dma_semaphore, #tpu.memory_space<semaphore_mem>>)
    %dma_start3A_176 = arith.constant 0 : i32
    %dma_start3A_177 = arith.constant 0 : i32
    %dma_start3A_178 = arith.constant 128 : i32
    %dma_start3A_179 = arith.constant 0 : i32
    %dma_start3A_180 = tpu.memref_slice %arg15[%dma_start3A_177, %dma_start3A_178, %dma_start3A_179] : memref<2x512x16xi32, #tpu.memory_space<vmem>> -> memref<1x128x16xi32, #tpu.memory_space<vmem>>
    %dma_start3A_181 = tpu.memref_squeeze %dma_start3A_180 : memref<1x128x16xi32, #tpu.memory_space<vmem>> -> memref<128x16xi32, #tpu.memory_space<vmem>>
    %dma_start3A_182 = arith.constant 128 : i32
    %dma_start3A_183 = tpu.memref_slice %arg11[%dma_start3A_176, %dma_start3A_182] : memref<2x512xi32, #tpu.memory_space<vmem>> -> memref<1x128xi32, #tpu.memory_space<vmem>>
    %dma_start3A_184 = tpu.memref_squeeze %dma_start3A_183 : memref<1x128xi32, #tpu.memory_space<vmem>> -> memref<128xi32, #tpu.memory_space<vmem>>
    %dma_start3A_185 = arith.constant 0 : i32
    %dma_start3A_186 = arith.constant 0 : i32
    %dma_start3A_187 = tpu.memref_slice %arg5[%dma_start3A_185, %dma_start3A_186] : memref<65536x16xi32, #tpu.memory_space<hbm>> -> memref<65536x16xi32, #tpu.memory_space<hbm>>
    tpu.enqueue_indirect_dma source(%dma_start3A_187 : memref<65536x16xi32, #tpu.memory_space<hbm>>) target(%dma_start3A_181 : memref<128x16xi32, #tpu.memory_space<vmem>>) offsets(%dma_start3A_184 : memref<128xi32, #tpu.memory_space<vmem>>) semaphore(%arg18 : memref<!tpu.dma_semaphore, #tpu.memory_space<semaphore_mem>>)
    %dma_start3A_188 = arith.constant 0 : i32
    %dma_start3A_189 = arith.constant 0 : i32
    %dma_start3A_190 = arith.constant 256 : i32
    %dma_start3A_191 = arith.constant 0 : i32
    %dma_start3A_192 = tpu.memref_slice %arg15[%dma_start3A_189, %dma_start3A_190, %dma_start3A_191] : memref<2x512x16xi32, #tpu.memory_space<vmem>> -> memref<1x128x16xi32, #tpu.memory_space<vmem>>
    %dma_start3A_193 = tpu.memref_squeeze %dma_start3A_192 : memref<1x128x16xi32, #tpu.memory_space<vmem>> -> memref<128x16xi32, #tpu.memory_space<vmem>>
    %dma_start3A_194 = arith.constant 256 : i32
    %dma_start3A_195 = tpu.memref_slice %arg11[%dma_start3A_188, %dma_start3A_194] : memref<2x512xi32, #tpu.memory_space<vmem>> -> memref<1x128xi32, #tpu.memory_space<vmem>>
    %dma_start3A_196 = tpu.memref_squeeze %dma_start3A_195 : memref<1x128xi32, #tpu.memory_space<vmem>> -> memref<128xi32, #tpu.memory_space<vmem>>
    %dma_start3A_197 = arith.constant 0 : i32
    %dma_start3A_198 = arith.constant 0 : i32
    %dma_start3A_199 = tpu.memref_slice %arg5[%dma_start3A_197, %dma_start3A_198] : memref<65536x16xi32, #tpu.memory_space<hbm>> -> memref<65536x16xi32, #tpu.memory_space<hbm>>
    tpu.enqueue_indirect_dma source(%dma_start3A_199 : memref<65536x16xi32, #tpu.memory_space<hbm>>) target(%dma_start3A_193 : memref<128x16xi32, #tpu.memory_space<vmem>>) offsets(%dma_start3A_196 : memref<128xi32, #tpu.memory_space<vmem>>) semaphore(%arg18 : memref<!tpu.dma_semaphore, #tpu.memory_space<semaphore_mem>>)
    %dma_start3A_200 = arith.constant 0 : i32
    %dma_start3A_201 = arith.constant 0 : i32
    %dma_start3A_202 = arith.constant 384 : i32
    %dma_start3A_203 = arith.constant 0 : i32
    %dma_start3A_204 = tpu.memref_slice %arg15[%dma_start3A_201, %dma_start3A_202, %dma_start3A_203] : memref<2x512x16xi32, #tpu.memory_space<vmem>> -> memref<1x128x16xi32, #tpu.memory_space<vmem>>
    %dma_start3A_205 = tpu.memref_squeeze %dma_start3A_204 : memref<1x128x16xi32, #tpu.memory_space<vmem>> -> memref<128x16xi32, #tpu.memory_space<vmem>>
    %dma_start3A_206 = arith.constant 384 : i32
    %dma_start3A_207 = tpu.memref_slice %arg11[%dma_start3A_200, %dma_start3A_206] : memref<2x512xi32, #tpu.memory_space<vmem>> -> memref<1x128xi32, #tpu.memory_space<vmem>>
    %dma_start3A_208 = tpu.memref_squeeze %dma_start3A_207 : memref<1x128xi32, #tpu.memory_space<vmem>> -> memref<128xi32, #tpu.memory_space<vmem>>
    %dma_start3A_209 = arith.constant 0 : i32
    %dma_start3A_210 = arith.constant 0 : i32
    %dma_start3A_211 = tpu.memref_slice %arg5[%dma_start3A_209, %dma_start3A_210] : memref<65536x16xi32, #tpu.memory_space<hbm>> -> memref<65536x16xi32, #tpu.memory_space<hbm>>
    tpu.enqueue_indirect_dma source(%dma_start3A_211 : memref<65536x16xi32, #tpu.memory_space<hbm>>) target(%dma_start3A_205 : memref<128x16xi32, #tpu.memory_space<vmem>>) offsets(%dma_start3A_208 : memref<128xi32, #tpu.memory_space<vmem>>) semaphore(%arg18 : memref<!tpu.dma_semaphore, #tpu.memory_space<semaphore_mem>>)
    %dma_start3A_212 = arith.constant 0 : i32
    %dma_start3A_213 = arith.constant 0 : i32
    %dma_start3A_214 = arith.constant 0 : i32
    %dma_start3A_215 = arith.constant 0 : i32
    %dma_start3A_216 = tpu.memref_slice %arg16[%dma_start3A_213, %dma_start3A_214, %dma_start3A_215] : memref<2x512x16xi32, #tpu.memory_space<vmem>> -> memref<1x128x16xi32, #tpu.memory_space<vmem>>
    %dma_start3A_217 = tpu.memref_squeeze %dma_start3A_216 : memref<1x128x16xi32, #tpu.memory_space<vmem>> -> memref<128x16xi32, #tpu.memory_space<vmem>>
    %dma_start3A_218 = arith.constant 0 : i32
    %dma_start3A_219 = tpu.memref_slice %arg12[%dma_start3A_212, %dma_start3A_218] : memref<2x512xi32, #tpu.memory_space<vmem>> -> memref<1x128xi32, #tpu.memory_space<vmem>>
    %dma_start3A_220 = tpu.memref_squeeze %dma_start3A_219 : memref<1x128xi32, #tpu.memory_space<vmem>> -> memref<128xi32, #tpu.memory_space<vmem>>
    %dma_start3A_221 = arith.constant 0 : i32
    %dma_start3A_222 = arith.constant 0 : i32
    %dma_start3A_223 = tpu.memref_slice %arg6[%dma_start3A_221, %dma_start3A_222] : memref<16384x16xi32, #tpu.memory_space<hbm>> -> memref<16384x16xi32, #tpu.memory_space<hbm>>
    tpu.enqueue_indirect_dma source(%dma_start3A_223 : memref<16384x16xi32, #tpu.memory_space<hbm>>) target(%dma_start3A_217 : memref<128x16xi32, #tpu.memory_space<vmem>>) offsets(%dma_start3A_220 : memref<128xi32, #tpu.memory_space<vmem>>) semaphore(%arg18 : memref<!tpu.dma_semaphore, #tpu.memory_space<semaphore_mem>>)
    %dma_start3A_224 = arith.constant 0 : i32
    %dma_start3A_225 = arith.constant 0 : i32
    %dma_start3A_226 = arith.constant 128 : i32
    %dma_start3A_227 = arith.constant 0 : i32
    %dma_start3A_228 = tpu.memref_slice %arg16[%dma_start3A_225, %dma_start3A_226, %dma_start3A_227] : memref<2x512x16xi32, #tpu.memory_space<vmem>> -> memref<1x128x16xi32, #tpu.memory_space<vmem>>
    %dma_start3A_229 = tpu.memref_squeeze %dma_start3A_228 : memref<1x128x16xi32, #tpu.memory_space<vmem>> -> memref<128x16xi32, #tpu.memory_space<vmem>>
    %dma_start3A_230 = arith.constant 128 : i32
    %dma_start3A_231 = tpu.memref_slice %arg12[%dma_start3A_224, %dma_start3A_230] : memref<2x512xi32, #tpu.memory_space<vmem>> -> memref<1x128xi32, #tpu.memory_space<vmem>>
    %dma_start3A_232 = tpu.memref_squeeze %dma_start3A_231 : memref<1x128xi32, #tpu.memory_space<vmem>> -> memref<128xi32, #tpu.memory_space<vmem>>
    %dma_start3A_233 = arith.constant 0 : i32
    %dma_start3A_234 = arith.constant 0 : i32
    %dma_start3A_235 = tpu.memref_slice %arg6[%dma_start3A_233, %dma_start3A_234] : memref<16384x16xi32, #tpu.memory_space<hbm>> -> memref<16384x16xi32, #tpu.memory_space<hbm>>
    tpu.enqueue_indirect_dma source(%dma_start3A_235 : memref<16384x16xi32, #tpu.memory_space<hbm>>) target(%dma_start3A_229 : memref<128x16xi32, #tpu.memory_space<vmem>>) offsets(%dma_start3A_232 : memref<128xi32, #tpu.memory_space<vmem>>) semaphore(%arg18 : memref<!tpu.dma_semaphore, #tpu.memory_space<semaphore_mem>>)
    %dma_start3A_236 = arith.constant 0 : i32
    %dma_start3A_237 = arith.constant 0 : i32
    %dma_start3A_238 = arith.constant 256 : i32
    %dma_start3A_239 = arith.constant 0 : i32
    %dma_start3A_240 = tpu.memref_slice %arg16[%dma_start3A_237, %dma_start3A_238, %dma_start3A_239] : memref<2x512x16xi32, #tpu.memory_space<vmem>> -> memref<1x128x16xi32, #tpu.memory_space<vmem>>
    %dma_start3A_241 = tpu.memref_squeeze %dma_start3A_240 : memref<1x128x16xi32, #tpu.memory_space<vmem>> -> memref<128x16xi32, #tpu.memory_space<vmem>>
    %dma_start3A_242 = arith.constant 256 : i32
    %dma_start3A_243 = tpu.memref_slice %arg12[%dma_start3A_236, %dma_start3A_242] : memref<2x512xi32, #tpu.memory_space<vmem>> -> memref<1x128xi32, #tpu.memory_space<vmem>>
    %dma_start3A_244 = tpu.memref_squeeze %dma_start3A_243 : memref<1x128xi32, #tpu.memory_space<vmem>> -> memref<128xi32, #tpu.memory_space<vmem>>
    %dma_start3A_245 = arith.constant 0 : i32
    %dma_start3A_246 = arith.constant 0 : i32
    %dma_start3A_247 = tpu.memref_slice %arg6[%dma_start3A_245, %dma_start3A_246] : memref<16384x16xi32, #tpu.memory_space<hbm>> -> memref<16384x16xi32, #tpu.memory_space<hbm>>
    tpu.enqueue_indirect_dma source(%dma_start3A_247 : memref<16384x16xi32, #tpu.memory_space<hbm>>) target(%dma_start3A_241 : memref<128x16xi32, #tpu.memory_space<vmem>>) offsets(%dma_start3A_244 : memref<128xi32, #tpu.memory_space<vmem>>) semaphore(%arg18 : memref<!tpu.dma_semaphore, #tpu.memory_space<semaphore_mem>>)
    %dma_start3A_248 = arith.constant 0 : i32
    %dma_start3A_249 = arith.constant 0 : i32
    %dma_start3A_250 = arith.constant 384 : i32
    %dma_start3A_251 = arith.constant 0 : i32
    %dma_start3A_252 = tpu.memref_slice %arg16[%dma_start3A_249, %dma_start3A_250, %dma_start3A_251] : memref<2x512x16xi32, #tpu.memory_space<vmem>> -> memref<1x128x16xi32, #tpu.memory_space<vmem>>
    %dma_start3A_253 = tpu.memref_squeeze %dma_start3A_252 : memref<1x128x16xi32, #tpu.memory_space<vmem>> -> memref<128x16xi32, #tpu.memory_space<vmem>>
    %dma_start3A_254 = arith.constant 384 : i32
    %dma_start3A_255 = tpu.memref_slice %arg12[%dma_start3A_248, %dma_start3A_254] : memref<2x512xi32, #tpu.memory_space<vmem>> -> memref<1x128xi32, #tpu.memory_space<vmem>>
    %dma_start3A_256 = tpu.memref_squeeze %dma_start3A_255 : memref<1x128xi32, #tpu.memory_space<vmem>> -> memref<128xi32, #tpu.memory_space<vmem>>
    %dma_start3A_257 = arith.constant 0 : i32
    %dma_start3A_258 = arith.constant 0 : i32
    %dma_start3A_259 = tpu.memref_slice %arg6[%dma_start3A_257, %dma_start3A_258] : memref<16384x16xi32, #tpu.memory_space<hbm>> -> memref<16384x16xi32, #tpu.memory_space<hbm>>
    tpu.enqueue_indirect_dma source(%dma_start3A_259 : memref<16384x16xi32, #tpu.memory_space<hbm>>) target(%dma_start3A_253 : memref<128x16xi32, #tpu.memory_space<vmem>>) offsets(%dma_start3A_256 : memref<128xi32, #tpu.memory_space<vmem>>) semaphore(%arg18 : memref<!tpu.dma_semaphore, #tpu.memory_space<semaphore_mem>>)
    %scan3A_260 = arith.constant 0 : i32
    %scan3A_261 = arith.constant 0 : i32
    %scan3A_262 = arith.constant 64 : i32
    %scan3A_263 = arith.addi %scan3A_261, %scan3A_262 : i32
    %scan3A_264 = arith.constant 1 : i32
    scf.for %scan3A_296 = %scan3A_261 to %scan3A_263 step %scan3A_264  : i32 {
      %mul3A_297 = arith.constant 2 : i32
      %mul3A_298 = arith.muli %mul3A_297, %scan3A_296 : i32
      %add3A_299 = arith.constant 0 : i32
      %add3A_300 = arith.addi %mul3A_298, %add3A_299 : i32
      %add3A_301 = arith.constant 1 : i32
      %add3A_302 = arith.addi %add3A_300, %add3A_301 : i32
      %mul3A_303 = arith.constant 32768 : i32
      %mul3A_304 = arith.muli %add3A, %mul3A_303 : i32
      %mul3A_305 = arith.constant 256 : i32
      %mul3A_306 = arith.muli %add3A_302, %mul3A_305 : i32
      %add3A_307 = arith.addi %mul3A_304, %mul3A_306 : i32
      %dma_start3A_308 = arith.constant 1 : i32
      %dma_start3A_309 = arith.constant 0 : i32
      %dma_start3A_310 = arith.constant 0 : i32
      %dma_start3A_311 = tpu.memref_slice %arg8[%dma_start3A_308, %dma_start3A_309, %dma_start3A_310] : memref<2x3x256xf32, #tpu.memory_space<vmem>> -> memref<1x3x256xf32, #tpu.memory_space<vmem>>
      %dma_start3A_312 = tpu.memref_squeeze %dma_start3A_311 : memref<1x3x256xf32, #tpu.memory_space<vmem>> -> memref<3x256xf32, #tpu.memory_space<vmem>>
      %dma_start3A_313 = arith.constant 0 : i32
      %dma_start3A_314 = tpu.memref_slice %arg2[%dma_start3A_313, %add3A_307] : memref<3x1048576xf32, #tpu.memory_space<hbm>> -> memref<3x256xf32, #tpu.memory_space<hbm>>
      %dma_start3A_315 = arith.constant 0 : i32
      %dma_start3A_316 = arith.constant 0 : i32
      %dma_start3A_317 = tpu.memref_slice %arg8[%dma_start3A_308, %dma_start3A_315, %dma_start3A_316] : memref<2x3x256xf32, #tpu.memory_space<vmem>> -> memref<1x3x256xf32, #tpu.memory_space<vmem>>
      %dma_start3A_318 = tpu.memref_squeeze %dma_start3A_317 : memref<1x3x256xf32, #tpu.memory_space<vmem>> -> memref<3x256xf32, #tpu.memory_space<vmem>>
      %dma_start3A_319 = arith.constant 0 : i32
      %dma_start3A_320 = tpu.memref_slice %arg2[%dma_start3A_319, %add3A_307] : memref<3x1048576xf32, #tpu.memory_space<hbm>> -> memref<3x256xf32, #tpu.memory_space<hbm>>
      tpu.enqueue_dma source(%dma_start3A_320 : memref<3x256xf32, #tpu.memory_space<hbm>>) target(%dma_start3A_318 : memref<3x256xf32, #tpu.memory_space<vmem>>) target_semaphore(%arg21 : memref<!tpu.dma_semaphore, #tpu.memory_space<semaphore_mem>>)
      %dma_wait3A_321 = arith.constant 0 : i32
      %dma_wait3A_322 = arith.constant 0 : i32
      %dma_wait3A_323 = arith.constant 0 : i32
      %dma_wait3A_324 = arith.constant 0 : i32
      %dma_wait3A_325 = tpu.memref_slice %arg13[%dma_wait3A_322, %dma_wait3A_323, %dma_wait3A_324] : memref<2x512x16xi32, #tpu.memory_space<vmem>> -> memref<1x512x16xi32, #tpu.memory_space<vmem>>
      %dma_wait3A_326 = tpu.memref_squeeze %dma_wait3A_325 : memref<1x512x16xi32, #tpu.memory_space<vmem>> -> memref<512x16xi32, #tpu.memory_space<vmem>>
      %dma_wait3A_327 = arith.constant 0 : i32
      %dma_wait3A_328 = tpu.memref_slice %arg9[%dma_wait3A_321, %dma_wait3A_327] : memref<2x512xi32, #tpu.memory_space<vmem>> -> memref<1x512xi32, #tpu.memory_space<vmem>>
      %dma_wait3A_329 = tpu.memref_squeeze %dma_wait3A_328 : memref<1x512xi32, #tpu.memory_space<vmem>> -> memref<512xi32, #tpu.memory_space<vmem>>
      %dma_wait3A_330 = arith.constant 0 : i32
      %dma_wait3A_331 = arith.constant 0 : i32
      %dma_wait3A_332 = tpu.memref_slice %arg3[%dma_wait3A_330, %dma_wait3A_331] : memref<1048576x16xi32, #tpu.memory_space<hbm>> -> memref<1048576x16xi32, #tpu.memory_space<hbm>>
      tpu.wait_indirect_dma semaphore(%arg18 : memref<!tpu.dma_semaphore, #tpu.memory_space<semaphore_mem>>) src(%dma_wait3A_332 : memref<1048576x16xi32, #tpu.memory_space<hbm>>) dst(%dma_wait3A_326 : memref<512x16xi32, #tpu.memory_space<vmem>>)
      %dma_wait3A_333 = arith.constant 0 : i32
      %dma_wait3A_334 = arith.constant 0 : i32
      %dma_wait3A_335 = arith.constant 0 : i32
      %dma_wait3A_336 = arith.constant 0 : i32
      %dma_wait3A_337 = tpu.memref_slice %arg14[%dma_wait3A_334, %dma_wait3A_335, %dma_wait3A_336] : memref<2x512x16xi32, #tpu.memory_space<vmem>> -> memref<1x512x16xi32, #tpu.memory_space<vmem>>
      %dma_wait3A_338 = tpu.memref_squeeze %dma_wait3A_337 : memref<1x512x16xi32, #tpu.memory_space<vmem>> -> memref<512x16xi32, #tpu.memory_space<vmem>>
      %dma_wait3A_339 = arith.constant 0 : i32
      %dma_wait3A_340 = tpu.memref_slice %arg10[%dma_wait3A_333, %dma_wait3A_339] : memref<2x512xi32, #tpu.memory_space<vmem>> -> memref<1x512xi32, #tpu.memory_space<vmem>>
      %dma_wait3A_341 = tpu.memref_squeeze %dma_wait3A_340 : memref<1x512xi32, #tpu.memory_space<vmem>> -> memref<512xi32, #tpu.memory_space<vmem>>
      %dma_wait3A_342 = arith.constant 0 : i32
      %dma_wait3A_343 = arith.constant 0 : i32
      %dma_wait3A_344 = tpu.memref_slice %arg4[%dma_wait3A_342, %dma_wait3A_343] : memref<262144x16xi32, #tpu.memory_space<hbm>> -> memref<262144x16xi32, #tpu.memory_space<hbm>>
      tpu.wait_indirect_dma semaphore(%arg18 : memref<!tpu.dma_semaphore, #tpu.memory_space<semaphore_mem>>) src(%dma_wait3A_344 : memref<262144x16xi32, #tpu.memory_space<hbm>>) dst(%dma_wait3A_338 : memref<512x16xi32, #tpu.memory_space<vmem>>)
      %dma_wait3A_345 = arith.constant 0 : i32
      %dma_wait3A_346 = arith.constant 0 : i32
      %dma_wait3A_347 = arith.constant 0 : i32
      %dma_wait3A_348 = arith.constant 0 : i32
      %dma_wait3A_349 = tpu.memref_slice %arg15[%dma_wait3A_346, %dma_wait3A_347, %dma_wait3A_348] : memref<2x512x16xi32, #tpu.memory_space<vmem>> -> memref<1x512x16xi32, #tpu.memory_space<vmem>>
      %dma_wait3A_350 = tpu.memref_squeeze %dma_wait3A_349 : memref<1x512x16xi32, #tpu.memory_space<vmem>> -> memref<512x16xi32, #tpu.memory_space<vmem>>
      %dma_wait3A_351 = arith.constant 0 : i32
      %dma_wait3A_352 = tpu.memref_slice %arg11[%dma_wait3A_345, %dma_wait3A_351] : memref<2x512xi32, #tpu.memory_space<vmem>> -> memref<1x512xi32, #tpu.memory_space<vmem>>
      %dma_wait3A_353 = tpu.memref_squeeze %dma_wait3A_352 : memref<1x512xi32, #tpu.memory_space<vmem>> -> memref<512xi32, #tpu.memory_space<vmem>>
      %dma_wait3A_354 = arith.constant 0 : i32
      %dma_wait3A_355 = arith.constant 0 : i32
      %dma_wait3A_356 = tpu.memref_slice %arg5[%dma_wait3A_354, %dma_wait3A_355] : memref<65536x16xi32, #tpu.memory_space<hbm>> -> memref<65536x16xi32, #tpu.memory_space<hbm>>
      tpu.wait_indirect_dma semaphore(%arg18 : memref<!tpu.dma_semaphore, #tpu.memory_space<semaphore_mem>>) src(%dma_wait3A_356 : memref<65536x16xi32, #tpu.memory_space<hbm>>) dst(%dma_wait3A_350 : memref<512x16xi32, #tpu.memory_space<vmem>>)
      %dma_wait3A_357 = arith.constant 0 : i32
      %dma_wait3A_358 = arith.constant 0 : i32
      %dma_wait3A_359 = arith.constant 0 : i32
      %dma_wait3A_360 = arith.constant 0 : i32
      %dma_wait3A_361 = tpu.memref_slice %arg16[%dma_wait3A_358, %dma_wait3A_359, %dma_wait3A_360] : memref<2x512x16xi32, #tpu.memory_space<vmem>> -> memref<1x512x16xi32, #tpu.memory_space<vmem>>
      %dma_wait3A_362 = tpu.memref_squeeze %dma_wait3A_361 : memref<1x512x16xi32, #tpu.memory_space<vmem>> -> memref<512x16xi32, #tpu.memory_space<vmem>>
      %dma_wait3A_363 = arith.constant 0 : i32
      %dma_wait3A_364 = tpu.memref_slice %arg12[%dma_wait3A_357, %dma_wait3A_363] : memref<2x512xi32, #tpu.memory_space<vmem>> -> memref<1x512xi32, #tpu.memory_space<vmem>>
      %dma_wait3A_365 = tpu.memref_squeeze %dma_wait3A_364 : memref<1x512xi32, #tpu.memory_space<vmem>> -> memref<512xi32, #tpu.memory_space<vmem>>
      %dma_wait3A_366 = arith.constant 0 : i32
      %dma_wait3A_367 = arith.constant 0 : i32
      %dma_wait3A_368 = tpu.memref_slice %arg6[%dma_wait3A_366, %dma_wait3A_367] : memref<16384x16xi32, #tpu.memory_space<hbm>> -> memref<16384x16xi32, #tpu.memory_space<hbm>>
      tpu.wait_indirect_dma semaphore(%arg18 : memref<!tpu.dma_semaphore, #tpu.memory_space<semaphore_mem>>) src(%dma_wait3A_368 : memref<16384x16xi32, #tpu.memory_space<hbm>>) dst(%dma_wait3A_362 : memref<512x16xi32, #tpu.memory_space<vmem>>)
      %ge3A = arith.constant 1 : i32
      %ge3A_369 = arith.cmpi sge, %scan3A_296, %ge3A : i32
      %convert_element_type3A = arith.extui %ge3A_369 : i1 to i32
      %cond3A = arith.constant 0 : i32
      %cond3A_370 = arith.cmpi ne, %convert_element_type3A, %cond3A : i32
      scf.if %cond3A_370 {
        %dma_wait3A_696 = arith.constant 0 : i32
        %dma_wait3A_697 = arith.constant 0 : i32
        %dma_wait3A_698 = arith.constant 0 : i32
        %dma_wait3A_699 = tpu.memref_slice %arg17[%dma_wait3A_696, %dma_wait3A_697, %dma_wait3A_698] : memref<2x16x256xf32, #tpu.memory_space<vmem>> -> memref<1x16x256xf32, #tpu.memory_space<vmem>>
        %dma_wait3A_700 = tpu.memref_squeeze %dma_wait3A_699 : memref<1x16x256xf32, #tpu.memory_space<vmem>> -> memref<16x256xf32, #tpu.memory_space<vmem>>
        %dma_wait3A_701 = arith.constant 0 : i32
        %dma_wait3A_702 = tpu.memref_slice %arg7[%select_n3A, %dma_wait3A_701, %mul3A_32] : memref<4x16x262144xf32, #tpu.memory_space<hbm>> -> memref<1x16x256xf32, #tpu.memory_space<hbm>>
        %dma_wait3A_703 = tpu.memref_squeeze %dma_wait3A_702 : memref<1x16x256xf32, #tpu.memory_space<hbm>> -> memref<16x256xf32, #tpu.memory_space<hbm>>
        %dma_wait3A_704 = arith.constant 0 : i32
        %dma_wait3A_705 = tpu.memref_slice %arg7[%select_n3A, %dma_wait3A_704, %mul3A_32] : memref<4x16x262144xf32, #tpu.memory_space<hbm>> -> memref<1x16x256xf32, #tpu.memory_space<hbm>>
        %dma_wait3A_706 = tpu.memref_squeeze %dma_wait3A_705 : memref<1x16x256xf32, #tpu.memory_space<hbm>> -> memref<16x256xf32, #tpu.memory_space<hbm>>
        %dma_wait3A_707 = arith.constant 0 : i32
        %dma_wait3A_708 = arith.constant 0 : i32
        %dma_wait3A_709 = tpu.memref_slice %arg17[%dma_wait3A_696, %dma_wait3A_707, %dma_wait3A_708] : memref<2x16x256xf32, #tpu.memory_space<vmem>> -> memref<1x16x256xf32, #tpu.memory_space<vmem>>
        %dma_wait3A_710 = tpu.memref_squeeze %dma_wait3A_709 : memref<1x16x256xf32, #tpu.memory_space<vmem>> -> memref<16x256xf32, #tpu.memory_space<vmem>>
        tpu.wait_dma2 semaphore(%arg22 : memref<!tpu.dma_semaphore, #tpu.memory_space<semaphore_mem>>) src(%dma_wait3A_710 : memref<16x256xf32, #tpu.memory_space<vmem>>) dst(%dma_wait3A_706 : memref<16x256xf32, #tpu.memory_space<hbm>>)
      } else {
      }
      %parallel_loop3A = arith.constant 0 : i32
      %parallel_loop3A_371 = arith.constant 16 : i32
      %parallel_loop3A_372 = arith.constant 1 : i32
      scf.for %parallel_loop3A_696 = %parallel_loop3A to %parallel_loop3A_371 step %parallel_loop3A_372  : i32 {
        %parallel_loop3A_697 = arith.constant 16 : i32
        %parallel_loop3A_698 = arith.muli %parallel_loop3A_696, %parallel_loop3A_697 : i32
        %parallel_loop3A_699 = arith.constant 0 : i32
        %parallel_loop3A_700 = arith.constant 0 : i32
        %parallel_loop3A_701 = arith.index_cast %parallel_loop3A_699 : i32 to index
        %parallel_loop3A_702 = arith.index_cast %parallel_loop3A_700 : i32 to index
        %parallel_loop3A_703 = arith.index_cast %parallel_loop3A_698 : i32 to index
        %parallel_loop3A_704 = tpu.vector_load %arg8[%parallel_loop3A_701, %parallel_loop3A_702, %parallel_loop3A_703] {strides = array<i32>} : memref<2x3x256xf32, #tpu.memory_space<vmem>>, vector<16xf32>,
        %parallel_loop3A_705 = arith.constant 16 : i32
        %parallel_loop3A_706 = arith.muli %parallel_loop3A_696, %parallel_loop3A_705 : i32
        %parallel_loop3A_707 = arith.constant 0 : i32
        %parallel_loop3A_708 = arith.constant 1 : i32
        %parallel_loop3A_709 = arith.index_cast %parallel_loop3A_707 : i32 to index
        %parallel_loop3A_710 = arith.index_cast %parallel_loop3A_708 : i32 to index
        %parallel_loop3A_711 = arith.index_cast %parallel_loop3A_706 : i32 to index
        %parallel_loop3A_712 = tpu.vector_load %arg8[%parallel_loop3A_709, %parallel_loop3A_710, %parallel_loop3A_711] {strides = array<i32>} : memref<2x3x256xf32, #tpu.memory_space<vmem>>, vector<16xf32>,
        %parallel_loop3A_713 = arith.constant 16 : i32
        %parallel_loop3A_714 = arith.muli %parallel_loop3A_696, %parallel_loop3A_713 : i32
        %parallel_loop3A_715 = arith.constant 0 : i32
        %parallel_loop3A_716 = arith.constant 2 : i32
        %parallel_loop3A_717 = arith.index_cast %parallel_loop3A_715 : i32 to index
        %parallel_loop3A_718 = arith.index_cast %parallel_loop3A_716 : i32 to index
        %parallel_loop3A_719 = arith.index_cast %parallel_loop3A_714 : i32 to index
        %parallel_loop3A_720 = tpu.vector_load %arg8[%parallel_loop3A_717, %parallel_loop3A_718, %parallel_loop3A_719] {strides = array<i32>} : memref<2x3x256xf32, #tpu.memory_space<vmem>>, vector<16xf32>,
        %parallel_loop3A_721 = arith.constant 2.000000e+00 : f32
        %parallel_loop3A_722 = vector.broadcast %parallel_loop3A_721 : f32 to vector<16xf32>
        %parallel_loop3A_723 = arith.mulf %parallel_loop3A_704, %parallel_loop3A_722 : vector<16xf32>
        %parallel_loop3A_724 = arith.constant 1.000000e+00 : f32
        %parallel_loop3A_725 = vector.broadcast %parallel_loop3A_724 : f32 to vector<16xf32>
        %parallel_loop3A_726 = arith.subf %parallel_loop3A_723, %parallel_loop3A_725 : vector<16xf32>
        %parallel_loop3A_727 = arith.constant 2.000000e+00 : f32
        %parallel_loop3A_728 = vector.broadcast %parallel_loop3A_727 : f32 to vector<16xf32>
        %parallel_loop3A_729 = arith.mulf %parallel_loop3A_712, %parallel_loop3A_728 : vector<16xf32>
        %parallel_loop3A_730 = arith.constant 1.000000e+00 : f32
        %parallel_loop3A_731 = vector.broadcast %parallel_loop3A_730 : f32 to vector<16xf32>
        %parallel_loop3A_732 = arith.subf %parallel_loop3A_729, %parallel_loop3A_731 : vector<16xf32>
        %parallel_loop3A_733 = arith.constant 1.000000e+00 : f32
        %parallel_loop3A_734 = vector.broadcast %parallel_loop3A_733 : f32 to vector<16xf32>
        %parallel_loop3A_735 = arith.addf %parallel_loop3A_726, %parallel_loop3A_734 : vector<16xf32>
        %parallel_loop3A_736 = arith.constant 5.000000e-01 : f32
        %parallel_loop3A_737 = vector.broadcast %parallel_loop3A_736 : f32 to vector<16xf32>
        %parallel_loop3A_738 = arith.mulf %parallel_loop3A_735, %parallel_loop3A_737 : vector<16xf32>
        %parallel_loop3A_739 = arith.constant 1.023000e+03 : f32
        %parallel_loop3A_740 = vector.broadcast %parallel_loop3A_739 : f32 to vector<16xf32>
        %parallel_loop3A_741 = arith.mulf %parallel_loop3A_738, %parallel_loop3A_740 : vector<16xf32>
        %parallel_loop3A_742 = arith.constant 1.000000e+00 : f32
        %parallel_loop3A_743 = vector.broadcast %parallel_loop3A_742 : f32 to vector<16xf32>
        %parallel_loop3A_744 = arith.addf %parallel_loop3A_732, %parallel_loop3A_743 : vector<16xf32>
        %parallel_loop3A_745 = arith.constant 5.000000e-01 : f32
        %parallel_loop3A_746 = vector.broadcast %parallel_loop3A_745 : f32 to vector<16xf32>
        %parallel_loop3A_747 = arith.mulf %parallel_loop3A_744, %parallel_loop3A_746 : vector<16xf32>
        %parallel_loop3A_748 = arith.constant 1.023000e+03 : f32
        %parallel_loop3A_749 = vector.broadcast %parallel_loop3A_748 : f32 to vector<16xf32>
        %parallel_loop3A_750 = arith.mulf %parallel_loop3A_747, %parallel_loop3A_749 : vector<16xf32>
        %parallel_loop3A_751 = arith.fptosi %parallel_loop3A_741 : vector<16xf32> to vector<16xi32>
        %parallel_loop3A_752 = arith.fptosi %parallel_loop3A_750 : vector<16xf32> to vector<16xi32>
        %parallel_loop3A_753 = arith.sitofp %parallel_loop3A_751 : vector<16xi32> to vector<16xf32>
        %parallel_loop3A_754 = arith.subf %parallel_loop3A_741, %parallel_loop3A_753 : vector<16xf32>
        %parallel_loop3A_755 = arith.sitofp %parallel_loop3A_752 : vector<16xi32> to vector<16xf32>
        %parallel_loop3A_756 = arith.subf %parallel_loop3A_750, %parallel_loop3A_755 : vector<16xf32>
        %parallel_loop3A_757 = arith.constant 1.000000e+00 : f32
        %parallel_loop3A_758 = vector.broadcast %parallel_loop3A_757 : f32 to vector<16xf32>
        %parallel_loop3A_759 = arith.subf %parallel_loop3A_758, %parallel_loop3A_754 : vector<16xf32>
        %parallel_loop3A_760 = arith.constant 1.000000e+00 : f32
        %parallel_loop3A_761 = vector.broadcast %parallel_loop3A_760 : f32 to vector<16xf32>
        %parallel_loop3A_762 = arith.subf %parallel_loop3A_761, %parallel_loop3A_756 : vector<16xf32>
        %parallel_loop3A_763 = arith.mulf %parallel_loop3A_762, %parallel_loop3A_759 : vector<16xf32>
        %parallel_loop3A_764 = arith.mulf %parallel_loop3A_762, %parallel_loop3A_754 : vector<16xf32>
        %parallel_loop3A_765 = arith.mulf %parallel_loop3A_756, %parallel_loop3A_759 : vector<16xf32>
        %parallel_loop3A_766 = arith.mulf %parallel_loop3A_756, %parallel_loop3A_754 : vector<16xf32>
        %parallel_loop3A_767 = arith.constant 2.000000e+00 : f32
        %parallel_loop3A_768 = vector.broadcast %parallel_loop3A_767 : f32 to vector<16xf32>
        %parallel_loop3A_769 = arith.mulf %parallel_loop3A_704, %parallel_loop3A_768 : vector<16xf32>
        %parallel_loop3A_770 = arith.constant 1.000000e+00 : f32
        %parallel_loop3A_771 = vector.broadcast %parallel_loop3A_770 : f32 to vector<16xf32>
        %parallel_loop3A_772 = arith.subf %parallel_loop3A_769, %parallel_loop3A_771 : vector<16xf32>
        %parallel_loop3A_773 = arith.constant 2.000000e+00 : f32
        %parallel_loop3A_774 = vector.broadcast %parallel_loop3A_773 : f32 to vector<16xf32>
        %parallel_loop3A_775 = arith.mulf %parallel_loop3A_712, %parallel_loop3A_774 : vector<16xf32>
        %parallel_loop3A_776 = arith.constant 1.000000e+00 : f32
        %parallel_loop3A_777 = vector.broadcast %parallel_loop3A_776 : f32 to vector<16xf32>
        %parallel_loop3A_778 = arith.subf %parallel_loop3A_775, %parallel_loop3A_777 : vector<16xf32>
        %parallel_loop3A_779 = arith.constant 1.000000e+00 : f32
        %parallel_loop3A_780 = vector.broadcast %parallel_loop3A_779 : f32 to vector<16xf32>
        %parallel_loop3A_781 = arith.addf %parallel_loop3A_772, %parallel_loop3A_780 : vector<16xf32>
        %parallel_loop3A_782 = arith.constant 5.000000e-01 : f32
        %parallel_loop3A_783 = vector.broadcast %parallel_loop3A_782 : f32 to vector<16xf32>
        %parallel_loop3A_784 = arith.mulf %parallel_loop3A_781, %parallel_loop3A_783 : vector<16xf32>
        %parallel_loop3A_785 = arith.constant 5.110000e+02 : f32
        %parallel_loop3A_786 = vector.broadcast %parallel_loop3A_785 : f32 to vector<16xf32>
        %parallel_loop3A_787 = arith.mulf %parallel_loop3A_784, %parallel_loop3A_786 : vector<16xf32>
        %parallel_loop3A_788 = arith.constant 1.000000e+00 : f32
        %parallel_loop3A_789 = vector.broadcast %parallel_loop3A_788 : f32 to vector<16xf32>
        %parallel_loop3A_790 = arith.addf %parallel_loop3A_778, %parallel_loop3A_789 : vector<16xf32>
        %parallel_loop3A_791 = arith.constant 5.000000e-01 : f32
        %parallel_loop3A_792 = vector.broadcast %parallel_loop3A_791 : f32 to vector<16xf32>
        %parallel_loop3A_793 = arith.mulf %parallel_loop3A_790, %parallel_loop3A_792 : vector<16xf32>
        %parallel_loop3A_794 = arith.constant 5.110000e+02 : f32
        %parallel_loop3A_795 = vector.broadcast %parallel_loop3A_794 : f32 to vector<16xf32>
        %parallel_loop3A_796 = arith.mulf %parallel_loop3A_793, %parallel_loop3A_795 : vector<16xf32>
        %parallel_loop3A_797 = arith.fptosi %parallel_loop3A_787 : vector<16xf32> to vector<16xi32>
        %parallel_loop3A_798 = arith.fptosi %parallel_loop3A_796 : vector<16xf32> to vector<16xi32>
        %parallel_loop3A_799 = arith.sitofp %parallel_loop3A_797 : vector<16xi32> to vector<16xf32>
        %parallel_loop3A_800 = arith.subf %parallel_loop3A_787, %parallel_loop3A_799 : vector<16xf32>
        %parallel_loop3A_801 = arith.sitofp %parallel_loop3A_798 : vector<16xi32> to vector<16xf32>
        %parallel_loop3A_802 = arith.subf %parallel_loop3A_796, %parallel_loop3A_801 : vector<16xf32>
        %parallel_loop3A_803 = arith.constant 1.000000e+00 : f32
        %parallel_loop3A_804 = vector.broadcast %parallel_loop3A_803 : f32 to vector<16xf32>
        %parallel_loop3A_805 = arith.subf %parallel_loop3A_804, %parallel_loop3A_800 : vector<16xf32>
        %parallel_loop3A_806 = arith.constant 1.000000e+00 : f32
        %parallel_loop3A_807 = vector.broadcast %parallel_loop3A_806 : f32 to vector<16xf32>
        %parallel_loop3A_808 = arith.subf %parallel_loop3A_807, %parallel_loop3A_802 : vector<16xf32>
        %parallel_loop3A_809 = arith.mulf %parallel_loop3A_808, %parallel_loop3A_805 : vector<16xf32>
        %parallel_loop3A_810 = arith.mulf %parallel_loop3A_808, %parallel_loop3A_800 : vector<16xf32>
        %parallel_loop3A_811 = arith.mulf %parallel_loop3A_802, %parallel_loop3A_805 : vector<16xf32>
        %parallel_loop3A_812 = arith.mulf %parallel_loop3A_802, %parallel_loop3A_800 : vector<16xf32>
        %parallel_loop3A_813 = arith.constant 2.000000e+00 : f32
        %parallel_loop3A_814 = vector.broadcast %parallel_loop3A_813 : f32 to vector<16xf32>
        %parallel_loop3A_815 = arith.mulf %parallel_loop3A_704, %parallel_loop3A_814 : vector<16xf32>
        %parallel_loop3A_816 = arith.constant 1.000000e+00 : f32
        %parallel_loop3A_817 = vector.broadcast %parallel_loop3A_816 : f32 to vector<16xf32>
        %parallel_loop3A_818 = arith.subf %parallel_loop3A_815, %parallel_loop3A_817 : vector<16xf32>
        %parallel_loop3A_819 = arith.constant 2.000000e+00 : f32
        %parallel_loop3A_820 = vector.broadcast %parallel_loop3A_819 : f32 to vector<16xf32>
        %parallel_loop3A_821 = arith.mulf %parallel_loop3A_712, %parallel_loop3A_820 : vector<16xf32>
        %parallel_loop3A_822 = arith.constant 1.000000e+00 : f32
        %parallel_loop3A_823 = vector.broadcast %parallel_loop3A_822 : f32 to vector<16xf32>
        %parallel_loop3A_824 = arith.subf %parallel_loop3A_821, %parallel_loop3A_823 : vector<16xf32>
        %parallel_loop3A_825 = arith.constant 1.000000e+00 : f32
        %parallel_loop3A_826 = vector.broadcast %parallel_loop3A_825 : f32 to vector<16xf32>
        %parallel_loop3A_827 = arith.addf %parallel_loop3A_818, %parallel_loop3A_826 : vector<16xf32>
        %parallel_loop3A_828 = arith.constant 5.000000e-01 : f32
        %parallel_loop3A_829 = vector.broadcast %parallel_loop3A_828 : f32 to vector<16xf32>
        %parallel_loop3A_830 = arith.mulf %parallel_loop3A_827, %parallel_loop3A_829 : vector<16xf32>
        %parallel_loop3A_831 = arith.constant 2.550000e+02 : f32
        %parallel_loop3A_832 = vector.broadcast %parallel_loop3A_831 : f32 to vector<16xf32>
        %parallel_loop3A_833 = arith.mulf %parallel_loop3A_830, %parallel_loop3A_832 : vector<16xf32>
        %parallel_loop3A_834 = arith.constant 1.000000e+00 : f32
        %parallel_loop3A_835 = vector.broadcast %parallel_loop3A_834 : f32 to vector<16xf32>
        %parallel_loop3A_836 = arith.addf %parallel_loop3A_824, %parallel_loop3A_835 : vector<16xf32>
        %parallel_loop3A_837 = arith.constant 5.000000e-01 : f32
        %parallel_loop3A_838 = vector.broadcast %parallel_loop3A_837 : f32 to vector<16xf32>
        %parallel_loop3A_839 = arith.mulf %parallel_loop3A_836, %parallel_loop3A_838 : vector<16xf32>
        %parallel_loop3A_840 = arith.constant 2.550000e+02 : f32
        %parallel_loop3A_841 = vector.broadcast %parallel_loop3A_840 : f32 to vector<16xf32>
        %parallel_loop3A_842 = arith.mulf %parallel_loop3A_839, %parallel_loop3A_841 : vector<16xf32>
        %parallel_loop3A_843 = arith.fptosi %parallel_loop3A_833 : vector<16xf32> to vector<16xi32>
        %parallel_loop3A_844 = arith.fptosi %parallel_loop3A_842 : vector<16xf32> to vector<16xi32>
        %parallel_loop3A_845 = arith.sitofp %parallel_loop3A_843 : vector<16xi32> to vector<16xf32>
        %parallel_loop3A_846 = arith.subf %parallel_loop3A_833, %parallel_loop3A_845 : vector<16xf32>
        %parallel_loop3A_847 = arith.sitofp %parallel_loop3A_844 : vector<16xi32> to vector<16xf32>
        %parallel_loop3A_848 = arith.subf %parallel_loop3A_842, %parallel_loop3A_847 : vector<16xf32>
        %parallel_loop3A_849 = arith.constant 1.000000e+00 : f32
        %parallel_loop3A_850 = vector.broadcast %parallel_loop3A_849 : f32 to vector<16xf32>
        %parallel_loop3A_851 = arith.subf %parallel_loop3A_850, %parallel_loop3A_846 : vector<16xf32>
        %parallel_loop3A_852 = arith.constant 1.000000e+00 : f32
        %parallel_loop3A_853 = vector.broadcast %parallel_loop3A_852 : f32 to vector<16xf32>
        %parallel_loop3A_854 = arith.subf %parallel_loop3A_853, %parallel_loop3A_848 : vector<16xf32>
        %parallel_loop3A_855 = arith.mulf %parallel_loop3A_854, %parallel_loop3A_851 : vector<16xf32>
        %parallel_loop3A_856 = arith.mulf %parallel_loop3A_854, %parallel_loop3A_846 : vector<16xf32>
        %parallel_loop3A_857 = arith.mulf %parallel_loop3A_848, %parallel_loop3A_851 : vector<16xf32>
        %parallel_loop3A_858 = arith.mulf %parallel_loop3A_848, %parallel_loop3A_846 : vector<16xf32>
        %parallel_loop3A_859 = arith.constant 2.000000e+00 : f32
        %parallel_loop3A_860 = vector.broadcast %parallel_loop3A_859 : f32 to vector<16xf32>
        %parallel_loop3A_861 = arith.mulf %parallel_loop3A_704, %parallel_loop3A_860 : vector<16xf32>
        %parallel_loop3A_862 = arith.constant 1.000000e+00 : f32
        %parallel_loop3A_863 = vector.broadcast %parallel_loop3A_862 : f32 to vector<16xf32>
        %parallel_loop3A_864 = arith.subf %parallel_loop3A_861, %parallel_loop3A_863 : vector<16xf32>
        %parallel_loop3A_865 = arith.constant 2.000000e+00 : f32
        %parallel_loop3A_866 = vector.broadcast %parallel_loop3A_865 : f32 to vector<16xf32>
        %parallel_loop3A_867 = arith.mulf %parallel_loop3A_712, %parallel_loop3A_866 : vector<16xf32>
        %parallel_loop3A_868 = arith.constant 1.000000e+00 : f32
        %parallel_loop3A_869 = vector.broadcast %parallel_loop3A_868 : f32 to vector<16xf32>
        %parallel_loop3A_870 = arith.subf %parallel_loop3A_867, %parallel_loop3A_869 : vector<16xf32>
        %parallel_loop3A_871 = arith.constant 1.000000e+00 : f32
        %parallel_loop3A_872 = vector.broadcast %parallel_loop3A_871 : f32 to vector<16xf32>
        %parallel_loop3A_873 = arith.addf %parallel_loop3A_864, %parallel_loop3A_872 : vector<16xf32>
        %parallel_loop3A_874 = arith.constant 5.000000e-01 : f32
        %parallel_loop3A_875 = vector.broadcast %parallel_loop3A_874 : f32 to vector<16xf32>
        %parallel_loop3A_876 = arith.mulf %parallel_loop3A_873, %parallel_loop3A_875 : vector<16xf32>
        %parallel_loop3A_877 = arith.constant 1.270000e+02 : f32
        %parallel_loop3A_878 = vector.broadcast %parallel_loop3A_877 : f32 to vector<16xf32>
        %parallel_loop3A_879 = arith.mulf %parallel_loop3A_876, %parallel_loop3A_878 : vector<16xf32>
        %parallel_loop3A_880 = arith.constant 1.000000e+00 : f32
        %parallel_loop3A_881 = vector.broadcast %parallel_loop3A_880 : f32 to vector<16xf32>
        %parallel_loop3A_882 = arith.addf %parallel_loop3A_870, %parallel_loop3A_881 : vector<16xf32>
        %parallel_loop3A_883 = arith.constant 5.000000e-01 : f32
        %parallel_loop3A_884 = vector.broadcast %parallel_loop3A_883 : f32 to vector<16xf32>
        %parallel_loop3A_885 = arith.mulf %parallel_loop3A_882, %parallel_loop3A_884 : vector<16xf32>
        %parallel_loop3A_886 = arith.constant 1.270000e+02 : f32
        %parallel_loop3A_887 = vector.broadcast %parallel_loop3A_886 : f32 to vector<16xf32>
        %parallel_loop3A_888 = arith.mulf %parallel_loop3A_885, %parallel_loop3A_887 : vector<16xf32>
        %parallel_loop3A_889 = arith.fptosi %parallel_loop3A_879 : vector<16xf32> to vector<16xi32>
        %parallel_loop3A_890 = arith.fptosi %parallel_loop3A_888 : vector<16xf32> to vector<16xi32>
        %parallel_loop3A_891 = arith.sitofp %parallel_loop3A_889 : vector<16xi32> to vector<16xf32>
        %parallel_loop3A_892 = arith.subf %parallel_loop3A_879, %parallel_loop3A_891 : vector<16xf32>
        %parallel_loop3A_893 = arith.sitofp %parallel_loop3A_890 : vector<16xi32> to vector<16xf32>
        %parallel_loop3A_894 = arith.subf %parallel_loop3A_888, %parallel_loop3A_893 : vector<16xf32>
        %parallel_loop3A_895 = arith.constant 1.000000e+00 : f32
        %parallel_loop3A_896 = vector.broadcast %parallel_loop3A_895 : f32 to vector<16xf32>
        %parallel_loop3A_897 = arith.subf %parallel_loop3A_896, %parallel_loop3A_892 : vector<16xf32>
        %parallel_loop3A_898 = arith.constant 1.000000e+00 : f32
        %parallel_loop3A_899 = vector.broadcast %parallel_loop3A_898 : f32 to vector<16xf32>
        %parallel_loop3A_900 = arith.subf %parallel_loop3A_899, %parallel_loop3A_894 : vector<16xf32>
        %parallel_loop3A_901 = arith.mulf %parallel_loop3A_900, %parallel_loop3A_897 : vector<16xf32>
        %parallel_loop3A_902 = arith.mulf %parallel_loop3A_900, %parallel_loop3A_892 : vector<16xf32>
        %parallel_loop3A_903 = arith.mulf %parallel_loop3A_894, %parallel_loop3A_897 : vector<16xf32>
        %parallel_loop3A_904 = arith.mulf %parallel_loop3A_894, %parallel_loop3A_892 : vector<16xf32>
        %parallel_loop3A_905 = arith.constant 16 : i32
        %parallel_loop3A_906 = arith.muli %parallel_loop3A_696, %parallel_loop3A_905 : i32
        %parallel_loop3A_907 = vector.broadcast %parallel_loop3A_906 : i32 to vector<16xi32>
        %parallel_loop3A_908 = arith.addi %parallel_loop3A_907, %iota3A : vector<16xi32>
        %parallel_loop3A_909 = arith.constant 256 : i32
        %parallel_loop3A_910 = vector.broadcast %parallel_loop3A_909 : i32 to vector<16xi32>
        %parallel_loop3A_911 = arith.addi %parallel_loop3A_908, %parallel_loop3A_910 : vector<16xi32>
        %parallel_loop3A_912 = arith.constant 0 : i32
        %parallel_loop3A_913 = arith.constant 16 : i32
        %parallel_loop3A_914 = arith.constant 1 : i32
        scf.for %parallel_loop3A_915 = %parallel_loop3A_912 to %parallel_loop3A_913 step %parallel_loop3A_914  : i32 {
          %parallel_loop3A_916 = vector.broadcast %parallel_loop3A_915 : i32 to vector<16xi32>
          %parallel_loop3A_917 = arith.addi %parallel_loop3A_916, %iota3A : vector<16xi32>
          %parallel_loop3A_918 = arith.constant 15 : i32
          %parallel_loop3A_919 = vector.broadcast %parallel_loop3A_918 : i32 to vector<16xi32>
          %parallel_loop3A_920 = arith.andi %parallel_loop3A_917, %parallel_loop3A_919 : vector<16xi32>
          %parallel_loop3A_921 = arith.constant 0 : i32
          %parallel_loop3A_922 = arith.constant 0 : i32
          %parallel_loop3A_923 = arith.constant 0 : i32
          %parallel_loop3A_924 = tpu.memref_slice %arg13[%parallel_loop3A_921, %parallel_loop3A_922, %parallel_loop3A_923] : memref<2x512x16xi32, #tpu.memory_space<vmem>> -> memref<1x512x16xi32, #tpu.memory_space<vmem>>
          %parallel_loop3A_925 = tpu.memref_squeeze %parallel_loop3A_924 : memref<1x512x16xi32, #tpu.memory_space<vmem>> -> memref<512x16xi32, #tpu.memory_space<vmem>>
          %parallel_loop3A_926 = tpu.vector_load_idx %parallel_loop3A_925[%parallel_loop3A_908, %parallel_loop3A_920] : memref<512x16xi32, #tpu.memory_space<vmem>>[vector<16xi32>, vector<16xi32>], vector<16xi32>,
          %parallel_loop3A_927 = arith.constant 16 : i32
          %parallel_loop3A_928 = vector.broadcast %parallel_loop3A_927 : i32 to vector<16xi32>
          %parallel_loop3A_929 = arith.shli %parallel_loop3A_926, %parallel_loop3A_928 : vector<16xi32>
          %parallel_loop3A_930 = vector.bitcast %parallel_loop3A_929 : vector<16xi32> to vector<16xf32>
          %parallel_loop3A_931 = arith.constant -65536 : i32
          %parallel_loop3A_932 = vector.broadcast %parallel_loop3A_931 : i32 to vector<16xi32>
          %parallel_loop3A_933 = arith.andi %parallel_loop3A_926, %parallel_loop3A_932 : vector<16xi32>
          %parallel_loop3A_934 = vector.bitcast %parallel_loop3A_933 : vector<16xi32> to vector<16xf32>
          %parallel_loop3A_935 = arith.mulf %parallel_loop3A_763, %parallel_loop3A_930 : vector<16xf32>
          %parallel_loop3A_936 = arith.mulf %parallel_loop3A_764, %parallel_loop3A_934 : vector<16xf32>
          %parallel_loop3A_937 = arith.addf %parallel_loop3A_935, %parallel_loop3A_936 : vector<16xf32>
          %parallel_loop3A_938 = arith.constant 0 : i32
          %parallel_loop3A_939 = arith.constant 0 : i32
          %parallel_loop3A_940 = arith.constant 0 : i32
          %parallel_loop3A_941 = tpu.memref_slice %arg13[%parallel_loop3A_938, %parallel_loop3A_939, %parallel_loop3A_940] : memref<2x512x16xi32, #tpu.memory_space<vmem>> -> memref<1x512x16xi32, #tpu.memory_space<vmem>>
          %parallel_loop3A_942 = tpu.memref_squeeze %parallel_loop3A_941 : memref<1x512x16xi32, #tpu.memory_space<vmem>> -> memref<512x16xi32, #tpu.memory_space<vmem>>
          %parallel_loop3A_943 = tpu.vector_load_idx %parallel_loop3A_942[%parallel_loop3A_911, %parallel_loop3A_920] : memref<512x16xi32, #tpu.memory_space<vmem>>[vector<16xi32>, vector<16xi32>], vector<16xi32>,
          %parallel_loop3A_944 = arith.constant 16 : i32
          %parallel_loop3A_945 = vector.broadcast %parallel_loop3A_944 : i32 to vector<16xi32>
          %parallel_loop3A_946 = arith.shli %parallel_loop3A_943, %parallel_loop3A_945 : vector<16xi32>
          %parallel_loop3A_947 = vector.bitcast %parallel_loop3A_946 : vector<16xi32> to vector<16xf32>
          %parallel_loop3A_948 = arith.constant -65536 : i32
          %parallel_loop3A_949 = vector.broadcast %parallel_loop3A_948 : i32 to vector<16xi32>
          %parallel_loop3A_950 = arith.andi %parallel_loop3A_943, %parallel_loop3A_949 : vector<16xi32>
          %parallel_loop3A_951 = vector.bitcast %parallel_loop3A_950 : vector<16xi32> to vector<16xf32>
          %parallel_loop3A_952 = arith.mulf %parallel_loop3A_765, %parallel_loop3A_947 : vector<16xf32>
          %parallel_loop3A_953 = arith.mulf %parallel_loop3A_766, %parallel_loop3A_951 : vector<16xf32>
          %parallel_loop3A_954 = arith.addf %parallel_loop3A_952, %parallel_loop3A_953 : vector<16xf32>
          %parallel_loop3A_955 = arith.constant 0 : i32
          %parallel_loop3A_956 = arith.constant 0 : i32
          %parallel_loop3A_957 = arith.constant 0 : i32
          %parallel_loop3A_958 = tpu.memref_slice %arg14[%parallel_loop3A_955, %parallel_loop3A_956, %parallel_loop3A_957] : memref<2x512x16xi32, #tpu.memory_space<vmem>> -> memref<1x512x16xi32, #tpu.memory_space<vmem>>
          %parallel_loop3A_959 = tpu.memref_squeeze %parallel_loop3A_958 : memref<1x512x16xi32, #tpu.memory_space<vmem>> -> memref<512x16xi32, #tpu.memory_space<vmem>>
          %parallel_loop3A_960 = tpu.vector_load_idx %parallel_loop3A_959[%parallel_loop3A_908, %parallel_loop3A_920] : memref<512x16xi32, #tpu.memory_space<vmem>>[vector<16xi32>, vector<16xi32>], vector<16xi32>,
          %parallel_loop3A_961 = arith.constant 16 : i32
          %parallel_loop3A_962 = vector.broadcast %parallel_loop3A_961 : i32 to vector<16xi32>
          %parallel_loop3A_963 = arith.shli %parallel_loop3A_960, %parallel_loop3A_962 : vector<16xi32>
          %parallel_loop3A_964 = vector.bitcast %parallel_loop3A_963 : vector<16xi32> to vector<16xf32>
          %parallel_loop3A_965 = arith.constant -65536 : i32
          %parallel_loop3A_966 = vector.broadcast %parallel_loop3A_965 : i32 to vector<16xi32>
          %parallel_loop3A_967 = arith.andi %parallel_loop3A_960, %parallel_loop3A_966 : vector<16xi32>
          %parallel_loop3A_968 = vector.bitcast %parallel_loop3A_967 : vector<16xi32> to vector<16xf32>
          %parallel_loop3A_969 = arith.mulf %parallel_loop3A_809, %parallel_loop3A_964 : vector<16xf32>
          %parallel_loop3A_970 = arith.mulf %parallel_loop3A_810, %parallel_loop3A_968 : vector<16xf32>
          %parallel_loop3A_971 = arith.addf %parallel_loop3A_969, %parallel_loop3A_970 : vector<16xf32>
          %parallel_loop3A_972 = arith.constant 0 : i32
          %parallel_loop3A_973 = arith.constant 0 : i32
          %parallel_loop3A_974 = arith.constant 0 : i32
          %parallel_loop3A_975 = tpu.memref_slice %arg14[%parallel_loop3A_972, %parallel_loop3A_973, %parallel_loop3A_974] : memref<2x512x16xi32, #tpu.memory_space<vmem>> -> memref<1x512x16xi32, #tpu.memory_space<vmem>>
          %parallel_loop3A_976 = tpu.memref_squeeze %parallel_loop3A_975 : memref<1x512x16xi32, #tpu.memory_space<vmem>> -> memref<512x16xi32, #tpu.memory_space<vmem>>
          %parallel_loop3A_977 = tpu.vector_load_idx %parallel_loop3A_976[%parallel_loop3A_911, %parallel_loop3A_920] : memref<512x16xi32, #tpu.memory_space<vmem>>[vector<16xi32>, vector<16xi32>], vector<16xi32>,
          %parallel_loop3A_978 = arith.constant 16 : i32
          %parallel_loop3A_979 = vector.broadcast %parallel_loop3A_978 : i32 to vector<16xi32>
          %parallel_loop3A_980 = arith.shli %parallel_loop3A_977, %parallel_loop3A_979 : vector<16xi32>
          %parallel_loop3A_981 = vector.bitcast %parallel_loop3A_980 : vector<16xi32> to vector<16xf32>
          %parallel_loop3A_982 = arith.constant -65536 : i32
          %parallel_loop3A_983 = vector.broadcast %parallel_loop3A_982 : i32 to vector<16xi32>
          %parallel_loop3A_984 = arith.andi %parallel_loop3A_977, %parallel_loop3A_983 : vector<16xi32>
          %parallel_loop3A_985 = vector.bitcast %parallel_loop3A_984 : vector<16xi32> to vector<16xf32>
          %parallel_loop3A_986 = arith.mulf %parallel_loop3A_811, %parallel_loop3A_981 : vector<16xf32>
          %parallel_loop3A_987 = arith.mulf %parallel_loop3A_812, %parallel_loop3A_985 : vector<16xf32>
          %parallel_loop3A_988 = arith.addf %parallel_loop3A_986, %parallel_loop3A_987 : vector<16xf32>
          %parallel_loop3A_989 = arith.constant 0 : i32
          %parallel_loop3A_990 = arith.constant 0 : i32
          %parallel_loop3A_991 = arith.constant 0 : i32
          %parallel_loop3A_992 = tpu.memref_slice %arg15[%parallel_loop3A_989, %parallel_loop3A_990, %parallel_loop3A_991] : memref<2x512x16xi32, #tpu.memory_space<vmem>> -> memref<1x512x16xi32, #tpu.memory_space<vmem>>
          %parallel_loop3A_993 = tpu.memref_squeeze %parallel_loop3A_992 : memref<1x512x16xi32, #tpu.memory_space<vmem>> -> memref<512x16xi32, #tpu.memory_space<vmem>>
          %parallel_loop3A_994 = tpu.vector_load_idx %parallel_loop3A_993[%parallel_loop3A_908, %parallel_loop3A_920] : memref<512x16xi32, #tpu.memory_space<vmem>>[vector<16xi32>, vector<16xi32>], vector<16xi32>,
          %parallel_loop3A_995 = arith.constant 16 : i32
          %parallel_loop3A_996 = vector.broadcast %parallel_loop3A_995 : i32 to vector<16xi32>
          %parallel_loop3A_997 = arith.shli %parallel_loop3A_994, %parallel_loop3A_996 : vector<16xi32>
          %parallel_loop3A_998 = vector.bitcast %parallel_loop3A_997 : vector<16xi32> to vector<16xf32>
          %parallel_loop3A_999 = arith.constant -65536 : i32
          %parallel_loop3A_1000 = vector.broadcast %parallel_loop3A_999 : i32 to vector<16xi32>
          %parallel_loop3A_1001 = arith.andi %parallel_loop3A_994, %parallel_loop3A_1000 : vector<16xi32>
          %parallel_loop3A_1002 = vector.bitcast %parallel_loop3A_1001 : vector<16xi32> to vector<16xf32>
          %parallel_loop3A_1003 = arith.mulf %parallel_loop3A_855, %parallel_loop3A_998 : vector<16xf32>
          %parallel_loop3A_1004 = arith.mulf %parallel_loop3A_856, %parallel_loop3A_1002 : vector<16xf32>
          %parallel_loop3A_1005 = arith.addf %parallel_loop3A_1003, %parallel_loop3A_1004 : vector<16xf32>
          %parallel_loop3A_1006 = arith.constant 0 : i32
          %parallel_loop3A_1007 = arith.constant 0 : i32
          %parallel_loop3A_1008 = arith.constant 0 : i32
          %parallel_loop3A_1009 = tpu.memref_slice %arg15[%parallel_loop3A_1006, %parallel_loop3A_1007, %parallel_loop3A_1008] : memref<2x512x16xi32, #tpu.memory_space<vmem>> -> memref<1x512x16xi32, #tpu.memory_space<vmem>>
          %parallel_loop3A_1010 = tpu.memref_squeeze %parallel_loop3A_1009 : memref<1x512x16xi32, #tpu.memory_space<vmem>> -> memref<512x16xi32, #tpu.memory_space<vmem>>
          %parallel_loop3A_1011 = tpu.vector_load_idx %parallel_loop3A_1010[%parallel_loop3A_911, %parallel_loop3A_920] : memref<512x16xi32, #tpu.memory_space<vmem>>[vector<16xi32>, vector<16xi32>], vector<16xi32>,
          %parallel_loop3A_1012 = arith.constant 16 : i32
          %parallel_loop3A_1013 = vector.broadcast %parallel_loop3A_1012 : i32 to vector<16xi32>
          %parallel_loop3A_1014 = arith.shli %parallel_loop3A_1011, %parallel_loop3A_1013 : vector<16xi32>
          %parallel_loop3A_1015 = vector.bitcast %parallel_loop3A_1014 : vector<16xi32> to vector<16xf32>
          %parallel_loop3A_1016 = arith.constant -65536 : i32
          %parallel_loop3A_1017 = vector.broadcast %parallel_loop3A_1016 : i32 to vector<16xi32>
          %parallel_loop3A_1018 = arith.andi %parallel_loop3A_1011, %parallel_loop3A_1017 : vector<16xi32>
          %parallel_loop3A_1019 = vector.bitcast %parallel_loop3A_1018 : vector<16xi32> to vector<16xf32>
          %parallel_loop3A_1020 = arith.mulf %parallel_loop3A_857, %parallel_loop3A_1015 : vector<16xf32>
          %parallel_loop3A_1021 = arith.mulf %parallel_loop3A_858, %parallel_loop3A_1019 : vector<16xf32>
          %parallel_loop3A_1022 = arith.addf %parallel_loop3A_1020, %parallel_loop3A_1021 : vector<16xf32>
          %parallel_loop3A_1023 = arith.constant 0 : i32
          %parallel_loop3A_1024 = arith.constant 0 : i32
          %parallel_loop3A_1025 = arith.constant 0 : i32
          %parallel_loop3A_1026 = tpu.memref_slice %arg16[%parallel_loop3A_1023, %parallel_loop3A_1024, %parallel_loop3A_1025] : memref<2x512x16xi32, #tpu.memory_space<vmem>> -> memref<1x512x16xi32, #tpu.memory_space<vmem>>
          %parallel_loop3A_1027 = tpu.memref_squeeze %parallel_loop3A_1026 : memref<1x512x16xi32, #tpu.memory_space<vmem>> -> memref<512x16xi32, #tpu.memory_space<vmem>>
          %parallel_loop3A_1028 = tpu.vector_load_idx %parallel_loop3A_1027[%parallel_loop3A_908, %parallel_loop3A_920] : memref<512x16xi32, #tpu.memory_space<vmem>>[vector<16xi32>, vector<16xi32>], vector<16xi32>,
          %parallel_loop3A_1029 = arith.constant 16 : i32
          %parallel_loop3A_1030 = vector.broadcast %parallel_loop3A_1029 : i32 to vector<16xi32>
          %parallel_loop3A_1031 = arith.shli %parallel_loop3A_1028, %parallel_loop3A_1030 : vector<16xi32>
          %parallel_loop3A_1032 = vector.bitcast %parallel_loop3A_1031 : vector<16xi32> to vector<16xf32>
          %parallel_loop3A_1033 = arith.constant -65536 : i32
          %parallel_loop3A_1034 = vector.broadcast %parallel_loop3A_1033 : i32 to vector<16xi32>
          %parallel_loop3A_1035 = arith.andi %parallel_loop3A_1028, %parallel_loop3A_1034 : vector<16xi32>
          %parallel_loop3A_1036 = vector.bitcast %parallel_loop3A_1035 : vector<16xi32> to vector<16xf32>
          %parallel_loop3A_1037 = arith.mulf %parallel_loop3A_901, %parallel_loop3A_1032 : vector<16xf32>
          %parallel_loop3A_1038 = arith.mulf %parallel_loop3A_902, %parallel_loop3A_1036 : vector<16xf32>
          %parallel_loop3A_1039 = arith.addf %parallel_loop3A_1037, %parallel_loop3A_1038 : vector<16xf32>
          %parallel_loop3A_1040 = arith.constant 0 : i32
          %parallel_loop3A_1041 = arith.constant 0 : i32
          %parallel_loop3A_1042 = arith.constant 0 : i32
          %parallel_loop3A_1043 = tpu.memref_slice %arg16[%parallel_loop3A_1040, %parallel_loop3A_1041, %parallel_loop3A_1042] : memref<2x512x16xi32, #tpu.memory_space<vmem>> -> memref<1x512x16xi32, #tpu.memory_space<vmem>>
          %parallel_loop3A_1044 = tpu.memref_squeeze %parallel_loop3A_1043 : memref<1x512x16xi32, #tpu.memory_space<vmem>> -> memref<512x16xi32, #tpu.memory_space<vmem>>
          %parallel_loop3A_1045 = tpu.vector_load_idx %parallel_loop3A_1044[%parallel_loop3A_911, %parallel_loop3A_920] : memref<512x16xi32, #tpu.memory_space<vmem>>[vector<16xi32>, vector<16xi32>], vector<16xi32>,
          %parallel_loop3A_1046 = arith.constant 16 : i32
          %parallel_loop3A_1047 = vector.broadcast %parallel_loop3A_1046 : i32 to vector<16xi32>
          %parallel_loop3A_1048 = arith.shli %parallel_loop3A_1045, %parallel_loop3A_1047 : vector<16xi32>
          %parallel_loop3A_1049 = vector.bitcast %parallel_loop3A_1048 : vector<16xi32> to vector<16xf32>
          %parallel_loop3A_1050 = arith.constant -65536 : i32
          %parallel_loop3A_1051 = vector.broadcast %parallel_loop3A_1050 : i32 to vector<16xi32>
          %parallel_loop3A_1052 = arith.andi %parallel_loop3A_1045, %parallel_loop3A_1051 : vector<16xi32>
          %parallel_loop3A_1053 = vector.bitcast %parallel_loop3A_1052 : vector<16xi32> to vector<16xf32>
          %parallel_loop3A_1054 = arith.mulf %parallel_loop3A_903, %parallel_loop3A_1049 : vector<16xf32>
          %parallel_loop3A_1055 = arith.mulf %parallel_loop3A_904, %parallel_loop3A_1053 : vector<16xf32>
          %parallel_loop3A_1056 = arith.addf %parallel_loop3A_1054, %parallel_loop3A_1055 : vector<16xf32>
          %parallel_loop3A_1057 = arith.addf %parallel_loop3A_937, %parallel_loop3A_954 : vector<16xf32>
          %parallel_loop3A_1058 = arith.addf %parallel_loop3A_971, %parallel_loop3A_988 : vector<16xf32>
          %parallel_loop3A_1059 = arith.addf %parallel_loop3A_1005, %parallel_loop3A_1022 : vector<16xf32>
          %parallel_loop3A_1060 = arith.addf %parallel_loop3A_1039, %parallel_loop3A_1056 : vector<16xf32>
          %parallel_loop3A_1061 = arith.addf %parallel_loop3A_1057, %parallel_loop3A_1058 : vector<16xf32>
          %parallel_loop3A_1062 = arith.addf %parallel_loop3A_1059, %parallel_loop3A_1060 : vector<16xf32>
          %parallel_loop3A_1063 = arith.addf %parallel_loop3A_1061, %parallel_loop3A_1062 : vector<16xf32>
          %parallel_loop3A_1064 = arith.mulf %parallel_loop3A_1063, %parallel_loop3A_720 : vector<16xf32>
          %parallel_loop3A_1065 = arith.constant 0 : i32
          %parallel_loop3A_1066 = arith.constant 0 : i32
          %parallel_loop3A_1067 = arith.constant 0 : i32
          %parallel_loop3A_1068 = tpu.memref_slice %arg17[%parallel_loop3A_1065, %parallel_loop3A_1066, %parallel_loop3A_1067] : memref<2x16x256xf32, #tpu.memory_space<vmem>> -> memref<1x16x256xf32, #tpu.memory_space<vmem>>
          %parallel_loop3A_1069 = tpu.memref_squeeze %parallel_loop3A_1068 : memref<1x16x256xf32, #tpu.memory_space<vmem>> -> memref<16x256xf32, #tpu.memory_space<vmem>>
          tpu.vector_store_idx %parallel_loop3A_1069[%parallel_loop3A_920, %parallel_loop3A_908], %parallel_loop3A_1064 : memref<16x256xf32, #tpu.memory_space<vmem>>[vector<16xi32>, vector<16xi32>], vector<16xf32>,
        } {sc.loop_unroll_factor = 4 : i64, sc.parallel_access}
      } {sc.loop_unroll_factor = 1 : i64, sc.parallel_access}
      %mul3A_373 = arith.constant 256 : i32
      %mul3A_374 = arith.muli %add3A_300, %mul3A_373 : i32
      %add3A_375 = arith.addi %mul3A_32, %mul3A_374 : i32
      %dma_start3A_376 = arith.constant 0 : i32
      %dma_start3A_377 = arith.constant 0 : i32
      %dma_start3A_378 = arith.constant 0 : i32
      %dma_start3A_379 = tpu.memref_slice %arg17[%dma_start3A_376, %dma_start3A_377, %dma_start3A_378] : memref<2x16x256xf32, #tpu.memory_space<vmem>> -> memref<1x16x256xf32, #tpu.memory_space<vmem>>
      %dma_start3A_380 = tpu.memref_squeeze %dma_start3A_379 : memref<1x16x256xf32, #tpu.memory_space<vmem>> -> memref<16x256xf32, #tpu.memory_space<vmem>>
      %dma_start3A_381 = arith.constant 0 : i32
      %dma_start3A_382 = tpu.memref_slice %arg7[%select_n3A, %dma_start3A_381, %add3A_375] : memref<4x16x262144xf32, #tpu.memory_space<hbm>> -> memref<1x16x256xf32, #tpu.memory_space<hbm>>
      %dma_start3A_383 = tpu.memref_squeeze %dma_start3A_382 : memref<1x16x256xf32, #tpu.memory_space<hbm>> -> memref<16x256xf32, #tpu.memory_space<hbm>>
      %dma_start3A_384 = arith.constant 0 : i32
      %dma_start3A_385 = tpu.memref_slice %arg7[%select_n3A, %dma_start3A_384, %add3A_375] : memref<4x16x262144xf32, #tpu.memory_space<hbm>> -> memref<1x16x256xf32, #tpu.memory_space<hbm>>
      %dma_start3A_386 = tpu.memref_squeeze %dma_start3A_385 : memref<1x16x256xf32, #tpu.memory_space<hbm>> -> memref<16x256xf32, #tpu.memory_space<hbm>>
      %dma_start3A_387 = arith.constant 0 : i32
      %dma_start3A_388 = arith.constant 0 : i32
      %dma_start3A_389 = tpu.memref_slice %arg17[%dma_start3A_376, %dma_start3A_387, %dma_start3A_388] : memref<2x16x256xf32, #tpu.memory_space<vmem>> -> memref<1x16x256xf32, #tpu.memory_space<vmem>>
      %dma_start3A_390 = tpu.memref_squeeze %dma_start3A_389 : memref<1x16x256xf32, #tpu.memory_space<vmem>> -> memref<16x256xf32, #tpu.memory_space<vmem>>
      tpu.enqueue_dma source(%dma_start3A_390 : memref<16x256xf32, #tpu.memory_space<vmem>>) target(%dma_start3A_386 : memref<16x256xf32, #tpu.memory_space<hbm>>) target_semaphore(%arg22 : memref<!tpu.dma_semaphore, #tpu.memory_space<semaphore_mem>>)
      %dma_wait3A_391 = arith.constant 1 : i32
      %dma_wait3A_392 = arith.constant 0 : i32
      %dma_wait3A_393 = arith.constant 0 : i32
      %dma_wait3A_394 = tpu.memref_slice %arg8[%dma_wait3A_391, %dma_wait3A_392, %dma_wait3A_393] : memref<2x3x256xf32, #tpu.memory_space<vmem>> -> memref<1x3x256xf32, #tpu.memory_space<vmem>>
      %dma_wait3A_395 = tpu.memref_squeeze %dma_wait3A_394 : memref<1x3x256xf32, #tpu.memory_space<vmem>> -> memref<3x256xf32, #tpu.memory_space<vmem>>
      %dma_wait3A_396 = arith.constant 0 : i32
      %dma_wait3A_397 = arith.constant 0 : i32
      %dma_wait3A_398 = tpu.memref_slice %arg2[%dma_wait3A_396, %dma_wait3A_397] : memref<3x1048576xf32, #tpu.memory_space<hbm>> -> memref<3x256xf32, #tpu.memory_space<hbm>>
      %dma_wait3A_399 = arith.constant 0 : i32
      %dma_wait3A_400 = arith.constant 0 : i32
      %dma_wait3A_401 = tpu.memref_slice %arg8[%dma_wait3A_391, %dma_wait3A_399, %dma_wait3A_400] : memref<2x3x256xf32, #tpu.memory_space<vmem>> -> memref<1x3x256xf32, #tpu.memory_space<vmem>>
      %dma_wait3A_402 = tpu.memref_squeeze %dma_wait3A_401 : memref<1x3x256xf32, #tpu.memory_space<vmem>> -> memref<3x256xf32, #tpu.memory_space<vmem>>
      %dma_wait3A_403 = arith.constant 0 : i32
      %dma_wait3A_404 = arith.constant 0 : i32
      %dma_wait3A_405 = tpu.memref_slice %arg2[%dma_wait3A_403, %dma_wait3A_404] : memref<3x1048576xf32, #tpu.memory_space<hbm>> -> memref<3x256xf32, #tpu.memory_space<hbm>>
      tpu.wait_dma2 semaphore(%arg21 : memref<!tpu.dma_semaphore, #tpu.memory_space<semaphore_mem>>) src(%dma_wait3A_405 : memref<3x256xf32, #tpu.memory_space<hbm>>) dst(%dma_wait3A_402 : memref<3x256xf32, #tpu.memory_space<vmem>>)
      %scan3A_406 = arith.constant 0 : i32
      %scan3A_407 = arith.constant 0 : i32
      %scan3A_408 = arith.constant 16 : i32
      %scan3A_409 = arith.addi %scan3A_407, %scan3A_408 : i32
      %scan3A_410 = arith.constant 1 : i32
      scf.for %scan3A_696 = %scan3A_407 to %scan3A_409 step %scan3A_410  : i32 {
        %mul3A_697 = arith.constant 16 : i32
        %mul3A_698 = arith.muli %scan3A_696, %mul3A_697 : i32
        %get3A = arith.constant 1 : i32
        %get3A_699 = arith.constant 0 : i32
        %get3A_700 = arith.index_cast %get3A : i32 to index
        %get3A_701 = arith.index_cast %get3A_699 : i32 to index
        %get3A_702 = arith.index_cast %mul3A_698 : i32 to index
        %get3A_703 = tpu.vector_load %arg8[%get3A_700, %get3A_701, %get3A_702] {strides = array<i32>} : memref<2x3x256xf32, #tpu.memory_space<vmem>>, vector<16xf32>,
        %mul3A_704 = arith.constant 16 : i32
        %mul3A_705 = arith.muli %scan3A_696, %mul3A_704 : i32
        %get3A_706 = arith.constant 1 : i32
        %get3A_707 = arith.constant 1 : i32
        %get3A_708 = arith.index_cast %get3A_706 : i32 to index
        %get3A_709 = arith.index_cast %get3A_707 : i32 to index
        %get3A_710 = arith.index_cast %mul3A_705 : i32 to index
        %get3A_711 = tpu.vector_load %arg8[%get3A_708, %get3A_709, %get3A_710] {strides = array<i32>} : memref<2x3x256xf32, #tpu.memory_space<vmem>>, vector<16xf32>,
        %mul3A_712 = arith.constant 2.000000e+00 : f32
        %mul3A_713 = vector.broadcast %mul3A_712 : f32 to vector<16xf32>
        %mul3A_714 = arith.mulf %get3A_703, %mul3A_713 : vector<16xf32>
        %sub3A_715 = arith.constant 1.000000e+00 : f32
        %sub3A_716 = vector.broadcast %sub3A_715 : f32 to vector<16xf32>
        %sub3A_717 = arith.subf %mul3A_714, %sub3A_716 : vector<16xf32>
        %mul3A_718 = arith.constant 2.000000e+00 : f32
        %mul3A_719 = vector.broadcast %mul3A_718 : f32 to vector<16xf32>
        %mul3A_720 = arith.mulf %get3A_711, %mul3A_719 : vector<16xf32>
        %sub3A_721 = arith.constant 1.000000e+00 : f32
        %sub3A_722 = vector.broadcast %sub3A_721 : f32 to vector<16xf32>
        %sub3A_723 = arith.subf %mul3A_720, %sub3A_722 : vector<16xf32>
        %add3A_724 = arith.constant 1.000000e+00 : f32
        %add3A_725 = vector.broadcast %add3A_724 : f32 to vector<16xf32>
        %add3A_726 = arith.addf %sub3A_717, %add3A_725 : vector<16xf32>
        %mul3A_727 = arith.constant 5.000000e-01 : f32
        %mul3A_728 = vector.broadcast %mul3A_727 : f32 to vector<16xf32>
        %mul3A_729 = arith.mulf %add3A_726, %mul3A_728 : vector<16xf32>
        %mul3A_730 = arith.constant 1.023000e+03 : f32
        %mul3A_731 = vector.broadcast %mul3A_730 : f32 to vector<16xf32>
        %mul3A_732 = arith.mulf %mul3A_729, %mul3A_731 : vector<16xf32>
        %add3A_733 = arith.constant 1.000000e+00 : f32
        %add3A_734 = vector.broadcast %add3A_733 : f32 to vector<16xf32>
        %add3A_735 = arith.addf %sub3A_723, %add3A_734 : vector<16xf32>
        %mul3A_736 = arith.constant 5.000000e-01 : f32
        %mul3A_737 = vector.broadcast %mul3A_736 : f32 to vector<16xf32>
        %mul3A_738 = arith.mulf %add3A_735, %mul3A_737 : vector<16xf32>
        %mul3A_739 = arith.constant 1.023000e+03 : f32
        %mul3A_740 = vector.broadcast %mul3A_739 : f32 to vector<16xf32>
        %mul3A_741 = arith.mulf %mul3A_738, %mul3A_740 : vector<16xf32>
        %convert_element_type3A_742 = arith.fptosi %mul3A_732 : vector<16xf32> to vector<16xi32>
        %convert_element_type3A_743 = arith.fptosi %mul3A_741 : vector<16xf32> to vector<16xi32>
        %min3A = arith.constant 1022 : i32
        %min3A_744 = vector.broadcast %min3A : i32 to vector<16xi32>
        %min3A_745 = arith.minsi %convert_element_type3A_742, %min3A_744 : vector<16xi32>
        %min3A_746 = arith.constant 1022 : i32
        %min3A_747 = vector.broadcast %min3A_746 : i32 to vector<16xi32>
        %min3A_748 = arith.minsi %convert_element_type3A_743, %min3A_747 : vector<16xi32>
        %mul3A_749 = arith.constant 1024 : i32
        %mul3A_750 = vector.broadcast %mul3A_749 : i32 to vector<16xi32>
        %mul3A_751 = arith.muli %min3A_748, %mul3A_750 : vector<16xi32>
        %add3A_752 = arith.addi %mul3A_751, %min3A_745 : vector<16xi32>
        %mul3A_753 = arith.constant 16 : i32
        %mul3A_754 = arith.muli %scan3A_696, %mul3A_753 : i32
        %add3A_755 = arith.constant 0 : i32
        %add3A_756 = arith.addi %add3A_755, %mul3A_754 : i32
        %swap3A = arith.constant 1 : i32
        %swap3A_757 = arith.index_cast %swap3A : i32 to index
        %swap3A_758 = arith.index_cast %add3A_756 : i32 to index
        %swap3A_759 = tpu.vector_load %arg9[%swap3A_757, %swap3A_758] {strides = array<i32>} : memref<2x512xi32, #tpu.memory_space<vmem>>, vector<16xi32>,
        tpu.vector_store %arg9[%swap3A_757, %swap3A_758], %add3A_752 {strides = array<i32>} : memref<2x512xi32, #tpu.memory_space<vmem>>, vector<16xi32>,
        %add3A_760 = arith.constant 1024 : i32
        %add3A_761 = vector.broadcast %add3A_760 : i32 to vector<16xi32>
        %add3A_762 = arith.addi %add3A_752, %add3A_761 : vector<16xi32>
        %mul3A_763 = arith.constant 16 : i32
        %mul3A_764 = arith.muli %scan3A_696, %mul3A_763 : i32
        %add3A_765 = arith.constant 256 : i32
        %add3A_766 = arith.addi %add3A_765, %mul3A_764 : i32
        %swap3A_767 = arith.constant 1 : i32
        %swap3A_768 = arith.index_cast %swap3A_767 : i32 to index
        %swap3A_769 = arith.index_cast %add3A_766 : i32 to index
        %swap3A_770 = tpu.vector_load %arg9[%swap3A_768, %swap3A_769] {strides = array<i32>} : memref<2x512xi32, #tpu.memory_space<vmem>>, vector<16xi32>,
        tpu.vector_store %arg9[%swap3A_768, %swap3A_769], %add3A_762 {strides = array<i32>} : memref<2x512xi32, #tpu.memory_space<vmem>>, vector<16xi32>,
        %mul3A_771 = arith.constant 2.000000e+00 : f32
        %mul3A_772 = vector.broadcast %mul3A_771 : f32 to vector<16xf32>
        %mul3A_773 = arith.mulf %get3A_703, %mul3A_772 : vector<16xf32>
        %sub3A_774 = arith.constant 1.000000e+00 : f32
        %sub3A_775 = vector.broadcast %sub3A_774 : f32 to vector<16xf32>
        %sub3A_776 = arith.subf %mul3A_773, %sub3A_775 : vector<16xf32>
        %mul3A_777 = arith.constant 2.000000e+00 : f32
        %mul3A_778 = vector.broadcast %mul3A_777 : f32 to vector<16xf32>
        %mul3A_779 = arith.mulf %get3A_711, %mul3A_778 : vector<16xf32>
        %sub3A_780 = arith.constant 1.000000e+00 : f32
        %sub3A_781 = vector.broadcast %sub3A_780 : f32 to vector<16xf32>
        %sub3A_782 = arith.subf %mul3A_779, %sub3A_781 : vector<16xf32>
        %add3A_783 = arith.constant 1.000000e+00 : f32
        %add3A_784 = vector.broadcast %add3A_783 : f32 to vector<16xf32>
        %add3A_785 = arith.addf %sub3A_776, %add3A_784 : vector<16xf32>
        %mul3A_786 = arith.constant 5.000000e-01 : f32
        %mul3A_787 = vector.broadcast %mul3A_786 : f32 to vector<16xf32>
        %mul3A_788 = arith.mulf %add3A_785, %mul3A_787 : vector<16xf32>
        %mul3A_789 = arith.constant 5.110000e+02 : f32
        %mul3A_790 = vector.broadcast %mul3A_789 : f32 to vector<16xf32>
        %mul3A_791 = arith.mulf %mul3A_788, %mul3A_790 : vector<16xf32>
        %add3A_792 = arith.constant 1.000000e+00 : f32
        %add3A_793 = vector.broadcast %add3A_792 : f32 to vector<16xf32>
        %add3A_794 = arith.addf %sub3A_782, %add3A_793 : vector<16xf32>
        %mul3A_795 = arith.constant 5.000000e-01 : f32
        %mul3A_796 = vector.broadcast %mul3A_795 : f32 to vector<16xf32>
        %mul3A_797 = arith.mulf %add3A_794, %mul3A_796 : vector<16xf32>
        %mul3A_798 = arith.constant 5.110000e+02 : f32
        %mul3A_799 = vector.broadcast %mul3A_798 : f32 to vector<16xf32>
        %mul3A_800 = arith.mulf %mul3A_797, %mul3A_799 : vector<16xf32>
        %convert_element_type3A_801 = arith.fptosi %mul3A_791 : vector<16xf32> to vector<16xi32>
        %convert_element_type3A_802 = arith.fptosi %mul3A_800 : vector<16xf32> to vector<16xi32>
        %min3A_803 = arith.constant 510 : i32
        %min3A_804 = vector.broadcast %min3A_803 : i32 to vector<16xi32>
        %min3A_805 = arith.minsi %convert_element_type3A_801, %min3A_804 : vector<16xi32>
        %min3A_806 = arith.constant 510 : i32
        %min3A_807 = vector.broadcast %min3A_806 : i32 to vector<16xi32>
        %min3A_808 = arith.minsi %convert_element_type3A_802, %min3A_807 : vector<16xi32>
        %mul3A_809 = arith.constant 512 : i32
        %mul3A_810 = vector.broadcast %mul3A_809 : i32 to vector<16xi32>
        %mul3A_811 = arith.muli %min3A_808, %mul3A_810 : vector<16xi32>
        %add3A_812 = arith.addi %mul3A_811, %min3A_805 : vector<16xi32>
        %mul3A_813 = arith.constant 16 : i32
        %mul3A_814 = arith.muli %scan3A_696, %mul3A_813 : i32
        %add3A_815 = arith.constant 0 : i32
        %add3A_816 = arith.addi %add3A_815, %mul3A_814 : i32
        %swap3A_817 = arith.constant 1 : i32
        %swap3A_818 = arith.index_cast %swap3A_817 : i32 to index
        %swap3A_819 = arith.index_cast %add3A_816 : i32 to index
        %swap3A_820 = tpu.vector_load %arg10[%swap3A_818, %swap3A_819] {strides = array<i32>} : memref<2x512xi32, #tpu.memory_space<vmem>>, vector<16xi32>,
        tpu.vector_store %arg10[%swap3A_818, %swap3A_819], %add3A_812 {strides = array<i32>} : memref<2x512xi32, #tpu.memory_space<vmem>>, vector<16xi32>,
        %add3A_821 = arith.constant 512 : i32
        %add3A_822 = vector.broadcast %add3A_821 : i32 to vector<16xi32>
        %add3A_823 = arith.addi %add3A_812, %add3A_822 : vector<16xi32>
        %mul3A_824 = arith.constant 16 : i32
        %mul3A_825 = arith.muli %scan3A_696, %mul3A_824 : i32
        %add3A_826 = arith.constant 256 : i32
        %add3A_827 = arith.addi %add3A_826, %mul3A_825 : i32
        %swap3A_828 = arith.constant 1 : i32
        %swap3A_829 = arith.index_cast %swap3A_828 : i32 to index
        %swap3A_830 = arith.index_cast %add3A_827 : i32 to index
        %swap3A_831 = tpu.vector_load %arg10[%swap3A_829, %swap3A_830] {strides = array<i32>} : memref<2x512xi32, #tpu.memory_space<vmem>>, vector<16xi32>,
        tpu.vector_store %arg10[%swap3A_829, %swap3A_830], %add3A_823 {strides = array<i32>} : memref<2x512xi32, #tpu.memory_space<vmem>>, vector<16xi32>,
        %mul3A_832 = arith.constant 2.000000e+00 : f32
        %mul3A_833 = vector.broadcast %mul3A_832 : f32 to vector<16xf32>
        %mul3A_834 = arith.mulf %get3A_703, %mul3A_833 : vector<16xf32>
        %sub3A_835 = arith.constant 1.000000e+00 : f32
        %sub3A_836 = vector.broadcast %sub3A_835 : f32 to vector<16xf32>
        %sub3A_837 = arith.subf %mul3A_834, %sub3A_836 : vector<16xf32>
        %mul3A_838 = arith.constant 2.000000e+00 : f32
        %mul3A_839 = vector.broadcast %mul3A_838 : f32 to vector<16xf32>
        %mul3A_840 = arith.mulf %get3A_711, %mul3A_839 : vector<16xf32>
        %sub3A_841 = arith.constant 1.000000e+00 : f32
        %sub3A_842 = vector.broadcast %sub3A_841 : f32 to vector<16xf32>
        %sub3A_843 = arith.subf %mul3A_840, %sub3A_842 : vector<16xf32>
        %add3A_844 = arith.constant 1.000000e+00 : f32
        %add3A_845 = vector.broadcast %add3A_844 : f32 to vector<16xf32>
        %add3A_846 = arith.addf %sub3A_837, %add3A_845 : vector<16xf32>
        %mul3A_847 = arith.constant 5.000000e-01 : f32
        %mul3A_848 = vector.broadcast %mul3A_847 : f32 to vector<16xf32>
        %mul3A_849 = arith.mulf %add3A_846, %mul3A_848 : vector<16xf32>
        %mul3A_850 = arith.constant 2.550000e+02 : f32
        %mul3A_851 = vector.broadcast %mul3A_850 : f32 to vector<16xf32>
        %mul3A_852 = arith.mulf %mul3A_849, %mul3A_851 : vector<16xf32>
        %add3A_853 = arith.constant 1.000000e+00 : f32
        %add3A_854 = vector.broadcast %add3A_853 : f32 to vector<16xf32>
        %add3A_855 = arith.addf %sub3A_843, %add3A_854 : vector<16xf32>
        %mul3A_856 = arith.constant 5.000000e-01 : f32
        %mul3A_857 = vector.broadcast %mul3A_856 : f32 to vector<16xf32>
        %mul3A_858 = arith.mulf %add3A_855, %mul3A_857 : vector<16xf32>
        %mul3A_859 = arith.constant 2.550000e+02 : f32
        %mul3A_860 = vector.broadcast %mul3A_859 : f32 to vector<16xf32>
        %mul3A_861 = arith.mulf %mul3A_858, %mul3A_860 : vector<16xf32>
        %convert_element_type3A_862 = arith.fptosi %mul3A_852 : vector<16xf32> to vector<16xi32>
        %convert_element_type3A_863 = arith.fptosi %mul3A_861 : vector<16xf32> to vector<16xi32>
        %min3A_864 = arith.constant 254 : i32
        %min3A_865 = vector.broadcast %min3A_864 : i32 to vector<16xi32>
        %min3A_866 = arith.minsi %convert_element_type3A_862, %min3A_865 : vector<16xi32>
        %min3A_867 = arith.constant 254 : i32
        %min3A_868 = vector.broadcast %min3A_867 : i32 to vector<16xi32>
        %min3A_869 = arith.minsi %convert_element_type3A_863, %min3A_868 : vector<16xi32>
        %mul3A_870 = arith.constant 256 : i32
        %mul3A_871 = vector.broadcast %mul3A_870 : i32 to vector<16xi32>
        %mul3A_872 = arith.muli %min3A_869, %mul3A_871 : vector<16xi32>
        %add3A_873 = arith.addi %mul3A_872, %min3A_866 : vector<16xi32>
        %mul3A_874 = arith.constant 16 : i32
        %mul3A_875 = arith.muli %scan3A_696, %mul3A_874 : i32
        %add3A_876 = arith.constant 0 : i32
        %add3A_877 = arith.addi %add3A_876, %mul3A_875 : i32
        %swap3A_878 = arith.constant 1 : i32
        %swap3A_879 = arith.index_cast %swap3A_878 : i32 to index
        %swap3A_880 = arith.index_cast %add3A_877 : i32 to index
        %swap3A_881 = tpu.vector_load %arg11[%swap3A_879, %swap3A_880] {strides = array<i32>} : memref<2x512xi32, #tpu.memory_space<vmem>>, vector<16xi32>,
        tpu.vector_store %arg11[%swap3A_879, %swap3A_880], %add3A_873 {strides = array<i32>} : memref<2x512xi32, #tpu.memory_space<vmem>>, vector<16xi32>,
        %add3A_882 = arith.constant 256 : i32
        %add3A_883 = vector.broadcast %add3A_882 : i32 to vector<16xi32>
        %add3A_884 = arith.addi %add3A_873, %add3A_883 : vector<16xi32>
        %mul3A_885 = arith.constant 16 : i32
        %mul3A_886 = arith.muli %scan3A_696, %mul3A_885 : i32
        %add3A_887 = arith.constant 256 : i32
        %add3A_888 = arith.addi %add3A_887, %mul3A_886 : i32
        %swap3A_889 = arith.constant 1 : i32
        %swap3A_890 = arith.index_cast %swap3A_889 : i32 to index
        %swap3A_891 = arith.index_cast %add3A_888 : i32 to index
        %swap3A_892 = tpu.vector_load %arg11[%swap3A_890, %swap3A_891] {strides = array<i32>} : memref<2x512xi32, #tpu.memory_space<vmem>>, vector<16xi32>,
        tpu.vector_store %arg11[%swap3A_890, %swap3A_891], %add3A_884 {strides = array<i32>} : memref<2x512xi32, #tpu.memory_space<vmem>>, vector<16xi32>,
        %mul3A_893 = arith.constant 2.000000e+00 : f32
        %mul3A_894 = vector.broadcast %mul3A_893 : f32 to vector<16xf32>
        %mul3A_895 = arith.mulf %get3A_703, %mul3A_894 : vector<16xf32>
        %sub3A_896 = arith.constant 1.000000e+00 : f32
        %sub3A_897 = vector.broadcast %sub3A_896 : f32 to vector<16xf32>
        %sub3A_898 = arith.subf %mul3A_895, %sub3A_897 : vector<16xf32>
        %mul3A_899 = arith.constant 2.000000e+00 : f32
        %mul3A_900 = vector.broadcast %mul3A_899 : f32 to vector<16xf32>
        %mul3A_901 = arith.mulf %get3A_711, %mul3A_900 : vector<16xf32>
        %sub3A_902 = arith.constant 1.000000e+00 : f32
        %sub3A_903 = vector.broadcast %sub3A_902 : f32 to vector<16xf32>
        %sub3A_904 = arith.subf %mul3A_901, %sub3A_903 : vector<16xf32>
        %add3A_905 = arith.constant 1.000000e+00 : f32
        %add3A_906 = vector.broadcast %add3A_905 : f32 to vector<16xf32>
        %add3A_907 = arith.addf %sub3A_898, %add3A_906 : vector<16xf32>
        %mul3A_908 = arith.constant 5.000000e-01 : f32
        %mul3A_909 = vector.broadcast %mul3A_908 : f32 to vector<16xf32>
        %mul3A_910 = arith.mulf %add3A_907, %mul3A_909 : vector<16xf32>
        %mul3A_911 = arith.constant 1.270000e+02 : f32
        %mul3A_912 = vector.broadcast %mul3A_911 : f32 to vector<16xf32>
        %mul3A_913 = arith.mulf %mul3A_910, %mul3A_912 : vector<16xf32>
        %add3A_914 = arith.constant 1.000000e+00 : f32
        %add3A_915 = vector.broadcast %add3A_914 : f32 to vector<16xf32>
        %add3A_916 = arith.addf %sub3A_904, %add3A_915 : vector<16xf32>
        %mul3A_917 = arith.constant 5.000000e-01 : f32
        %mul3A_918 = vector.broadcast %mul3A_917 : f32 to vector<16xf32>
        %mul3A_919 = arith.mulf %add3A_916, %mul3A_918 : vector<16xf32>
        %mul3A_920 = arith.constant 1.270000e+02 : f32
        %mul3A_921 = vector.broadcast %mul3A_920 : f32 to vector<16xf32>
        %mul3A_922 = arith.mulf %mul3A_919, %mul3A_921 : vector<16xf32>
        %convert_element_type3A_923 = arith.fptosi %mul3A_913 : vector<16xf32> to vector<16xi32>
        %convert_element_type3A_924 = arith.fptosi %mul3A_922 : vector<16xf32> to vector<16xi32>
        %min3A_925 = arith.constant 126 : i32
        %min3A_926 = vector.broadcast %min3A_925 : i32 to vector<16xi32>
        %min3A_927 = arith.minsi %convert_element_type3A_923, %min3A_926 : vector<16xi32>
        %min3A_928 = arith.constant 126 : i32
        %min3A_929 = vector.broadcast %min3A_928 : i32 to vector<16xi32>
        %min3A_930 = arith.minsi %convert_element_type3A_924, %min3A_929 : vector<16xi32>
        %mul3A_931 = arith.constant 128 : i32
        %mul3A_932 = vector.broadcast %mul3A_931 : i32 to vector<16xi32>
        %mul3A_933 = arith.muli %min3A_930, %mul3A_932 : vector<16xi32>
        %add3A_934 = arith.addi %mul3A_933, %min3A_927 : vector<16xi32>
        %mul3A_935 = arith.constant 16 : i32
        %mul3A_936 = arith.muli %scan3A_696, %mul3A_935 : i32
        %add3A_937 = arith.constant 0 : i32
        %add3A_938 = arith.addi %add3A_937, %mul3A_936 : i32
        %swap3A_939 = arith.constant 1 : i32
        %swap3A_940 = arith.index_cast %swap3A_939 : i32 to index
        %swap3A_941 = arith.index_cast %add3A_938 : i32 to index
        %swap3A_942 = tpu.vector_load %arg12[%swap3A_940, %swap3A_941] {strides = array<i32>} : memref<2x512xi32, #tpu.memory_space<vmem>>, vector<16xi32>,
        tpu.vector_store %arg12[%swap3A_940, %swap3A_941], %add3A_934 {strides = array<i32>} : memref<2x512xi32, #tpu.memory_space<vmem>>, vector<16xi32>,
        %add3A_943 = arith.constant 128 : i32
        %add3A_944 = vector.broadcast %add3A_943 : i32 to vector<16xi32>
        %add3A_945 = arith.addi %add3A_934, %add3A_944 : vector<16xi32>
        %mul3A_946 = arith.constant 16 : i32
        %mul3A_947 = arith.muli %scan3A_696, %mul3A_946 : i32
        %add3A_948 = arith.constant 256 : i32
        %add3A_949 = arith.addi %add3A_948, %mul3A_947 : i32
        %swap3A_950 = arith.constant 1 : i32
        %swap3A_951 = arith.index_cast %swap3A_950 : i32 to index
        %swap3A_952 = arith.index_cast %add3A_949 : i32 to index
        %swap3A_953 = tpu.vector_load %arg12[%swap3A_951, %swap3A_952] {strides = array<i32>} : memref<2x512xi32, #tpu.memory_space<vmem>>, vector<16xi32>,
        tpu.vector_store %arg12[%swap3A_951, %swap3A_952], %add3A_945 {strides = array<i32>} : memref<2x512xi32, #tpu.memory_space<vmem>>, vector<16xi32>,
      }
      %scan3A_411 = arith.constant 16 : i32
      %dma_start3A_412 = arith.constant 1 : i32
      %dma_start3A_413 = arith.constant 1 : i32
      %dma_start3A_414 = arith.constant 0 : i32
      %dma_start3A_415 = arith.constant 0 : i32
      %dma_start3A_416 = tpu.memref_slice %arg13[%dma_start3A_413, %dma_start3A_414, %dma_start3A_415] : memref<2x512x16xi32, #tpu.memory_space<vmem>> -> memref<1x128x16xi32, #tpu.memory_space<vmem>>
      %dma_start3A_417 = tpu.memref_squeeze %dma_start3A_416 : memref<1x128x16xi32, #tpu.memory_space<vmem>> -> memref<128x16xi32, #tpu.memory_space<vmem>>
      %dma_start3A_418 = arith.constant 0 : i32
      %dma_start3A_419 = tpu.memref_slice %arg9[%dma_start3A_412, %dma_start3A_418] : memref<2x512xi32, #tpu.memory_space<vmem>> -> memref<1x128xi32, #tpu.memory_space<vmem>>
      %dma_start3A_420 = tpu.memref_squeeze %dma_start3A_419 : memref<1x128xi32, #tpu.memory_space<vmem>> -> memref<128xi32, #tpu.memory_space<vmem>>
      %dma_start3A_421 = arith.constant 0 : i32
      %dma_start3A_422 = arith.constant 0 : i32
      %dma_start3A_423 = tpu.memref_slice %arg3[%dma_start3A_421, %dma_start3A_422] : memref<1048576x16xi32, #tpu.memory_space<hbm>> -> memref<1048576x16xi32, #tpu.memory_space<hbm>>
      tpu.enqueue_indirect_dma source(%dma_start3A_423 : memref<1048576x16xi32, #tpu.memory_space<hbm>>) target(%dma_start3A_417 : memref<128x16xi32, #tpu.memory_space<vmem>>) offsets(%dma_start3A_420 : memref<128xi32, #tpu.memory_space<vmem>>) semaphore(%arg19 : memref<!tpu.dma_semaphore, #tpu.memory_space<semaphore_mem>>)
      %dma_start3A_424 = arith.constant 1 : i32
      %dma_start3A_425 = arith.constant 1 : i32
      %dma_start3A_426 = arith.constant 128 : i32
      %dma_start3A_427 = arith.constant 0 : i32
      %dma_start3A_428 = tpu.memref_slice %arg13[%dma_start3A_425, %dma_start3A_426, %dma_start3A_427] : memref<2x512x16xi32, #tpu.memory_space<vmem>> -> memref<1x128x16xi32, #tpu.memory_space<vmem>>
      %dma_start3A_429 = tpu.memref_squeeze %dma_start3A_428 : memref<1x128x16xi32, #tpu.memory_space<vmem>> -> memref<128x16xi32, #tpu.memory_space<vmem>>
      %dma_start3A_430 = arith.constant 128 : i32
      %dma_start3A_431 = tpu.memref_slice %arg9[%dma_start3A_424, %dma_start3A_430] : memref<2x512xi32, #tpu.memory_space<vmem>> -> memref<1x128xi32, #tpu.memory_space<vmem>>
      %dma_start3A_432 = tpu.memref_squeeze %dma_start3A_431 : memref<1x128xi32, #tpu.memory_space<vmem>> -> memref<128xi32, #tpu.memory_space<vmem>>
      %dma_start3A_433 = arith.constant 0 : i32
      %dma_start3A_434 = arith.constant 0 : i32
      %dma_start3A_435 = tpu.memref_slice %arg3[%dma_start3A_433, %dma_start3A_434] : memref<1048576x16xi32, #tpu.memory_space<hbm>> -> memref<1048576x16xi32, #tpu.memory_space<hbm>>
      tpu.enqueue_indirect_dma source(%dma_start3A_435 : memref<1048576x16xi32, #tpu.memory_space<hbm>>) target(%dma_start3A_429 : memref<128x16xi32, #tpu.memory_space<vmem>>) offsets(%dma_start3A_432 : memref<128xi32, #tpu.memory_space<vmem>>) semaphore(%arg19 : memref<!tpu.dma_semaphore, #tpu.memory_space<semaphore_mem>>)
      %dma_start3A_436 = arith.constant 1 : i32
      %dma_start3A_437 = arith.constant 1 : i32
      %dma_start3A_438 = arith.constant 256 : i32
      %dma_start3A_439 = arith.constant 0 : i32
      %dma_start3A_440 = tpu.memref_slice %arg13[%dma_start3A_437, %dma_start3A_438, %dma_start3A_439] : memref<2x512x16xi32, #tpu.memory_space<vmem>> -> memref<1x128x16xi32, #tpu.memory_space<vmem>>
      %dma_start3A_441 = tpu.memref_squeeze %dma_start3A_440 : memref<1x128x16xi32, #tpu.memory_space<vmem>> -> memref<128x16xi32, #tpu.memory_space<vmem>>
      %dma_start3A_442 = arith.constant 256 : i32
      %dma_start3A_443 = tpu.memref_slice %arg9[%dma_start3A_436, %dma_start3A_442] : memref<2x512xi32, #tpu.memory_space<vmem>> -> memref<1x128xi32, #tpu.memory_space<vmem>>
      %dma_start3A_444 = tpu.memref_squeeze %dma_start3A_443 : memref<1x128xi32, #tpu.memory_space<vmem>> -> memref<128xi32, #tpu.memory_space<vmem>>
      %dma_start3A_445 = arith.constant 0 : i32
      %dma_start3A_446 = arith.constant 0 : i32
      %dma_start3A_447 = tpu.memref_slice %arg3[%dma_start3A_445, %dma_start3A_446] : memref<1048576x16xi32, #tpu.memory_space<hbm>> -> memref<1048576x16xi32, #tpu.memory_space<hbm>>
      tpu.enqueue_indirect_dma source(%dma_start3A_447 : memref<1048576x16xi32, #tpu.memory_space<hbm>>) target(%dma_start3A_441 : memref<128x16xi32, #tpu.memory_space<vmem>>) offsets(%dma_start3A_444 : memref<128xi32, #tpu.memory_space<vmem>>) semaphore(%arg19 : memref<!tpu.dma_semaphore, #tpu.memory_space<semaphore_mem>>)
      %dma_start3A_448 = arith.constant 1 : i32
      %dma_start3A_449 = arith.constant 1 : i32
      %dma_start3A_450 = arith.constant 384 : i32
      %dma_start3A_451 = arith.constant 0 : i32
      %dma_start3A_452 = tpu.memref_slice %arg13[%dma_start3A_449, %dma_start3A_450, %dma_start3A_451] : memref<2x512x16xi32, #tpu.memory_space<vmem>> -> memref<1x128x16xi32, #tpu.memory_space<vmem>>
      %dma_start3A_453 = tpu.memref_squeeze %dma_start3A_452 : memref<1x128x16xi32, #tpu.memory_space<vmem>> -> memref<128x16xi32, #tpu.memory_space<vmem>>
      %dma_start3A_454 = arith.constant 384 : i32
      %dma_start3A_455 = tpu.memref_slice %arg9[%dma_start3A_448, %dma_start3A_454] : memref<2x512xi32, #tpu.memory_space<vmem>> -> memref<1x128xi32, #tpu.memory_space<vmem>>
      %dma_start3A_456 = tpu.memref_squeeze %dma_start3A_455 : memref<1x128xi32, #tpu.memory_space<vmem>> -> memref<128xi32, #tpu.memory_space<vmem>>
      %dma_start3A_457 = arith.constant 0 : i32
      %dma_start3A_458 = arith.constant 0 : i32
      %dma_start3A_459 = tpu.memref_slice %arg3[%dma_start3A_457, %dma_start3A_458] : memref<1048576x16xi32, #tpu.memory_space<hbm>> -> memref<1048576x16xi32, #tpu.memory_space<hbm>>
      tpu.enqueue_indirect_dma source(%dma_start3A_459 : memref<1048576x16xi32, #tpu.memory_space<hbm>>) target(%dma_start3A_453 : memref<128x16xi32, #tpu.memory_space<vmem>>) offsets(%dma_start3A_456 : memref<128xi32, #tpu.memory_space<vmem>>) semaphore(%arg19 : memref<!tpu.dma_semaphore, #tpu.memory_space<semaphore_mem>>)
      %dma_start3A_460 = arith.constant 1 : i32
      %dma_start3A_461 = arith.constant 1 : i32
      %dma_start3A_462 = arith.constant 0 : i32
      %dma_start3A_463 = arith.constant 0 : i32
      %dma_start3A_464 = tpu.memref_slice %arg14[%dma_start3A_461, %dma_start3A_462, %dma_start3A_463] : memref<2x512x16xi32, #tpu.memory_space<vmem>> -> memref<1x128x16xi32, #tpu.memory_space<vmem>>
      %dma_start3A_465 = tpu.memref_squeeze %dma_start3A_464 : memref<1x128x16xi32, #tpu.memory_space<vmem>> -> memref<128x16xi32, #tpu.memory_space<vmem>>
      %dma_start3A_466 = arith.constant 0 : i32
      %dma_start3A_467 = tpu.memref_slice %arg10[%dma_start3A_460, %dma_start3A_466] : memref<2x512xi32, #tpu.memory_space<vmem>> -> memref<1x128xi32, #tpu.memory_space<vmem>>
      %dma_start3A_468 = tpu.memref_squeeze %dma_start3A_467 : memref<1x128xi32, #tpu.memory_space<vmem>> -> memref<128xi32, #tpu.memory_space<vmem>>
      %dma_start3A_469 = arith.constant 0 : i32
      %dma_start3A_470 = arith.constant 0 : i32
      %dma_start3A_471 = tpu.memref_slice %arg4[%dma_start3A_469, %dma_start3A_470] : memref<262144x16xi32, #tpu.memory_space<hbm>> -> memref<262144x16xi32, #tpu.memory_space<hbm>>
      tpu.enqueue_indirect_dma source(%dma_start3A_471 : memref<262144x16xi32, #tpu.memory_space<hbm>>) target(%dma_start3A_465 : memref<128x16xi32, #tpu.memory_space<vmem>>) offsets(%dma_start3A_468 : memref<128xi32, #tpu.memory_space<vmem>>) semaphore(%arg19 : memref<!tpu.dma_semaphore, #tpu.memory_space<semaphore_mem>>)
      %dma_start3A_472 = arith.constant 1 : i32
      %dma_start3A_473 = arith.constant 1 : i32
      %dma_start3A_474 = arith.constant 128 : i32
      %dma_start3A_475 = arith.constant 0 : i32
      %dma_start3A_476 = tpu.memref_slice %arg14[%dma_start3A_473, %dma_start3A_474, %dma_start3A_475] : memref<2x512x16xi32, #tpu.memory_space<vmem>> -> memref<1x128x16xi32, #tpu.memory_space<vmem>>
      %dma_start3A_477 = tpu.memref_squeeze %dma_start3A_476 : memref<1x128x16xi32, #tpu.memory_space<vmem>> -> memref<128x16xi32, #tpu.memory_space<vmem>>
      %dma_start3A_478 = arith.constant 128 : i32
      %dma_start3A_479 = tpu.memref_slice %arg10[%dma_start3A_472, %dma_start3A_478] : memref<2x512xi32, #tpu.memory_space<vmem>> -> memref<1x128xi32, #tpu.memory_space<vmem>>
      %dma_start3A_480 = tpu.memref_squeeze %dma_start3A_479 : memref<1x128xi32, #tpu.memory_space<vmem>> -> memref<128xi32, #tpu.memory_space<vmem>>
      %dma_start3A_481 = arith.constant 0 : i32
      %dma_start3A_482 = arith.constant 0 : i32
      %dma_start3A_483 = tpu.memref_slice %arg4[%dma_start3A_481, %dma_start3A_482] : memref<262144x16xi32, #tpu.memory_space<hbm>> -> memref<262144x16xi32, #tpu.memory_space<hbm>>
      tpu.enqueue_indirect_dma source(%dma_start3A_483 : memref<262144x16xi32, #tpu.memory_space<hbm>>) target(%dma_start3A_477 : memref<128x16xi32, #tpu.memory_space<vmem>>) offsets(%dma_start3A_480 : memref<128xi32, #tpu.memory_space<vmem>>) semaphore(%arg19 : memref<!tpu.dma_semaphore, #tpu.memory_space<semaphore_mem>>)
      %dma_start3A_484 = arith.constant 1 : i32
      %dma_start3A_485 = arith.constant 1 : i32
      %dma_start3A_486 = arith.constant 256 : i32
      %dma_start3A_487 = arith.constant 0 : i32
      %dma_start3A_488 = tpu.memref_slice %arg14[%dma_start3A_485, %dma_start3A_486, %dma_start3A_487] : memref<2x512x16xi32, #tpu.memory_space<vmem>> -> memref<1x128x16xi32, #tpu.memory_space<vmem>>
      %dma_start3A_489 = tpu.memref_squeeze %dma_start3A_488 : memref<1x128x16xi32, #tpu.memory_space<vmem>> -> memref<128x16xi32, #tpu.memory_space<vmem>>
      %dma_start3A_490 = arith.constant 256 : i32
      %dma_start3A_491 = tpu.memref_slice %arg10[%dma_start3A_484, %dma_start3A_490] : memref<2x512xi32, #tpu.memory_space<vmem>> -> memref<1x128xi32, #tpu.memory_space<vmem>>
      %dma_start3A_492 = tpu.memref_squeeze %dma_start3A_491 : memref<1x128xi32, #tpu.memory_space<vmem>> -> memref<128xi32, #tpu.memory_space<vmem>>
      %dma_start3A_493 = arith.constant 0 : i32
      %dma_start3A_494 = arith.constant 0 : i32
      %dma_start3A_495 = tpu.memref_slice %arg4[%dma_start3A_493, %dma_start3A_494] : memref<262144x16xi32, #tpu.memory_space<hbm>> -> memref<262144x16xi32, #tpu.memory_space<hbm>>
      tpu.enqueue_indirect_dma source(%dma_start3A_495 : memref<262144x16xi32, #tpu.memory_space<hbm>>) target(%dma_start3A_489 : memref<128x16xi32, #tpu.memory_space<vmem>>) offsets(%dma_start3A_492 : memref<128xi32, #tpu.memory_space<vmem>>) semaphore(%arg19 : memref<!tpu.dma_semaphore, #tpu.memory_space<semaphore_mem>>)
      %dma_start3A_496 = arith.constant 1 : i32
      %dma_start3A_497 = arith.constant 1 : i32
      %dma_start3A_498 = arith.constant 384 : i32
      %dma_start3A_499 = arith.constant 0 : i32
      %dma_start3A_500 = tpu.memref_slice %arg14[%dma_start3A_497, %dma_start3A_498, %dma_start3A_499] : memref<2x512x16xi32, #tpu.memory_space<vmem>> -> memref<1x128x16xi32, #tpu.memory_space<vmem>>
      %dma_start3A_501 = tpu.memref_squeeze %dma_start3A_500 : memref<1x128x16xi32, #tpu.memory_space<vmem>> -> memref<128x16xi32, #tpu.memory_space<vmem>>
      %dma_start3A_502 = arith.constant 384 : i32
      %dma_start3A_503 = tpu.memref_slice %arg10[%dma_start3A_496, %dma_start3A_502] : memref<2x512xi32, #tpu.memory_space<vmem>> -> memref<1x128xi32, #tpu.memory_space<vmem>>
      %dma_start3A_504 = tpu.memref_squeeze %dma_start3A_503 : memref<1x128xi32, #tpu.memory_space<vmem>> -> memref<128xi32, #tpu.memory_space<vmem>>
      %dma_start3A_505 = arith.constant 0 : i32
      %dma_start3A_506 = arith.constant 0 : i32
      %dma_start3A_507 = tpu.memref_slice %arg4[%dma_start3A_505, %dma_start3A_506] : memref<262144x16xi32, #tpu.memory_space<hbm>> -> memref<262144x16xi32, #tpu.memory_space<hbm>>
      tpu.enqueue_indirect_dma source(%dma_start3A_507 : memref<262144x16xi32, #tpu.memory_space<hbm>>) target(%dma_start3A_501 : memref<128x16xi32, #tpu.memory_space<vmem>>) offsets(%dma_start3A_504 : memref<128xi32, #tpu.memory_space<vmem>>) semaphore(%arg19 : memref<!tpu.dma_semaphore, #tpu.memory_space<semaphore_mem>>)
      %dma_start3A_508 = arith.constant 1 : i32
      %dma_start3A_509 = arith.constant 1 : i32
      %dma_start3A_510 = arith.constant 0 : i32
      %dma_start3A_511 = arith.constant 0 : i32
      %dma_start3A_512 = tpu.memref_slice %arg15[%dma_start3A_509, %dma_start3A_510, %dma_start3A_511] : memref<2x512x16xi32, #tpu.memory_space<vmem>> -> memref<1x128x16xi32, #tpu.memory_space<vmem>>
      %dma_start3A_513 = tpu.memref_squeeze %dma_start3A_512 : memref<1x128x16xi32, #tpu.memory_space<vmem>> -> memref<128x16xi32, #tpu.memory_space<vmem>>
      %dma_start3A_514 = arith.constant 0 : i32
      %dma_start3A_515 = tpu.memref_slice %arg11[%dma_start3A_508, %dma_start3A_514] : memref<2x512xi32, #tpu.memory_space<vmem>> -> memref<1x128xi32, #tpu.memory_space<vmem>>
      %dma_start3A_516 = tpu.memref_squeeze %dma_start3A_515 : memref<1x128xi32, #tpu.memory_space<vmem>> -> memref<128xi32, #tpu.memory_space<vmem>>
      %dma_start3A_517 = arith.constant 0 : i32
      %dma_start3A_518 = arith.constant 0 : i32
      %dma_start3A_519 = tpu.memref_slice %arg5[%dma_start3A_517, %dma_start3A_518] : memref<65536x16xi32, #tpu.memory_space<hbm>> -> memref<65536x16xi32, #tpu.memory_space<hbm>>
      tpu.enqueue_indirect_dma source(%dma_start3A_519 : memref<65536x16xi32, #tpu.memory_space<hbm>>) target(%dma_start3A_513 : memref<128x16xi32, #tpu.memory_space<vmem>>) offsets(%dma_start3A_516 : memref<128xi32, #tpu.memory_space<vmem>>) semaphore(%arg19 : memref<!tpu.dma_semaphore, #tpu.memory_space<semaphore_mem>>)
      %dma_start3A_520 = arith.constant 1 : i32
      %dma_start3A_521 = arith.constant 1 : i32
      %dma_start3A_522 = arith.constant 128 : i32
      %dma_start3A_523 = arith.constant 0 : i32
      %dma_start3A_524 = tpu.memref_slice %arg15[%dma_start3A_521, %dma_start3A_522, %dma_start3A_523] : memref<2x512x16xi32, #tpu.memory_space<vmem>> -> memref<1x128x16xi32, #tpu.memory_space<vmem>>
      %dma_start3A_525 = tpu.memref_squeeze %dma_start3A_524 : memref<1x128x16xi32, #tpu.memory_space<vmem>> -> memref<128x16xi32, #tpu.memory_space<vmem>>
      %dma_start3A_526 = arith.constant 128 : i32
      %dma_start3A_527 = tpu.memref_slice %arg11[%dma_start3A_520, %dma_start3A_526] : memref<2x512xi32, #tpu.memory_space<vmem>> -> memref<1x128xi32, #tpu.memory_space<vmem>>
      %dma_start3A_528 = tpu.memref_squeeze %dma_start3A_527 : memref<1x128xi32, #tpu.memory_space<vmem>> -> memref<128xi32, #tpu.memory_space<vmem>>
      %dma_start3A_529 = arith.constant 0 : i32
      %dma_start3A_530 = arith.constant 0 : i32
      %dma_start3A_531 = tpu.memref_slice %arg5[%dma_start3A_529, %dma_start3A_530] : memref<65536x16xi32, #tpu.memory_space<hbm>> -> memref<65536x16xi32, #tpu.memory_space<hbm>>
      tpu.enqueue_indirect_dma source(%dma_start3A_531 : memref<65536x16xi32, #tpu.memory_space<hbm>>) target(%dma_start3A_525 : memref<128x16xi32, #tpu.memory_space<vmem>>) offsets(%dma_start3A_528 : memref<128xi32, #tpu.memory_space<vmem>>) semaphore(%arg19 : memref<!tpu.dma_semaphore, #tpu.memory_space<semaphore_mem>>)
      %dma_start3A_532 = arith.constant 1 : i32
      %dma_start3A_533 = arith.constant 1 : i32
      %dma_start3A_534 = arith.constant 256 : i32
      %dma_start3A_535 = arith.constant 0 : i32
      %dma_start3A_536 = tpu.memref_slice %arg15[%dma_start3A_533, %dma_start3A_534, %dma_start3A_535] : memref<2x512x16xi32, #tpu.memory_space<vmem>> -> memref<1x128x16xi32, #tpu.memory_space<vmem>>
      %dma_start3A_537 = tpu.memref_squeeze %dma_start3A_536 : memref<1x128x16xi32, #tpu.memory_space<vmem>> -> memref<128x16xi32, #tpu.memory_space<vmem>>
      %dma_start3A_538 = arith.constant 256 : i32
      %dma_start3A_539 = tpu.memref_slice %arg11[%dma_start3A_532, %dma_start3A_538] : memref<2x512xi32, #tpu.memory_space<vmem>> -> memref<1x128xi32, #tpu.memory_space<vmem>>
      %dma_start3A_540 = tpu.memref_squeeze %dma_start3A_539 : memref<1x128xi32, #tpu.memory_space<vmem>> -> memref<128xi32, #tpu.memory_space<vmem>>
      %dma_start3A_541 = arith.constant 0 : i32
      %dma_start3A_542 = arith.constant 0 : i32
      %dma_start3A_543 = tpu.memref_slice %arg5[%dma_start3A_541, %dma_start3A_542] : memref<65536x16xi32, #tpu.memory_space<hbm>> -> memref<65536x16xi32, #tpu.memory_space<hbm>>
      tpu.enqueue_indirect_dma source(%dma_start3A_543 : memref<65536x16xi32, #tpu.memory_space<hbm>>) target(%dma_start3A_537 : memref<128x16xi32, #tpu.memory_space<vmem>>) offsets(%dma_start3A_540 : memref<128xi32, #tpu.memory_space<vmem>>) semaphore(%arg19 : memref<!tpu.dma_semaphore, #tpu.memory_space<semaphore_mem>>)
      %dma_start3A_544 = arith.constant 1 : i32
      %dma_start3A_545 = arith.constant 1 : i32
      %dma_start3A_546 = arith.constant 384 : i32
      %dma_start3A_547 = arith.constant 0 : i32
      %dma_start3A_548 = tpu.memref_slice %arg15[%dma_start3A_545, %dma_start3A_546, %dma_start3A_547] : memref<2x512x16xi32, #tpu.memory_space<vmem>> -> memref<1x128x16xi32, #tpu.memory_space<vmem>>
      %dma_start3A_549 = tpu.memref_squeeze %dma_start3A_548 : memref<1x128x16xi32, #tpu.memory_space<vmem>> -> memref<128x16xi32, #tpu.memory_space<vmem>>
      %dma_start3A_550 = arith.constant 384 : i32
      %dma_start3A_551 = tpu.memref_slice %arg11[%dma_start3A_544, %dma_start3A_550] : memref<2x512xi32, #tpu.memory_space<vmem>> -> memref<1x128xi32, #tpu.memory_space<vmem>>
      %dma_start3A_552 = tpu.memref_squeeze %dma_start3A_551 : memref<1x128xi32, #tpu.memory_space<vmem>> -> memref<128xi32, #tpu.memory_space<vmem>>
      %dma_start3A_553 = arith.constant 0 : i32
      %dma_start3A_554 = arith.constant 0 : i32
      %dma_start3A_555 = tpu.memref_slice %arg5[%dma_start3A_553, %dma_start3A_554] : memref<65536x16xi32, #tpu.memory_space<hbm>> -> memref<65536x16xi32, #tpu.memory_space<hbm>>
      tpu.enqueue_indirect_dma source(%dma_start3A_555 : memref<65536x16xi32, #tpu.memory_space<hbm>>) target(%dma_start3A_549 : memref<128x16xi32, #tpu.memory_space<vmem>>) offsets(%dma_start3A_552 : memref<128xi32, #tpu.memory_space<vmem>>) semaphore(%arg19 : memref<!tpu.dma_semaphore, #tpu.memory_space<semaphore_mem>>)
      %dma_start3A_556 = arith.constant 1 : i32
      %dma_start3A_557 = arith.constant 1 : i32
      %dma_start3A_558 = arith.constant 0 : i32
      %dma_start3A_559 = arith.constant 0 : i32
      %dma_start3A_560 = tpu.memref_slice %arg16[%dma_start3A_557, %dma_start3A_558, %dma_start3A_559] : memref<2x512x16xi32, #tpu.memory_space<vmem>> -> memref<1x128x16xi32, #tpu.memory_space<vmem>>
      %dma_start3A_561 = tpu.memref_squeeze %dma_start3A_560 : memref<1x128x16xi32, #tpu.memory_space<vmem>> -> memref<128x16xi32, #tpu.memory_space<vmem>>
      %dma_start3A_562 = arith.constant 0 : i32
      %dma_start3A_563 = tpu.memref_slice %arg12[%dma_start3A_556, %dma_start3A_562] : memref<2x512xi32, #tpu.memory_space<vmem>> -> memref<1x128xi32, #tpu.memory_space<vmem>>
      %dma_start3A_564 = tpu.memref_squeeze %dma_start3A_563 : memref<1x128xi32, #tpu.memory_space<vmem>> -> memref<128xi32, #tpu.memory_space<vmem>>
      %dma_start3A_565 = arith.constant 0 : i32
      %dma_start3A_566 = arith.constant 0 : i32
      %dma_start3A_567 = tpu.memref_slice %arg6[%dma_start3A_565, %dma_start3A_566] : memref<16384x16xi32, #tpu.memory_space<hbm>> -> memref<16384x16xi32, #tpu.memory_space<hbm>>
      tpu.enqueue_indirect_dma source(%dma_start3A_567 : memref<16384x16xi32, #tpu.memory_space<hbm>>) target(%dma_start3A_561 : memref<128x16xi32, #tpu.memory_space<vmem>>) offsets(%dma_start3A_564 : memref<128xi32, #tpu.memory_space<vmem>>) semaphore(%arg19 : memref<!tpu.dma_semaphore, #tpu.memory_space<semaphore_mem>>)
      %dma_start3A_568 = arith.constant 1 : i32
      %dma_start3A_569 = arith.constant 1 : i32
      %dma_start3A_570 = arith.constant 128 : i32
      %dma_start3A_571 = arith.constant 0 : i32
      %dma_start3A_572 = tpu.memref_slice %arg16[%dma_start3A_569, %dma_start3A_570, %dma_start3A_571] : memref<2x512x16xi32, #tpu.memory_space<vmem>> -> memref<1x128x16xi32, #tpu.memory_space<vmem>>
      %dma_start3A_573 = tpu.memref_squeeze %dma_start3A_572 : memref<1x128x16xi32, #tpu.memory_space<vmem>> -> memref<128x16xi32, #tpu.memory_space<vmem>>
      %dma_start3A_574 = arith.constant 128 : i32
      %dma_start3A_575 = tpu.memref_slice %arg12[%dma_start3A_568, %dma_start3A_574] : memref<2x512xi32, #tpu.memory_space<vmem>> -> memref<1x128xi32, #tpu.memory_space<vmem>>
      %dma_start3A_576 = tpu.memref_squeeze %dma_start3A_575 : memref<1x128xi32, #tpu.memory_space<vmem>> -> memref<128xi32, #tpu.memory_space<vmem>>
      %dma_start3A_577 = arith.constant 0 : i32
      %dma_start3A_578 = arith.constant 0 : i32
      %dma_start3A_579 = tpu.memref_slice %arg6[%dma_start3A_577, %dma_start3A_578] : memref<16384x16xi32, #tpu.memory_space<hbm>> -> memref<16384x16xi32, #tpu.memory_space<hbm>>
      tpu.enqueue_indirect_dma source(%dma_start3A_579 : memref<16384x16xi32, #tpu.memory_space<hbm>>) target(%dma_start3A_573 : memref<128x16xi32, #tpu.memory_space<vmem>>) offsets(%dma_start3A_576 : memref<128xi32, #tpu.memory_space<vmem>>) semaphore(%arg19 : memref<!tpu.dma_semaphore, #tpu.memory_space<semaphore_mem>>)
      %dma_start3A_580 = arith.constant 1 : i32
      %dma_start3A_581 = arith.constant 1 : i32
      %dma_start3A_582 = arith.constant 256 : i32
      %dma_start3A_583 = arith.constant 0 : i32
      %dma_start3A_584 = tpu.memref_slice %arg16[%dma_start3A_581, %dma_start3A_582, %dma_start3A_583] : memref<2x512x16xi32, #tpu.memory_space<vmem>> -> memref<1x128x16xi32, #tpu.memory_space<vmem>>
      %dma_start3A_585 = tpu.memref_squeeze %dma_start3A_584 : memref<1x128x16xi32, #tpu.memory_space<vmem>> -> memref<128x16xi32, #tpu.memory_space<vmem>>
      %dma_start3A_586 = arith.constant 256 : i32
      %dma_start3A_587 = tpu.memref_slice %arg12[%dma_start3A_580, %dma_start3A_586] : memref<2x512xi32, #tpu.memory_space<vmem>> -> memref<1x128xi32, #tpu.memory_space<vmem>>
      %dma_start3A_588 = tpu.memref_squeeze %dma_start3A_587 : memref<1x128xi32, #tpu.memory_space<vmem>> -> memref<128xi32, #tpu.memory_space<vmem>>
      %dma_start3A_589 = arith.constant 0 : i32
      %dma_start3A_590 = arith.constant 0 : i32
      %dma_start3A_591 = tpu.memref_slice %arg6[%dma_start3A_589, %dma_start3A_590] : memref<16384x16xi32, #tpu.memory_space<hbm>> -> memref<16384x16xi32, #tpu.memory_space<hbm>>
      tpu.enqueue_indirect_dma source(%dma_start3A_591 : memref<16384x16xi32, #tpu.memory_space<hbm>>) target(%dma_start3A_585 : memref<128x16xi32, #tpu.memory_space<vmem>>) offsets(%dma_start3A_588 : memref<128xi32, #tpu.memory_space<vmem>>) semaphore(%arg19 : memref<!tpu.dma_semaphore, #tpu.memory_space<semaphore_mem>>)
      %dma_start3A_592 = arith.constant 1 : i32
      %dma_start3A_593 = arith.constant 1 : i32
      %dma_start3A_594 = arith.constant 384 : i32
      %dma_start3A_595 = arith.constant 0 : i32
      %dma_start3A_596 = tpu.memref_slice %arg16[%dma_start3A_593, %dma_start3A_594, %dma_start3A_595] : memref<2x512x16xi32, #tpu.memory_space<vmem>> -> memref<1x128x16xi32, #tpu.memory_space<vmem>>
      %dma_start3A_597 = tpu.memref_squeeze %dma_start3A_596 : memref<1x128x16xi32, #tpu.memory_space<vmem>> -> memref<128x16xi32, #tpu.memory_space<vmem>>
      %dma_start3A_598 = arith.constant 384 : i32
      %dma_start3A_599 = tpu.memref_slice %arg12[%dma_start3A_592, %dma_start3A_598] : memref<2x512xi32, #tpu.memory_space<vmem>> -> memref<1x128xi32, #tpu.memory_space<vmem>>
      %dma_start3A_600 = tpu.memref_squeeze %dma_start3A_599 : memref<1x128xi32, #tpu.memory_space<vmem>> -> memref<128xi32, #tpu.memory_space<vmem>>
      %dma_start3A_601 = arith.constant 0 : i32
      %dma_start3A_602 = arith.constant 0 : i32
      %dma_start3A_603 = tpu.memref_slice %arg6[%dma_start3A_601, %dma_start3A_602] : memref<16384x16xi32, #tpu.memory_space<hbm>> -> memref<16384x16xi32, #tpu.memory_space<hbm>>
      tpu.enqueue_indirect_dma source(%dma_start3A_603 : memref<16384x16xi32, #tpu.memory_space<hbm>>) target(%dma_start3A_597 : memref<128x16xi32, #tpu.memory_space<vmem>>) offsets(%dma_start3A_600 : memref<128xi32, #tpu.memory_space<vmem>>) semaphore(%arg19 : memref<!tpu.dma_semaphore, #tpu.memory_space<semaphore_mem>>)
      %mul3A_604 = arith.constant 2 : i32
      %mul3A_605 = arith.muli %mul3A_604, %scan3A_296 : i32
      %add3A_606 = arith.constant 1 : i32
      %add3A_607 = arith.addi %mul3A_605, %add3A_606 : i32
      %add3A_608 = arith.constant 1 : i32
      %add3A_609 = arith.addi %add3A_607, %add3A_608 : i32
      %lt3A_610 = arith.constant 128 : i32
      %lt3A_611 = arith.cmpi slt, %add3A_609, %lt3A_610 : i32
      %convert_element_type3A_612 = arith.extui %lt3A_611 : i1 to i32
      %cond3A_613 = arith.constant 0 : i32
      %cond3A_614 = arith.cmpi ne, %convert_element_type3A_612, %cond3A_613 : i32
      scf.if %cond3A_614 {
        %add3A_696 = arith.constant 1 : i32
        %add3A_697 = arith.addi %add3A_607, %add3A_696 : i32
        %mul3A_698 = arith.constant 32768 : i32
        %mul3A_699 = arith.muli %add3A, %mul3A_698 : i32
        %mul3A_700 = arith.constant 256 : i32
        %mul3A_701 = arith.muli %add3A_697, %mul3A_700 : i32
        %add3A_702 = arith.addi %mul3A_699, %mul3A_701 : i32
        %dma_start3A_703 = arith.constant 0 : i32
        %dma_start3A_704 = arith.constant 0 : i32
        %dma_start3A_705 = arith.constant 0 : i32
        %dma_start3A_706 = tpu.memref_slice %arg8[%dma_start3A_703, %dma_start3A_704, %dma_start3A_705] : memref<2x3x256xf32, #tpu.memory_space<vmem>> -> memref<1x3x256xf32, #tpu.memory_space<vmem>>
        %dma_start3A_707 = tpu.memref_squeeze %dma_start3A_706 : memref<1x3x256xf32, #tpu.memory_space<vmem>> -> memref<3x256xf32, #tpu.memory_space<vmem>>
        %dma_start3A_708 = arith.constant 0 : i32
        %dma_start3A_709 = tpu.memref_slice %arg2[%dma_start3A_708, %add3A_702] : memref<3x1048576xf32, #tpu.memory_space<hbm>> -> memref<3x256xf32, #tpu.memory_space<hbm>>
        %dma_start3A_710 = arith.constant 0 : i32
        %dma_start3A_711 = arith.constant 0 : i32
        %dma_start3A_712 = tpu.memref_slice %arg8[%dma_start3A_703, %dma_start3A_710, %dma_start3A_711] : memref<2x3x256xf32, #tpu.memory_space<vmem>> -> memref<1x3x256xf32, #tpu.memory_space<vmem>>
        %dma_start3A_713 = tpu.memref_squeeze %dma_start3A_712 : memref<1x3x256xf32, #tpu.memory_space<vmem>> -> memref<3x256xf32, #tpu.memory_space<vmem>>
        %dma_start3A_714 = arith.constant 0 : i32
        %dma_start3A_715 = tpu.memref_slice %arg2[%dma_start3A_714, %add3A_702] : memref<3x1048576xf32, #tpu.memory_space<hbm>> -> memref<3x256xf32, #tpu.memory_space<hbm>>
        tpu.enqueue_dma source(%dma_start3A_715 : memref<3x256xf32, #tpu.memory_space<hbm>>) target(%dma_start3A_713 : memref<3x256xf32, #tpu.memory_space<vmem>>) target_semaphore(%arg20 : memref<!tpu.dma_semaphore, #tpu.memory_space<semaphore_mem>>)
      } else {
      }
      %dma_wait3A_615 = arith.constant 1 : i32
      %dma_wait3A_616 = arith.constant 1 : i32
      %dma_wait3A_617 = arith.constant 0 : i32
      %dma_wait3A_618 = arith.constant 0 : i32
      %dma_wait3A_619 = tpu.memref_slice %arg13[%dma_wait3A_616, %dma_wait3A_617, %dma_wait3A_618] : memref<2x512x16xi32, #tpu.memory_space<vmem>> -> memref<1x512x16xi32, #tpu.memory_space<vmem>>
      %dma_wait3A_620 = tpu.memref_squeeze %dma_wait3A_619 : memref<1x512x16xi32, #tpu.memory_space<vmem>> -> memref<512x16xi32, #tpu.memory_space<vmem>>
      %dma_wait3A_621 = arith.constant 0 : i32
      %dma_wait3A_622 = tpu.memref_slice %arg9[%dma_wait3A_615, %dma_wait3A_621] : memref<2x512xi32, #tpu.memory_space<vmem>> -> memref<1x512xi32, #tpu.memory_space<vmem>>
      %dma_wait3A_623 = tpu.memref_squeeze %dma_wait3A_622 : memref<1x512xi32, #tpu.memory_space<vmem>> -> memref<512xi32, #tpu.memory_space<vmem>>
      %dma_wait3A_624 = arith.constant 0 : i32
      %dma_wait3A_625 = arith.constant 0 : i32
      %dma_wait3A_626 = tpu.memref_slice %arg3[%dma_wait3A_624, %dma_wait3A_625] : memref<1048576x16xi32, #tpu.memory_space<hbm>> -> memref<1048576x16xi32, #tpu.memory_space<hbm>>
      tpu.wait_indirect_dma semaphore(%arg19 : memref<!tpu.dma_semaphore, #tpu.memory_space<semaphore_mem>>) src(%dma_wait3A_626 : memref<1048576x16xi32, #tpu.memory_space<hbm>>) dst(%dma_wait3A_620 : memref<512x16xi32, #tpu.memory_space<vmem>>)
      %dma_wait3A_627 = arith.constant 1 : i32
      %dma_wait3A_628 = arith.constant 1 : i32
      %dma_wait3A_629 = arith.constant 0 : i32
      %dma_wait3A_630 = arith.constant 0 : i32
      %dma_wait3A_631 = tpu.memref_slice %arg14[%dma_wait3A_628, %dma_wait3A_629, %dma_wait3A_630] : memref<2x512x16xi32, #tpu.memory_space<vmem>> -> memref<1x512x16xi32, #tpu.memory_space<vmem>>
      %dma_wait3A_632 = tpu.memref_squeeze %dma_wait3A_631 : memref<1x512x16xi32, #tpu.memory_space<vmem>> -> memref<512x16xi32, #tpu.memory_space<vmem>>
      %dma_wait3A_633 = arith.constant 0 : i32
      %dma_wait3A_634 = tpu.memref_slice %arg10[%dma_wait3A_627, %dma_wait3A_633] : memref<2x512xi32, #tpu.memory_space<vmem>> -> memref<1x512xi32, #tpu.memory_space<vmem>>
      %dma_wait3A_635 = tpu.memref_squeeze %dma_wait3A_634 : memref<1x512xi32, #tpu.memory_space<vmem>> -> memref<512xi32, #tpu.memory_space<vmem>>
      %dma_wait3A_636 = arith.constant 0 : i32
      %dma_wait3A_637 = arith.constant 0 : i32
      %dma_wait3A_638 = tpu.memref_slice %arg4[%dma_wait3A_636, %dma_wait3A_637] : memref<262144x16xi32, #tpu.memory_space<hbm>> -> memref<262144x16xi32, #tpu.memory_space<hbm>>
      tpu.wait_indirect_dma semaphore(%arg19 : memref<!tpu.dma_semaphore, #tpu.memory_space<semaphore_mem>>) src(%dma_wait3A_638 : memref<262144x16xi32, #tpu.memory_space<hbm>>) dst(%dma_wait3A_632 : memref<512x16xi32, #tpu.memory_space<vmem>>)
      %dma_wait3A_639 = arith.constant 1 : i32
      %dma_wait3A_640 = arith.constant 1 : i32
      %dma_wait3A_641 = arith.constant 0 : i32
      %dma_wait3A_642 = arith.constant 0 : i32
      %dma_wait3A_643 = tpu.memref_slice %arg15[%dma_wait3A_640, %dma_wait3A_641, %dma_wait3A_642] : memref<2x512x16xi32, #tpu.memory_space<vmem>> -> memref<1x512x16xi32, #tpu.memory_space<vmem>>
      %dma_wait3A_644 = tpu.memref_squeeze %dma_wait3A_643 : memref<1x512x16xi32, #tpu.memory_space<vmem>> -> memref<512x16xi32, #tpu.memory_space<vmem>>
      %dma_wait3A_645 = arith.constant 0 : i32
      %dma_wait3A_646 = tpu.memref_slice %arg11[%dma_wait3A_639, %dma_wait3A_645] : memref<2x512xi32, #tpu.memory_space<vmem>> -> memref<1x512xi32, #tpu.memory_space<vmem>>
      %dma_wait3A_647 = tpu.memref_squeeze %dma_wait3A_646 : memref<1x512xi32, #tpu.memory_space<vmem>> -> memref<512xi32, #tpu.memory_space<vmem>>
      %dma_wait3A_648 = arith.constant 0 : i32
      %dma_wait3A_649 = arith.constant 0 : i32
      %dma_wait3A_650 = tpu.memref_slice %arg5[%dma_wait3A_648, %dma_wait3A_649] : memref<65536x16xi32, #tpu.memory_space<hbm>> -> memref<65536x16xi32, #tpu.memory_space<hbm>>
      tpu.wait_indirect_dma semaphore(%arg19 : memref<!tpu.dma_semaphore, #tpu.memory_space<semaphore_mem>>) src(%dma_wait3A_650 : memref<65536x16xi32, #tpu.memory_space<hbm>>) dst(%dma_wait3A_644 : memref<512x16xi32, #tpu.memory_space<vmem>>)
      %dma_wait3A_651 = arith.constant 1 : i32
      %dma_wait3A_652 = arith.constant 1 : i32
      %dma_wait3A_653 = arith.constant 0 : i32
      %dma_wait3A_654 = arith.constant 0 : i32
      %dma_wait3A_655 = tpu.memref_slice %arg16[%dma_wait3A_652, %dma_wait3A_653, %dma_wait3A_654] : memref<2x512x16xi32, #tpu.memory_space<vmem>> -> memref<1x512x16xi32, #tpu.memory_space<vmem>>
      %dma_wait3A_656 = tpu.memref_squeeze %dma_wait3A_655 : memref<1x512x16xi32, #tpu.memory_space<vmem>> -> memref<512x16xi32, #tpu.memory_space<vmem>>
      %dma_wait3A_657 = arith.constant 0 : i32
      %dma_wait3A_658 = tpu.memref_slice %arg12[%dma_wait3A_651, %dma_wait3A_657] : memref<2x512xi32, #tpu.memory_space<vmem>> -> memref<1x512xi32, #tpu.memory_space<vmem>>
      %dma_wait3A_659 = tpu.memref_squeeze %dma_wait3A_658 : memref<1x512xi32, #tpu.memory_space<vmem>> -> memref<512xi32, #tpu.memory_space<vmem>>
      %dma_wait3A_660 = arith.constant 0 : i32
      %dma_wait3A_661 = arith.constant 0 : i32
      %dma_wait3A_662 = tpu.memref_slice %arg6[%dma_wait3A_660, %dma_wait3A_661] : memref<16384x16xi32, #tpu.memory_space<hbm>> -> memref<16384x16xi32, #tpu.memory_space<hbm>>
      tpu.wait_indirect_dma semaphore(%arg19 : memref<!tpu.dma_semaphore, #tpu.memory_space<semaphore_mem>>) src(%dma_wait3A_662 : memref<16384x16xi32, #tpu.memory_space<hbm>>) dst(%dma_wait3A_656 : memref<512x16xi32, #tpu.memory_space<vmem>>)
      %ge3A_663 = arith.constant 1 : i32
      %ge3A_664 = arith.cmpi sge, %scan3A_296, %ge3A_663 : i32
      %convert_element_type3A_665 = arith.extui %ge3A_664 : i1 to i32
      %cond3A_666 = arith.constant 0 : i32
      %cond3A_667 = arith.cmpi ne, %convert_element_type3A_665, %cond3A_666 : i32
      scf.if %cond3A_667 {
        %dma_wait3A_696 = arith.constant 1 : i32
        %dma_wait3A_697 = arith.constant 0 : i32
        %dma_wait3A_698 = arith.constant 0 : i32
        %dma_wait3A_699 = tpu.memref_slice %arg17[%dma_wait3A_696, %dma_wait3A_697, %dma_wait3A_698] : memref<2x16x256xf32, #tpu.memory_space<vmem>> -> memref<1x16x256xf32, #tpu.memory_space<vmem>>
        %dma_wait3A_700 = tpu.memref_squeeze %dma_wait3A_699 : memref<1x16x256xf32, #tpu.memory_space<vmem>> -> memref<16x256xf32, #tpu.memory_space<vmem>>
        %dma_wait3A_701 = arith.constant 0 : i32
        %dma_wait3A_702 = tpu.memref_slice %arg7[%select_n3A, %dma_wait3A_701, %mul3A_32] : memref<4x16x262144xf32, #tpu.memory_space<hbm>> -> memref<1x16x256xf32, #tpu.memory_space<hbm>>
        %dma_wait3A_703 = tpu.memref_squeeze %dma_wait3A_702 : memref<1x16x256xf32, #tpu.memory_space<hbm>> -> memref<16x256xf32, #tpu.memory_space<hbm>>
        %dma_wait3A_704 = arith.constant 0 : i32
        %dma_wait3A_705 = tpu.memref_slice %arg7[%select_n3A, %dma_wait3A_704, %mul3A_32] : memref<4x16x262144xf32, #tpu.memory_space<hbm>> -> memref<1x16x256xf32, #tpu.memory_space<hbm>>
        %dma_wait3A_706 = tpu.memref_squeeze %dma_wait3A_705 : memref<1x16x256xf32, #tpu.memory_space<hbm>> -> memref<16x256xf32, #tpu.memory_space<hbm>>
        %dma_wait3A_707 = arith.constant 0 : i32
        %dma_wait3A_708 = arith.constant 0 : i32
        %dma_wait3A_709 = tpu.memref_slice %arg17[%dma_wait3A_696, %dma_wait3A_707, %dma_wait3A_708] : memref<2x16x256xf32, #tpu.memory_space<vmem>> -> memref<1x16x256xf32, #tpu.memory_space<vmem>>
        %dma_wait3A_710 = tpu.memref_squeeze %dma_wait3A_709 : memref<1x16x256xf32, #tpu.memory_space<vmem>> -> memref<16x256xf32, #tpu.memory_space<vmem>>
        tpu.wait_dma2 semaphore(%arg23 : memref<!tpu.dma_semaphore, #tpu.memory_space<semaphore_mem>>) src(%dma_wait3A_710 : memref<16x256xf32, #tpu.memory_space<vmem>>) dst(%dma_wait3A_706 : memref<16x256xf32, #tpu.memory_space<hbm>>)
      } else {
      }
      %parallel_loop3A_668 = arith.constant 0 : i32
      %parallel_loop3A_669 = arith.constant 16 : i32
      %parallel_loop3A_670 = arith.constant 1 : i32
      scf.for %parallel_loop3A_696 = %parallel_loop3A_668 to %parallel_loop3A_669 step %parallel_loop3A_670  : i32 {
        %parallel_loop3A_697 = arith.constant 16 : i32
        %parallel_loop3A_698 = arith.muli %parallel_loop3A_696, %parallel_loop3A_697 : i32
        %parallel_loop3A_699 = arith.constant 1 : i32
        %parallel_loop3A_700 = arith.constant 0 : i32
        %parallel_loop3A_701 = arith.index_cast %parallel_loop3A_699 : i32 to index
        %parallel_loop3A_702 = arith.index_cast %parallel_loop3A_700 : i32 to index
        %parallel_loop3A_703 = arith.index_cast %parallel_loop3A_698 : i32 to index
        %parallel_loop3A_704 = tpu.vector_load %arg8[%parallel_loop3A_701, %parallel_loop3A_702, %parallel_loop3A_703] {strides = array<i32>} : memref<2x3x256xf32, #tpu.memory_space<vmem>>, vector<16xf32>,
        %parallel_loop3A_705 = arith.constant 16 : i32
        %parallel_loop3A_706 = arith.muli %parallel_loop3A_696, %parallel_loop3A_705 : i32
        %parallel_loop3A_707 = arith.constant 1 : i32
        %parallel_loop3A_708 = arith.constant 1 : i32
        %parallel_loop3A_709 = arith.index_cast %parallel_loop3A_707 : i32 to index
        %parallel_loop3A_710 = arith.index_cast %parallel_loop3A_708 : i32 to index
        %parallel_loop3A_711 = arith.index_cast %parallel_loop3A_706 : i32 to index
        %parallel_loop3A_712 = tpu.vector_load %arg8[%parallel_loop3A_709, %parallel_loop3A_710, %parallel_loop3A_711] {strides = array<i32>} : memref<2x3x256xf32, #tpu.memory_space<vmem>>, vector<16xf32>,
        %parallel_loop3A_713 = arith.constant 16 : i32
        %parallel_loop3A_714 = arith.muli %parallel_loop3A_696, %parallel_loop3A_713 : i32
        %parallel_loop3A_715 = arith.constant 1 : i32
        %parallel_loop3A_716 = arith.constant 2 : i32
        %parallel_loop3A_717 = arith.index_cast %parallel_loop3A_715 : i32 to index
        %parallel_loop3A_718 = arith.index_cast %parallel_loop3A_716 : i32 to index
        %parallel_loop3A_719 = arith.index_cast %parallel_loop3A_714 : i32 to index
        %parallel_loop3A_720 = tpu.vector_load %arg8[%parallel_loop3A_717, %parallel_loop3A_718, %parallel_loop3A_719] {strides = array<i32>} : memref<2x3x256xf32, #tpu.memory_space<vmem>>, vector<16xf32>,
        %parallel_loop3A_721 = arith.constant 2.000000e+00 : f32
        %parallel_loop3A_722 = vector.broadcast %parallel_loop3A_721 : f32 to vector<16xf32>
        %parallel_loop3A_723 = arith.mulf %parallel_loop3A_704, %parallel_loop3A_722 : vector<16xf32>
        %parallel_loop3A_724 = arith.constant 1.000000e+00 : f32
        %parallel_loop3A_725 = vector.broadcast %parallel_loop3A_724 : f32 to vector<16xf32>
        %parallel_loop3A_726 = arith.subf %parallel_loop3A_723, %parallel_loop3A_725 : vector<16xf32>
        %parallel_loop3A_727 = arith.constant 2.000000e+00 : f32
        %parallel_loop3A_728 = vector.broadcast %parallel_loop3A_727 : f32 to vector<16xf32>
        %parallel_loop3A_729 = arith.mulf %parallel_loop3A_712, %parallel_loop3A_728 : vector<16xf32>
        %parallel_loop3A_730 = arith.constant 1.000000e+00 : f32
        %parallel_loop3A_731 = vector.broadcast %parallel_loop3A_730 : f32 to vector<16xf32>
        %parallel_loop3A_732 = arith.subf %parallel_loop3A_729, %parallel_loop3A_731 : vector<16xf32>
        %parallel_loop3A_733 = arith.constant 1.000000e+00 : f32
        %parallel_loop3A_734 = vector.broadcast %parallel_loop3A_733 : f32 to vector<16xf32>
        %parallel_loop3A_735 = arith.addf %parallel_loop3A_726, %parallel_loop3A_734 : vector<16xf32>
        %parallel_loop3A_736 = arith.constant 5.000000e-01 : f32
        %parallel_loop3A_737 = vector.broadcast %parallel_loop3A_736 : f32 to vector<16xf32>
        %parallel_loop3A_738 = arith.mulf %parallel_loop3A_735, %parallel_loop3A_737 : vector<16xf32>
        %parallel_loop3A_739 = arith.constant 1.023000e+03 : f32
        %parallel_loop3A_740 = vector.broadcast %parallel_loop3A_739 : f32 to vector<16xf32>
        %parallel_loop3A_741 = arith.mulf %parallel_loop3A_738, %parallel_loop3A_740 : vector<16xf32>
        %parallel_loop3A_742 = arith.constant 1.000000e+00 : f32
        %parallel_loop3A_743 = vector.broadcast %parallel_loop3A_742 : f32 to vector<16xf32>
        %parallel_loop3A_744 = arith.addf %parallel_loop3A_732, %parallel_loop3A_743 : vector<16xf32>
        %parallel_loop3A_745 = arith.constant 5.000000e-01 : f32
        %parallel_loop3A_746 = vector.broadcast %parallel_loop3A_745 : f32 to vector<16xf32>
        %parallel_loop3A_747 = arith.mulf %parallel_loop3A_744, %parallel_loop3A_746 : vector<16xf32>
        %parallel_loop3A_748 = arith.constant 1.023000e+03 : f32
        %parallel_loop3A_749 = vector.broadcast %parallel_loop3A_748 : f32 to vector<16xf32>
        %parallel_loop3A_750 = arith.mulf %parallel_loop3A_747, %parallel_loop3A_749 : vector<16xf32>
        %parallel_loop3A_751 = arith.fptosi %parallel_loop3A_741 : vector<16xf32> to vector<16xi32>
        %parallel_loop3A_752 = arith.fptosi %parallel_loop3A_750 : vector<16xf32> to vector<16xi32>
        %parallel_loop3A_753 = arith.sitofp %parallel_loop3A_751 : vector<16xi32> to vector<16xf32>
        %parallel_loop3A_754 = arith.subf %parallel_loop3A_741, %parallel_loop3A_753 : vector<16xf32>
        %parallel_loop3A_755 = arith.sitofp %parallel_loop3A_752 : vector<16xi32> to vector<16xf32>
        %parallel_loop3A_756 = arith.subf %parallel_loop3A_750, %parallel_loop3A_755 : vector<16xf32>
        %parallel_loop3A_757 = arith.constant 1.000000e+00 : f32
        %parallel_loop3A_758 = vector.broadcast %parallel_loop3A_757 : f32 to vector<16xf32>
        %parallel_loop3A_759 = arith.subf %parallel_loop3A_758, %parallel_loop3A_754 : vector<16xf32>
        %parallel_loop3A_760 = arith.constant 1.000000e+00 : f32
        %parallel_loop3A_761 = vector.broadcast %parallel_loop3A_760 : f32 to vector<16xf32>
        %parallel_loop3A_762 = arith.subf %parallel_loop3A_761, %parallel_loop3A_756 : vector<16xf32>
        %parallel_loop3A_763 = arith.mulf %parallel_loop3A_762, %parallel_loop3A_759 : vector<16xf32>
        %parallel_loop3A_764 = arith.mulf %parallel_loop3A_762, %parallel_loop3A_754 : vector<16xf32>
        %parallel_loop3A_765 = arith.mulf %parallel_loop3A_756, %parallel_loop3A_759 : vector<16xf32>
        %parallel_loop3A_766 = arith.mulf %parallel_loop3A_756, %parallel_loop3A_754 : vector<16xf32>
        %parallel_loop3A_767 = arith.constant 2.000000e+00 : f32
        %parallel_loop3A_768 = vector.broadcast %parallel_loop3A_767 : f32 to vector<16xf32>
        %parallel_loop3A_769 = arith.mulf %parallel_loop3A_704, %parallel_loop3A_768 : vector<16xf32>
        %parallel_loop3A_770 = arith.constant 1.000000e+00 : f32
        %parallel_loop3A_771 = vector.broadcast %parallel_loop3A_770 : f32 to vector<16xf32>
        %parallel_loop3A_772 = arith.subf %parallel_loop3A_769, %parallel_loop3A_771 : vector<16xf32>
        %parallel_loop3A_773 = arith.constant 2.000000e+00 : f32
        %parallel_loop3A_774 = vector.broadcast %parallel_loop3A_773 : f32 to vector<16xf32>
        %parallel_loop3A_775 = arith.mulf %parallel_loop3A_712, %parallel_loop3A_774 : vector<16xf32>
        %parallel_loop3A_776 = arith.constant 1.000000e+00 : f32
        %parallel_loop3A_777 = vector.broadcast %parallel_loop3A_776 : f32 to vector<16xf32>
        %parallel_loop3A_778 = arith.subf %parallel_loop3A_775, %parallel_loop3A_777 : vector<16xf32>
        %parallel_loop3A_779 = arith.constant 1.000000e+00 : f32
        %parallel_loop3A_780 = vector.broadcast %parallel_loop3A_779 : f32 to vector<16xf32>
        %parallel_loop3A_781 = arith.addf %parallel_loop3A_772, %parallel_loop3A_780 : vector<16xf32>
        %parallel_loop3A_782 = arith.constant 5.000000e-01 : f32
        %parallel_loop3A_783 = vector.broadcast %parallel_loop3A_782 : f32 to vector<16xf32>
        %parallel_loop3A_784 = arith.mulf %parallel_loop3A_781, %parallel_loop3A_783 : vector<16xf32>
        %parallel_loop3A_785 = arith.constant 5.110000e+02 : f32
        %parallel_loop3A_786 = vector.broadcast %parallel_loop3A_785 : f32 to vector<16xf32>
        %parallel_loop3A_787 = arith.mulf %parallel_loop3A_784, %parallel_loop3A_786 : vector<16xf32>
        %parallel_loop3A_788 = arith.constant 1.000000e+00 : f32
        %parallel_loop3A_789 = vector.broadcast %parallel_loop3A_788 : f32 to vector<16xf32>
        %parallel_loop3A_790 = arith.addf %parallel_loop3A_778, %parallel_loop3A_789 : vector<16xf32>
        %parallel_loop3A_791 = arith.constant 5.000000e-01 : f32
        %parallel_loop3A_792 = vector.broadcast %parallel_loop3A_791 : f32 to vector<16xf32>
        %parallel_loop3A_793 = arith.mulf %parallel_loop3A_790, %parallel_loop3A_792 : vector<16xf32>
        %parallel_loop3A_794 = arith.constant 5.110000e+02 : f32
        %parallel_loop3A_795 = vector.broadcast %parallel_loop3A_794 : f32 to vector<16xf32>
        %parallel_loop3A_796 = arith.mulf %parallel_loop3A_793, %parallel_loop3A_795 : vector<16xf32>
        %parallel_loop3A_797 = arith.fptosi %parallel_loop3A_787 : vector<16xf32> to vector<16xi32>
        %parallel_loop3A_798 = arith.fptosi %parallel_loop3A_796 : vector<16xf32> to vector<16xi32>
        %parallel_loop3A_799 = arith.sitofp %parallel_loop3A_797 : vector<16xi32> to vector<16xf32>
        %parallel_loop3A_800 = arith.subf %parallel_loop3A_787, %parallel_loop3A_799 : vector<16xf32>
        %parallel_loop3A_801 = arith.sitofp %parallel_loop3A_798 : vector<16xi32> to vector<16xf32>
        %parallel_loop3A_802 = arith.subf %parallel_loop3A_796, %parallel_loop3A_801 : vector<16xf32>
        %parallel_loop3A_803 = arith.constant 1.000000e+00 : f32
        %parallel_loop3A_804 = vector.broadcast %parallel_loop3A_803 : f32 to vector<16xf32>
        %parallel_loop3A_805 = arith.subf %parallel_loop3A_804, %parallel_loop3A_800 : vector<16xf32>
        %parallel_loop3A_806 = arith.constant 1.000000e+00 : f32
        %parallel_loop3A_807 = vector.broadcast %parallel_loop3A_806 : f32 to vector<16xf32>
        %parallel_loop3A_808 = arith.subf %parallel_loop3A_807, %parallel_loop3A_802 : vector<16xf32>
        %parallel_loop3A_809 = arith.mulf %parallel_loop3A_808, %parallel_loop3A_805 : vector<16xf32>
        %parallel_loop3A_810 = arith.mulf %parallel_loop3A_808, %parallel_loop3A_800 : vector<16xf32>
        %parallel_loop3A_811 = arith.mulf %parallel_loop3A_802, %parallel_loop3A_805 : vector<16xf32>
        %parallel_loop3A_812 = arith.mulf %parallel_loop3A_802, %parallel_loop3A_800 : vector<16xf32>
        %parallel_loop3A_813 = arith.constant 2.000000e+00 : f32
        %parallel_loop3A_814 = vector.broadcast %parallel_loop3A_813 : f32 to vector<16xf32>
        %parallel_loop3A_815 = arith.mulf %parallel_loop3A_704, %parallel_loop3A_814 : vector<16xf32>
        %parallel_loop3A_816 = arith.constant 1.000000e+00 : f32
        %parallel_loop3A_817 = vector.broadcast %parallel_loop3A_816 : f32 to vector<16xf32>
        %parallel_loop3A_818 = arith.subf %parallel_loop3A_815, %parallel_loop3A_817 : vector<16xf32>
        %parallel_loop3A_819 = arith.constant 2.000000e+00 : f32
        %parallel_loop3A_820 = vector.broadcast %parallel_loop3A_819 : f32 to vector<16xf32>
        %parallel_loop3A_821 = arith.mulf %parallel_loop3A_712, %parallel_loop3A_820 : vector<16xf32>
        %parallel_loop3A_822 = arith.constant 1.000000e+00 : f32
        %parallel_loop3A_823 = vector.broadcast %parallel_loop3A_822 : f32 to vector<16xf32>
        %parallel_loop3A_824 = arith.subf %parallel_loop3A_821, %parallel_loop3A_823 : vector<16xf32>
        %parallel_loop3A_825 = arith.constant 1.000000e+00 : f32
        %parallel_loop3A_826 = vector.broadcast %parallel_loop3A_825 : f32 to vector<16xf32>
        %parallel_loop3A_827 = arith.addf %parallel_loop3A_818, %parallel_loop3A_826 : vector<16xf32>
        %parallel_loop3A_828 = arith.constant 5.000000e-01 : f32
        %parallel_loop3A_829 = vector.broadcast %parallel_loop3A_828 : f32 to vector<16xf32>
        %parallel_loop3A_830 = arith.mulf %parallel_loop3A_827, %parallel_loop3A_829 : vector<16xf32>
        %parallel_loop3A_831 = arith.constant 2.550000e+02 : f32
        %parallel_loop3A_832 = vector.broadcast %parallel_loop3A_831 : f32 to vector<16xf32>
        %parallel_loop3A_833 = arith.mulf %parallel_loop3A_830, %parallel_loop3A_832 : vector<16xf32>
        %parallel_loop3A_834 = arith.constant 1.000000e+00 : f32
        %parallel_loop3A_835 = vector.broadcast %parallel_loop3A_834 : f32 to vector<16xf32>
        %parallel_loop3A_836 = arith.addf %parallel_loop3A_824, %parallel_loop3A_835 : vector<16xf32>
        %parallel_loop3A_837 = arith.constant 5.000000e-01 : f32
        %parallel_loop3A_838 = vector.broadcast %parallel_loop3A_837 : f32 to vector<16xf32>
        %parallel_loop3A_839 = arith.mulf %parallel_loop3A_836, %parallel_loop3A_838 : vector<16xf32>
        %parallel_loop3A_840 = arith.constant 2.550000e+02 : f32
        %parallel_loop3A_841 = vector.broadcast %parallel_loop3A_840 : f32 to vector<16xf32>
        %parallel_loop3A_842 = arith.mulf %parallel_loop3A_839, %parallel_loop3A_841 : vector<16xf32>
        %parallel_loop3A_843 = arith.fptosi %parallel_loop3A_833 : vector<16xf32> to vector<16xi32>
        %parallel_loop3A_844 = arith.fptosi %parallel_loop3A_842 : vector<16xf32> to vector<16xi32>
        %parallel_loop3A_845 = arith.sitofp %parallel_loop3A_843 : vector<16xi32> to vector<16xf32>
        %parallel_loop3A_846 = arith.subf %parallel_loop3A_833, %parallel_loop3A_845 : vector<16xf32>
        %parallel_loop3A_847 = arith.sitofp %parallel_loop3A_844 : vector<16xi32> to vector<16xf32>
        %parallel_loop3A_848 = arith.subf %parallel_loop3A_842, %parallel_loop3A_847 : vector<16xf32>
        %parallel_loop3A_849 = arith.constant 1.000000e+00 : f32
        %parallel_loop3A_850 = vector.broadcast %parallel_loop3A_849 : f32 to vector<16xf32>
        %parallel_loop3A_851 = arith.subf %parallel_loop3A_850, %parallel_loop3A_846 : vector<16xf32>
        %parallel_loop3A_852 = arith.constant 1.000000e+00 : f32
        %parallel_loop3A_853 = vector.broadcast %parallel_loop3A_852 : f32 to vector<16xf32>
        %parallel_loop3A_854 = arith.subf %parallel_loop3A_853, %parallel_loop3A_848 : vector<16xf32>
        %parallel_loop3A_855 = arith.mulf %parallel_loop3A_854, %parallel_loop3A_851 : vector<16xf32>
        %parallel_loop3A_856 = arith.mulf %parallel_loop3A_854, %parallel_loop3A_846 : vector<16xf32>
        %parallel_loop3A_857 = arith.mulf %parallel_loop3A_848, %parallel_loop3A_851 : vector<16xf32>
        %parallel_loop3A_858 = arith.mulf %parallel_loop3A_848, %parallel_loop3A_846 : vector<16xf32>
        %parallel_loop3A_859 = arith.constant 2.000000e+00 : f32
        %parallel_loop3A_860 = vector.broadcast %parallel_loop3A_859 : f32 to vector<16xf32>
        %parallel_loop3A_861 = arith.mulf %parallel_loop3A_704, %parallel_loop3A_860 : vector<16xf32>
        %parallel_loop3A_862 = arith.constant 1.000000e+00 : f32
        %parallel_loop3A_863 = vector.broadcast %parallel_loop3A_862 : f32 to vector<16xf32>
        %parallel_loop3A_864 = arith.subf %parallel_loop3A_861, %parallel_loop3A_863 : vector<16xf32>
        %parallel_loop3A_865 = arith.constant 2.000000e+00 : f32
        %parallel_loop3A_866 = vector.broadcast %parallel_loop3A_865 : f32 to vector<16xf32>
        %parallel_loop3A_867 = arith.mulf %parallel_loop3A_712, %parallel_loop3A_866 : vector<16xf32>
        %parallel_loop3A_868 = arith.constant 1.000000e+00 : f32
        %parallel_loop3A_869 = vector.broadcast %parallel_loop3A_868 : f32 to vector<16xf32>
        %parallel_loop3A_870 = arith.subf %parallel_loop3A_867, %parallel_loop3A_869 : vector<16xf32>
        %parallel_loop3A_871 = arith.constant 1.000000e+00 : f32
        %parallel_loop3A_872 = vector.broadcast %parallel_loop3A_871 : f32 to vector<16xf32>
        %parallel_loop3A_873 = arith.addf %parallel_loop3A_864, %parallel_loop3A_872 : vector<16xf32>
        %parallel_loop3A_874 = arith.constant 5.000000e-01 : f32
        %parallel_loop3A_875 = vector.broadcast %parallel_loop3A_874 : f32 to vector<16xf32>
        %parallel_loop3A_876 = arith.mulf %parallel_loop3A_873, %parallel_loop3A_875 : vector<16xf32>
        %parallel_loop3A_877 = arith.constant 1.270000e+02 : f32
        %parallel_loop3A_878 = vector.broadcast %parallel_loop3A_877 : f32 to vector<16xf32>
        %parallel_loop3A_879 = arith.mulf %parallel_loop3A_876, %parallel_loop3A_878 : vector<16xf32>
        %parallel_loop3A_880 = arith.constant 1.000000e+00 : f32
        %parallel_loop3A_881 = vector.broadcast %parallel_loop3A_880 : f32 to vector<16xf32>
        %parallel_loop3A_882 = arith.addf %parallel_loop3A_870, %parallel_loop3A_881 : vector<16xf32>
        %parallel_loop3A_883 = arith.constant 5.000000e-01 : f32
        %parallel_loop3A_884 = vector.broadcast %parallel_loop3A_883 : f32 to vector<16xf32>
        %parallel_loop3A_885 = arith.mulf %parallel_loop3A_882, %parallel_loop3A_884 : vector<16xf32>
        %parallel_loop3A_886 = arith.constant 1.270000e+02 : f32
        %parallel_loop3A_887 = vector.broadcast %parallel_loop3A_886 : f32 to vector<16xf32>
        %parallel_loop3A_888 = arith.mulf %parallel_loop3A_885, %parallel_loop3A_887 : vector<16xf32>
        %parallel_loop3A_889 = arith.fptosi %parallel_loop3A_879 : vector<16xf32> to vector<16xi32>
        %parallel_loop3A_890 = arith.fptosi %parallel_loop3A_888 : vector<16xf32> to vector<16xi32>
        %parallel_loop3A_891 = arith.sitofp %parallel_loop3A_889 : vector<16xi32> to vector<16xf32>
        %parallel_loop3A_892 = arith.subf %parallel_loop3A_879, %parallel_loop3A_891 : vector<16xf32>
        %parallel_loop3A_893 = arith.sitofp %parallel_loop3A_890 : vector<16xi32> to vector<16xf32>
        %parallel_loop3A_894 = arith.subf %parallel_loop3A_888, %parallel_loop3A_893 : vector<16xf32>
        %parallel_loop3A_895 = arith.constant 1.000000e+00 : f32
        %parallel_loop3A_896 = vector.broadcast %parallel_loop3A_895 : f32 to vector<16xf32>
        %parallel_loop3A_897 = arith.subf %parallel_loop3A_896, %parallel_loop3A_892 : vector<16xf32>
        %parallel_loop3A_898 = arith.constant 1.000000e+00 : f32
        %parallel_loop3A_899 = vector.broadcast %parallel_loop3A_898 : f32 to vector<16xf32>
        %parallel_loop3A_900 = arith.subf %parallel_loop3A_899, %parallel_loop3A_894 : vector<16xf32>
        %parallel_loop3A_901 = arith.mulf %parallel_loop3A_900, %parallel_loop3A_897 : vector<16xf32>
        %parallel_loop3A_902 = arith.mulf %parallel_loop3A_900, %parallel_loop3A_892 : vector<16xf32>
        %parallel_loop3A_903 = arith.mulf %parallel_loop3A_894, %parallel_loop3A_897 : vector<16xf32>
        %parallel_loop3A_904 = arith.mulf %parallel_loop3A_894, %parallel_loop3A_892 : vector<16xf32>
        %parallel_loop3A_905 = arith.constant 16 : i32
        %parallel_loop3A_906 = arith.muli %parallel_loop3A_696, %parallel_loop3A_905 : i32
        %parallel_loop3A_907 = vector.broadcast %parallel_loop3A_906 : i32 to vector<16xi32>
        %parallel_loop3A_908 = arith.addi %parallel_loop3A_907, %iota3A : vector<16xi32>
        %parallel_loop3A_909 = arith.constant 256 : i32
        %parallel_loop3A_910 = vector.broadcast %parallel_loop3A_909 : i32 to vector<16xi32>
        %parallel_loop3A_911 = arith.addi %parallel_loop3A_908, %parallel_loop3A_910 : vector<16xi32>
        %parallel_loop3A_912 = arith.constant 0 : i32
        %parallel_loop3A_913 = arith.constant 16 : i32
        %parallel_loop3A_914 = arith.constant 1 : i32
        scf.for %parallel_loop3A_915 = %parallel_loop3A_912 to %parallel_loop3A_913 step %parallel_loop3A_914  : i32 {
          %parallel_loop3A_916 = vector.broadcast %parallel_loop3A_915 : i32 to vector<16xi32>
          %parallel_loop3A_917 = arith.addi %parallel_loop3A_916, %iota3A : vector<16xi32>
          %parallel_loop3A_918 = arith.constant 15 : i32
          %parallel_loop3A_919 = vector.broadcast %parallel_loop3A_918 : i32 to vector<16xi32>
          %parallel_loop3A_920 = arith.andi %parallel_loop3A_917, %parallel_loop3A_919 : vector<16xi32>
          %parallel_loop3A_921 = arith.constant 1 : i32
          %parallel_loop3A_922 = arith.constant 0 : i32
          %parallel_loop3A_923 = arith.constant 0 : i32
          %parallel_loop3A_924 = tpu.memref_slice %arg13[%parallel_loop3A_921, %parallel_loop3A_922, %parallel_loop3A_923] : memref<2x512x16xi32, #tpu.memory_space<vmem>> -> memref<1x512x16xi32, #tpu.memory_space<vmem>>
          %parallel_loop3A_925 = tpu.memref_squeeze %parallel_loop3A_924 : memref<1x512x16xi32, #tpu.memory_space<vmem>> -> memref<512x16xi32, #tpu.memory_space<vmem>>
          %parallel_loop3A_926 = tpu.vector_load_idx %parallel_loop3A_925[%parallel_loop3A_908, %parallel_loop3A_920] : memref<512x16xi32, #tpu.memory_space<vmem>>[vector<16xi32>, vector<16xi32>], vector<16xi32>,
          %parallel_loop3A_927 = arith.constant 16 : i32
          %parallel_loop3A_928 = vector.broadcast %parallel_loop3A_927 : i32 to vector<16xi32>
          %parallel_loop3A_929 = arith.shli %parallel_loop3A_926, %parallel_loop3A_928 : vector<16xi32>
          %parallel_loop3A_930 = vector.bitcast %parallel_loop3A_929 : vector<16xi32> to vector<16xf32>
          %parallel_loop3A_931 = arith.constant -65536 : i32
          %parallel_loop3A_932 = vector.broadcast %parallel_loop3A_931 : i32 to vector<16xi32>
          %parallel_loop3A_933 = arith.andi %parallel_loop3A_926, %parallel_loop3A_932 : vector<16xi32>
          %parallel_loop3A_934 = vector.bitcast %parallel_loop3A_933 : vector<16xi32> to vector<16xf32>
          %parallel_loop3A_935 = arith.mulf %parallel_loop3A_763, %parallel_loop3A_930 : vector<16xf32>
          %parallel_loop3A_936 = arith.mulf %parallel_loop3A_764, %parallel_loop3A_934 : vector<16xf32>
          %parallel_loop3A_937 = arith.addf %parallel_loop3A_935, %parallel_loop3A_936 : vector<16xf32>
          %parallel_loop3A_938 = arith.constant 1 : i32
          %parallel_loop3A_939 = arith.constant 0 : i32
          %parallel_loop3A_940 = arith.constant 0 : i32
          %parallel_loop3A_941 = tpu.memref_slice %arg13[%parallel_loop3A_938, %parallel_loop3A_939, %parallel_loop3A_940] : memref<2x512x16xi32, #tpu.memory_space<vmem>> -> memref<1x512x16xi32, #tpu.memory_space<vmem>>
          %parallel_loop3A_942 = tpu.memref_squeeze %parallel_loop3A_941 : memref<1x512x16xi32, #tpu.memory_space<vmem>> -> memref<512x16xi32, #tpu.memory_space<vmem>>
          %parallel_loop3A_943 = tpu.vector_load_idx %parallel_loop3A_942[%parallel_loop3A_911, %parallel_loop3A_920] : memref<512x16xi32, #tpu.memory_space<vmem>>[vector<16xi32>, vector<16xi32>], vector<16xi32>,
          %parallel_loop3A_944 = arith.constant 16 : i32
          %parallel_loop3A_945 = vector.broadcast %parallel_loop3A_944 : i32 to vector<16xi32>
          %parallel_loop3A_946 = arith.shli %parallel_loop3A_943, %parallel_loop3A_945 : vector<16xi32>
          %parallel_loop3A_947 = vector.bitcast %parallel_loop3A_946 : vector<16xi32> to vector<16xf32>
          %parallel_loop3A_948 = arith.constant -65536 : i32
          %parallel_loop3A_949 = vector.broadcast %parallel_loop3A_948 : i32 to vector<16xi32>
          %parallel_loop3A_950 = arith.andi %parallel_loop3A_943, %parallel_loop3A_949 : vector<16xi32>
          %parallel_loop3A_951 = vector.bitcast %parallel_loop3A_950 : vector<16xi32> to vector<16xf32>
          %parallel_loop3A_952 = arith.mulf %parallel_loop3A_765, %parallel_loop3A_947 : vector<16xf32>
          %parallel_loop3A_953 = arith.mulf %parallel_loop3A_766, %parallel_loop3A_951 : vector<16xf32>
          %parallel_loop3A_954 = arith.addf %parallel_loop3A_952, %parallel_loop3A_953 : vector<16xf32>
          %parallel_loop3A_955 = arith.constant 1 : i32
          %parallel_loop3A_956 = arith.constant 0 : i32
          %parallel_loop3A_957 = arith.constant 0 : i32
          %parallel_loop3A_958 = tpu.memref_slice %arg14[%parallel_loop3A_955, %parallel_loop3A_956, %parallel_loop3A_957] : memref<2x512x16xi32, #tpu.memory_space<vmem>> -> memref<1x512x16xi32, #tpu.memory_space<vmem>>
          %parallel_loop3A_959 = tpu.memref_squeeze %parallel_loop3A_958 : memref<1x512x16xi32, #tpu.memory_space<vmem>> -> memref<512x16xi32, #tpu.memory_space<vmem>>
          %parallel_loop3A_960 = tpu.vector_load_idx %parallel_loop3A_959[%parallel_loop3A_908, %parallel_loop3A_920] : memref<512x16xi32, #tpu.memory_space<vmem>>[vector<16xi32>, vector<16xi32>], vector<16xi32>,
          %parallel_loop3A_961 = arith.constant 16 : i32
          %parallel_loop3A_962 = vector.broadcast %parallel_loop3A_961 : i32 to vector<16xi32>
          %parallel_loop3A_963 = arith.shli %parallel_loop3A_960, %parallel_loop3A_962 : vector<16xi32>
          %parallel_loop3A_964 = vector.bitcast %parallel_loop3A_963 : vector<16xi32> to vector<16xf32>
          %parallel_loop3A_965 = arith.constant -65536 : i32
          %parallel_loop3A_966 = vector.broadcast %parallel_loop3A_965 : i32 to vector<16xi32>
          %parallel_loop3A_967 = arith.andi %parallel_loop3A_960, %parallel_loop3A_966 : vector<16xi32>
          %parallel_loop3A_968 = vector.bitcast %parallel_loop3A_967 : vector<16xi32> to vector<16xf32>
          %parallel_loop3A_969 = arith.mulf %parallel_loop3A_809, %parallel_loop3A_964 : vector<16xf32>
          %parallel_loop3A_970 = arith.mulf %parallel_loop3A_810, %parallel_loop3A_968 : vector<16xf32>
          %parallel_loop3A_971 = arith.addf %parallel_loop3A_969, %parallel_loop3A_970 : vector<16xf32>
          %parallel_loop3A_972 = arith.constant 1 : i32
          %parallel_loop3A_973 = arith.constant 0 : i32
          %parallel_loop3A_974 = arith.constant 0 : i32
          %parallel_loop3A_975 = tpu.memref_slice %arg14[%parallel_loop3A_972, %parallel_loop3A_973, %parallel_loop3A_974] : memref<2x512x16xi32, #tpu.memory_space<vmem>> -> memref<1x512x16xi32, #tpu.memory_space<vmem>>
          %parallel_loop3A_976 = tpu.memref_squeeze %parallel_loop3A_975 : memref<1x512x16xi32, #tpu.memory_space<vmem>> -> memref<512x16xi32, #tpu.memory_space<vmem>>
          %parallel_loop3A_977 = tpu.vector_load_idx %parallel_loop3A_976[%parallel_loop3A_911, %parallel_loop3A_920] : memref<512x16xi32, #tpu.memory_space<vmem>>[vector<16xi32>, vector<16xi32>], vector<16xi32>,
          %parallel_loop3A_978 = arith.constant 16 : i32
          %parallel_loop3A_979 = vector.broadcast %parallel_loop3A_978 : i32 to vector<16xi32>
          %parallel_loop3A_980 = arith.shli %parallel_loop3A_977, %parallel_loop3A_979 : vector<16xi32>
          %parallel_loop3A_981 = vector.bitcast %parallel_loop3A_980 : vector<16xi32> to vector<16xf32>
          %parallel_loop3A_982 = arith.constant -65536 : i32
          %parallel_loop3A_983 = vector.broadcast %parallel_loop3A_982 : i32 to vector<16xi32>
          %parallel_loop3A_984 = arith.andi %parallel_loop3A_977, %parallel_loop3A_983 : vector<16xi32>
          %parallel_loop3A_985 = vector.bitcast %parallel_loop3A_984 : vector<16xi32> to vector<16xf32>
          %parallel_loop3A_986 = arith.mulf %parallel_loop3A_811, %parallel_loop3A_981 : vector<16xf32>
          %parallel_loop3A_987 = arith.mulf %parallel_loop3A_812, %parallel_loop3A_985 : vector<16xf32>
          %parallel_loop3A_988 = arith.addf %parallel_loop3A_986, %parallel_loop3A_987 : vector<16xf32>
          %parallel_loop3A_989 = arith.constant 1 : i32
          %parallel_loop3A_990 = arith.constant 0 : i32
          %parallel_loop3A_991 = arith.constant 0 : i32
          %parallel_loop3A_992 = tpu.memref_slice %arg15[%parallel_loop3A_989, %parallel_loop3A_990, %parallel_loop3A_991] : memref<2x512x16xi32, #tpu.memory_space<vmem>> -> memref<1x512x16xi32, #tpu.memory_space<vmem>>
          %parallel_loop3A_993 = tpu.memref_squeeze %parallel_loop3A_992 : memref<1x512x16xi32, #tpu.memory_space<vmem>> -> memref<512x16xi32, #tpu.memory_space<vmem>>
          %parallel_loop3A_994 = tpu.vector_load_idx %parallel_loop3A_993[%parallel_loop3A_908, %parallel_loop3A_920] : memref<512x16xi32, #tpu.memory_space<vmem>>[vector<16xi32>, vector<16xi32>], vector<16xi32>,
          %parallel_loop3A_995 = arith.constant 16 : i32
          %parallel_loop3A_996 = vector.broadcast %parallel_loop3A_995 : i32 to vector<16xi32>
          %parallel_loop3A_997 = arith.shli %parallel_loop3A_994, %parallel_loop3A_996 : vector<16xi32>
          %parallel_loop3A_998 = vector.bitcast %parallel_loop3A_997 : vector<16xi32> to vector<16xf32>
          %parallel_loop3A_999 = arith.constant -65536 : i32
          %parallel_loop3A_1000 = vector.broadcast %parallel_loop3A_999 : i32 to vector<16xi32>
          %parallel_loop3A_1001 = arith.andi %parallel_loop3A_994, %parallel_loop3A_1000 : vector<16xi32>
          %parallel_loop3A_1002 = vector.bitcast %parallel_loop3A_1001 : vector<16xi32> to vector<16xf32>
          %parallel_loop3A_1003 = arith.mulf %parallel_loop3A_855, %parallel_loop3A_998 : vector<16xf32>
          %parallel_loop3A_1004 = arith.mulf %parallel_loop3A_856, %parallel_loop3A_1002 : vector<16xf32>
          %parallel_loop3A_1005 = arith.addf %parallel_loop3A_1003, %parallel_loop3A_1004 : vector<16xf32>
          %parallel_loop3A_1006 = arith.constant 1 : i32
          %parallel_loop3A_1007 = arith.constant 0 : i32
          %parallel_loop3A_1008 = arith.constant 0 : i32
          %parallel_loop3A_1009 = tpu.memref_slice %arg15[%parallel_loop3A_1006, %parallel_loop3A_1007, %parallel_loop3A_1008] : memref<2x512x16xi32, #tpu.memory_space<vmem>> -> memref<1x512x16xi32, #tpu.memory_space<vmem>>
          %parallel_loop3A_1010 = tpu.memref_squeeze %parallel_loop3A_1009 : memref<1x512x16xi32, #tpu.memory_space<vmem>> -> memref<512x16xi32, #tpu.memory_space<vmem>>
          %parallel_loop3A_1011 = tpu.vector_load_idx %parallel_loop3A_1010[%parallel_loop3A_911, %parallel_loop3A_920] : memref<512x16xi32, #tpu.memory_space<vmem>>[vector<16xi32>, vector<16xi32>], vector<16xi32>,
          %parallel_loop3A_1012 = arith.constant 16 : i32
          %parallel_loop3A_1013 = vector.broadcast %parallel_loop3A_1012 : i32 to vector<16xi32>
          %parallel_loop3A_1014 = arith.shli %parallel_loop3A_1011, %parallel_loop3A_1013 : vector<16xi32>
          %parallel_loop3A_1015 = vector.bitcast %parallel_loop3A_1014 : vector<16xi32> to vector<16xf32>
          %parallel_loop3A_1016 = arith.constant -65536 : i32
          %parallel_loop3A_1017 = vector.broadcast %parallel_loop3A_1016 : i32 to vector<16xi32>
          %parallel_loop3A_1018 = arith.andi %parallel_loop3A_1011, %parallel_loop3A_1017 : vector<16xi32>
          %parallel_loop3A_1019 = vector.bitcast %parallel_loop3A_1018 : vector<16xi32> to vector<16xf32>
          %parallel_loop3A_1020 = arith.mulf %parallel_loop3A_857, %parallel_loop3A_1015 : vector<16xf32>
          %parallel_loop3A_1021 = arith.mulf %parallel_loop3A_858, %parallel_loop3A_1019 : vector<16xf32>
          %parallel_loop3A_1022 = arith.addf %parallel_loop3A_1020, %parallel_loop3A_1021 : vector<16xf32>
          %parallel_loop3A_1023 = arith.constant 1 : i32
          %parallel_loop3A_1024 = arith.constant 0 : i32
          %parallel_loop3A_1025 = arith.constant 0 : i32
          %parallel_loop3A_1026 = tpu.memref_slice %arg16[%parallel_loop3A_1023, %parallel_loop3A_1024, %parallel_loop3A_1025] : memref<2x512x16xi32, #tpu.memory_space<vmem>> -> memref<1x512x16xi32, #tpu.memory_space<vmem>>
          %parallel_loop3A_1027 = tpu.memref_squeeze %parallel_loop3A_1026 : memref<1x512x16xi32, #tpu.memory_space<vmem>> -> memref<512x16xi32, #tpu.memory_space<vmem>>
          %parallel_loop3A_1028 = tpu.vector_load_idx %parallel_loop3A_1027[%parallel_loop3A_908, %parallel_loop3A_920] : memref<512x16xi32, #tpu.memory_space<vmem>>[vector<16xi32>, vector<16xi32>], vector<16xi32>,
          %parallel_loop3A_1029 = arith.constant 16 : i32
          %parallel_loop3A_1030 = vector.broadcast %parallel_loop3A_1029 : i32 to vector<16xi32>
          %parallel_loop3A_1031 = arith.shli %parallel_loop3A_1028, %parallel_loop3A_1030 : vector<16xi32>
          %parallel_loop3A_1032 = vector.bitcast %parallel_loop3A_1031 : vector<16xi32> to vector<16xf32>
          %parallel_loop3A_1033 = arith.constant -65536 : i32
          %parallel_loop3A_1034 = vector.broadcast %parallel_loop3A_1033 : i32 to vector<16xi32>
          %parallel_loop3A_1035 = arith.andi %parallel_loop3A_1028, %parallel_loop3A_1034 : vector<16xi32>
          %parallel_loop3A_1036 = vector.bitcast %parallel_loop3A_1035 : vector<16xi32> to vector<16xf32>
          %parallel_loop3A_1037 = arith.mulf %parallel_loop3A_901, %parallel_loop3A_1032 : vector<16xf32>
          %parallel_loop3A_1038 = arith.mulf %parallel_loop3A_902, %parallel_loop3A_1036 : vector<16xf32>
          %parallel_loop3A_1039 = arith.addf %parallel_loop3A_1037, %parallel_loop3A_1038 : vector<16xf32>
          %parallel_loop3A_1040 = arith.constant 1 : i32
          %parallel_loop3A_1041 = arith.constant 0 : i32
          %parallel_loop3A_1042 = arith.constant 0 : i32
          %parallel_loop3A_1043 = tpu.memref_slice %arg16[%parallel_loop3A_1040, %parallel_loop3A_1041, %parallel_loop3A_1042] : memref<2x512x16xi32, #tpu.memory_space<vmem>> -> memref<1x512x16xi32, #tpu.memory_space<vmem>>
          %parallel_loop3A_1044 = tpu.memref_squeeze %parallel_loop3A_1043 : memref<1x512x16xi32, #tpu.memory_space<vmem>> -> memref<512x16xi32, #tpu.memory_space<vmem>>
          %parallel_loop3A_1045 = tpu.vector_load_idx %parallel_loop3A_1044[%parallel_loop3A_911, %parallel_loop3A_920] : memref<512x16xi32, #tpu.memory_space<vmem>>[vector<16xi32>, vector<16xi32>], vector<16xi32>,
          %parallel_loop3A_1046 = arith.constant 16 : i32
          %parallel_loop3A_1047 = vector.broadcast %parallel_loop3A_1046 : i32 to vector<16xi32>
          %parallel_loop3A_1048 = arith.shli %parallel_loop3A_1045, %parallel_loop3A_1047 : vector<16xi32>
          %parallel_loop3A_1049 = vector.bitcast %parallel_loop3A_1048 : vector<16xi32> to vector<16xf32>
          %parallel_loop3A_1050 = arith.constant -65536 : i32
          %parallel_loop3A_1051 = vector.broadcast %parallel_loop3A_1050 : i32 to vector<16xi32>
          %parallel_loop3A_1052 = arith.andi %parallel_loop3A_1045, %parallel_loop3A_1051 : vector<16xi32>
          %parallel_loop3A_1053 = vector.bitcast %parallel_loop3A_1052 : vector<16xi32> to vector<16xf32>
          %parallel_loop3A_1054 = arith.mulf %parallel_loop3A_903, %parallel_loop3A_1049 : vector<16xf32>
          %parallel_loop3A_1055 = arith.mulf %parallel_loop3A_904, %parallel_loop3A_1053 : vector<16xf32>
          %parallel_loop3A_1056 = arith.addf %parallel_loop3A_1054, %parallel_loop3A_1055 : vector<16xf32>
          %parallel_loop3A_1057 = arith.addf %parallel_loop3A_937, %parallel_loop3A_954 : vector<16xf32>
          %parallel_loop3A_1058 = arith.addf %parallel_loop3A_971, %parallel_loop3A_988 : vector<16xf32>
          %parallel_loop3A_1059 = arith.addf %parallel_loop3A_1005, %parallel_loop3A_1022 : vector<16xf32>
          %parallel_loop3A_1060 = arith.addf %parallel_loop3A_1039, %parallel_loop3A_1056 : vector<16xf32>
          %parallel_loop3A_1061 = arith.addf %parallel_loop3A_1057, %parallel_loop3A_1058 : vector<16xf32>
          %parallel_loop3A_1062 = arith.addf %parallel_loop3A_1059, %parallel_loop3A_1060 : vector<16xf32>
          %parallel_loop3A_1063 = arith.addf %parallel_loop3A_1061, %parallel_loop3A_1062 : vector<16xf32>
          %parallel_loop3A_1064 = arith.mulf %parallel_loop3A_1063, %parallel_loop3A_720 : vector<16xf32>
          %parallel_loop3A_1065 = arith.constant 1 : i32
          %parallel_loop3A_1066 = arith.constant 0 : i32
          %parallel_loop3A_1067 = arith.constant 0 : i32
          %parallel_loop3A_1068 = tpu.memref_slice %arg17[%parallel_loop3A_1065, %parallel_loop3A_1066, %parallel_loop3A_1067] : memref<2x16x256xf32, #tpu.memory_space<vmem>> -> memref<1x16x256xf32, #tpu.memory_space<vmem>>
          %parallel_loop3A_1069 = tpu.memref_squeeze %parallel_loop3A_1068 : memref<1x16x256xf32, #tpu.memory_space<vmem>> -> memref<16x256xf32, #tpu.memory_space<vmem>>
          tpu.vector_store_idx %parallel_loop3A_1069[%parallel_loop3A_920, %parallel_loop3A_908], %parallel_loop3A_1064 : memref<16x256xf32, #tpu.memory_space<vmem>>[vector<16xi32>, vector<16xi32>], vector<16xf32>,
        } {sc.loop_unroll_factor = 4 : i64, sc.parallel_access}
      } {sc.loop_unroll_factor = 1 : i64, sc.parallel_access}
      %mul3A_671 = arith.constant 256 : i32
      %mul3A_672 = arith.muli %add3A_607, %mul3A_671 : i32
      %add3A_673 = arith.addi %mul3A_32, %mul3A_672 : i32
      %dma_start3A_674 = arith.constant 1 : i32
      %dma_start3A_675 = arith.constant 0 : i32
      %dma_start3A_676 = arith.constant 0 : i32
      %dma_start3A_677 = tpu.memref_slice %arg17[%dma_start3A_674, %dma_start3A_675, %dma_start3A_676] : memref<2x16x256xf32, #tpu.memory_space<vmem>> -> memref<1x16x256xf32, #tpu.memory_space<vmem>>
      %dma_start3A_678 = tpu.memref_squeeze %dma_start3A_677 : memref<1x16x256xf32, #tpu.memory_space<vmem>> -> memref<16x256xf32, #tpu.memory_space<vmem>>
      %dma_start3A_679 = arith.constant 0 : i32
      %dma_start3A_680 = tpu.memref_slice %arg7[%select_n3A, %dma_start3A_679, %add3A_673] : memref<4x16x262144xf32, #tpu.memory_space<hbm>> -> memref<1x16x256xf32, #tpu.memory_space<hbm>>
      %dma_start3A_681 = tpu.memref_squeeze %dma_start3A_680 : memref<1x16x256xf32, #tpu.memory_space<hbm>> -> memref<16x256xf32, #tpu.memory_space<hbm>>
      %dma_start3A_682 = arith.constant 0 : i32
      %dma_start3A_683 = tpu.memref_slice %arg7[%select_n3A, %dma_start3A_682, %add3A_673] : memref<4x16x262144xf32, #tpu.memory_space<hbm>> -> memref<1x16x256xf32, #tpu.memory_space<hbm>>
      %dma_start3A_684 = tpu.memref_squeeze %dma_start3A_683 : memref<1x16x256xf32, #tpu.memory_space<hbm>> -> memref<16x256xf32, #tpu.memory_space<hbm>>
      %dma_start3A_685 = arith.constant 0 : i32
      %dma_start3A_686 = arith.constant 0 : i32
      %dma_start3A_687 = tpu.memref_slice %arg17[%dma_start3A_674, %dma_start3A_685, %dma_start3A_686] : memref<2x16x256xf32, #tpu.memory_space<vmem>> -> memref<1x16x256xf32, #tpu.memory_space<vmem>>
      %dma_start3A_688 = tpu.memref_squeeze %dma_start3A_687 : memref<1x16x256xf32, #tpu.memory_space<vmem>> -> memref<16x256xf32, #tpu.memory_space<vmem>>
      tpu.enqueue_dma source(%dma_start3A_688 : memref<16x256xf32, #tpu.memory_space<vmem>>) target(%dma_start3A_684 : memref<16x256xf32, #tpu.memory_space<hbm>>) target_semaphore(%arg23 : memref<!tpu.dma_semaphore, #tpu.memory_space<semaphore_mem>>)
      %add3A_689 = arith.constant 1 : i32
      %add3A_690 = arith.addi %add3A_607, %add3A_689 : i32
      %lt3A_691 = arith.constant 128 : i32
      %lt3A_692 = arith.cmpi slt, %add3A_690, %lt3A_691 : i32
      %convert_element_type3A_693 = arith.extui %lt3A_692 : i1 to i32
      %cond3A_694 = arith.constant 0 : i32
      %cond3A_695 = arith.cmpi ne, %convert_element_type3A_693, %cond3A_694 : i32
      scf.if %cond3A_695 {
        %dma_wait3A_696 = arith.constant 0 : i32
        %dma_wait3A_697 = arith.constant 0 : i32
        %dma_wait3A_698 = arith.constant 0 : i32
        %dma_wait3A_699 = tpu.memref_slice %arg8[%dma_wait3A_696, %dma_wait3A_697, %dma_wait3A_698] : memref<2x3x256xf32, #tpu.memory_space<vmem>> -> memref<1x3x256xf32, #tpu.memory_space<vmem>>
        %dma_wait3A_700 = tpu.memref_squeeze %dma_wait3A_699 : memref<1x3x256xf32, #tpu.memory_space<vmem>> -> memref<3x256xf32, #tpu.memory_space<vmem>>
        %dma_wait3A_701 = arith.constant 0 : i32
        %dma_wait3A_702 = arith.constant 0 : i32
        %dma_wait3A_703 = tpu.memref_slice %arg2[%dma_wait3A_701, %dma_wait3A_702] : memref<3x1048576xf32, #tpu.memory_space<hbm>> -> memref<3x256xf32, #tpu.memory_space<hbm>>
        %dma_wait3A_704 = arith.constant 0 : i32
        %dma_wait3A_705 = arith.constant 0 : i32
        %dma_wait3A_706 = tpu.memref_slice %arg8[%dma_wait3A_696, %dma_wait3A_704, %dma_wait3A_705] : memref<2x3x256xf32, #tpu.memory_space<vmem>> -> memref<1x3x256xf32, #tpu.memory_space<vmem>>
        %dma_wait3A_707 = tpu.memref_squeeze %dma_wait3A_706 : memref<1x3x256xf32, #tpu.memory_space<vmem>> -> memref<3x256xf32, #tpu.memory_space<vmem>>
        %dma_wait3A_708 = arith.constant 0 : i32
        %dma_wait3A_709 = arith.constant 0 : i32
        %dma_wait3A_710 = tpu.memref_slice %arg2[%dma_wait3A_708, %dma_wait3A_709] : memref<3x1048576xf32, #tpu.memory_space<hbm>> -> memref<3x256xf32, #tpu.memory_space<hbm>>
        tpu.wait_dma2 semaphore(%arg20 : memref<!tpu.dma_semaphore, #tpu.memory_space<semaphore_mem>>) src(%dma_wait3A_710 : memref<3x256xf32, #tpu.memory_space<hbm>>) dst(%dma_wait3A_707 : memref<3x256xf32, #tpu.memory_space<vmem>>)
        %scan3A_711 = arith.constant 0 : i32
        %scan3A_712 = arith.constant 0 : i32
        %scan3A_713 = arith.constant 16 : i32
        %scan3A_714 = arith.addi %scan3A_712, %scan3A_713 : i32
        %scan3A_715 = arith.constant 1 : i32
        scf.for %scan3A_909 = %scan3A_712 to %scan3A_714 step %scan3A_715  : i32 {
          %mul3A_910 = arith.constant 16 : i32
          %mul3A_911 = arith.muli %scan3A_909, %mul3A_910 : i32
          %get3A = arith.constant 0 : i32
          %get3A_912 = arith.constant 0 : i32
          %get3A_913 = arith.index_cast %get3A : i32 to index
          %get3A_914 = arith.index_cast %get3A_912 : i32 to index
          %get3A_915 = arith.index_cast %mul3A_911 : i32 to index
          %get3A_916 = tpu.vector_load %arg8[%get3A_913, %get3A_914, %get3A_915] {strides = array<i32>} : memref<2x3x256xf32, #tpu.memory_space<vmem>>, vector<16xf32>,
          %mul3A_917 = arith.constant 16 : i32
          %mul3A_918 = arith.muli %scan3A_909, %mul3A_917 : i32
          %get3A_919 = arith.constant 0 : i32
          %get3A_920 = arith.constant 1 : i32
          %get3A_921 = arith.index_cast %get3A_919 : i32 to index
          %get3A_922 = arith.index_cast %get3A_920 : i32 to index
          %get3A_923 = arith.index_cast %mul3A_918 : i32 to index
          %get3A_924 = tpu.vector_load %arg8[%get3A_921, %get3A_922, %get3A_923] {strides = array<i32>} : memref<2x3x256xf32, #tpu.memory_space<vmem>>, vector<16xf32>,
          %mul3A_925 = arith.constant 2.000000e+00 : f32
          %mul3A_926 = vector.broadcast %mul3A_925 : f32 to vector<16xf32>
          %mul3A_927 = arith.mulf %get3A_916, %mul3A_926 : vector<16xf32>
          %sub3A_928 = arith.constant 1.000000e+00 : f32
          %sub3A_929 = vector.broadcast %sub3A_928 : f32 to vector<16xf32>
          %sub3A_930 = arith.subf %mul3A_927, %sub3A_929 : vector<16xf32>
          %mul3A_931 = arith.constant 2.000000e+00 : f32
          %mul3A_932 = vector.broadcast %mul3A_931 : f32 to vector<16xf32>
          %mul3A_933 = arith.mulf %get3A_924, %mul3A_932 : vector<16xf32>
          %sub3A_934 = arith.constant 1.000000e+00 : f32
          %sub3A_935 = vector.broadcast %sub3A_934 : f32 to vector<16xf32>
          %sub3A_936 = arith.subf %mul3A_933, %sub3A_935 : vector<16xf32>
          %add3A_937 = arith.constant 1.000000e+00 : f32
          %add3A_938 = vector.broadcast %add3A_937 : f32 to vector<16xf32>
          %add3A_939 = arith.addf %sub3A_930, %add3A_938 : vector<16xf32>
          %mul3A_940 = arith.constant 5.000000e-01 : f32
          %mul3A_941 = vector.broadcast %mul3A_940 : f32 to vector<16xf32>
          %mul3A_942 = arith.mulf %add3A_939, %mul3A_941 : vector<16xf32>
          %mul3A_943 = arith.constant 1.023000e+03 : f32
          %mul3A_944 = vector.broadcast %mul3A_943 : f32 to vector<16xf32>
          %mul3A_945 = arith.mulf %mul3A_942, %mul3A_944 : vector<16xf32>
          %add3A_946 = arith.constant 1.000000e+00 : f32
          %add3A_947 = vector.broadcast %add3A_946 : f32 to vector<16xf32>
          %add3A_948 = arith.addf %sub3A_936, %add3A_947 : vector<16xf32>
          %mul3A_949 = arith.constant 5.000000e-01 : f32
          %mul3A_950 = vector.broadcast %mul3A_949 : f32 to vector<16xf32>
          %mul3A_951 = arith.mulf %add3A_948, %mul3A_950 : vector<16xf32>
          %mul3A_952 = arith.constant 1.023000e+03 : f32
          %mul3A_953 = vector.broadcast %mul3A_952 : f32 to vector<16xf32>
          %mul3A_954 = arith.mulf %mul3A_951, %mul3A_953 : vector<16xf32>
          %convert_element_type3A_955 = arith.fptosi %mul3A_945 : vector<16xf32> to vector<16xi32>
          %convert_element_type3A_956 = arith.fptosi %mul3A_954 : vector<16xf32> to vector<16xi32>
          %min3A = arith.constant 1022 : i32
          %min3A_957 = vector.broadcast %min3A : i32 to vector<16xi32>
          %min3A_958 = arith.minsi %convert_element_type3A_955, %min3A_957 : vector<16xi32>
          %min3A_959 = arith.constant 1022 : i32
          %min3A_960 = vector.broadcast %min3A_959 : i32 to vector<16xi32>
          %min3A_961 = arith.minsi %convert_element_type3A_956, %min3A_960 : vector<16xi32>
          %mul3A_962 = arith.constant 1024 : i32
          %mul3A_963 = vector.broadcast %mul3A_962 : i32 to vector<16xi32>
          %mul3A_964 = arith.muli %min3A_961, %mul3A_963 : vector<16xi32>
          %add3A_965 = arith.addi %mul3A_964, %min3A_958 : vector<16xi32>
          %mul3A_966 = arith.constant 16 : i32
          %mul3A_967 = arith.muli %scan3A_909, %mul3A_966 : i32
          %add3A_968 = arith.constant 0 : i32
          %add3A_969 = arith.addi %add3A_968, %mul3A_967 : i32
          %swap3A = arith.constant 0 : i32
          %swap3A_970 = arith.index_cast %swap3A : i32 to index
          %swap3A_971 = arith.index_cast %add3A_969 : i32 to index
          %swap3A_972 = tpu.vector_load %arg9[%swap3A_970, %swap3A_971] {strides = array<i32>} : memref<2x512xi32, #tpu.memory_space<vmem>>, vector<16xi32>,
          tpu.vector_store %arg9[%swap3A_970, %swap3A_971], %add3A_965 {strides = array<i32>} : memref<2x512xi32, #tpu.memory_space<vmem>>, vector<16xi32>,
          %add3A_973 = arith.constant 1024 : i32
          %add3A_974 = vector.broadcast %add3A_973 : i32 to vector<16xi32>
          %add3A_975 = arith.addi %add3A_965, %add3A_974 : vector<16xi32>
          %mul3A_976 = arith.constant 16 : i32
          %mul3A_977 = arith.muli %scan3A_909, %mul3A_976 : i32
          %add3A_978 = arith.constant 256 : i32
          %add3A_979 = arith.addi %add3A_978, %mul3A_977 : i32
          %swap3A_980 = arith.constant 0 : i32
          %swap3A_981 = arith.index_cast %swap3A_980 : i32 to index
          %swap3A_982 = arith.index_cast %add3A_979 : i32 to index
          %swap3A_983 = tpu.vector_load %arg9[%swap3A_981, %swap3A_982] {strides = array<i32>} : memref<2x512xi32, #tpu.memory_space<vmem>>, vector<16xi32>,
          tpu.vector_store %arg9[%swap3A_981, %swap3A_982], %add3A_975 {strides = array<i32>} : memref<2x512xi32, #tpu.memory_space<vmem>>, vector<16xi32>,
          %mul3A_984 = arith.constant 2.000000e+00 : f32
          %mul3A_985 = vector.broadcast %mul3A_984 : f32 to vector<16xf32>
          %mul3A_986 = arith.mulf %get3A_916, %mul3A_985 : vector<16xf32>
          %sub3A_987 = arith.constant 1.000000e+00 : f32
          %sub3A_988 = vector.broadcast %sub3A_987 : f32 to vector<16xf32>
          %sub3A_989 = arith.subf %mul3A_986, %sub3A_988 : vector<16xf32>
          %mul3A_990 = arith.constant 2.000000e+00 : f32
          %mul3A_991 = vector.broadcast %mul3A_990 : f32 to vector<16xf32>
          %mul3A_992 = arith.mulf %get3A_924, %mul3A_991 : vector<16xf32>
          %sub3A_993 = arith.constant 1.000000e+00 : f32
          %sub3A_994 = vector.broadcast %sub3A_993 : f32 to vector<16xf32>
          %sub3A_995 = arith.subf %mul3A_992, %sub3A_994 : vector<16xf32>
          %add3A_996 = arith.constant 1.000000e+00 : f32
          %add3A_997 = vector.broadcast %add3A_996 : f32 to vector<16xf32>
          %add3A_998 = arith.addf %sub3A_989, %add3A_997 : vector<16xf32>
          %mul3A_999 = arith.constant 5.000000e-01 : f32
          %mul3A_1000 = vector.broadcast %mul3A_999 : f32 to vector<16xf32>
          %mul3A_1001 = arith.mulf %add3A_998, %mul3A_1000 : vector<16xf32>
          %mul3A_1002 = arith.constant 5.110000e+02 : f32
          %mul3A_1003 = vector.broadcast %mul3A_1002 : f32 to vector<16xf32>
          %mul3A_1004 = arith.mulf %mul3A_1001, %mul3A_1003 : vector<16xf32>
          %add3A_1005 = arith.constant 1.000000e+00 : f32
          %add3A_1006 = vector.broadcast %add3A_1005 : f32 to vector<16xf32>
          %add3A_1007 = arith.addf %sub3A_995, %add3A_1006 : vector<16xf32>
          %mul3A_1008 = arith.constant 5.000000e-01 : f32
          %mul3A_1009 = vector.broadcast %mul3A_1008 : f32 to vector<16xf32>
          %mul3A_1010 = arith.mulf %add3A_1007, %mul3A_1009 : vector<16xf32>
          %mul3A_1011 = arith.constant 5.110000e+02 : f32
          %mul3A_1012 = vector.broadcast %mul3A_1011 : f32 to vector<16xf32>
          %mul3A_1013 = arith.mulf %mul3A_1010, %mul3A_1012 : vector<16xf32>
          %convert_element_type3A_1014 = arith.fptosi %mul3A_1004 : vector<16xf32> to vector<16xi32>
          %convert_element_type3A_1015 = arith.fptosi %mul3A_1013 : vector<16xf32> to vector<16xi32>
          %min3A_1016 = arith.constant 510 : i32
          %min3A_1017 = vector.broadcast %min3A_1016 : i32 to vector<16xi32>
          %min3A_1018 = arith.minsi %convert_element_type3A_1014, %min3A_1017 : vector<16xi32>
          %min3A_1019 = arith.constant 510 : i32
          %min3A_1020 = vector.broadcast %min3A_1019 : i32 to vector<16xi32>
          %min3A_1021 = arith.minsi %convert_element_type3A_1015, %min3A_1020 : vector<16xi32>
          %mul3A_1022 = arith.constant 512 : i32
          %mul3A_1023 = vector.broadcast %mul3A_1022 : i32 to vector<16xi32>
          %mul3A_1024 = arith.muli %min3A_1021, %mul3A_1023 : vector<16xi32>
          %add3A_1025 = arith.addi %mul3A_1024, %min3A_1018 : vector<16xi32>
          %mul3A_1026 = arith.constant 16 : i32
          %mul3A_1027 = arith.muli %scan3A_909, %mul3A_1026 : i32
          %add3A_1028 = arith.constant 0 : i32
          %add3A_1029 = arith.addi %add3A_1028, %mul3A_1027 : i32
          %swap3A_1030 = arith.constant 0 : i32
          %swap3A_1031 = arith.index_cast %swap3A_1030 : i32 to index
          %swap3A_1032 = arith.index_cast %add3A_1029 : i32 to index
          %swap3A_1033 = tpu.vector_load %arg10[%swap3A_1031, %swap3A_1032] {strides = array<i32>} : memref<2x512xi32, #tpu.memory_space<vmem>>, vector<16xi32>,
          tpu.vector_store %arg10[%swap3A_1031, %swap3A_1032], %add3A_1025 {strides = array<i32>} : memref<2x512xi32, #tpu.memory_space<vmem>>, vector<16xi32>,
          %add3A_1034 = arith.constant 512 : i32
          %add3A_1035 = vector.broadcast %add3A_1034 : i32 to vector<16xi32>
          %add3A_1036 = arith.addi %add3A_1025, %add3A_1035 : vector<16xi32>
          %mul3A_1037 = arith.constant 16 : i32
          %mul3A_1038 = arith.muli %scan3A_909, %mul3A_1037 : i32
          %add3A_1039 = arith.constant 256 : i32
          %add3A_1040 = arith.addi %add3A_1039, %mul3A_1038 : i32
          %swap3A_1041 = arith.constant 0 : i32
          %swap3A_1042 = arith.index_cast %swap3A_1041 : i32 to index
          %swap3A_1043 = arith.index_cast %add3A_1040 : i32 to index
          %swap3A_1044 = tpu.vector_load %arg10[%swap3A_1042, %swap3A_1043] {strides = array<i32>} : memref<2x512xi32, #tpu.memory_space<vmem>>, vector<16xi32>,
          tpu.vector_store %arg10[%swap3A_1042, %swap3A_1043], %add3A_1036 {strides = array<i32>} : memref<2x512xi32, #tpu.memory_space<vmem>>, vector<16xi32>,
          %mul3A_1045 = arith.constant 2.000000e+00 : f32
          %mul3A_1046 = vector.broadcast %mul3A_1045 : f32 to vector<16xf32>
          %mul3A_1047 = arith.mulf %get3A_916, %mul3A_1046 : vector<16xf32>
          %sub3A_1048 = arith.constant 1.000000e+00 : f32
          %sub3A_1049 = vector.broadcast %sub3A_1048 : f32 to vector<16xf32>
          %sub3A_1050 = arith.subf %mul3A_1047, %sub3A_1049 : vector<16xf32>
          %mul3A_1051 = arith.constant 2.000000e+00 : f32
          %mul3A_1052 = vector.broadcast %mul3A_1051 : f32 to vector<16xf32>
          %mul3A_1053 = arith.mulf %get3A_924, %mul3A_1052 : vector<16xf32>
          %sub3A_1054 = arith.constant 1.000000e+00 : f32
          %sub3A_1055 = vector.broadcast %sub3A_1054 : f32 to vector<16xf32>
          %sub3A_1056 = arith.subf %mul3A_1053, %sub3A_1055 : vector<16xf32>
          %add3A_1057 = arith.constant 1.000000e+00 : f32
          %add3A_1058 = vector.broadcast %add3A_1057 : f32 to vector<16xf32>
          %add3A_1059 = arith.addf %sub3A_1050, %add3A_1058 : vector<16xf32>
          %mul3A_1060 = arith.constant 5.000000e-01 : f32
          %mul3A_1061 = vector.broadcast %mul3A_1060 : f32 to vector<16xf32>
          %mul3A_1062 = arith.mulf %add3A_1059, %mul3A_1061 : vector<16xf32>
          %mul3A_1063 = arith.constant 2.550000e+02 : f32
          %mul3A_1064 = vector.broadcast %mul3A_1063 : f32 to vector<16xf32>
          %mul3A_1065 = arith.mulf %mul3A_1062, %mul3A_1064 : vector<16xf32>
          %add3A_1066 = arith.constant 1.000000e+00 : f32
          %add3A_1067 = vector.broadcast %add3A_1066 : f32 to vector<16xf32>
          %add3A_1068 = arith.addf %sub3A_1056, %add3A_1067 : vector<16xf32>
          %mul3A_1069 = arith.constant 5.000000e-01 : f32
          %mul3A_1070 = vector.broadcast %mul3A_1069 : f32 to vector<16xf32>
          %mul3A_1071 = arith.mulf %add3A_1068, %mul3A_1070 : vector<16xf32>
          %mul3A_1072 = arith.constant 2.550000e+02 : f32
          %mul3A_1073 = vector.broadcast %mul3A_1072 : f32 to vector<16xf32>
          %mul3A_1074 = arith.mulf %mul3A_1071, %mul3A_1073 : vector<16xf32>
          %convert_element_type3A_1075 = arith.fptosi %mul3A_1065 : vector<16xf32> to vector<16xi32>
          %convert_element_type3A_1076 = arith.fptosi %mul3A_1074 : vector<16xf32> to vector<16xi32>
          %min3A_1077 = arith.constant 254 : i32
          %min3A_1078 = vector.broadcast %min3A_1077 : i32 to vector<16xi32>
          %min3A_1079 = arith.minsi %convert_element_type3A_1075, %min3A_1078 : vector<16xi32>
          %min3A_1080 = arith.constant 254 : i32
          %min3A_1081 = vector.broadcast %min3A_1080 : i32 to vector<16xi32>
          %min3A_1082 = arith.minsi %convert_element_type3A_1076, %min3A_1081 : vector<16xi32>
          %mul3A_1083 = arith.constant 256 : i32
          %mul3A_1084 = vector.broadcast %mul3A_1083 : i32 to vector<16xi32>
          %mul3A_1085 = arith.muli %min3A_1082, %mul3A_1084 : vector<16xi32>
          %add3A_1086 = arith.addi %mul3A_1085, %min3A_1079 : vector<16xi32>
          %mul3A_1087 = arith.constant 16 : i32
          %mul3A_1088 = arith.muli %scan3A_909, %mul3A_1087 : i32
          %add3A_1089 = arith.constant 0 : i32
          %add3A_1090 = arith.addi %add3A_1089, %mul3A_1088 : i32
          %swap3A_1091 = arith.constant 0 : i32
          %swap3A_1092 = arith.index_cast %swap3A_1091 : i32 to index
          %swap3A_1093 = arith.index_cast %add3A_1090 : i32 to index
          %swap3A_1094 = tpu.vector_load %arg11[%swap3A_1092, %swap3A_1093] {strides = array<i32>} : memref<2x512xi32, #tpu.memory_space<vmem>>, vector<16xi32>,
          tpu.vector_store %arg11[%swap3A_1092, %swap3A_1093], %add3A_1086 {strides = array<i32>} : memref<2x512xi32, #tpu.memory_space<vmem>>, vector<16xi32>,
          %add3A_1095 = arith.constant 256 : i32
          %add3A_1096 = vector.broadcast %add3A_1095 : i32 to vector<16xi32>
          %add3A_1097 = arith.addi %add3A_1086, %add3A_1096 : vector<16xi32>
          %mul3A_1098 = arith.constant 16 : i32
          %mul3A_1099 = arith.muli %scan3A_909, %mul3A_1098 : i32
          %add3A_1100 = arith.constant 256 : i32
          %add3A_1101 = arith.addi %add3A_1100, %mul3A_1099 : i32
          %swap3A_1102 = arith.constant 0 : i32
          %swap3A_1103 = arith.index_cast %swap3A_1102 : i32 to index
          %swap3A_1104 = arith.index_cast %add3A_1101 : i32 to index
          %swap3A_1105 = tpu.vector_load %arg11[%swap3A_1103, %swap3A_1104] {strides = array<i32>} : memref<2x512xi32, #tpu.memory_space<vmem>>, vector<16xi32>,
          tpu.vector_store %arg11[%swap3A_1103, %swap3A_1104], %add3A_1097 {strides = array<i32>} : memref<2x512xi32, #tpu.memory_space<vmem>>, vector<16xi32>,
          %mul3A_1106 = arith.constant 2.000000e+00 : f32
          %mul3A_1107 = vector.broadcast %mul3A_1106 : f32 to vector<16xf32>
          %mul3A_1108 = arith.mulf %get3A_916, %mul3A_1107 : vector<16xf32>
          %sub3A_1109 = arith.constant 1.000000e+00 : f32
          %sub3A_1110 = vector.broadcast %sub3A_1109 : f32 to vector<16xf32>
          %sub3A_1111 = arith.subf %mul3A_1108, %sub3A_1110 : vector<16xf32>
          %mul3A_1112 = arith.constant 2.000000e+00 : f32
          %mul3A_1113 = vector.broadcast %mul3A_1112 : f32 to vector<16xf32>
          %mul3A_1114 = arith.mulf %get3A_924, %mul3A_1113 : vector<16xf32>
          %sub3A_1115 = arith.constant 1.000000e+00 : f32
          %sub3A_1116 = vector.broadcast %sub3A_1115 : f32 to vector<16xf32>
          %sub3A_1117 = arith.subf %mul3A_1114, %sub3A_1116 : vector<16xf32>
          %add3A_1118 = arith.constant 1.000000e+00 : f32
          %add3A_1119 = vector.broadcast %add3A_1118 : f32 to vector<16xf32>
          %add3A_1120 = arith.addf %sub3A_1111, %add3A_1119 : vector<16xf32>
          %mul3A_1121 = arith.constant 5.000000e-01 : f32
          %mul3A_1122 = vector.broadcast %mul3A_1121 : f32 to vector<16xf32>
          %mul3A_1123 = arith.mulf %add3A_1120, %mul3A_1122 : vector<16xf32>
          %mul3A_1124 = arith.constant 1.270000e+02 : f32
          %mul3A_1125 = vector.broadcast %mul3A_1124 : f32 to vector<16xf32>
          %mul3A_1126 = arith.mulf %mul3A_1123, %mul3A_1125 : vector<16xf32>
          %add3A_1127 = arith.constant 1.000000e+00 : f32
          %add3A_1128 = vector.broadcast %add3A_1127 : f32 to vector<16xf32>
          %add3A_1129 = arith.addf %sub3A_1117, %add3A_1128 : vector<16xf32>
          %mul3A_1130 = arith.constant 5.000000e-01 : f32
          %mul3A_1131 = vector.broadcast %mul3A_1130 : f32 to vector<16xf32>
          %mul3A_1132 = arith.mulf %add3A_1129, %mul3A_1131 : vector<16xf32>
          %mul3A_1133 = arith.constant 1.270000e+02 : f32
          %mul3A_1134 = vector.broadcast %mul3A_1133 : f32 to vector<16xf32>
          %mul3A_1135 = arith.mulf %mul3A_1132, %mul3A_1134 : vector<16xf32>
          %convert_element_type3A_1136 = arith.fptosi %mul3A_1126 : vector<16xf32> to vector<16xi32>
          %convert_element_type3A_1137 = arith.fptosi %mul3A_1135 : vector<16xf32> to vector<16xi32>
          %min3A_1138 = arith.constant 126 : i32
          %min3A_1139 = vector.broadcast %min3A_1138 : i32 to vector<16xi32>
          %min3A_1140 = arith.minsi %convert_element_type3A_1136, %min3A_1139 : vector<16xi32>
          %min3A_1141 = arith.constant 126 : i32
          %min3A_1142 = vector.broadcast %min3A_1141 : i32 to vector<16xi32>
          %min3A_1143 = arith.minsi %convert_element_type3A_1137, %min3A_1142 : vector<16xi32>
          %mul3A_1144 = arith.constant 128 : i32
          %mul3A_1145 = vector.broadcast %mul3A_1144 : i32 to vector<16xi32>
          %mul3A_1146 = arith.muli %min3A_1143, %mul3A_1145 : vector<16xi32>
          %add3A_1147 = arith.addi %mul3A_1146, %min3A_1140 : vector<16xi32>
          %mul3A_1148 = arith.constant 16 : i32
          %mul3A_1149 = arith.muli %scan3A_909, %mul3A_1148 : i32
          %add3A_1150 = arith.constant 0 : i32
          %add3A_1151 = arith.addi %add3A_1150, %mul3A_1149 : i32
          %swap3A_1152 = arith.constant 0 : i32
          %swap3A_1153 = arith.index_cast %swap3A_1152 : i32 to index
          %swap3A_1154 = arith.index_cast %add3A_1151 : i32 to index
          %swap3A_1155 = tpu.vector_load %arg12[%swap3A_1153, %swap3A_1154] {strides = array<i32>} : memref<2x512xi32, #tpu.memory_space<vmem>>, vector<16xi32>,
          tpu.vector_store %arg12[%swap3A_1153, %swap3A_1154], %add3A_1147 {strides = array<i32>} : memref<2x512xi32, #tpu.memory_space<vmem>>, vector<16xi32>,
          %add3A_1156 = arith.constant 128 : i32
          %add3A_1157 = vector.broadcast %add3A_1156 : i32 to vector<16xi32>
          %add3A_1158 = arith.addi %add3A_1147, %add3A_1157 : vector<16xi32>
          %mul3A_1159 = arith.constant 16 : i32
          %mul3A_1160 = arith.muli %scan3A_909, %mul3A_1159 : i32
          %add3A_1161 = arith.constant 256 : i32
          %add3A_1162 = arith.addi %add3A_1161, %mul3A_1160 : i32
          %swap3A_1163 = arith.constant 0 : i32
          %swap3A_1164 = arith.index_cast %swap3A_1163 : i32 to index
          %swap3A_1165 = arith.index_cast %add3A_1162 : i32 to index
          %swap3A_1166 = tpu.vector_load %arg12[%swap3A_1164, %swap3A_1165] {strides = array<i32>} : memref<2x512xi32, #tpu.memory_space<vmem>>, vector<16xi32>,
          tpu.vector_store %arg12[%swap3A_1164, %swap3A_1165], %add3A_1158 {strides = array<i32>} : memref<2x512xi32, #tpu.memory_space<vmem>>, vector<16xi32>,
        }
        %scan3A_716 = arith.constant 16 : i32
        %dma_start3A_717 = arith.constant 0 : i32
        %dma_start3A_718 = arith.constant 0 : i32
        %dma_start3A_719 = arith.constant 0 : i32
        %dma_start3A_720 = arith.constant 0 : i32
        %dma_start3A_721 = tpu.memref_slice %arg13[%dma_start3A_718, %dma_start3A_719, %dma_start3A_720] : memref<2x512x16xi32, #tpu.memory_space<vmem>> -> memref<1x128x16xi32, #tpu.memory_space<vmem>>
        %dma_start3A_722 = tpu.memref_squeeze %dma_start3A_721 : memref<1x128x16xi32, #tpu.memory_space<vmem>> -> memref<128x16xi32, #tpu.memory_space<vmem>>
        %dma_start3A_723 = arith.constant 0 : i32
        %dma_start3A_724 = tpu.memref_slice %arg9[%dma_start3A_717, %dma_start3A_723] : memref<2x512xi32, #tpu.memory_space<vmem>> -> memref<1x128xi32, #tpu.memory_space<vmem>>
        %dma_start3A_725 = tpu.memref_squeeze %dma_start3A_724 : memref<1x128xi32, #tpu.memory_space<vmem>> -> memref<128xi32, #tpu.memory_space<vmem>>
        %dma_start3A_726 = arith.constant 0 : i32
        %dma_start3A_727 = arith.constant 0 : i32
        %dma_start3A_728 = tpu.memref_slice %arg3[%dma_start3A_726, %dma_start3A_727] : memref<1048576x16xi32, #tpu.memory_space<hbm>> -> memref<1048576x16xi32, #tpu.memory_space<hbm>>
        tpu.enqueue_indirect_dma source(%dma_start3A_728 : memref<1048576x16xi32, #tpu.memory_space<hbm>>) target(%dma_start3A_722 : memref<128x16xi32, #tpu.memory_space<vmem>>) offsets(%dma_start3A_725 : memref<128xi32, #tpu.memory_space<vmem>>) semaphore(%arg18 : memref<!tpu.dma_semaphore, #tpu.memory_space<semaphore_mem>>)
        %dma_start3A_729 = arith.constant 0 : i32
        %dma_start3A_730 = arith.constant 0 : i32
        %dma_start3A_731 = arith.constant 128 : i32
        %dma_start3A_732 = arith.constant 0 : i32
        %dma_start3A_733 = tpu.memref_slice %arg13[%dma_start3A_730, %dma_start3A_731, %dma_start3A_732] : memref<2x512x16xi32, #tpu.memory_space<vmem>> -> memref<1x128x16xi32, #tpu.memory_space<vmem>>
        %dma_start3A_734 = tpu.memref_squeeze %dma_start3A_733 : memref<1x128x16xi32, #tpu.memory_space<vmem>> -> memref<128x16xi32, #tpu.memory_space<vmem>>
        %dma_start3A_735 = arith.constant 128 : i32
        %dma_start3A_736 = tpu.memref_slice %arg9[%dma_start3A_729, %dma_start3A_735] : memref<2x512xi32, #tpu.memory_space<vmem>> -> memref<1x128xi32, #tpu.memory_space<vmem>>
        %dma_start3A_737 = tpu.memref_squeeze %dma_start3A_736 : memref<1x128xi32, #tpu.memory_space<vmem>> -> memref<128xi32, #tpu.memory_space<vmem>>
        %dma_start3A_738 = arith.constant 0 : i32
        %dma_start3A_739 = arith.constant 0 : i32
        %dma_start3A_740 = tpu.memref_slice %arg3[%dma_start3A_738, %dma_start3A_739] : memref<1048576x16xi32, #tpu.memory_space<hbm>> -> memref<1048576x16xi32, #tpu.memory_space<hbm>>
        tpu.enqueue_indirect_dma source(%dma_start3A_740 : memref<1048576x16xi32, #tpu.memory_space<hbm>>) target(%dma_start3A_734 : memref<128x16xi32, #tpu.memory_space<vmem>>) offsets(%dma_start3A_737 : memref<128xi32, #tpu.memory_space<vmem>>) semaphore(%arg18 : memref<!tpu.dma_semaphore, #tpu.memory_space<semaphore_mem>>)
        %dma_start3A_741 = arith.constant 0 : i32
        %dma_start3A_742 = arith.constant 0 : i32
        %dma_start3A_743 = arith.constant 256 : i32
        %dma_start3A_744 = arith.constant 0 : i32
        %dma_start3A_745 = tpu.memref_slice %arg13[%dma_start3A_742, %dma_start3A_743, %dma_start3A_744] : memref<2x512x16xi32, #tpu.memory_space<vmem>> -> memref<1x128x16xi32, #tpu.memory_space<vmem>>
        %dma_start3A_746 = tpu.memref_squeeze %dma_start3A_745 : memref<1x128x16xi32, #tpu.memory_space<vmem>> -> memref<128x16xi32, #tpu.memory_space<vmem>>
        %dma_start3A_747 = arith.constant 256 : i32
        %dma_start3A_748 = tpu.memref_slice %arg9[%dma_start3A_741, %dma_start3A_747] : memref<2x512xi32, #tpu.memory_space<vmem>> -> memref<1x128xi32, #tpu.memory_space<vmem>>
        %dma_start3A_749 = tpu.memref_squeeze %dma_start3A_748 : memref<1x128xi32, #tpu.memory_space<vmem>> -> memref<128xi32, #tpu.memory_space<vmem>>
        %dma_start3A_750 = arith.constant 0 : i32
        %dma_start3A_751 = arith.constant 0 : i32
        %dma_start3A_752 = tpu.memref_slice %arg3[%dma_start3A_750, %dma_start3A_751] : memref<1048576x16xi32, #tpu.memory_space<hbm>> -> memref<1048576x16xi32, #tpu.memory_space<hbm>>
        tpu.enqueue_indirect_dma source(%dma_start3A_752 : memref<1048576x16xi32, #tpu.memory_space<hbm>>) target(%dma_start3A_746 : memref<128x16xi32, #tpu.memory_space<vmem>>) offsets(%dma_start3A_749 : memref<128xi32, #tpu.memory_space<vmem>>) semaphore(%arg18 : memref<!tpu.dma_semaphore, #tpu.memory_space<semaphore_mem>>)
        %dma_start3A_753 = arith.constant 0 : i32
        %dma_start3A_754 = arith.constant 0 : i32
        %dma_start3A_755 = arith.constant 384 : i32
        %dma_start3A_756 = arith.constant 0 : i32
        %dma_start3A_757 = tpu.memref_slice %arg13[%dma_start3A_754, %dma_start3A_755, %dma_start3A_756] : memref<2x512x16xi32, #tpu.memory_space<vmem>> -> memref<1x128x16xi32, #tpu.memory_space<vmem>>
        %dma_start3A_758 = tpu.memref_squeeze %dma_start3A_757 : memref<1x128x16xi32, #tpu.memory_space<vmem>> -> memref<128x16xi32, #tpu.memory_space<vmem>>
        %dma_start3A_759 = arith.constant 384 : i32
        %dma_start3A_760 = tpu.memref_slice %arg9[%dma_start3A_753, %dma_start3A_759] : memref<2x512xi32, #tpu.memory_space<vmem>> -> memref<1x128xi32, #tpu.memory_space<vmem>>
        %dma_start3A_761 = tpu.memref_squeeze %dma_start3A_760 : memref<1x128xi32, #tpu.memory_space<vmem>> -> memref<128xi32, #tpu.memory_space<vmem>>
        %dma_start3A_762 = arith.constant 0 : i32
        %dma_start3A_763 = arith.constant 0 : i32
        %dma_start3A_764 = tpu.memref_slice %arg3[%dma_start3A_762, %dma_start3A_763] : memref<1048576x16xi32, #tpu.memory_space<hbm>> -> memref<1048576x16xi32, #tpu.memory_space<hbm>>
        tpu.enqueue_indirect_dma source(%dma_start3A_764 : memref<1048576x16xi32, #tpu.memory_space<hbm>>) target(%dma_start3A_758 : memref<128x16xi32, #tpu.memory_space<vmem>>) offsets(%dma_start3A_761 : memref<128xi32, #tpu.memory_space<vmem>>) semaphore(%arg18 : memref<!tpu.dma_semaphore, #tpu.memory_space<semaphore_mem>>)
        %dma_start3A_765 = arith.constant 0 : i32
        %dma_start3A_766 = arith.constant 0 : i32
        %dma_start3A_767 = arith.constant 0 : i32
        %dma_start3A_768 = arith.constant 0 : i32
        %dma_start3A_769 = tpu.memref_slice %arg14[%dma_start3A_766, %dma_start3A_767, %dma_start3A_768] : memref<2x512x16xi32, #tpu.memory_space<vmem>> -> memref<1x128x16xi32, #tpu.memory_space<vmem>>
        %dma_start3A_770 = tpu.memref_squeeze %dma_start3A_769 : memref<1x128x16xi32, #tpu.memory_space<vmem>> -> memref<128x16xi32, #tpu.memory_space<vmem>>
        %dma_start3A_771 = arith.constant 0 : i32
        %dma_start3A_772 = tpu.memref_slice %arg10[%dma_start3A_765, %dma_start3A_771] : memref<2x512xi32, #tpu.memory_space<vmem>> -> memref<1x128xi32, #tpu.memory_space<vmem>>
        %dma_start3A_773 = tpu.memref_squeeze %dma_start3A_772 : memref<1x128xi32, #tpu.memory_space<vmem>> -> memref<128xi32, #tpu.memory_space<vmem>>
        %dma_start3A_774 = arith.constant 0 : i32
        %dma_start3A_775 = arith.constant 0 : i32
        %dma_start3A_776 = tpu.memref_slice %arg4[%dma_start3A_774, %dma_start3A_775] : memref<262144x16xi32, #tpu.memory_space<hbm>> -> memref<262144x16xi32, #tpu.memory_space<hbm>>
        tpu.enqueue_indirect_dma source(%dma_start3A_776 : memref<262144x16xi32, #tpu.memory_space<hbm>>) target(%dma_start3A_770 : memref<128x16xi32, #tpu.memory_space<vmem>>) offsets(%dma_start3A_773 : memref<128xi32, #tpu.memory_space<vmem>>) semaphore(%arg18 : memref<!tpu.dma_semaphore, #tpu.memory_space<semaphore_mem>>)
        %dma_start3A_777 = arith.constant 0 : i32
        %dma_start3A_778 = arith.constant 0 : i32
        %dma_start3A_779 = arith.constant 128 : i32
        %dma_start3A_780 = arith.constant 0 : i32
        %dma_start3A_781 = tpu.memref_slice %arg14[%dma_start3A_778, %dma_start3A_779, %dma_start3A_780] : memref<2x512x16xi32, #tpu.memory_space<vmem>> -> memref<1x128x16xi32, #tpu.memory_space<vmem>>
        %dma_start3A_782 = tpu.memref_squeeze %dma_start3A_781 : memref<1x128x16xi32, #tpu.memory_space<vmem>> -> memref<128x16xi32, #tpu.memory_space<vmem>>
        %dma_start3A_783 = arith.constant 128 : i32
        %dma_start3A_784 = tpu.memref_slice %arg10[%dma_start3A_777, %dma_start3A_783] : memref<2x512xi32, #tpu.memory_space<vmem>> -> memref<1x128xi32, #tpu.memory_space<vmem>>
        %dma_start3A_785 = tpu.memref_squeeze %dma_start3A_784 : memref<1x128xi32, #tpu.memory_space<vmem>> -> memref<128xi32, #tpu.memory_space<vmem>>
        %dma_start3A_786 = arith.constant 0 : i32
        %dma_start3A_787 = arith.constant 0 : i32
        %dma_start3A_788 = tpu.memref_slice %arg4[%dma_start3A_786, %dma_start3A_787] : memref<262144x16xi32, #tpu.memory_space<hbm>> -> memref<262144x16xi32, #tpu.memory_space<hbm>>
        tpu.enqueue_indirect_dma source(%dma_start3A_788 : memref<262144x16xi32, #tpu.memory_space<hbm>>) target(%dma_start3A_782 : memref<128x16xi32, #tpu.memory_space<vmem>>) offsets(%dma_start3A_785 : memref<128xi32, #tpu.memory_space<vmem>>) semaphore(%arg18 : memref<!tpu.dma_semaphore, #tpu.memory_space<semaphore_mem>>)
        %dma_start3A_789 = arith.constant 0 : i32
        %dma_start3A_790 = arith.constant 0 : i32
        %dma_start3A_791 = arith.constant 256 : i32
        %dma_start3A_792 = arith.constant 0 : i32
        %dma_start3A_793 = tpu.memref_slice %arg14[%dma_start3A_790, %dma_start3A_791, %dma_start3A_792] : memref<2x512x16xi32, #tpu.memory_space<vmem>> -> memref<1x128x16xi32, #tpu.memory_space<vmem>>
        %dma_start3A_794 = tpu.memref_squeeze %dma_start3A_793 : memref<1x128x16xi32, #tpu.memory_space<vmem>> -> memref<128x16xi32, #tpu.memory_space<vmem>>
        %dma_start3A_795 = arith.constant 256 : i32
        %dma_start3A_796 = tpu.memref_slice %arg10[%dma_start3A_789, %dma_start3A_795] : memref<2x512xi32, #tpu.memory_space<vmem>> -> memref<1x128xi32, #tpu.memory_space<vmem>>
        %dma_start3A_797 = tpu.memref_squeeze %dma_start3A_796 : memref<1x128xi32, #tpu.memory_space<vmem>> -> memref<128xi32, #tpu.memory_space<vmem>>
        %dma_start3A_798 = arith.constant 0 : i32
        %dma_start3A_799 = arith.constant 0 : i32
        %dma_start3A_800 = tpu.memref_slice %arg4[%dma_start3A_798, %dma_start3A_799] : memref<262144x16xi32, #tpu.memory_space<hbm>> -> memref<262144x16xi32, #tpu.memory_space<hbm>>
        tpu.enqueue_indirect_dma source(%dma_start3A_800 : memref<262144x16xi32, #tpu.memory_space<hbm>>) target(%dma_start3A_794 : memref<128x16xi32, #tpu.memory_space<vmem>>) offsets(%dma_start3A_797 : memref<128xi32, #tpu.memory_space<vmem>>) semaphore(%arg18 : memref<!tpu.dma_semaphore, #tpu.memory_space<semaphore_mem>>)
        %dma_start3A_801 = arith.constant 0 : i32
        %dma_start3A_802 = arith.constant 0 : i32
        %dma_start3A_803 = arith.constant 384 : i32
        %dma_start3A_804 = arith.constant 0 : i32
        %dma_start3A_805 = tpu.memref_slice %arg14[%dma_start3A_802, %dma_start3A_803, %dma_start3A_804] : memref<2x512x16xi32, #tpu.memory_space<vmem>> -> memref<1x128x16xi32, #tpu.memory_space<vmem>>
        %dma_start3A_806 = tpu.memref_squeeze %dma_start3A_805 : memref<1x128x16xi32, #tpu.memory_space<vmem>> -> memref<128x16xi32, #tpu.memory_space<vmem>>
        %dma_start3A_807 = arith.constant 384 : i32
        %dma_start3A_808 = tpu.memref_slice %arg10[%dma_start3A_801, %dma_start3A_807] : memref<2x512xi32, #tpu.memory_space<vmem>> -> memref<1x128xi32, #tpu.memory_space<vmem>>
        %dma_start3A_809 = tpu.memref_squeeze %dma_start3A_808 : memref<1x128xi32, #tpu.memory_space<vmem>> -> memref<128xi32, #tpu.memory_space<vmem>>
        %dma_start3A_810 = arith.constant 0 : i32
        %dma_start3A_811 = arith.constant 0 : i32
        %dma_start3A_812 = tpu.memref_slice %arg4[%dma_start3A_810, %dma_start3A_811] : memref<262144x16xi32, #tpu.memory_space<hbm>> -> memref<262144x16xi32, #tpu.memory_space<hbm>>
        tpu.enqueue_indirect_dma source(%dma_start3A_812 : memref<262144x16xi32, #tpu.memory_space<hbm>>) target(%dma_start3A_806 : memref<128x16xi32, #tpu.memory_space<vmem>>) offsets(%dma_start3A_809 : memref<128xi32, #tpu.memory_space<vmem>>) semaphore(%arg18 : memref<!tpu.dma_semaphore, #tpu.memory_space<semaphore_mem>>)
        %dma_start3A_813 = arith.constant 0 : i32
        %dma_start3A_814 = arith.constant 0 : i32
        %dma_start3A_815 = arith.constant 0 : i32
        %dma_start3A_816 = arith.constant 0 : i32
        %dma_start3A_817 = tpu.memref_slice %arg15[%dma_start3A_814, %dma_start3A_815, %dma_start3A_816] : memref<2x512x16xi32, #tpu.memory_space<vmem>> -> memref<1x128x16xi32, #tpu.memory_space<vmem>>
        %dma_start3A_818 = tpu.memref_squeeze %dma_start3A_817 : memref<1x128x16xi32, #tpu.memory_space<vmem>> -> memref<128x16xi32, #tpu.memory_space<vmem>>
        %dma_start3A_819 = arith.constant 0 : i32
        %dma_start3A_820 = tpu.memref_slice %arg11[%dma_start3A_813, %dma_start3A_819] : memref<2x512xi32, #tpu.memory_space<vmem>> -> memref<1x128xi32, #tpu.memory_space<vmem>>
        %dma_start3A_821 = tpu.memref_squeeze %dma_start3A_820 : memref<1x128xi32, #tpu.memory_space<vmem>> -> memref<128xi32, #tpu.memory_space<vmem>>
        %dma_start3A_822 = arith.constant 0 : i32
        %dma_start3A_823 = arith.constant 0 : i32
        %dma_start3A_824 = tpu.memref_slice %arg5[%dma_start3A_822, %dma_start3A_823] : memref<65536x16xi32, #tpu.memory_space<hbm>> -> memref<65536x16xi32, #tpu.memory_space<hbm>>
        tpu.enqueue_indirect_dma source(%dma_start3A_824 : memref<65536x16xi32, #tpu.memory_space<hbm>>) target(%dma_start3A_818 : memref<128x16xi32, #tpu.memory_space<vmem>>) offsets(%dma_start3A_821 : memref<128xi32, #tpu.memory_space<vmem>>) semaphore(%arg18 : memref<!tpu.dma_semaphore, #tpu.memory_space<semaphore_mem>>)
        %dma_start3A_825 = arith.constant 0 : i32
        %dma_start3A_826 = arith.constant 0 : i32
        %dma_start3A_827 = arith.constant 128 : i32
        %dma_start3A_828 = arith.constant 0 : i32
        %dma_start3A_829 = tpu.memref_slice %arg15[%dma_start3A_826, %dma_start3A_827, %dma_start3A_828] : memref<2x512x16xi32, #tpu.memory_space<vmem>> -> memref<1x128x16xi32, #tpu.memory_space<vmem>>
        %dma_start3A_830 = tpu.memref_squeeze %dma_start3A_829 : memref<1x128x16xi32, #tpu.memory_space<vmem>> -> memref<128x16xi32, #tpu.memory_space<vmem>>
        %dma_start3A_831 = arith.constant 128 : i32
        %dma_start3A_832 = tpu.memref_slice %arg11[%dma_start3A_825, %dma_start3A_831] : memref<2x512xi32, #tpu.memory_space<vmem>> -> memref<1x128xi32, #tpu.memory_space<vmem>>
        %dma_start3A_833 = tpu.memref_squeeze %dma_start3A_832 : memref<1x128xi32, #tpu.memory_space<vmem>> -> memref<128xi32, #tpu.memory_space<vmem>>
        %dma_start3A_834 = arith.constant 0 : i32
        %dma_start3A_835 = arith.constant 0 : i32
        %dma_start3A_836 = tpu.memref_slice %arg5[%dma_start3A_834, %dma_start3A_835] : memref<65536x16xi32, #tpu.memory_space<hbm>> -> memref<65536x16xi32, #tpu.memory_space<hbm>>
        tpu.enqueue_indirect_dma source(%dma_start3A_836 : memref<65536x16xi32, #tpu.memory_space<hbm>>) target(%dma_start3A_830 : memref<128x16xi32, #tpu.memory_space<vmem>>) offsets(%dma_start3A_833 : memref<128xi32, #tpu.memory_space<vmem>>) semaphore(%arg18 : memref<!tpu.dma_semaphore, #tpu.memory_space<semaphore_mem>>)
        %dma_start3A_837 = arith.constant 0 : i32
        %dma_start3A_838 = arith.constant 0 : i32
        %dma_start3A_839 = arith.constant 256 : i32
        %dma_start3A_840 = arith.constant 0 : i32
        %dma_start3A_841 = tpu.memref_slice %arg15[%dma_start3A_838, %dma_start3A_839, %dma_start3A_840] : memref<2x512x16xi32, #tpu.memory_space<vmem>> -> memref<1x128x16xi32, #tpu.memory_space<vmem>>
        %dma_start3A_842 = tpu.memref_squeeze %dma_start3A_841 : memref<1x128x16xi32, #tpu.memory_space<vmem>> -> memref<128x16xi32, #tpu.memory_space<vmem>>
        %dma_start3A_843 = arith.constant 256 : i32
        %dma_start3A_844 = tpu.memref_slice %arg11[%dma_start3A_837, %dma_start3A_843] : memref<2x512xi32, #tpu.memory_space<vmem>> -> memref<1x128xi32, #tpu.memory_space<vmem>>
        %dma_start3A_845 = tpu.memref_squeeze %dma_start3A_844 : memref<1x128xi32, #tpu.memory_space<vmem>> -> memref<128xi32, #tpu.memory_space<vmem>>
        %dma_start3A_846 = arith.constant 0 : i32
        %dma_start3A_847 = arith.constant 0 : i32
        %dma_start3A_848 = tpu.memref_slice %arg5[%dma_start3A_846, %dma_start3A_847] : memref<65536x16xi32, #tpu.memory_space<hbm>> -> memref<65536x16xi32, #tpu.memory_space<hbm>>
        tpu.enqueue_indirect_dma source(%dma_start3A_848 : memref<65536x16xi32, #tpu.memory_space<hbm>>) target(%dma_start3A_842 : memref<128x16xi32, #tpu.memory_space<vmem>>) offsets(%dma_start3A_845 : memref<128xi32, #tpu.memory_space<vmem>>) semaphore(%arg18 : memref<!tpu.dma_semaphore, #tpu.memory_space<semaphore_mem>>)
        %dma_start3A_849 = arith.constant 0 : i32
        %dma_start3A_850 = arith.constant 0 : i32
        %dma_start3A_851 = arith.constant 384 : i32
        %dma_start3A_852 = arith.constant 0 : i32
        %dma_start3A_853 = tpu.memref_slice %arg15[%dma_start3A_850, %dma_start3A_851, %dma_start3A_852] : memref<2x512x16xi32, #tpu.memory_space<vmem>> -> memref<1x128x16xi32, #tpu.memory_space<vmem>>
        %dma_start3A_854 = tpu.memref_squeeze %dma_start3A_853 : memref<1x128x16xi32, #tpu.memory_space<vmem>> -> memref<128x16xi32, #tpu.memory_space<vmem>>
        %dma_start3A_855 = arith.constant 384 : i32
        %dma_start3A_856 = tpu.memref_slice %arg11[%dma_start3A_849, %dma_start3A_855] : memref<2x512xi32, #tpu.memory_space<vmem>> -> memref<1x128xi32, #tpu.memory_space<vmem>>
        %dma_start3A_857 = tpu.memref_squeeze %dma_start3A_856 : memref<1x128xi32, #tpu.memory_space<vmem>> -> memref<128xi32, #tpu.memory_space<vmem>>
        %dma_start3A_858 = arith.constant 0 : i32
        %dma_start3A_859 = arith.constant 0 : i32
        %dma_start3A_860 = tpu.memref_slice %arg5[%dma_start3A_858, %dma_start3A_859] : memref<65536x16xi32, #tpu.memory_space<hbm>> -> memref<65536x16xi32, #tpu.memory_space<hbm>>
        tpu.enqueue_indirect_dma source(%dma_start3A_860 : memref<65536x16xi32, #tpu.memory_space<hbm>>) target(%dma_start3A_854 : memref<128x16xi32, #tpu.memory_space<vmem>>) offsets(%dma_start3A_857 : memref<128xi32, #tpu.memory_space<vmem>>) semaphore(%arg18 : memref<!tpu.dma_semaphore, #tpu.memory_space<semaphore_mem>>)
        %dma_start3A_861 = arith.constant 0 : i32
        %dma_start3A_862 = arith.constant 0 : i32
        %dma_start3A_863 = arith.constant 0 : i32
        %dma_start3A_864 = arith.constant 0 : i32
        %dma_start3A_865 = tpu.memref_slice %arg16[%dma_start3A_862, %dma_start3A_863, %dma_start3A_864] : memref<2x512x16xi32, #tpu.memory_space<vmem>> -> memref<1x128x16xi32, #tpu.memory_space<vmem>>
        %dma_start3A_866 = tpu.memref_squeeze %dma_start3A_865 : memref<1x128x16xi32, #tpu.memory_space<vmem>> -> memref<128x16xi32, #tpu.memory_space<vmem>>
        %dma_start3A_867 = arith.constant 0 : i32
        %dma_start3A_868 = tpu.memref_slice %arg12[%dma_start3A_861, %dma_start3A_867] : memref<2x512xi32, #tpu.memory_space<vmem>> -> memref<1x128xi32, #tpu.memory_space<vmem>>
        %dma_start3A_869 = tpu.memref_squeeze %dma_start3A_868 : memref<1x128xi32, #tpu.memory_space<vmem>> -> memref<128xi32, #tpu.memory_space<vmem>>
        %dma_start3A_870 = arith.constant 0 : i32
        %dma_start3A_871 = arith.constant 0 : i32
        %dma_start3A_872 = tpu.memref_slice %arg6[%dma_start3A_870, %dma_start3A_871] : memref<16384x16xi32, #tpu.memory_space<hbm>> -> memref<16384x16xi32, #tpu.memory_space<hbm>>
        tpu.enqueue_indirect_dma source(%dma_start3A_872 : memref<16384x16xi32, #tpu.memory_space<hbm>>) target(%dma_start3A_866 : memref<128x16xi32, #tpu.memory_space<vmem>>) offsets(%dma_start3A_869 : memref<128xi32, #tpu.memory_space<vmem>>) semaphore(%arg18 : memref<!tpu.dma_semaphore, #tpu.memory_space<semaphore_mem>>)
        %dma_start3A_873 = arith.constant 0 : i32
        %dma_start3A_874 = arith.constant 0 : i32
        %dma_start3A_875 = arith.constant 128 : i32
        %dma_start3A_876 = arith.constant 0 : i32
        %dma_start3A_877 = tpu.memref_slice %arg16[%dma_start3A_874, %dma_start3A_875, %dma_start3A_876] : memref<2x512x16xi32, #tpu.memory_space<vmem>> -> memref<1x128x16xi32, #tpu.memory_space<vmem>>
        %dma_start3A_878 = tpu.memref_squeeze %dma_start3A_877 : memref<1x128x16xi32, #tpu.memory_space<vmem>> -> memref<128x16xi32, #tpu.memory_space<vmem>>
        %dma_start3A_879 = arith.constant 128 : i32
        %dma_start3A_880 = tpu.memref_slice %arg12[%dma_start3A_873, %dma_start3A_879] : memref<2x512xi32, #tpu.memory_space<vmem>> -> memref<1x128xi32, #tpu.memory_space<vmem>>
        %dma_start3A_881 = tpu.memref_squeeze %dma_start3A_880 : memref<1x128xi32, #tpu.memory_space<vmem>> -> memref<128xi32, #tpu.memory_space<vmem>>
        %dma_start3A_882 = arith.constant 0 : i32
        %dma_start3A_883 = arith.constant 0 : i32
        %dma_start3A_884 = tpu.memref_slice %arg6[%dma_start3A_882, %dma_start3A_883] : memref<16384x16xi32, #tpu.memory_space<hbm>> -> memref<16384x16xi32, #tpu.memory_space<hbm>>
        tpu.enqueue_indirect_dma source(%dma_start3A_884 : memref<16384x16xi32, #tpu.memory_space<hbm>>) target(%dma_start3A_878 : memref<128x16xi32, #tpu.memory_space<vmem>>) offsets(%dma_start3A_881 : memref<128xi32, #tpu.memory_space<vmem>>) semaphore(%arg18 : memref<!tpu.dma_semaphore, #tpu.memory_space<semaphore_mem>>)
        %dma_start3A_885 = arith.constant 0 : i32
        %dma_start3A_886 = arith.constant 0 : i32
        %dma_start3A_887 = arith.constant 256 : i32
        %dma_start3A_888 = arith.constant 0 : i32
        %dma_start3A_889 = tpu.memref_slice %arg16[%dma_start3A_886, %dma_start3A_887, %dma_start3A_888] : memref<2x512x16xi32, #tpu.memory_space<vmem>> -> memref<1x128x16xi32, #tpu.memory_space<vmem>>
        %dma_start3A_890 = tpu.memref_squeeze %dma_start3A_889 : memref<1x128x16xi32, #tpu.memory_space<vmem>> -> memref<128x16xi32, #tpu.memory_space<vmem>>
        %dma_start3A_891 = arith.constant 256 : i32
        %dma_start3A_892 = tpu.memref_slice %arg12[%dma_start3A_885, %dma_start3A_891] : memref<2x512xi32, #tpu.memory_space<vmem>> -> memref<1x128xi32, #tpu.memory_space<vmem>>
        %dma_start3A_893 = tpu.memref_squeeze %dma_start3A_892 : memref<1x128xi32, #tpu.memory_space<vmem>> -> memref<128xi32, #tpu.memory_space<vmem>>
        %dma_start3A_894 = arith.constant 0 : i32
        %dma_start3A_895 = arith.constant 0 : i32
        %dma_start3A_896 = tpu.memref_slice %arg6[%dma_start3A_894, %dma_start3A_895] : memref<16384x16xi32, #tpu.memory_space<hbm>> -> memref<16384x16xi32, #tpu.memory_space<hbm>>
        tpu.enqueue_indirect_dma source(%dma_start3A_896 : memref<16384x16xi32, #tpu.memory_space<hbm>>) target(%dma_start3A_890 : memref<128x16xi32, #tpu.memory_space<vmem>>) offsets(%dma_start3A_893 : memref<128xi32, #tpu.memory_space<vmem>>) semaphore(%arg18 : memref<!tpu.dma_semaphore, #tpu.memory_space<semaphore_mem>>)
        %dma_start3A_897 = arith.constant 0 : i32
        %dma_start3A_898 = arith.constant 0 : i32
        %dma_start3A_899 = arith.constant 384 : i32
        %dma_start3A_900 = arith.constant 0 : i32
        %dma_start3A_901 = tpu.memref_slice %arg16[%dma_start3A_898, %dma_start3A_899, %dma_start3A_900] : memref<2x512x16xi32, #tpu.memory_space<vmem>> -> memref<1x128x16xi32, #tpu.memory_space<vmem>>
        %dma_start3A_902 = tpu.memref_squeeze %dma_start3A_901 : memref<1x128x16xi32, #tpu.memory_space<vmem>> -> memref<128x16xi32, #tpu.memory_space<vmem>>
        %dma_start3A_903 = arith.constant 384 : i32
        %dma_start3A_904 = tpu.memref_slice %arg12[%dma_start3A_897, %dma_start3A_903] : memref<2x512xi32, #tpu.memory_space<vmem>> -> memref<1x128xi32, #tpu.memory_space<vmem>>
        %dma_start3A_905 = tpu.memref_squeeze %dma_start3A_904 : memref<1x128xi32, #tpu.memory_space<vmem>> -> memref<128xi32, #tpu.memory_space<vmem>>
        %dma_start3A_906 = arith.constant 0 : i32
        %dma_start3A_907 = arith.constant 0 : i32
        %dma_start3A_908 = tpu.memref_slice %arg6[%dma_start3A_906, %dma_start3A_907] : memref<16384x16xi32, #tpu.memory_space<hbm>> -> memref<16384x16xi32, #tpu.memory_space<hbm>>
        tpu.enqueue_indirect_dma source(%dma_start3A_908 : memref<16384x16xi32, #tpu.memory_space<hbm>>) target(%dma_start3A_902 : memref<128x16xi32, #tpu.memory_space<vmem>>) offsets(%dma_start3A_905 : memref<128xi32, #tpu.memory_space<vmem>>) semaphore(%arg18 : memref<!tpu.dma_semaphore, #tpu.memory_space<semaphore_mem>>)
      } else {
      }
    }
    %scan3A_265 = arith.constant 64 : i32
    %dma_wait3A_266 = arith.constant 0 : i32
    %dma_wait3A_267 = arith.constant 0 : i32
    %dma_wait3A_268 = arith.constant 0 : i32
    %dma_wait3A_269 = tpu.memref_slice %arg17[%dma_wait3A_266, %dma_wait3A_267, %dma_wait3A_268] : memref<2x16x256xf32, #tpu.memory_space<vmem>> -> memref<1x16x256xf32, #tpu.memory_space<vmem>>
    %dma_wait3A_270 = tpu.memref_squeeze %dma_wait3A_269 : memref<1x16x256xf32, #tpu.memory_space<vmem>> -> memref<16x256xf32, #tpu.memory_space<vmem>>
    %dma_wait3A_271 = arith.constant 0 : i32
    %dma_wait3A_272 = tpu.memref_slice %arg7[%select_n3A, %dma_wait3A_271, %mul3A_32] : memref<4x16x262144xf32, #tpu.memory_space<hbm>> -> memref<1x16x256xf32, #tpu.memory_space<hbm>>
    %dma_wait3A_273 = tpu.memref_squeeze %dma_wait3A_272 : memref<1x16x256xf32, #tpu.memory_space<hbm>> -> memref<16x256xf32, #tpu.memory_space<hbm>>
    %dma_wait3A_274 = arith.constant 0 : i32
    %dma_wait3A_275 = tpu.memref_slice %arg7[%select_n3A, %dma_wait3A_274, %mul3A_32] : memref<4x16x262144xf32, #tpu.memory_space<hbm>> -> memref<1x16x256xf32, #tpu.memory_space<hbm>>
    %dma_wait3A_276 = tpu.memref_squeeze %dma_wait3A_275 : memref<1x16x256xf32, #tpu.memory_space<hbm>> -> memref<16x256xf32, #tpu.memory_space<hbm>>
    %dma_wait3A_277 = arith.constant 0 : i32
    %dma_wait3A_278 = arith.constant 0 : i32
    %dma_wait3A_279 = tpu.memref_slice %arg17[%dma_wait3A_266, %dma_wait3A_277, %dma_wait3A_278] : memref<2x16x256xf32, #tpu.memory_space<vmem>> -> memref<1x16x256xf32, #tpu.memory_space<vmem>>
    %dma_wait3A_280 = tpu.memref_squeeze %dma_wait3A_279 : memref<1x16x256xf32, #tpu.memory_space<vmem>> -> memref<16x256xf32, #tpu.memory_space<vmem>>
    tpu.wait_dma2 semaphore(%arg22 : memref<!tpu.dma_semaphore, #tpu.memory_space<semaphore_mem>>) src(%dma_wait3A_280 : memref<16x256xf32, #tpu.memory_space<vmem>>) dst(%dma_wait3A_276 : memref<16x256xf32, #tpu.memory_space<hbm>>)
    %dma_wait3A_281 = arith.constant 1 : i32
    %dma_wait3A_282 = arith.constant 0 : i32
    %dma_wait3A_283 = arith.constant 0 : i32
    %dma_wait3A_284 = tpu.memref_slice %arg17[%dma_wait3A_281, %dma_wait3A_282, %dma_wait3A_283] : memref<2x16x256xf32, #tpu.memory_space<vmem>> -> memref<1x16x256xf32, #tpu.memory_space<vmem>>
    %dma_wait3A_285 = tpu.memref_squeeze %dma_wait3A_284 : memref<1x16x256xf32, #tpu.memory_space<vmem>> -> memref<16x256xf32, #tpu.memory_space<vmem>>
    %dma_wait3A_286 = arith.constant 0 : i32
    %dma_wait3A_287 = tpu.memref_slice %arg7[%select_n3A, %dma_wait3A_286, %mul3A_32] : memref<4x16x262144xf32, #tpu.memory_space<hbm>> -> memref<1x16x256xf32, #tpu.memory_space<hbm>>
    %dma_wait3A_288 = tpu.memref_squeeze %dma_wait3A_287 : memref<1x16x256xf32, #tpu.memory_space<hbm>> -> memref<16x256xf32, #tpu.memory_space<hbm>>
    %dma_wait3A_289 = arith.constant 0 : i32
    %dma_wait3A_290 = tpu.memref_slice %arg7[%select_n3A, %dma_wait3A_289, %mul3A_32] : memref<4x16x262144xf32, #tpu.memory_space<hbm>> -> memref<1x16x256xf32, #tpu.memory_space<hbm>>
    %dma_wait3A_291 = tpu.memref_squeeze %dma_wait3A_290 : memref<1x16x256xf32, #tpu.memory_space<hbm>> -> memref<16x256xf32, #tpu.memory_space<hbm>>
    %dma_wait3A_292 = arith.constant 0 : i32
    %dma_wait3A_293 = arith.constant 0 : i32
    %dma_wait3A_294 = tpu.memref_slice %arg17[%dma_wait3A_281, %dma_wait3A_292, %dma_wait3A_293] : memref<2x16x256xf32, #tpu.memory_space<vmem>> -> memref<1x16x256xf32, #tpu.memory_space<vmem>>
    %dma_wait3A_295 = tpu.memref_squeeze %dma_wait3A_294 : memref<1x16x256xf32, #tpu.memory_space<vmem>> -> memref<16x256xf32, #tpu.memory_space<vmem>>
    tpu.wait_dma2 semaphore(%arg23 : memref<!tpu.dma_semaphore, #tpu.memory_space<semaphore_mem>>) src(%dma_wait3A_295 : memref<16x256xf32, #tpu.memory_space<vmem>>) dst(%dma_wait3A_291 : memref<16x256xf32, #tpu.memory_space<hbm>>)
    return
  }
}

</mosaic_0001>

<sc_bundles>
// kernel: kernel.3.cloned.1.call-start
scs
__scs_entry_jumppad:
0x0: {  	(pc) =	sbr.rel $0x88, $3  }
0x1: {  	(tag) =	ssettag $0x0;
	lr =	simm.s32 $0x1  }
0x2: {  	[smem:$0x3F9B] =	sst lr;
	_ =	strace $0xD0000000  }
0x3: {  	_ = 	snop  }
0x4: {  	_ = 	snop  }
0x5: {  	_ = 	snop  }
0x6: {  	_ = 	snop  }
0x7: {  	_ = 	snop  }
__scs_overlays_trampoline_lowered:
0x8: {  	[smem:$0x3FAA] =	sst s0  }
0x9: {  	[smem:$0x3FAB] =	sst s1  }
0xa: {  	[smem:$0x3FAC] =	sst s2  }
0xb: {  	[smem:$0x3FAD] =	sst s3  }
0xc: {  	[smem:$0x3FAE] =	sst s4  }
0xd: {  	[smem:$0x3FAF] =	sst s5  }
0xe: {  	[smem:$0x3FB0] =	sst s6  }
0xf: {  	[smem:$0x3FB1] =	sst s7  }
0x10: {  	[smem:$0x3FB2] =	sst s8  }
0x11: {  	[smem:$0x3FB3] =	sst s9;
	s0 =	simm.s32 @!p0 $0x0  }
0x12: {  	s1 =	sld [smem:$0x3F99];
	s0 =	simm.s32 @p0 $0x1  }
0x13: {  	[smem:$0x3FB4] =	sst s0;
	s0 =	simm.s32 @!p1 $0x0  }
0x14: {  	s2 =	sld [smem:$0x3F98];
	s0 =	simm.s32 @p1 $0x1  }
0x15: {  	[smem:$0x3FB5] =	sst s0;
	s0 =	simm.s32 @!p2 $0x0  }
0x16: {  	s3 =	sld [smem:$0x3FDB];
	s0 =	simm.s32 @p2 $0x1  }
0x17: {  	s4 =	simm.s32 $0x1BF5;
	[smem:$0x3FB7] =	sst s0  }
0x18: {  	s0 =	sld [smem:$0x3F9A];
	_ =	swait.ge [sflag:s4], $0x0  }
0x19: {  	s7 =	sld [smem:$0x3F9B]  }
0x1a: {  	s8 =	sadd.s32 $0xFFFFE003, lr  }
0x1b: {  	s9 =	sadd.s32 $0xFFFFFEF7, lr;
	s5 =	simm.s32 $0xFFFFFFFF;
	p2 =	slt.u32 s8, $0xFFFFF086  }
0x1c: {  	p1 =	slt.u32 s9, $0xF7A;
	s5 =	simm.s32 @!p2 $0x0  }
0x1d: {  	s5 =	simm.s32 @p1 $0x1;
	p0 =	seq.s32 s7, s2  }
0x1e: {  	s7 =	smul.u32 @!p0 $0xF7A, s2;
	p2 =	seq.s32 @!p0 s5, $0x0  }
0x1f: {  	s9 =	smul.u32 $0xF7A, s1;
	s8 =	simm.s32 @!p0 $0x1BF5;
	p2 =	por !p2, p0  }
0x20: {  	[sflag:s8] =	ssyncset.s32 @!p0 $0xFFFFF086;
	s6 =	sadd.s32 @!p0 s3, s7;
	s7 =	simm.s32 @!p0 $0x108  }
0x21: {  	s3 =	sadd.s32 s3, s9;
	s6 =	sadd.s32 @!p0 $0x88, s6;
	s7 =	simm.s32 @p2 $0x1082  }
0x22: {  	[simem:s7], [sflag:s8] =	dma.local @!p0 [hbm:s6], $0xF7A  }
0x23: {  	s9 =	sor.u32 $0xD0000000, s2;
	s6 =	simm.s32 $0x108;
	_ =	swait.ge @!p0 [sflag:s8], $0x0  }
0x24: {  	s3 =	sadd.s32 $0x88, s3;
	s6 =	simm.s32 @!p1 $0x1082;
	[sflag:s4] =	ssyncset.s32 $0xFFFFF086  }
0x25: {  	[simem:s6], [sflag:s4] =	dma.local [hbm:s3], $0xF7A  }
0x26: {  	[smem:$0x3F9B] =	sst s1;
	(tag) =	ssettag s2;
	_ =	strace s9  }
0x27: {  	s1 =	sld [smem:$0x3FAB]  }
0x28: {  	s2 =	sld [smem:$0x3FAC]  }
0x29: {  	s4 =	sld [smem:$0x3FAE]  }
0x2a: {  	p0 =	seq.s32 s5, $0x0;
	s5 =	sld [smem:$0x3FAF]  }
0x2b: {  	s6 =	sld [smem:$0x3FB0]  }
0x2c: {  	s7 =	sld [smem:$0x3FB1]  }
0x2d: {  	s3 =	simm.s32 $0x108;
	s8 =	sld [smem:$0x3FB2]  }
0x2e: {  	s3 =	simm.s32 @!p0 $0x1082;
	s9 =	sld [smem:$0x3FB3]  }
0x2f: {  	lr =	sadd.s32 s0, s3;
	s0 =	sld [smem:$0x3FAA]  }
0x30: {  	s3 =	sld [smem:$0x3FAD]  }
0x31: {  	[smem:$0x3FB6] =	sst s10  }
0x32: {  	s10 =	sld [smem:$0x3FB4];
	_ =	sdelay $0x3  }
0x33: {  	p0 =	seq.s32 s10, $0x1;
	s10 =	sld [smem:$0x3FB6];
	_ =	sdelay $0x3  }
0x34: {  	[smem:$0x3FB6] =	sst s10  }
0x35: {  	s10 =	sld [smem:$0x3FB5];
	_ =	sdelay $0x3  }
0x36: {  	p1 =	seq.s32 s10, $0x1;
	s10 =	sld [smem:$0x3FB6];
	_ =	sdelay $0x3  }
0x37: {  	[smem:$0x3FB6] =	sst s10  }
0x38: {  	s10 =	sld [smem:$0x3FB7]  }
0x39: {  	_ = 	snop;
	(pc) =	sbr.ind lr, $3  }
0x3a: {  	_ = 	snop  }
0x3b: {  	_ = 	snop  }
0x3c: {  	p2 =	seq.s32 s10, $0x1;
	s10 =	sld [smem:$0x3FB6]  }
0x3d: {  	_ =	shalt  }
0x3e: {  	_ =	shalt  }
0x3f: {  	_ =	shalt  }
0x40: {  	_ =	shalt  }
0x41: {  	_ =	shalt  }
0x42: {  	_ =	shalt  }
0x43: {  	_ =	shalt  }
0x44: {  	_ =	shalt  }
0x45: {  	_ =	shalt  }
0x46: {  	_ =	shalt  }
0x47: {  	_ =	shalt  }
0x48: {  	_ =	shalt  }
0x49: {  	_ =	shalt  }
0x4a: {  	_ =	shalt  }
0x4b: {  	_ =	shalt  }
0x4c: {  	_ =	shalt  }
0x4d: {  	_ =	shalt  }
0x4e: {  	_ =	shalt  }
0x4f: {  	_ =	shalt  }
0x50: {  	_ =	shalt  }
0x51: {  	_ =	shalt  }
0x52: {  	_ =	shalt  }
0x53: {  	_ =	shalt  }
0x54: {  	_ =	shalt  }
0x55: {  	_ =	shalt  }
0x56: {  	_ =	shalt  }
0x57: {  	_ =	shalt  }
0x58: {  	_ =	shalt  }
0x59: {  	_ =	shalt  }
0x5a: {  	_ =	shalt  }
0x5b: {  	_ =	shalt  }
0x5c: {  	_ =	shalt  }
0x5d: {  	_ =	shalt  }
0x5e: {  	_ =	shalt  }
0x5f: {  	_ =	shalt  }
0x60: {  	_ =	shalt  }
0x61: {  	_ =	shalt  }
0x62: {  	_ =	shalt  }
0x63: {  	_ =	shalt  }
0x64: {  	_ =	shalt  }
0x65: {  	_ =	shalt  }
0x66: {  	_ =	shalt  }
0x67: {  	_ =	shalt  }
0x68: {  	_ =	shalt  }
0x69: {  	_ =	shalt  }
0x6a: {  	_ =	shalt  }
0x6b: {  	_ =	shalt  }
0x6c: {  	_ =	shalt  }
0x6d: {  	_ =	shalt  }
0x6e: {  	_ =	shalt  }
0x6f: {  	_ =	shalt  }
0x70: {  	_ =	shalt  }
0x71: {  	_ =	shalt  }
0x72: {  	_ =	shalt  }
0x73: {  	_ =	shalt  }
0x74: {  	_ =	shalt  }
0x75: {  	_ =	shalt  }
0x76: {  	_ =	shalt  }
0x77: {  	_ =	shalt  }
0x78: {  	_ =	shalt  }
0x79: {  	_ =	shalt  }
0x7a: {  	_ =	shalt  }
0x7b: {  	_ =	shalt  }
0x7c: {  	_ =	shalt  }
0x7d: {  	_ =	shalt  }
0x7e: {  	_ =	shalt  }
0x7f: {  	_ =	shalt  }
0x80: {  	_ =	shalt  }
0x81: {  	_ =	shalt  }
0x82: {  	_ =	shalt  }
0x83: {  	_ =	shalt  }
0x84: {  	_ =	shalt  }
0x85: {  	_ =	shalt  }
0x86: {  	_ =	shalt  }
0x87: {  	_ =	shalt  }
.Lfunc_end0:
.L_simem_size_0:
called_computation.1_lowered:
.L_overlay_start_0:
0x88: {  	s2 =	sld [smem:$0x3FD9]  }
0x89: {  	s3 =	sld [smem:$0x3FFE];
	_ =	sdelay $0x1  }
0x8a: {  	s1 =	srdreg.scid  }
0x8b: {  	s0 =	sand.u32 $0x1, s1  }
0x8c: {  	s17 =	sshll.u32 s0, $0xA;
	s2 =	sadd.s32 s3, s2  }
0x8d: {  	s2 =	sadd.s32 s2, s17  }
0x8e: {  	[smem:$0x3FC2] =	sst s2  }
0x8f: {  	_ = 	snop  }
0x90: {  	s2 =	sld [smem:$0x3FD0];
	(tm) =	ssettm $0x1  }
0x91: {  	s18 =	sld [smem:$0x3FFB];
	_ =	sdelay $0x3  }
0x92: {  	_ =	strace s18  }
0x93: {  	s3 =	sld [smem:$0x3FFC];
	_ =	sdelay $0x3  }
0x94: {  	_ =	strace s3  }
0x95: {  	s3 =	sld [smem:$0x3FFD];
	_ =	sdelay $0x3  }
0x96: {  	_ =	strace s3  }
0x97: {  	_ =	strace $0x8FFFFFFF  }
0x98: {  	s19 =	sld [smem:$0x3FDB];
	_ =	sdelay $0x1  }
0x99: {  	s4 =	simm.s32 $_scs_section_size  }
0x9a: {  	s5 =	simm.s32 $_size__tile_overlayer_lowered;
	s6 =	simm.s32 $_tile_overlayer_lowered  }
0x9b: {  	s22 =	simm.s32 $0x1BFF;
	s21 =	sshll.u32 s6, $0x1;
	s3 =	sadd.s32 s4, s19  }
0x9c: {  	s7 =	simm.s32 $0x0;
	s20 =	sshll.u32 s5, $0x1;
	s5 =	sadd.s32 s21, s3  }
0x9d: {  	[timem:s7], [sflag:s22] =	dma.local [hbm:s5], s20  }
0x9e: {  	_ =	swait.ge [sflag:s22], s20  }
0x9f: {  	s4 =	ssub.s32 $0x0, s20;
	[sflag:s22] =	ssyncset.done $0x0  }
0xa0: {  	[sflag:s22] =	ssyncadd.s32 s4;
	_ =	sdelay $0x1  }
0xa1: {  	s23 =	simm.s32 $0x1B8B  }
0xa2: {  	_ =	swait.ge [sflag:s23], $0x1  }
0xa3: {  	[sflag:s23] =	ssyncset.done $0x0  }
0xa4: {  	s25 =	simm.s32 $0x1B8E;
	s24 =	sld [smem:$0x3FFE];
	[sflag:s23] =	ssyncadd.s32 $0xFFFFFFFF  }
0xa5: {  	s26 =	simm.s32 $execute0_lowered;
	[smem:$0x3FD2] =	sst s25  }
0xa6: {  	s5 =	sshll.u32 s26, $0x1;
	_ =	strace $0x80000049;
	[dreg:$0x1] =	wrdreg $0xFFFFFFFF  }
0xa7: {  	s28 =	simm.s32 $_size_execute0_lowered;
	s3 =	sadd.s32 s3, s5;
	[dreg:$0x0] =	wrdreg $0x0  }
0xa8: {  	s5 =	sshll.u32 s28, $0x1;
	[dreg:$0x2] =	wrdreg s3  }
0xa9: {  	[dreg:$0x3] =	wrdreg s5  }
0xaa: {  	[dreg:$0x4] =	wrdreg $0xC0  }
0xab: {  	_ =	task [dreg:s7], $0x5FFFF  }
0xac: {  	[dreg:$0x1] =	wrdreg $0xFFFFFFFF  }
0xad: {  	[dreg:$0x0] =	wrdreg $0x60  }
0xae: {  	[dreg:$0x2] =	wrdreg s24  }
0xaf: {  	[dreg:$0x3] =	wrdreg s2  }
0xb0: {  	[dreg:$0x4] =	wrdreg $0x9  }
0xb1: {  	_ =	task.clear_ibuf [dreg:s7], $0x5FFFF;
	_ =	strace $0x90000049  }
0xb2: {  	s29 =	simm.s32 $0x9;
	_ =	strace $0x8000004B  }
0xb3: {  	_ =	swait.ge [sflag:s29], $0x1  }
0xb4: {  	[sflag:s29] =	ssyncadd.s32 $0xFFFFFFFF  }
0xb5: {  	_ =	strace $0x9000004B  }
0xb6: {  	_ =	sfence  }
0xb7: {  	s30 =	sld [smem:$0x0];
	_ =	sdelay $0x2  }
0xb8: {  	s31 =	sshll.u32 s1, $0xD;
	s1 =	sshrl.u32 s1, $0x2  }
0xb9: {  	s3 =	sand.u32 $0x4000, s31;
	s1 =	sadd.s32 s1, s30  }
0xba: {  	s0 =	sor.u32 s3, s0;
	s1 =	sshll.u32 s1, $0x11  }
0xbb: {  	s0 =	sor.u32 s1, s0  }
0xbc: {  	s0 =	sadd.s32 $0x8F2B, s0  }
0xbd: {  	[sflag:s0] =	ssyncadd.remote.s32 $0x1  }
0xbe: {  	_ =	sfence.sel $0xFFFF  }
0xbf: {  	[dreg:$0x0] =	wrdreg $0xFFFFFFFF;
	(pc) =	sbr.abs _section_cstart, $3  }
0xc0: {  	[dreg:$0x1] =	wrdreg $0xFFFFFFFF  }
0xc1: {  	_ =	task.clear_ibuf [dreg:s7], $0x2FFFF;
	_ =	strace $0x9FFFFFFF  }
0xc2: {  	(tm) =	ssettm $0x7FFFFFFF  }
0xc3: {  	_ =	shalt  }
tec
execute0_lowered:
.L_overlay_start_1:
0x0: {  	(tag) =	ssettag $0x1  }
0x1: {  	s0 =	rddreg [dreg:$0x0]  }
0x2: {  	s1 =	rddreg [dreg:$0x1];
	s2 =	simm.s32 $0x0;
	s24 =	srdreg.scid  }
0x3: {  	s10 =	stileid.u32;
	s14 =	simm.s32 $0x100;
	s16 =	simm.s32 $0x3  }
0x4: {  	s17 =	simm.s32 $0x80;
	s19 =	simm.s32 $0x1600;
	s28 =	simm.s32 $0x5600  }
0x5: {  	s18 =	simm.s32 $0x1;
	s20 =	simm.s32 $0x11600;
	s21 =	simm.s32 $0x40000  }
0x6: {  	s23 =	simm.s32 $0xF600;
	s29 =	simm.s32 $0x12600;
	[smem:$0x7FF] =	sst s2  }
0x7: {  	s22 =	simm.s32 $0x4;
	s4 =	sadd.s32 $0x1004200, s0;
	s5 =	sadd.s32 $0x1084200, s0  }
0x8: {  	s6 =	sadd.s32 $0x1204200, s0;
	s2 =	sand.u32 $0x1, s24;
	s7 =	sadd.s32 $0x1064200, s0  }
0x9: {  	s9 =	sshll.u32 s10, $0x1;
	s8 =	sadd.s32 $0x4200, s0;
	s26 =	sshll.u32 s10, $0x14  }
0xa: {  	s24 =	simm.s32 $0x3600;
	s10 =	simm.s32 $0x7600;
	_ =	strace $0x8000004A  }
0xb: {  	s3 =	ssub.s32 $0x2, s2;
	s2 =	sor.u32 s2, s9;
	s9 =	simm.s32 $0x0  }
0xc: {  	s25 =	sshrl.u32 s3, $0x1;
	s13 =	sshll.u32 s2, $0xF;
	s2 =	sshll.u32 s2, $0xC  }
.Ltmp0:
0xd: {  	s0 =	ssub.s32 s3, s25;
	s30 =	sor.u32 s26, s13;
	(pc) =	sbr.rel .LBB2_1-.Ltmp0, $4  }
0xe: {  	v0 =	vlaneseq.u32;
	s2 =	sadd.s32 s4, s2;
	s12 =	smov.u32 s13;
	s31 =	sor.u32 $0x200, s13  }
0xf: {  	v1 =	vmul.u32 $0x10, v0;
	s13 =	simm.s32 $0x9600;
	s26 =	simm.s32 $0xD600;
	[dreg:$0x3] =	wrdreg s2  }
0x10: {  	s25 =	simm.s32 $0x2;
	[dreg:$0x4] =	wrdreg s31;
	s0 =	smax.u32 s0, $0x1  }
0x11: {  	v2 =	vor.u32 $0xF8, v0;
	v1 =	vor.u32 $0x1000, v1;
	s11 =	sand.u32 $0xC38000, s30;
	s2 =	simm.s32 $0xB600;
	[dreg:$0x5] =	wrdreg s0  }
.LBB2_18:
0x12: {  	s0 =	simm.s32 $0x5  }
0x13: {  	_ =	swait.ge [sflag:s0], $0x1000  }
0x14: {  	[sflag:s0] =	ssyncset.done $0x0  }
0x15: {  	s3 =	simm.s32 $0x6;
	[sflag:s0] =	ssyncadd.s32 $0xFFFFF000  }
0x16: {  	_ =	swait.ge [sflag:s3], $0x1000  }
0x17: {  	s9 =	rddreg [dreg:$0x6]  }
0x18: {  	s31 =	rddreg [dreg:$0x5];
	s9 =	sadd.s32 $0x1, s9  }
0x19: {  	p0 =	sne.s32 s9, s31  }
.Ltmp1:
0x1a: {  	_ = 	snop;
	(pc) =	sbr.rel @!p0 .LBB2_19-.Ltmp1, $3  }
0x1b: {  	_ =	sdelay $0x1  }
0x1c: {  	[sflag:s3] =	ssyncset.done $0x0  }
0x1d: {  	[sflag:s3] =	ssyncadd.s32 $0xFFFFF000  }
.LBB2_1:
0x1e: {  	[dreg:$0x6] =	wrdreg s9  }
0x1f: {  	s0 =	simm.s32 $0x0;
	s3 =	rddreg [dreg:$0x3];
	s31 =	simm.s32 $0x100000  }
0x20: {  	[tilespmem:s0], [sflag:$0x3] =	stream.strided.gather [hbm4b:s3+s14], $0x300, s31, s14, $0x38;
	[tilespmem:$0x13600] =	vst v63  }
0x21: {  	_ =	swait.ge [sflag:s16], $0x300  }
0x22: {  	[sflag:s16] =	ssyncset.done $0x0  }
0x23: {  	s0 =	simm.s32 $0x0;
	[sflag:s16] =	ssyncadd.s32 $0xFFFFFD00  }
0x24: {  	v3 =	vld [tilespmem:s0+$0x100]  }
0x25: {  	v4 =	vld [tilespmem:s0+$0x0];
	_ =	sdelay $0x3  }
0x26: {  	v3 =	vadd.f32 v3, v3  }
0x27: {  	v4 =	vadd.f32 v4, v4  }
0x28: {  	v3 =	vadd.f32 $-1.000000000e+00, v3  }
0x29: {  	v4 =	vadd.f32 $-1.000000000e+00, v4  }
0x2a: {  	v3 =	vadd.f32 $1.000000000e+00, v3  }
0x2b: {  	v4 =	vadd.f32 $1.000000000e+00, v4  }
0x2c: {  	v3 =	vmul.f32 $5.000000000e-01, v3  }
0x2d: {  	v9 =	vmul.f32 $5.000000000e-01, v4  }
0x2e: {  	v10 =	vmul.f32 $1.023000000e+03, v3;
	v5 =	vmul.f32 $1.270000000e+02, v3  }
0x2f: {  	v6 =	vmul.f32 $5.110000000e+02, v3;
	v7 =	vmul.f32 $1.270000000e+02, v9  }
0x30: {  	v4 =	vmul.f32 $2.550000000e+02, v3;
	v3 =	vtrunc.f32 v5  }
0x31: {  	v7 =	vtrunc.f32 v7;
	v11 =	vcvt.f32.s32 v3  }
0x32: {  	v5 =	vmul.f32 $1.023000000e+03, v9;
	v8 =	vcvt.f32.s32 v7  }
0x33: {  	v7 =	vmul.f32 $5.110000000e+02, v9;
	v3 =	vmul.f32 $2.550000000e+02, v9;
	vm1 =	vlt.s32 v11, $0x7E  }
0x34: {  	s15 =	simm.s32 $0x80;
	s3 =	simm.s32 $0x10;
	v9 =	vtrunc.f32 v10;
	vm0 =	vlt.s32 v8, $0x7E;
	v10 =	vnsel vm1, $0x7E, v11  }
.LBB2_2:
0x35: {  	p0 =	sne.s32 s15, $0x3C0;
	v11 =	vld [tilespmem:s3+$0x100];
	v6 =	vtrunc.f32 v6;
	v8 =	vnsel vm0, $0x7E, v8;
	v10 =	vshll.u32 v10, $0x7  }
0x36: {  	v9 =	vcvt.f32.s32 v9;
	v4 =	vtrunc.f32 v4;
	v12 =	vld [tilespmem:s3+$0x0];
	v8 =	vadd.s32 v8, v10  }
0x37: {  	v6 =	vcvt.f32.s32 v6;
	v4 =	vcvt.f32.s32 v4;
	[tilespmem:s0+$0x1200] =	vst v8;
	v8 =	vadd.s32 $0x80, v8  }
0x38: {  	v5 =	vtrunc.f32 v5;
	v7 =	vtrunc.f32 v7;
	vm0 =	vlt.s32 v9, $0x3FE;
	[tilespmem:s0+$0x1300] =	vst v8  }
0x39: {  	v3 =	vtrunc.f32 v3;
	v5 =	vcvt.f32.s32 v5;
	vm1 =	vlt.s32 v6, $0x1FE  }
0x3a: {  	v7 =	vcvt.f32.s32 v7;
	v3 =	vcvt.f32.s32 v3;
	v8 =	vadd.f32 v11, v11  }
0x3b: {  	v9 =	vnsel vm0, $0x3FE, v9;
	vm0 =	vlt.s32 v4, $0xFE;
	v10 =	vadd.f32 v12, v12  }
0x3c: {  	v6 =	vnsel vm1, $0x1FE, v6;
	v4 =	vnsel vm0, $0xFE, v4;
	v8 =	vadd.f32 $-1.000000000e+00, v8  }
0x3d: {  	vm0 =	vlt.s32 v5, $0x3FE;
	vm1 =	vlt.s32 v7, $0x1FE;
	v10 =	vadd.f32 $-1.000000000e+00, v10  }
0x3e: {  	vm2 =	vlt.s32 v3, $0xFE;
	v9 =	vshll.u32 v9, $0xA;
	v8 =	vadd.f32 $1.000000000e+00, v8  }
0x3f: {  	v6 =	vshll.u32 v6, $0x9;
	v4 =	vshll.u32 v4, $0x8;
	v10 =	vadd.f32 $1.000000000e+00, v10  }
0x40: {  	v5 =	vnsel vm0, $0x3FE, v5;
	v7 =	vnsel vm1, $0x1FE, v7;
	v8 =	vmul.f32 $5.000000000e-01, v8  }
0x41: {  	v3 =	vnsel vm2, $0xFE, v3;
	v5 =	vadd.s32 v5, v9;
	v10 =	vmul.f32 $5.000000000e-01, v10  }
0x42: {  	v7 =	vadd.s32 v7, v6;
	v9 =	vmul.f32 $1.023000000e+03, v8;
	v11 =	vmul.f32 $1.270000000e+02, v8;
	[tilespmem:s0+$0x600] =	vst v5  }
0x43: {  	v3 =	vadd.s32 v3, v4;
	v6 =	vmul.f32 $5.110000000e+02, v8;
	v12 =	vmul.f32 $1.270000000e+02, v10;
	[tilespmem:s0+$0xA00] =	vst v7  }
.Ltmp2:
0x44: {  	v4 =	vmul.f32 $2.550000000e+02, v8;
	v5 =	vadd.s32 $0x400, v5;
	v8 =	vtrunc.f32 v11;
	[tilespmem:s0+$0xE00] =	vst v3;
	(pc) =	sbr.rel @p0 .LBB2_2-.Ltmp2, $4  }
0x45: {  	v7 =	vadd.s32 $0x200, v7;
	v11 =	vtrunc.f32 v12;
	v12 =	vcvt.f32.s32 v8;
	[tilespmem:s0+$0x700] =	vst v5  }
0x46: {  	v5 =	vmul.f32 $1.023000000e+03, v10;
	v8 =	vcvt.f32.s32 v11;
	[tilespmem:s0+$0xB00] =	vst v7;
	v11 =	vadd.s32 $0x100, v3  }
0x47: {  	v7 =	vmul.f32 $5.110000000e+02, v10;
	v3 =	vmul.f32 $2.550000000e+02, v10;
	vm1 =	vlt.s32 v12, $0x7E;
	[tilespmem:s0+$0xF00] =	vst v11;
	s0 =	smov.u32 s3  }
0x48: {  	v9 =	vtrunc.f32 v9;
	s3 =	sshra.s32 s15, $0x2;
	s15 =	sadd.s32 $0x40, s15;
	vm0 =	vlt.s32 v8, $0x7E;
	v10 =	vnsel vm1, $0x7E, v12  }
0x49: {  	v11 =	vld [tilespmem:s3+$0x100]  }
0x4a: {  	v12 =	vld [tilespmem:s3+$0x0]  }
0x4b: {  	v6 =	vtrunc.f32 v6;
	v8 =	vnsel vm0, $0x7E, v8;
	v9 =	vcvt.f32.s32 v9  }
0x4c: {  	v10 =	vshll.u32 v10, $0x7;
	v4 =	vtrunc.f32 v4;
	v5 =	vtrunc.f32 v5  }
0x4d: {  	v7 =	vtrunc.f32 v7;
	v3 =	vtrunc.f32 v3;
	v8 =	vadd.s32 v8, v10  }
0x4e: {  	v6 =	vcvt.f32.s32 v6;
	v4 =	vcvt.f32.s32 v4;
	v11 =	vadd.f32 v11, v11  }
0x4f: {  	v5 =	vcvt.f32.s32 v5;
	v7 =	vcvt.f32.s32 v7;
	v12 =	vadd.f32 v12, v12  }
0x50: {  	v3 =	vcvt.f32.s32 v3;
	v10 =	vadd.s32 $0x80, v8;
	v11 =	vadd.f32 $-1.000000000e+00, v11  }
0x51: {  	vm4 =	vlt.s32 v9, $0x3FE;
	vm1 =	vlt.s32 v6, $0x1FE;
	v12 =	vadd.f32 $-1.000000000e+00, v12  }
0x52: {  	v9 =	vnsel vm4, $0x3FE, v9;
	vm5 =	vlt.s32 v4, $0xFE;
	v11 =	vadd.f32 $1.000000000e+00, v11  }
0x53: {  	vm6 =	vlt.s32 v5, $0x3FE;
	vm7 =	vlt.s32 v7, $0x1FE;
	v12 =	vadd.f32 $1.000000000e+00, v12  }
0x54: {  	vm8 =	vlt.s32 v3, $0xFE;
	v6 =	vnsel vm1, $0x1FE, v6;
	v11 =	vmul.f32 $5.000000000e-01, v11  }
0x55: {  	v4 =	vnsel vm5, $0xFE, v4;
	v9 =	vshll.u32 v9, $0xA;
	v12 =	vmul.f32 $5.000000000e-01, v12  }
0x56: {  	v5 =	vnsel vm6, $0x3FE, v5;
	v7 =	vnsel vm7, $0x1FE, v7;
	v13 =	vmul.f32 $1.270000000e+02, v11  }
0x57: {  	v3 =	vnsel vm8, $0xFE, v3;
	v46 =	vmul.f32 $1.270000000e+02, v12;
	v14 =	vmul.f32 $1.023000000e+03, v11  }
0x58: {  	v5 =	vadd.s32 v5, v9;
	v48 =	vmul.f32 $5.110000000e+02, v11;
	v49 =	vmul.f32 $2.550000000e+02, v11  }
0x59: {  	v6 =	vshll.u32 v6, $0x9;
	v51 =	vmul.f32 $1.023000000e+03, v12;
	v52 =	vmul.f32 $5.110000000e+02, v12  }
0x5a: {  	v4 =	vshll.u32 v4, $0x8;
	v12 =	vmul.f32 $2.550000000e+02, v12;
	v13 =	vtrunc.f32 v13  }
0x5b: {  	v6 =	vadd.s32 v7, v6;
	v9 =	vtrunc.f32 v46;
	v14 =	vtrunc.f32 v14  }
0x5c: {  	v3 =	vadd.s32 v3, v4;
	v4 =	vtrunc.f32 v49;
	v12 =	vtrunc.f32 v12  }
0x5d: {  	v53 =	vadd.s32 $0x400, v5;
	v13 =	vcvt.f32.s32 v13;
	v47 =	vcvt.f32.s32 v9  }
0x5e: {  	[tilespmem:s0+$0x1200] =	vst v8;
	v54 =	vadd.s32 $0x200, v6;
	v9 =	vtrunc.f32 v48;
	v14 =	vcvt.f32.s32 v14  }
0x5f: {  	[tilespmem:s0+$0x1300] =	vst v10;
	v55 =	vadd.s32 $0x100, v3;
	v4 =	vcvt.f32.s32 v4;
	v58 =	vcvt.f32.s32 v12  }
0x60: {  	[tilespmem:s0+$0x600] =	vst v5;
	v9 =	vcvt.f32.s32 v9;
	vm9 =	vlt.s32 v13, $0x7E;
	vm10 =	vlt.s32 v47, $0x7E  }
0x61: {  	[tilespmem:s0+$0xA00] =	vst v6;
	vm11 =	vlt.s32 v14, $0x3FE;
	vm13 =	vlt.s32 v4, $0xFE;
	vm2 =	vlt.s32 v58, $0xFE  }
0x62: {  	[tilespmem:s0+$0xE00] =	vst v3;
	v50 =	vnsel vm9, $0x7E, v13;
	v7 =	vnsel vm10, $0x7E, v47;
	v13 =	vtrunc.f32 v51  }
0x63: {  	[tilespmem:s0+$0x700] =	vst v53;
	vm12 =	vlt.s32 v9, $0x1FE;
	v59 =	vnsel vm11, $0x3FE, v14;
	v4 =	vnsel vm13, $0xFE, v4  }
0x64: {  	[tilespmem:s0+$0xB00] =	vst v54;
	v63 =	vnsel vm2, $0xFE, v58;
	v11 =	vshll.u32 v50, $0x7;
	v3 =	vcvt.f32.s32 v13  }
0x65: {  	[tilespmem:s0+$0xF00] =	vst v55;
	v4 =	vshll.u32 v4, $0x8;
	v7 =	vadd.s32 v7, v11;
	v11 =	vtrunc.f32 v52  }
0x66: {  	v4 =	vadd.s32 v63, v4;
	v57 =	vcvt.f32.s32 v11;
	vm14 =	vlt.s32 v3, $0x3FE;
	[tilespmem:s3+$0x1200] =	vst v7  }
0x67: {  	v60 =	vshll.u32 v59, $0xA;
	v56 =	vadd.s32 $0x80, v7;
	[tilespmem:s3+$0xE00] =	vst v4;
	v3 =	vnsel vm14, $0x3FE, v3  }
0x68: {  	v9 =	vnsel vm12, $0x1FE, v9;
	[tilespmem:s3+$0x1300] =	vst v56;
	vm15 =	vlt.s32 v57, $0x1FE;
	v3 =	vadd.s32 v3, v60  }
0x69: {  	v61 =	vshll.u32 v9, $0x9;
	v62 =	vnsel vm15, $0x1FE, v57;
	[tilespmem:s3+$0x600] =	vst v3;
	v3 =	vadd.s32 $0x400, v3  }
0x6a: {  	v6 =	vadd.s32 v62, v61;
	[tilespmem:s3+$0x700] =	vst v3  }
0x6b: {  	[tilespmem:s3+$0xA00] =	vst v6;
	v3 =	vadd.s32 $0x200, v6  }
0x6c: {  	[tilespmem:s3+$0xB00] =	vst v3;
	v3 =	vadd.s32 $0x100, v4  }
0x6d: {  	s9 =	simm.s32 $0x600;
	[tilespmem:s3+$0xF00] =	vst v3  }
0x6e: {  	[tilespmem:s19], [sflag:$0x1] =	stream.indirect.gather [hbm4b:s1+s17], $0x10, s9, s17, $0xb8;
	[tilespmem:$0x13600] =	vst v63  }
0x6f: {  	s15 =	simm.s32 $0x680;
	s31 =	simm.s32 $0x1E00  }
0x70: {  	[tilespmem:s31], [sflag:$0x1] =	stream.indirect.gather [hbm4b:s1+s17], $0x10, s15, s17, $0xb8;
	[tilespmem:$0x13600] =	vst v63  }
0x71: {  	s3 =	simm.s32 $0x700;
	s9 =	simm.s32 $0x2600  }
0x72: {  	[tilespmem:s9], [sflag:$0x1] =	stream.indirect.gather [hbm4b:s1+s17], $0x10, s3, s17, $0xb8;
	[tilespmem:$0x13600] =	vst v63  }
0x73: {  	s15 =	simm.s32 $0x780;
	s31 =	simm.s32 $0x2E00  }
0x74: {  	[tilespmem:s31], [sflag:$0x1] =	stream.indirect.gather [hbm4b:s1+s17], $0x10, s15, s17, $0xb8;
	[tilespmem:$0x13600] =	vst v63  }
0x75: {  	s9 =	simm.s32 $0xA00  }
0x76: {  	[tilespmem:s28], [sflag:$0x1] =	stream.indirect.gather [hbm4b:s5+s17], $0x10, s9, s17, $0xb8;
	[tilespmem:$0x13600] =	vst v63  }
0x77: {  	s15 =	simm.s32 $0xA80;
	s31 =	simm.s32 $0x5E00  }
0x78: {  	[tilespmem:s31], [sflag:$0x1] =	stream.indirect.gather [hbm4b:s5+s17], $0x10, s15, s17, $0xb8;
	[tilespmem:$0x13600] =	vst v63  }
0x79: {  	s3 =	simm.s32 $0xB00;
	s9 =	simm.s32 $0x6600  }
0x7a: {  	[tilespmem:s9], [sflag:$0x1] =	stream.indirect.gather [hbm4b:s5+s17], $0x10, s3, s17, $0xb8;
	[tilespmem:$0x13600] =	vst v63  }
0x7b: {  	s15 =	simm.s32 $0xB80;
	s31 =	simm.s32 $0x6E00  }
0x7c: {  	[tilespmem:s31], [sflag:$0x1] =	stream.indirect.gather [hbm4b:s5+s17], $0x10, s15, s17, $0xb8;
	[tilespmem:$0x13600] =	vst v63  }
0x7d: {  	s9 =	simm.s32 $0xE00  }
0x7e: {  	[tilespmem:s13], [sflag:$0x1] =	stream.indirect.gather [hbm4b:s6+s17], $0x10, s9, s17, $0xb8;
	[tilespmem:$0x13600] =	vst v63  }
0x7f: {  	s15 =	simm.s32 $0xE80;
	s31 =	simm.s32 $0x9E00  }
0x80: {  	[tilespmem:s31], [sflag:$0x1] =	stream.indirect.gather [hbm4b:s6+s17], $0x10, s15, s17, $0xb8;
	[tilespmem:$0x13600] =	vst v63  }
0x81: {  	s3 =	simm.s32 $0xF00;
	s9 =	simm.s32 $0xA600  }
0x82: {  	[tilespmem:s9], [sflag:$0x1] =	stream.indirect.gather [hbm4b:s6+s17], $0x10, s3, s17, $0xb8;
	[tilespmem:$0x13600] =	vst v63  }
0x83: {  	s15 =	simm.s32 $0xF80;
	s31 =	simm.s32 $0xAE00  }
0x84: {  	[tilespmem:s31], [sflag:$0x1] =	stream.indirect.gather [hbm4b:s6+s17], $0x10, s15, s17, $0xb8;
	[tilespmem:$0x13600] =	vst v63  }
0x85: {  	s9 =	simm.s32 $0x1200  }
0x86: {  	[tilespmem:s26], [sflag:$0x1] =	stream.indirect.gather [hbm4b:s7+s17], $0x10, s9, s17, $0xb8;
	[tilespmem:$0x13600] =	vst v63  }
0x87: {  	s15 =	simm.s32 $0x1280;
	s31 =	simm.s32 $0xDE00  }
0x88: {  	[tilespmem:s31], [sflag:$0x1] =	stream.indirect.gather [hbm4b:s7+s17], $0x10, s15, s17, $0xb8;
	[tilespmem:$0x13600] =	vst v63  }
0x89: {  	s3 =	simm.s32 $0x1300;
	s9 =	simm.s32 $0xE600  }
0x8a: {  	[tilespmem:s9], [sflag:$0x1] =	stream.indirect.gather [hbm4b:s7+s17], $0x10, s3, s17, $0xb8;
	[tilespmem:$0x13600] =	vst v63  }
0x8b: {  	s30 =	simm.s32 $0x0;
	s15 =	simm.s32 $0x1380;
	s31 =	simm.s32 $0xEE00  }
0x8c: {  	[tilespmem:s31], [sflag:$0x1] =	stream.indirect.gather [hbm4b:s7+s17], $0x10, s15, s17, $0xb8;
	[tilespmem:$0x13600] =	vst v63  }
.LBB2_4:
0x8d: {  	s15 =	sshll.u32 s30, $0x9  }
0x8e: {  	s31 =	sor.u32 $0x100, s15  }
0x8f: {  	s0 =	sor.u32 s12, s31  }
0x90: {  	s0 =	sshrl.u32 s0, $0x3  }
0x91: {  	s3 =	simm.s32 $0x100000;
	s9 =	simm.s32 $0x300;
	s0 =	sadd.s32 s4, s0  }
0x92: {  	[tilespmem:s9], [sflag:$0x4] =	stream.strided.gather [hbm4b:s0+s14], $0x300, s3, s14, $0x38;
	[tilespmem:$0x13600] =	vst v63  }
0x93: {  	_ =	swait.ge [sflag:s18], $0x2000  }
0x94: {  	[sflag:s18] =	ssyncset.done $0x0  }
0x95: {  	[sflag:s18] =	ssyncadd.s32 $0xFFFFE000  }
0x96: {  	_ =	swait.ge [sflag:s18], $0x2000  }
0x97: {  	[sflag:s18] =	ssyncset.done $0x0  }
0x98: {  	[sflag:s18] =	ssyncadd.s32 $0xFFFFE000  }
0x99: {  	_ =	swait.ge [sflag:s18], $0x2000  }
0x9a: {  	[sflag:s18] =	ssyncset.done $0x0  }
0x9b: {  	[sflag:s18] =	ssyncadd.s32 $0xFFFFE000  }
0x9c: {  	_ =	swait.ge [sflag:s18], $0x2000  }
0x9d: {  	p0 =	seq.s32 s30, $0x0;
	[sflag:s18] =	ssyncset.done $0x0  }
0x9e: {  	s0 =	simm.s32 @!p0 $0x5;
	[sflag:s18] =	ssyncadd.s32 $0xFFFFE000  }
0x9f: {  	_ =	swait.ge @!p0 [sflag:s0], $0x1000  }
0xa0: {  	[sflag:s0] =	ssyncset.done @!p0 $0x0  }
0xa1: {  	[sflag:s0] =	ssyncadd.s32 @!p0 $0xFFFFF000;
	s0 =	simm.s32 $0x0  }
.LBB2_5:
0xa2: {  	s3 =	sshll.u32 s0, $0x4  }
0xa3: {  	v3 =	vld [tilespmem:s3+$0x0]  }
0xa4: {  	v4 =	vld [tilespmem:s3+$0x100];
	_ =	sdelay $0x4  }
0xa5: {  	v3 =	vadd.f32 v3, v3;
	v4 =	vadd.f32 v4, v4;
	_ =	sdelay $0x1  }
0xa6: {  	v3 =	vadd.f32 $-1.000000000e+00, v3;
	v4 =	vadd.f32 $-1.000000000e+00, v4;
	_ =	sdelay $0x1  }
0xa7: {  	v3 =	vadd.f32 $1.000000000e+00, v3;
	v4 =	vadd.f32 $1.000000000e+00, v4;
	_ =	sdelay $0x1  }
0xa8: {  	v7 =	vmul.f32 $5.000000000e-01, v3;
	v8 =	vmul.f32 $5.000000000e-01, v4;
	_ =	sdelay $0x1  }
0xa9: {  	v3 =	vmul.f32 $1.023000000e+03, v7;
	v4 =	vmul.f32 $1.023000000e+03, v8  }
0xaa: {  	v10 =	vmul.f32 $5.110000000e+02, v7;
	v11 =	vmul.f32 $5.110000000e+02, v8  }
0xab: {  	s9 =	simm.s32 $0x0;
	v21 =	vor.u32 s3, v0;
	v14 =	vmul.f32 $2.550000000e+02, v7;
	v15 =	vmul.f32 $2.550000000e+02, v8  }
0xac: {  	v22 =	vadd.s32 s9, v0;
	v18 =	vmul.f32 $1.270000000e+02, v8;
	v5 =	vtrunc.f32 v3  }
0xad: {  	v19 =	vshll.u32 v21, $0x4;
	v6 =	vtrunc.f32 v4;
	v12 =	vtrunc.f32 v10  }
0xae: {  	v23 =	vand.u32 $0xF, v22;
	v13 =	vtrunc.f32 v11;
	v16 =	vtrunc.f32 v14  }
0xaf: {  	v25 =	vor.u32 v19, v23;
	v17 =	vtrunc.f32 v15;
	v24 =	vtrunc.f32 v18  }
0xb0: {  	v5 =	vcvt.f32.s32 v5;
	v6 =	vcvt.f32.s32 v6  }
0xb1: {  	v8 =	vmov s3;
	v12 =	vcvt.f32.s32 v12;
	v13 =	vcvt.f32.s32 v13  }
0xb2: {  	v8 =	vshll.u32 v8, $0x4;
	v24 =	vcvt.f32.s32 v24;
	v5 =	vcvt.s32.f32 v5  }
0xb3: {  	v20 =	vor.u32 v1, v8;
	v6 =	vcvt.s32.f32 v6;
	v12 =	vcvt.s32.f32 v12  }
0xb4: {  	v31 =	vld.idx.msk [tilespmem:v25+s13+$0x0], $0xffff;
	v26 =	vor.u32 v20, v23;
	v13 =	vcvt.s32.f32 v13;
	v9 =	vsub.f32 v3, v5  }
0xb5: {  	v6 =	vsub.f32 v4, v6;
	v10 =	vsub.f32 v10, v12;
	v12 =	vcvt.f32.s32 v16  }
0xb6: {  	v16 =	vcvt.f32.s32 v17;
	v11 =	vsub.f32 v11, v13;
	v13 =	vmul.f32 $1.270000000e+02, v7  }
0xb7: {  	v4 =	vsub.f32 $1.000000000e+00, v9;
	v5 =	vsub.f32 $1.000000000e+00, v6;
	v12 =	vcvt.s32.f32 v12  }
0xb8: {  	v16 =	vcvt.s32.f32 v16;
	v7 =	vtrunc.f32 v13  }
0xb9: {  	v37 =	vshll.u32 v31, $0x10;
	v8 =	vcvt.f32.s32 v7;
	v3 =	vmul.f32 v5, v4  }
0xba: {  	v17 =	vsub.f32 $1.000000000e+00, v11;
	v5 =	vmul.f32 v5, v9;
	v4 =	vmul.f32 v4, v6  }
0xbb: {  	v29 =	vld.idx.msk [tilespmem:v26+s19+$0x0], $0xffff;
	v6 =	vmul.f32 v6, v9;
	v9 =	vsub.f32 $1.000000000e+00, v10;
	v14 =	vsub.f32 v14, v12  }
0xbc: {  	v30 =	vld.idx.msk [tilespmem:v26+s28+$0x0], $0xffff;
	v16 =	vsub.f32 v15, v16;
	v15 =	vcvt.s32.f32 v24;
	v12 =	vcvt.s32.f32 v8  }
0xbd: {  	v31 =	vand.u32 $0xFFFF0000, v31;
	v8 =	vmul.f32 v17, v10;
	v7 =	vmul.f32 v17, v9  }
0xbe: {  	v17 =	vsub.f32 $1.000000000e+00, v14;
	v23 =	vsub.f32 $1.000000000e+00, v16;
	v9 =	vmul.f32 v9, v11  }
0xbf: {  	v27 =	vsub.f32 v18, v15;
	v24 =	vsub.f32 v13, v12;
	v12 =	vmul.f32 v11, v10  }
0xc0: {  	v32 =	vshll.u32 v29, $0x10;
	v11 =	vmul.f32 v23, v17;
	v13 =	vmul.f32 v23, v14;
	v23 =	vld.idx.msk [tilespmem:v25+s28+$0x0], $0xffff  }
0xc1: {  	v29 =	vand.u32 $0xFFFF0000, v29;
	v35 =	vshll.u32 v30, $0x10;
	v32 =	vmul.f32 v32, v4  }
0xc2: {  	v30 =	vand.u32 $0xFFFF0000, v30;
	v29 =	vmul.f32 v29, v6;
	v15 =	vmul.f32 v17, v16  }
0xc3: {  	v28 =	vld.idx.msk [tilespmem:v25+s19+$0x0], $0xffff;
	v18 =	vsub.f32 $1.000000000e+00, v27;
	v16 =	vmul.f32 v16, v14;
	v35 =	vmul.f32 v35, v9  }
0xc4: {  	s9 =	simm.s32 $0x3;
	v10 =	vsub.f32 $1.000000000e+00, v24;
	v30 =	vmul.f32 v30, v12;
	v37 =	vmul.f32 v37, v11  }
0xc5: {  	v25 =	vld.idx.msk [tilespmem:v25+s26+$0x0], $0xffff;
	v33 =	vshll.u32 v23, $0x10;
	v34 =	vand.u32 $0xFFFF0000, v23;
	v23 =	vadd.s32 s9, v0  }
0xc6: {  	v31 =	vmul.f32 v31, v13;
	v17 =	vmul.f32 v18, v10;
	v36 =	vand.u32 $0xF, v23  }
0xc7: {  	v14 =	vmul.f32 v10, v27;
	v10 =	vmul.f32 v27, v24;
	v27 =	vld.idx.msk [tilespmem:v26+s13+$0x0], $0xffff;
	v38 =	vor.u32 v19, v36  }
0xc8: {  	v18 =	vmul.f32 v18, v24;
	v24 =	vshll.u32 v28, $0x10;
	v26 =	vld.idx.msk [tilespmem:v26+s26+$0x0], $0xffff;
	v36 =	vor.u32 v20, v36  }
0xc9: {  	v28 =	vand.u32 $0xFFFF0000, v28;
	v30 =	vadd.f32 v30, v35;
	v24 =	vmul.f32 v24, v3  }
0xca: {  	v28 =	vmul.f32 v28, v5;
	v31 =	vadd.f32 v31, v37;
	v40 =	vshll.u32 v25, $0x10  }
0xcb: {  	v25 =	vand.u32 $0xFFFF0000, v25;
	v33 =	vmul.f32 v33, v7;
	v34 =	vmul.f32 v34, v8  }
0xcc: {  	v40 =	vmul.f32 v40, v17;
	v25 =	vmul.f32 v25, v18;
	v24 =	vadd.f32 v28, v24;
	v41 =	vld.idx.msk [tilespmem:v38+s19+$0x0], $0xffff  }
0xcd: {  	v39 =	vshll.u32 v27, $0x10;
	v27 =	vand.u32 $0xFFFF0000, v27;
	v42 =	vshll.u32 v26, $0x10;
	v43 =	vld.idx.msk [tilespmem:v36+s19+$0x0], $0xffff  }
0xce: {  	v26 =	vand.u32 $0xFFFF0000, v26;
	v39 =	vmul.f32 v39, v15;
	v27 =	vmul.f32 v27, v16;
	v44 =	vld.idx.msk [tilespmem:v38+s28+$0x0], $0xffff  }
0xcf: {  	v28 =	vadd.f32 v29, v32;
	v29 =	vmul.f32 v42, v14;
	v26 =	vmul.f32 v26, v10;
	v51 =	vld.idx.msk [tilespmem:v36+s28+$0x0], $0xffff  }
0xd0: {  	v33 =	vadd.f32 v34, v33;
	v25 =	vadd.f32 v25, v40;
	v52 =	vld.idx.msk [tilespmem:v38+s13+$0x0], $0xffff  }
0xd1: {  	v27 =	vadd.f32 v27, v39;
	v26 =	vadd.f32 v26, v29;
	v53 =	vld.idx.msk [tilespmem:v36+s13+$0x0], $0xffff  }
0xd2: {  	v28 =	vadd.f32 v28, v24;
	v30 =	vadd.f32 v30, v33;
	v29 =	vld.idx.msk [tilespmem:v38+s26+$0x0], $0xffff  }
0xd3: {  	v31 =	vadd.f32 v27, v31;
	v25 =	vadd.f32 v26, v25;
	v24 =	vshll.u32 v41, $0x10  }
0xd4: {  	v26 =	vld.idx.msk [tilespmem:v36+s26+$0x0], $0xffff;
	v27 =	vand.u32 $0xFFFF0000, v41;
	v54 =	vshll.u32 v43, $0x10;
	v55 =	vand.u32 $0xFFFF0000, v43  }
0xd5: {  	v56 =	vshll.u32 v44, $0x10;
	v57 =	vand.u32 $0xFFFF0000, v44;
	v58 =	vshll.u32 v51, $0x10  }
0xd6: {  	v32 =	vand.u32 $0xFFFF0000, v51;
	v59 =	vshll.u32 v52, $0x10;
	v34 =	vand.u32 $0xFFFF0000, v52  }
0xd7: {  	v60 =	vshll.u32 v53, $0x10;
	v35 =	vand.u32 $0xFFFF0000, v53;
	v61 =	vshll.u32 v29, $0x10  }
0xd8: {  	v29 =	vand.u32 $0xFFFF0000, v29;
	v62 =	vmul.f32 v24, v3;
	v27 =	vmul.f32 v27, v5  }
0xd9: {  	s9 =	simm.s32 $0x2;
	v33 =	vmul.f32 v54, v4;
	v36 =	vmul.f32 v55, v6;
	v63 =	vshll.u32 v26, $0x10  }
0xda: {  	v24 =	vadd.s32 s9, v0;
	v37 =	vmul.f32 v56, v7;
	v38 =	vmul.f32 v57, v8  }
0xdb: {  	v39 =	vmul.f32 v58, v9;
	v32 =	vmul.f32 v32, v12;
	v45 =	vand.u32 $0xF, v24  }
0xdc: {  	v40 =	vmul.f32 v59, v11;
	v34 =	vmul.f32 v34, v13;
	v46 =	vor.u32 v19, v45  }
0xdd: {  	v41 =	vmul.f32 v60, v15;
	v35 =	vmul.f32 v35, v16;
	v45 =	vor.u32 v20, v45  }
0xde: {  	v42 =	vmul.f32 v61, v17;
	v29 =	vmul.f32 v29, v18;
	v26 =	vand.u32 $0xFFFF0000, v26  }
0xdf: {  	v44 =	vmul.f32 v63, v14;
	v27 =	vadd.f32 v27, v62;
	v33 =	vadd.f32 v36, v33  }
0xe0: {  	v26 =	vmul.f32 v26, v10;
	v37 =	vadd.f32 v38, v37;
	v32 =	vadd.f32 v32, v39  }
0xe1: {  	v34 =	vadd.f32 v34, v40;
	v35 =	vadd.f32 v35, v41;
	v47 =	vld.idx.msk [tilespmem:v46+s19+$0x0], $0xffff  }
0xe2: {  	v29 =	vadd.f32 v29, v42;
	v26 =	vadd.f32 v26, v44;
	v48 =	vld.idx.msk [tilespmem:v45+s19+$0x0], $0xffff  }
0xe3: {  	v33 =	vadd.f32 v33, v27;
	v32 =	vadd.f32 v32, v37;
	v49 =	vld.idx.msk [tilespmem:v46+s28+$0x0], $0xffff  }
0xe4: {  	s9 =	simm.s32 $0x1;
	v34 =	vadd.f32 v35, v34;
	v26 =	vadd.f32 v26, v29;
	v50 =	vld.idx.msk [tilespmem:v45+s28+$0x0], $0xffff  }
0xe5: {  	v28 =	vadd.f32 v30, v28;
	v25 =	vadd.f32 v25, v31;
	v27 =	vadd.s32 s9, v0;
	v29 =	vld.idx.msk [tilespmem:v46+s13+$0x0], $0xffff  }
0xe6: {  	v31 =	vadd.f32 v32, v33;
	v30 =	vld.idx.msk [tilespmem:v45+s13+$0x0], $0xffff;
	v51 =	vadd.f32 v26, v34;
	v34 =	vshll.u32 v22, $0x8  }
0xe7: {  	v60 =	vand.u32 $0xF, v27;
	v26 =	vadd.f32 v25, v28;
	v63 =	vld.idx.msk [tilespmem:v45+s26+$0x0], $0xffff;
	v45 =	vand.u32 $0xF00, v34  }
0xe8: {  	v25 =	vadd.f32 v51, v31;
	v22 =	vshll.u32 v47, $0x10;
	v28 =	vand.u32 $0xFFFF0000, v47  }
0xe9: {  	v31 =	vshll.u32 v48, $0x10;
	v52 =	vand.u32 $0xFFFF0000, v48;
	v53 =	vshll.u32 v49, $0x10  }
0xea: {  	v38 =	vld.idx.msk [tilespmem:v46+s26+$0x0], $0xffff;
	v54 =	vand.u32 $0xFFFF0000, v49;
	v55 =	vshll.u32 v50, $0x10;
	v37 =	vand.u32 $0xFFFF0000, v50  }
0xeb: {  	v56 =	vshll.u32 v29, $0x10;
	v61 =	vand.u32 $0xFFFF0000, v29;
	v62 =	vshll.u32 v30, $0x10  }
0xec: {  	v29 =	vor.u32 v19, v60;
	v44 =	vmul.f32 v22, v3;
	v57 =	vmul.f32 v28, v5  }
0xed: {  	v28 =	vor.u32 v20, v60;
	v58 =	vmul.f32 v31, v4;
	v59 =	vmul.f32 v52, v6  }
0xee: {  	v47 =	vmul.f32 v53, v7;
	v48 =	vmul.f32 v54, v8;
	v31 =	vand.u32 $0xFFFF0000, v30  }
0xef: {  	v49 =	vmul.f32 v55, v9;
	v50 =	vmul.f32 v37, v12;
	v60 =	vshll.u32 v38, $0x10  }
0xf0: {  	v22 =	vld [tilespmem:s3+$0x200];
	v51 =	vmul.f32 v56, v11;
	v52 =	vmul.f32 v61, v13;
	v61 =	vand.u32 $0xFFFF0000, v38  }
0xf1: {  	v53 =	vmul.f32 v62, v15;
	v62 =	vshll.u32 v63, $0x10;
	v54 =	vmul.f32 v31, v16;
	v30 =	vld.idx.msk [tilespmem:v29+s19+$0x0], $0xffff  }
0xf2: {  	v63 =	vand.u32 $0xFFFF0000, v63;
	v35 =	vmul.f32 v60, v17;
	v36 =	vmul.f32 v61, v18;
	v32 =	vld.idx.msk [tilespmem:v29+s28+$0x0], $0xffff  }
0xf3: {  	v40 =	vmul.f32 v62, v14;
	v37 =	vadd.f32 v57, v44;
	v38 =	vadd.f32 v59, v58;
	v34 =	vld.idx.msk [tilespmem:v29+s13+$0x0], $0xffff  }
0xf4: {  	v39 =	vadd.f32 v48, v47;
	v41 =	vadd.f32 v50, v49;
	v44 =	vmul.f32 v63, v10;
	v31 =	vld.idx.msk [tilespmem:v28+s19+$0x0], $0xffff  }
0xf5: {  	v21 =	vand.u32 v2, v21;
	s3 =	simm.s32 $0x4;
	v42 =	vadd.f32 v52, v51;
	v43 =	vadd.f32 v54, v53;
	v33 =	vld.idx.msk [tilespmem:v28+s28+$0x0], $0xffff  }
.LBB2_6:
0xf6: {  	p1 =	slt.u32 s3, $0xC;
	v45 =	vor.u32 v45, v21;
	v35 =	vadd.f32 v36, v35;
	v36 =	vadd.f32 v44, v40  }
0xf7: {  	v37 =	vadd.f32 v38, v37;
	v38 =	vadd.f32 v41, v39;
	v23 =	vshll.u32 v23, $0x8;
	v40 =	vld.idx.msk [tilespmem:v28+s13+$0x0], $0xffff  }
0xf8: {  	v39 =	vadd.f32 v43, v42;
	v23 =	vand.u32 $0xF00, v23;
	v35 =	vadd.f32 v36, v35  }
0xf9: {  	v41 =	vshll.u32 v31, $0x10;
	v36 =	vshll.u32 v30, $0x10;
	v30 =	vand.u32 $0xFFFF0000, v30;
	v29 =	vld.idx.msk [tilespmem:v29+s26+$0x0], $0xffff  }
0xfa: {  	v31 =	vand.u32 $0xFFFF0000, v31;
	v42 =	vshll.u32 v32, $0x10;
	v32 =	vand.u32 $0xFFFF0000, v32  }
0xfb: {  	v43 =	vshll.u32 v33, $0x10;
	v33 =	vand.u32 $0xFFFF0000, v33;
	v44 =	vshll.u32 v34, $0x10;
	v28 =	vld.idx.msk [tilespmem:v28+s26+$0x0], $0xffff  }
0xfc: {  	v36 =	vmul.f32 v36, v3;
	v30 =	vmul.f32 v30, v5;
	v34 =	vand.u32 $0xFFFF0000, v34  }
0xfd: {  	v41 =	vmul.f32 v41, v4;
	v31 =	vmul.f32 v31, v6;
	v46 =	vshll.u32 v40, $0x10  }
0xfe: {  	v42 =	vmul.f32 v42, v7;
	v32 =	vmul.f32 v32, v8;
	v40 =	vand.u32 $0xFFFF0000, v40  }
0xff: {  	v43 =	vmul.f32 v43, v9;
	v33 =	vmul.f32 v33, v12;
	v47 =	vshll.u32 v29, $0x10  }
0x100: {  	v44 =	vmul.f32 v44, v11;
	v34 =	vmul.f32 v34, v13;
	v29 =	vand.u32 $0xFFFF0000, v29  }
0x101: {  	v46 =	vmul.f32 v46, v15;
	v40 =	vmul.f32 v40, v16;
	v48 =	vshll.u32 v28, $0x10  }
0x102: {  	v47 =	vmul.f32 v47, v17;
	v29 =	vmul.f32 v29, v18;
	v28 =	vand.u32 $0xFFFF0000, v28  }
0x103: {  	v31 =	vadd.f32 v31, v41;
	v30 =	vadd.f32 v30, v36;
	v36 =	vmul.f32 v48, v14  }
0x104: {  	v32 =	vadd.f32 v32, v42;
	v33 =	vadd.f32 v33, v43;
	v28 =	vmul.f32 v28, v10  }
0x105: {  	v23 =	vor.u32 v23, v21;
	v34 =	vadd.f32 v34, v44;
	v40 =	vadd.f32 v40, v46  }
0x106: {  	v24 =	vshll.u32 v24, $0x8;
	v29 =	vadd.f32 v29, v47;
	v28 =	vadd.f32 v28, v36  }
0x107: {  	v24 =	vand.u32 $0xF00, v24;
	v30 =	vadd.f32 v31, v30;
	v31 =	vadd.f32 v33, v32  }
0x108: {  	v24 =	vor.u32 v24, v21;
	v32 =	vadd.f32 v40, v34;
	v28 =	vadd.f32 v28, v29  }
0x109: {  	v27 =	vshll.u32 v27, $0x8;
	v33 =	vadd.f32 v35, v39;
	v29 =	vadd.f32 v38, v37  }
0x10a: {  	v27 =	vand.u32 $0xF00, v27;
	v30 =	vadd.f32 v31, v30;
	v28 =	vadd.f32 v28, v32  }
0x10b: {  	v27 =	vor.u32 v27, v21;
	v31 =	vmul.f32 v26, v22;
	v29 =	vadd.f32 v33, v29  }
0x10c: {  	v25 =	vmul.f32 v25, v22;
	v26 =	vadd.s32 s3, v0;
	v28 =	vadd.f32 v28, v30  }
0x10d: {  	v30 =	vand.u32 $0xF, v26;
	v29 =	vmul.f32 v29, v22;
	[tilespmem:v45+s20+$0x0] =	vst.idx.msk $0xffff, v31  }
0x10e: {  	v28 =	vmul.f32 v28, v22;
	v31 =	vor.u32 v19, v30;
	[tilespmem:v23+s20+$0x0] =	vst.idx.msk $0xffff, v25  }
0x10f: {  	v25 =	vor.u32 v20, v30;
	[tilespmem:v24+s20+$0x0] =	vst.idx.msk $0xffff, v29  }
0x110: {  	[tilespmem:v27+s20+$0x0] =	vst.idx.msk $0xffff, v28;
	_ =	sdelay $0x2  }
0x111: {  	v23 =	vld.idx.msk [tilespmem:v31+s19+$0x0], $0xffff  }
0x112: {  	v24 =	vld.idx.msk [tilespmem:v25+s19+$0x0], $0xffff  }
0x113: {  	v27 =	vld.idx.msk [tilespmem:v31+s28+$0x0], $0xffff  }
0x114: {  	v28 =	vld.idx.msk [tilespmem:v25+s28+$0x0], $0xffff  }
0x115: {  	v29 =	vld.idx.msk [tilespmem:v31+s13+$0x0], $0xffff;
	_ =	sdelay $0x1  }
0x116: {  	v30 =	vshll.u32 v23, $0x10;
	v32 =	vld.idx.msk [tilespmem:v25+s13+$0x0], $0xffff  }
0x117: {  	s9 =	sadd.s32 $0x3, s3;
	v33 =	vand.u32 $0xFFFF0000, v23;
	v34 =	vshll.u32 v24, $0x10;
	v24 =	vand.u32 $0xFFFF0000, v24  }
0x118: {  	v23 =	vadd.s32 s9, v0;
	v35 =	vshll.u32 v27, $0x10;
	v27 =	vand.u32 $0xFFFF0000, v27;
	v31 =	vld.idx.msk [tilespmem:v31+s26+$0x0], $0xffff  }
0x119: {  	v37 =	vand.u32 $0xF, v23;
	v36 =	vshll.u32 v28, $0x10;
	v28 =	vand.u32 $0xFFFF0000, v28  }
0x11a: {  	v39 =	vor.u32 v19, v37;
	v38 =	vshll.u32 v29, $0x10;
	v29 =	vand.u32 $0xFFFF0000, v29;
	v25 =	vld.idx.msk [tilespmem:v25+s26+$0x0], $0xffff  }
0x11b: {  	v30 =	vmul.f32 v30, v3;
	v33 =	vmul.f32 v33, v5;
	v37 =	vor.u32 v20, v37  }
0x11c: {  	v34 =	vmul.f32 v34, v4;
	v24 =	vmul.f32 v24, v6;
	v40 =	vshll.u32 v32, $0x10  }
0x11d: {  	v35 =	vmul.f32 v35, v7;
	v27 =	vmul.f32 v27, v8;
	v32 =	vand.u32 $0xFFFF0000, v32  }
0x11e: {  	v36 =	vmul.f32 v36, v9;
	v28 =	vmul.f32 v28, v12;
	v41 =	vshll.u32 v31, $0x10  }
0x11f: {  	v38 =	vmul.f32 v38, v11;
	v29 =	vmul.f32 v29, v13;
	v31 =	vand.u32 $0xFFFF0000, v31;
	v42 =	vld.idx.msk [tilespmem:v39+s19+$0x0], $0xffff  }
0x120: {  	v40 =	vmul.f32 v40, v15;
	v32 =	vmul.f32 v32, v16;
	v43 =	vshll.u32 v25, $0x10;
	v44 =	vld.idx.msk [tilespmem:v37+s19+$0x0], $0xffff  }
0x121: {  	v41 =	vmul.f32 v41, v17;
	v31 =	vmul.f32 v31, v18;
	v25 =	vand.u32 $0xFFFF0000, v25;
	v45 =	vld.idx.msk [tilespmem:v39+s28+$0x0], $0xffff  }
0x122: {  	v30 =	vadd.f32 v33, v30;
	v24 =	vadd.f32 v24, v34;
	v33 =	vmul.f32 v43, v14;
	v34 =	vld.idx.msk [tilespmem:v37+s28+$0x0], $0xffff  }
0x123: {  	v27 =	vadd.f32 v27, v35;
	v28 =	vadd.f32 v28, v36;
	v25 =	vmul.f32 v25, v10;
	v35 =	vld.idx.msk [tilespmem:v39+s13+$0x0], $0xffff  }
0x124: {  	v29 =	vadd.f32 v29, v38;
	v32 =	vadd.f32 v32, v40;
	v36 =	vld.idx.msk [tilespmem:v37+s13+$0x0], $0xffff  }
0x125: {  	v31 =	vadd.f32 v31, v41;
	v25 =	vadd.f32 v25, v33;
	v33 =	vld.idx.msk [tilespmem:v39+s26+$0x0], $0xffff  }
0x126: {  	v30 =	vadd.f32 v24, v30;
	v27 =	vadd.f32 v28, v27  }
0x127: {  	v28 =	vadd.f32 v32, v29;
	v25 =	vadd.f32 v25, v31;
	v24 =	vshll.u32 v42, $0x10;
	v29 =	vld.idx.msk [tilespmem:v37+s26+$0x0], $0xffff  }
0x128: {  	v31 =	vand.u32 $0xFFFF0000, v42;
	v32 =	vshll.u32 v44, $0x10;
	v37 =	vand.u32 $0xFFFF0000, v44  }
0x129: {  	v38 =	vshll.u32 v45, $0x10;
	v39 =	vand.u32 $0xFFFF0000, v45;
	v40 =	vshll.u32 v34, $0x10  }
0x12a: {  	v34 =	vand.u32 $0xFFFF0000, v34;
	v41 =	vshll.u32 v35, $0x10;
	v35 =	vand.u32 $0xFFFF0000, v35  }
0x12b: {  	v42 =	vshll.u32 v36, $0x10;
	v36 =	vand.u32 $0xFFFF0000, v36;
	v43 =	vshll.u32 v33, $0x10  }
0x12c: {  	v31 =	vmul.f32 v31, v5;
	v44 =	vmul.f32 v24, v3;
	v33 =	vand.u32 $0xFFFF0000, v33  }
0x12d: {  	s9 =	sadd.s32 $0x2, s3;
	v32 =	vmul.f32 v32, v4;
	v37 =	vmul.f32 v37, v6;
	v45 =	vshll.u32 v29, $0x10  }
0x12e: {  	v24 =	vadd.s32 s9, v0;
	v38 =	vmul.f32 v38, v7;
	v39 =	vmul.f32 v39, v8  }
0x12f: {  	v46 =	vand.u32 $0xF, v24;
	v40 =	vmul.f32 v40, v9;
	v34 =	vmul.f32 v34, v12  }
0x130: {  	v47 =	vor.u32 v19, v46;
	v41 =	vmul.f32 v41, v11;
	v35 =	vmul.f32 v35, v13  }
0x131: {  	v46 =	vor.u32 v20, v46;
	v42 =	vmul.f32 v42, v15;
	v36 =	vmul.f32 v36, v16  }
0x132: {  	v43 =	vmul.f32 v43, v17;
	v33 =	vmul.f32 v33, v18;
	v29 =	vand.u32 $0xFFFF0000, v29  }
0x133: {  	v31 =	vadd.f32 v31, v44;
	v32 =	vadd.f32 v37, v32;
	v37 =	vmul.f32 v45, v14  }
0x134: {  	v38 =	vadd.f32 v39, v38;
	v34 =	vadd.f32 v34, v40;
	v29 =	vmul.f32 v29, v10  }
0x135: {  	v35 =	vadd.f32 v35, v41;
	v36 =	vadd.f32 v36, v42;
	v39 =	vld.idx.msk [tilespmem:v47+s19+$0x0], $0xffff  }
0x136: {  	v33 =	vadd.f32 v33, v43;
	v29 =	vadd.f32 v29, v37;
	v40 =	vld.idx.msk [tilespmem:v46+s19+$0x0], $0xffff  }
0x137: {  	v31 =	vadd.f32 v32, v31;
	v32 =	vadd.f32 v34, v38;
	v37 =	vld.idx.msk [tilespmem:v47+s28+$0x0], $0xffff  }
0x138: {  	v35 =	vadd.f32 v36, v35;
	v29 =	vadd.f32 v29, v33;
	v34 =	vld.idx.msk [tilespmem:v46+s28+$0x0], $0xffff  }
0x139: {  	v27 =	vadd.f32 v27, v30;
	v25 =	vadd.f32 v25, v28;
	v28 =	vld.idx.msk [tilespmem:v47+s13+$0x0], $0xffff  }
0x13a: {  	v31 =	vadd.f32 v32, v31;
	v29 =	vadd.f32 v29, v35;
	v30 =	vld.idx.msk [tilespmem:v46+s13+$0x0], $0xffff  }
0x13b: {  	v42 =	vshll.u32 v26, $0x8  }
0x13c: {  	v26 =	vadd.f32 v25, v27;
	v25 =	vadd.f32 v29, v31;
	v32 =	vshll.u32 v39, $0x10  }
0x13d: {  	v31 =	vand.u32 $0xFFFF0000, v39;
	v33 =	vshll.u32 v40, $0x10;
	v35 =	vand.u32 $0xFFFF0000, v40  }
0x13e: {  	s9 =	sadd.s32 $0x1, s3;
	v36 =	vshll.u32 v37, $0x10;
	v37 =	vand.u32 $0xFFFF0000, v37;
	v38 =	vshll.u32 v34, $0x10;
	v39 =	vld.idx.msk [tilespmem:v47+s26+$0x0], $0xffff  }
0x13f: {  	v27 =	vadd.s32 s9, v0;
	v34 =	vand.u32 $0xFFFF0000, v34;
	v40 =	vshll.u32 v28, $0x10  }
0x140: {  	v41 =	vand.u32 $0xF, v27;
	v43 =	vand.u32 $0xFFFF0000, v28;
	v44 =	vshll.u32 v30, $0x10;
	v45 =	vld.idx.msk [tilespmem:v46+s26+$0x0], $0xffff  }
0x141: {  	v29 =	vor.u32 v19, v41;
	v47 =	vmul.f32 v31, v5;
	v46 =	vmul.f32 v32, v3  }
0x142: {  	v33 =	vmul.f32 v33, v4;
	v28 =	vor.u32 v20, v41;
	v41 =	vmul.f32 v35, v6  }
0x143: {  	v48 =	vmul.f32 v36, v7;
	v49 =	vmul.f32 v37, v8;
	v31 =	vand.u32 $0xFFFF0000, v30  }
0x144: {  	v50 =	vmul.f32 v38, v9;
	v34 =	vmul.f32 v34, v12;
	v32 =	vshll.u32 v39, $0x10  }
0x145: {  	v51 =	vmul.f32 v40, v11;
	v43 =	vmul.f32 v43, v13;
	v36 =	vand.u32 $0xFFFF0000, v39  }
.Ltmp3:
0x146: {  	v52 =	vmul.f32 v44, v15;
	v53 =	vmul.f32 v31, v16;
	v39 =	vshll.u32 v45, $0x10;
	v30 =	vld.idx.msk [tilespmem:v29+s19+$0x0], $0xffff;
	(pc) =	sbr.rel @p1 .LBB2_6-.Ltmp3, $4  }
0x147: {  	v35 =	vmul.f32 v32, v17;
	v36 =	vmul.f32 v36, v18;
	v44 =	vand.u32 $0xFFFF0000, v45;
	v31 =	vld.idx.msk [tilespmem:v28+s19+$0x0], $0xffff  }
0x148: {  	v38 =	vadd.f32 v41, v33;
	v37 =	vadd.f32 v47, v46;
	v40 =	vmul.f32 v39, v14;
	v32 =	vld.idx.msk [tilespmem:v29+s28+$0x0], $0xffff  }
0x149: {  	v41 =	vadd.f32 v34, v50;
	v39 =	vadd.f32 v49, v48;
	v44 =	vmul.f32 v44, v10;
	v33 =	vld.idx.msk [tilespmem:v28+s28+$0x0], $0xffff  }
0x14a: {  	s3 =	sadd.s32 $0x4, s3;
	v45 =	vand.u32 $0xF00, v42;
	v42 =	vadd.f32 v43, v51;
	v43 =	vadd.f32 v53, v52;
	v34 =	vld.idx.msk [tilespmem:v29+s13+$0x0], $0xffff  }
0x14b: {  	v19 =	vor.u32 v45, v21;
	v20 =	vadd.f32 v36, v35;
	v50 =	vadd.f32 v44, v40  }
0x14c: {  	v36 =	vadd.f32 v38, v37;
	v37 =	vadd.f32 v41, v39;
	v23 =	vshll.u32 v23, $0x8  }
0x14d: {  	v52 =	vshll.u32 v30, $0x10;
	v53 =	vand.u32 $0xFFFF0000, v30;
	v39 =	vadd.f32 v43, v42  }
0x14e: {  	v54 =	vshll.u32 v31, $0x10;
	v55 =	vand.u32 $0xFFFF0000, v31;
	v3 =	vmul.f32 v52, v3  }
0x14f: {  	v51 =	vld.idx.msk [tilespmem:v28+s13+$0x0], $0xffff;
	v5 =	vmul.f32 v53, v5;
	v20 =	vadd.f32 v50, v20;
	v56 =	vshll.u32 v32, $0x10  }
0x150: {  	v29 =	vld.idx.msk [tilespmem:v29+s26+$0x0], $0xffff;
	v57 =	vand.u32 $0xFFFF0000, v32;
	v4 =	vmul.f32 v54, v4;
	v6 =	vmul.f32 v55, v6  }
0x151: {  	v61 =	vld.idx.msk [tilespmem:v28+s26+$0x0], $0xffff;
	v58 =	vshll.u32 v33, $0x10;
	v59 =	vand.u32 $0xFFFF0000, v33;
	v7 =	vmul.f32 v56, v7  }
0x152: {  	v8 =	vmul.f32 v57, v8;
	v3 =	vadd.f32 v5, v3;
	v56 =	vadd.f32 v37, v36  }
0x153: {  	v60 =	vshll.u32 v34, $0x10;
	v62 =	vand.u32 $0xFFFF0000, v34;
	v9 =	vmul.f32 v58, v9  }
0x154: {  	v12 =	vmul.f32 v59, v12;
	v4 =	vadd.f32 v6, v4;
	v63 =	vshll.u32 v51, $0x10  }
0x155: {  	v40 =	vand.u32 $0xFFFF0000, v51;
	v41 =	vshll.u32 v29, $0x10;
	v11 =	vmul.f32 v60, v11  }
0x156: {  	v13 =	vmul.f32 v62, v13;
	v29 =	vand.u32 $0xFFFF0000, v29;
	v42 =	vshll.u32 v61, $0x10  }
0x157: {  	v28 =	vand.u32 $0xFFFF0000, v61;
	v15 =	vmul.f32 v63, v15;
	v16 =	vmul.f32 v40, v16  }
0x158: {  	v44 =	vadd.f32 v8, v7;
	v17 =	vmul.f32 v41, v17;
	v18 =	vmul.f32 v29, v18  }
0x159: {  	v43 =	vmul.f32 v42, v14;
	v45 =	vadd.f32 v12, v9;
	v46 =	vmul.f32 v28, v10  }
0x15a: {  	v23 =	vand.u32 $0xF00, v23;
	v47 =	vadd.f32 v13, v11;
	v48 =	vadd.f32 v16, v15  }
0x15b: {  	v49 =	vor.u32 v23, v21;
	v50 =	vadd.f32 v18, v17;
	v5 =	vadd.f32 v46, v43  }
0x15c: {  	v55 =	vshll.u32 v27, $0x8;
	v3 =	vadd.f32 v4, v3;
	v52 =	vadd.f32 v45, v44  }
0x15d: {  	v51 =	vshll.u32 v24, $0x8;
	v54 =	vadd.f32 v48, v47;
	v5 =	vadd.f32 v5, v50  }
0x15e: {  	v57 =	vadd.f32 v20, v39;
	v59 =	vand.u32 $0xF00, v55;
	v53 =	vand.u32 $0xF00, v51  }
0x15f: {  	s0 =	sadd.s32 $0x1, s0;
	v6 =	vor.u32 v53, v21;
	v3 =	vadd.f32 v52, v3;
	v58 =	vadd.f32 v5, v54  }
0x160: {  	p1 =	sne.s32 s0, $0x10;
	v60 =	vmul.f32 v26, v22;
	v61 =	vadd.f32 v57, v56;
	v5 =	vor.u32 v59, v21  }
.Ltmp4:
0x161: {  	v62 =	vmul.f32 v25, v22;
	v3 =	vadd.f32 v58, v3;
	(pc) =	sbr.rel @p1 .LBB2_5-.Ltmp4, $4  }
0x162: {  	[tilespmem:v19+s20+$0x0] =	vst.idx.msk $0xffff, v60;
	v63 =	vmul.f32 v61, v22  }
0x163: {  	[tilespmem:v49+s20+$0x0] =	vst.idx.msk $0xffff, v62;
	v3 =	vmul.f32 v3, v22  }
0x164: {  	[tilespmem:v6+s20+$0x0] =	vst.idx.msk $0xffff, v63  }
0x165: {  	[tilespmem:v5+s20+$0x0] =	vst.idx.msk $0xffff, v3  }
0x166: {  	s0 =	sor.u32 s15, s11  }
0x167: {  	s0 =	sshrl.u32 s0, $0x3  }
0x168: {  	s0 =	sadd.s32 s8, s0  }
0x169: {  	[hbm4b:s0+s14] =	stream.strided.scatter [tilespmem:s20], [sflag:$0x5], $0x1000, s21, s14, $0x38;
	[tilespmem:$0x13600] =	vst v63  }
0x16a: {  	_ =	swait.ge [sflag:s22], $0x300  }
0x16b: {  	[sflag:s22] =	ssyncset.done $0x0  }
0x16c: {  	s0 =	simm.s32 $0x0;
	[sflag:s22] =	ssyncadd.s32 $0xFFFFFD00  }
0x16d: {  	v3 =	vld [tilespmem:s0+$0x400]  }
0x16e: {  	v4 =	vld [tilespmem:s0+$0x300];
	_ =	sdelay $0x3  }
0x16f: {  	v3 =	vadd.f32 v3, v3  }
0x170: {  	v4 =	vadd.f32 v4, v4  }
0x171: {  	v3 =	vadd.f32 $-1.000000000e+00, v3  }
0x172: {  	v4 =	vadd.f32 $-1.000000000e+00, v4  }
0x173: {  	v3 =	vadd.f32 $1.000000000e+00, v3  }
0x174: {  	v4 =	vadd.f32 $1.000000000e+00, v4  }
0x175: {  	v3 =	vmul.f32 $5.000000000e-01, v3  }
0x176: {  	v9 =	vmul.f32 $5.000000000e-01, v4  }
0x177: {  	v10 =	vmul.f32 $1.023000000e+03, v3;
	v5 =	vmul.f32 $1.270000000e+02, v3  }
0x178: {  	v6 =	vmul.f32 $5.110000000e+02, v3;
	v7 =	vmul.f32 $1.270000000e+02, v9  }
0x179: {  	v4 =	vmul.f32 $2.550000000e+02, v3;
	v3 =	vtrunc.f32 v5  }
0x17a: {  	v7 =	vtrunc.f32 v7;
	v11 =	vcvt.f32.s32 v3  }
0x17b: {  	v5 =	vmul.f32 $1.023000000e+03, v9;
	v8 =	vcvt.f32.s32 v7  }
0x17c: {  	v7 =	vmul.f32 $5.110000000e+02, v9;
	v3 =	vmul.f32 $2.550000000e+02, v9;
	vm1 =	vlt.s32 v11, $0x7E  }
0x17d: {  	s3 =	simm.s32 $0x10;
	s9 =	simm.s32 $0x80;
	v9 =	vtrunc.f32 v10;
	vm0 =	vlt.s32 v8, $0x7E;
	v10 =	vnsel vm1, $0x7E, v11  }
.LBB2_9:
0x17e: {  	p1 =	sne.s32 s9, $0x3C0;
	v11 =	vld [tilespmem:s3+$0x400];
	v6 =	vtrunc.f32 v6;
	v8 =	vnsel vm0, $0x7E, v8;
	v10 =	vshll.u32 v10, $0x7  }
0x17f: {  	v9 =	vcvt.f32.s32 v9;
	v4 =	vtrunc.f32 v4;
	v12 =	vld [tilespmem:s3+$0x300];
	v8 =	vadd.s32 v8, v10  }
0x180: {  	v6 =	vcvt.f32.s32 v6;
	v4 =	vcvt.f32.s32 v4;
	[tilespmem:s0+$0x1400] =	vst v8;
	v8 =	vadd.s32 $0x80, v8  }
0x181: {  	v5 =	vtrunc.f32 v5;
	v7 =	vtrunc.f32 v7;
	vm0 =	vlt.s32 v9, $0x3FE;
	[tilespmem:s0+$0x1500] =	vst v8  }
0x182: {  	v3 =	vtrunc.f32 v3;
	v5 =	vcvt.f32.s32 v5;
	vm1 =	vlt.s32 v6, $0x1FE  }
0x183: {  	v7 =	vcvt.f32.s32 v7;
	v3 =	vcvt.f32.s32 v3;
	v8 =	vadd.f32 v11, v11  }
0x184: {  	v9 =	vnsel vm0, $0x3FE, v9;
	vm0 =	vlt.s32 v4, $0xFE;
	v10 =	vadd.f32 v12, v12  }
0x185: {  	v6 =	vnsel vm1, $0x1FE, v6;
	v4 =	vnsel vm0, $0xFE, v4;
	v8 =	vadd.f32 $-1.000000000e+00, v8  }
0x186: {  	vm0 =	vlt.s32 v5, $0x3FE;
	vm1 =	vlt.s32 v7, $0x1FE;
	v10 =	vadd.f32 $-1.000000000e+00, v10  }
0x187: {  	vm2 =	vlt.s32 v3, $0xFE;
	v9 =	vshll.u32 v9, $0xA;
	v8 =	vadd.f32 $1.000000000e+00, v8  }
0x188: {  	v6 =	vshll.u32 v6, $0x9;
	v4 =	vshll.u32 v4, $0x8;
	v10 =	vadd.f32 $1.000000000e+00, v10  }
0x189: {  	v5 =	vnsel vm0, $0x3FE, v5;
	v7 =	vnsel vm1, $0x1FE, v7;
	v8 =	vmul.f32 $5.000000000e-01, v8  }
0x18a: {  	v3 =	vnsel vm2, $0xFE, v3;
	v5 =	vadd.s32 v5, v9;
	v10 =	vmul.f32 $5.000000000e-01, v10  }
0x18b: {  	v7 =	vadd.s32 v7, v6;
	v9 =	vmul.f32 $1.023000000e+03, v8;
	v11 =	vmul.f32 $1.270000000e+02, v8;
	[tilespmem:s0+$0x800] =	vst v5  }
0x18c: {  	v3 =	vadd.s32 v3, v4;
	v6 =	vmul.f32 $5.110000000e+02, v8;
	v12 =	vmul.f32 $1.270000000e+02, v10;
	[tilespmem:s0+$0xC00] =	vst v7  }
.Ltmp5:
0x18d: {  	v4 =	vmul.f32 $2.550000000e+02, v8;
	v5 =	vadd.s32 $0x400, v5;
	v8 =	vtrunc.f32 v11;
	[tilespmem:s0+$0x1000] =	vst v3;
	(pc) =	sbr.rel @p1 .LBB2_9-.Ltmp5, $4  }
0x18e: {  	v7 =	vadd.s32 $0x200, v7;
	v11 =	vtrunc.f32 v12;
	v12 =	vcvt.f32.s32 v8;
	[tilespmem:s0+$0x900] =	vst v5  }
0x18f: {  	v5 =	vmul.f32 $1.023000000e+03, v10;
	v8 =	vcvt.f32.s32 v11;
	[tilespmem:s0+$0xD00] =	vst v7;
	v11 =	vadd.s32 $0x100, v3  }
0x190: {  	v7 =	vmul.f32 $5.110000000e+02, v10;
	v3 =	vmul.f32 $2.550000000e+02, v10;
	vm1 =	vlt.s32 v12, $0x7E;
	[tilespmem:s0+$0x1100] =	vst v11;
	s0 =	smov.u32 s3  }
0x191: {  	v9 =	vtrunc.f32 v9;
	s3 =	sshra.s32 s9, $0x2;
	s9 =	sadd.s32 $0x40, s9;
	vm0 =	vlt.s32 v8, $0x7E;
	v10 =	vnsel vm1, $0x7E, v12  }
0x192: {  	v11 =	vld [tilespmem:s3+$0x400]  }
0x193: {  	v12 =	vld [tilespmem:s3+$0x300]  }
0x194: {  	v6 =	vtrunc.f32 v6;
	v8 =	vnsel vm0, $0x7E, v8;
	v9 =	vcvt.f32.s32 v9  }
0x195: {  	v10 =	vshll.u32 v10, $0x7;
	v4 =	vtrunc.f32 v4;
	v5 =	vtrunc.f32 v5  }
0x196: {  	v7 =	vtrunc.f32 v7;
	v3 =	vtrunc.f32 v3;
	v8 =	vadd.s32 v8, v10  }
0x197: {  	v6 =	vcvt.f32.s32 v6;
	v4 =	vcvt.f32.s32 v4;
	v11 =	vadd.f32 v11, v11  }
0x198: {  	v5 =	vcvt.f32.s32 v5;
	v7 =	vcvt.f32.s32 v7;
	v12 =	vadd.f32 v12, v12  }
0x199: {  	v3 =	vcvt.f32.s32 v3;
	v10 =	vadd.s32 $0x80, v8;
	v11 =	vadd.f32 $-1.000000000e+00, v11  }
0x19a: {  	vm4 =	vlt.s32 v9, $0x3FE;
	vm1 =	vlt.s32 v6, $0x1FE;
	v12 =	vadd.f32 $-1.000000000e+00, v12  }
0x19b: {  	v9 =	vnsel vm4, $0x3FE, v9;
	vm5 =	vlt.s32 v4, $0xFE;
	v11 =	vadd.f32 $1.000000000e+00, v11  }
0x19c: {  	vm6 =	vlt.s32 v5, $0x3FE;
	vm7 =	vlt.s32 v7, $0x1FE;
	v12 =	vadd.f32 $1.000000000e+00, v12  }
0x19d: {  	vm8 =	vlt.s32 v3, $0xFE;
	v6 =	vnsel vm1, $0x1FE, v6;
	v11 =	vmul.f32 $5.000000000e-01, v11  }
0x19e: {  	v4 =	vnsel vm5, $0xFE, v4;
	v9 =	vshll.u32 v9, $0xA;
	v12 =	vmul.f32 $5.000000000e-01, v12  }
0x19f: {  	v5 =	vnsel vm6, $0x3FE, v5;
	v7 =	vnsel vm7, $0x1FE, v7;
	v13 =	vmul.f32 $1.270000000e+02, v11  }
0x1a0: {  	v3 =	vnsel vm8, $0xFE, v3;
	v46 =	vmul.f32 $1.270000000e+02, v12;
	v14 =	vmul.f32 $1.023000000e+03, v11  }
0x1a1: {  	v5 =	vadd.s32 v5, v9;
	v48 =	vmul.f32 $5.110000000e+02, v11;
	v49 =	vmul.f32 $2.550000000e+02, v11  }
0x1a2: {  	v6 =	vshll.u32 v6, $0x9;
	v51 =	vmul.f32 $1.023000000e+03, v12;
	v52 =	vmul.f32 $5.110000000e+02, v12  }
0x1a3: {  	v4 =	vshll.u32 v4, $0x8;
	v12 =	vmul.f32 $2.550000000e+02, v12;
	v13 =	vtrunc.f32 v13  }
0x1a4: {  	v6 =	vadd.s32 v7, v6;
	v9 =	vtrunc.f32 v46;
	v14 =	vtrunc.f32 v14  }
0x1a5: {  	v3 =	vadd.s32 v3, v4;
	v4 =	vtrunc.f32 v49;
	v12 =	vtrunc.f32 v12  }
0x1a6: {  	v53 =	vadd.s32 $0x400, v5;
	v13 =	vcvt.f32.s32 v13;
	v47 =	vcvt.f32.s32 v9  }
0x1a7: {  	[tilespmem:s0+$0x1400] =	vst v8;
	v54 =	vadd.s32 $0x200, v6;
	v9 =	vtrunc.f32 v48;
	v14 =	vcvt.f32.s32 v14  }
0x1a8: {  	[tilespmem:s0+$0x1500] =	vst v10;
	v55 =	vadd.s32 $0x100, v3;
	v4 =	vcvt.f32.s32 v4;
	v58 =	vcvt.f32.s32 v12  }
0x1a9: {  	[tilespmem:s0+$0x800] =	vst v5;
	v9 =	vcvt.f32.s32 v9;
	vm9 =	vlt.s32 v13, $0x7E;
	vm10 =	vlt.s32 v47, $0x7E  }
0x1aa: {  	[tilespmem:s0+$0xC00] =	vst v6;
	vm11 =	vlt.s32 v14, $0x3FE;
	vm13 =	vlt.s32 v4, $0xFE;
	vm2 =	vlt.s32 v58, $0xFE  }
0x1ab: {  	[tilespmem:s0+$0x1000] =	vst v3;
	v50 =	vnsel vm9, $0x7E, v13;
	v7 =	vnsel vm10, $0x7E, v47;
	v13 =	vtrunc.f32 v51  }
0x1ac: {  	[tilespmem:s0+$0x900] =	vst v53;
	vm12 =	vlt.s32 v9, $0x1FE;
	v59 =	vnsel vm11, $0x3FE, v14;
	v4 =	vnsel vm13, $0xFE, v4  }
0x1ad: {  	[tilespmem:s0+$0xD00] =	vst v54;
	v63 =	vnsel vm2, $0xFE, v58;
	v11 =	vshll.u32 v50, $0x7;
	v3 =	vcvt.f32.s32 v13  }
0x1ae: {  	[tilespmem:s0+$0x1100] =	vst v55;
	v4 =	vshll.u32 v4, $0x8;
	v7 =	vadd.s32 v7, v11;
	v11 =	vtrunc.f32 v52  }
0x1af: {  	v4 =	vadd.s32 v63, v4;
	v57 =	vcvt.f32.s32 v11;
	vm14 =	vlt.s32 v3, $0x3FE;
	[tilespmem:s3+$0x1400] =	vst v7  }
0x1b0: {  	v60 =	vshll.u32 v59, $0xA;
	v56 =	vadd.s32 $0x80, v7;
	[tilespmem:s3+$0x1000] =	vst v4;
	v3 =	vnsel vm14, $0x3FE, v3  }
0x1b1: {  	v9 =	vnsel vm12, $0x1FE, v9;
	[tilespmem:s3+$0x1500] =	vst v56;
	vm15 =	vlt.s32 v57, $0x1FE;
	v3 =	vadd.s32 v3, v60  }
0x1b2: {  	v61 =	vshll.u32 v9, $0x9;
	v62 =	vnsel vm15, $0x1FE, v57;
	[tilespmem:s3+$0x800] =	vst v3;
	v3 =	vadd.s32 $0x400, v3  }
0x1b3: {  	v6 =	vadd.s32 v62, v61;
	[tilespmem:s3+$0x900] =	vst v3  }
0x1b4: {  	[tilespmem:s3+$0xC00] =	vst v6;
	v3 =	vadd.s32 $0x200, v6  }
0x1b5: {  	[tilespmem:s3+$0xD00] =	vst v3;
	v3 =	vadd.s32 $0x100, v4  }
0x1b6: {  	s9 =	simm.s32 $0x800;
	[tilespmem:s3+$0x1100] =	vst v3  }
0x1b7: {  	[tilespmem:s24], [sflag:$0x2] =	stream.indirect.gather [hbm4b:s1+s17], $0x10, s9, s17, $0xb8;
	[tilespmem:$0x13600] =	vst v63  }
0x1b8: {  	s3 =	simm.s32 $0x880;
	s9 =	simm.s32 $0x3E00  }
0x1b9: {  	[tilespmem:s9], [sflag:$0x2] =	stream.indirect.gather [hbm4b:s1+s17], $0x10, s3, s17, $0xb8;
	[tilespmem:$0x13600] =	vst v63  }
0x1ba: {  	s3 =	simm.s32 $0x900;
	s9 =	simm.s32 $0x4600  }
0x1bb: {  	[tilespmem:s9], [sflag:$0x2] =	stream.indirect.gather [hbm4b:s1+s17], $0x10, s3, s17, $0xb8;
	[tilespmem:$0x13600] =	vst v63  }
0x1bc: {  	s3 =	simm.s32 $0x980;
	s9 =	simm.s32 $0x4E00  }
0x1bd: {  	[tilespmem:s9], [sflag:$0x2] =	stream.indirect.gather [hbm4b:s1+s17], $0x10, s3, s17, $0xb8;
	[tilespmem:$0x13600] =	vst v63  }
0x1be: {  	s9 =	simm.s32 $0xC00  }
0x1bf: {  	[tilespmem:s10], [sflag:$0x2] =	stream.indirect.gather [hbm4b:s5+s17], $0x10, s9, s17, $0xb8;
	[tilespmem:$0x13600] =	vst v63  }
0x1c0: {  	s3 =	simm.s32 $0xC80;
	s9 =	simm.s32 $0x7E00  }
0x1c1: {  	[tilespmem:s9], [sflag:$0x2] =	stream.indirect.gather [hbm4b:s5+s17], $0x10, s3, s17, $0xb8;
	[tilespmem:$0x13600] =	vst v63  }
0x1c2: {  	s3 =	simm.s32 $0xD00;
	s9 =	simm.s32 $0x8600  }
0x1c3: {  	[tilespmem:s9], [sflag:$0x2] =	stream.indirect.gather [hbm4b:s5+s17], $0x10, s3, s17, $0xb8;
	[tilespmem:$0x13600] =	vst v63  }
0x1c4: {  	s3 =	simm.s32 $0xD80;
	s9 =	simm.s32 $0x8E00  }
0x1c5: {  	[tilespmem:s9], [sflag:$0x2] =	stream.indirect.gather [hbm4b:s5+s17], $0x10, s3, s17, $0xb8;
	[tilespmem:$0x13600] =	vst v63  }
0x1c6: {  	s9 =	simm.s32 $0x1000  }
0x1c7: {  	[tilespmem:s2], [sflag:$0x2] =	stream.indirect.gather [hbm4b:s6+s17], $0x10, s9, s17, $0xb8;
	[tilespmem:$0x13600] =	vst v63  }
0x1c8: {  	s3 =	simm.s32 $0x1080;
	s9 =	simm.s32 $0xBE00  }
0x1c9: {  	[tilespmem:s9], [sflag:$0x2] =	stream.indirect.gather [hbm4b:s6+s17], $0x10, s3, s17, $0xb8;
	[tilespmem:$0x13600] =	vst v63  }
0x1ca: {  	s3 =	simm.s32 $0x1100;
	s9 =	simm.s32 $0xC600  }
0x1cb: {  	[tilespmem:s9], [sflag:$0x2] =	stream.indirect.gather [hbm4b:s6+s17], $0x10, s3, s17, $0xb8;
	[tilespmem:$0x13600] =	vst v63  }
0x1cc: {  	s3 =	simm.s32 $0x1180;
	s9 =	simm.s32 $0xCE00  }
0x1cd: {  	[tilespmem:s9], [sflag:$0x2] =	stream.indirect.gather [hbm4b:s6+s17], $0x10, s3, s17, $0xb8;
	[tilespmem:$0x13600] =	vst v63  }
0x1ce: {  	p1 =	seq.s32 s30, $0x3F;
	s0 =	rddreg [dreg:$0x4];
	s9 =	simm.s32 $0x1400  }
0x1cf: {  	[tilespmem:s23], [sflag:$0x2] =	stream.indirect.gather [hbm4b:s7+s17], $0x10, s9, s17, $0xb8;
	[tilespmem:$0x13600] =	vst v63  }
0x1d0: {  	s0 =	sadd.s32 @!p1 s15, s0;
	s3 =	simm.s32 $0x1480;
	s9 =	simm.s32 $0xFE00  }
0x1d1: {  	[tilespmem:s9], [sflag:$0x2] =	stream.indirect.gather [hbm4b:s7+s17], $0x10, s3, s17, $0xb8;
	[tilespmem:$0x13600] =	vst v63  }
0x1d2: {  	s15 =	simm.s32 @!p1 $0x0;
	s3 =	simm.s32 $0x1500;
	s9 =	simm.s32 $0x10600  }
0x1d3: {  	[tilespmem:s9], [sflag:$0x2] =	stream.indirect.gather [hbm4b:s7+s17], $0x10, s3, s17, $0xb8;
	[tilespmem:$0x13600] =	vst v63  }
0x1d4: {  	s0 =	sshrl.u32 @!p1 s0, $0x3;
	s3 =	simm.s32 $0x1580;
	s9 =	simm.s32 $0x10E00  }
0x1d5: {  	[tilespmem:s9], [sflag:$0x2] =	stream.indirect.gather [hbm4b:s7+s17], $0x10, s3, s17, $0xb8;
	[tilespmem:$0x13600] =	vst v63  }
0x1d6: {  	s0 =	sadd.s32 @!p1 s4, s0;
	s3 =	simm.s32 @!p1 $0x100;
	s9 =	simm.s32 @!p1 $0x100000  }
0x1d7: {  	[tilespmem:s15], [sflag:$0x3] =	stream.strided.gather @!p1 [hbm4b:s0+s3], $0x300, s9, s3, $0x38;
	[tilespmem:$0x13600] =	vst v63  }
0x1d8: {  	_ =	swait.ge [sflag:s25], $0x2000  }
0x1d9: {  	[sflag:s25] =	ssyncset.done $0x0  }
0x1da: {  	[sflag:s25] =	ssyncadd.s32 $0xFFFFE000  }
0x1db: {  	_ =	swait.ge [sflag:s25], $0x2000  }
0x1dc: {  	[sflag:s25] =	ssyncset.done $0x0  }
0x1dd: {  	[sflag:s25] =	ssyncadd.s32 $0xFFFFE000  }
0x1de: {  	_ =	swait.ge [sflag:s25], $0x2000  }
0x1df: {  	[sflag:s25] =	ssyncset.done $0x0  }
0x1e0: {  	[sflag:s25] =	ssyncadd.s32 $0xFFFFE000  }
0x1e1: {  	_ =	swait.ge [sflag:s25], $0x2000  }
0x1e2: {  	[sflag:s25] =	ssyncset.done $0x0  }
0x1e3: {  	s0 =	simm.s32 @!p0 $0x6;
	[sflag:s25] =	ssyncadd.s32 $0xFFFFE000  }
0x1e4: {  	_ =	swait.ge @!p0 [sflag:s0], $0x1000  }
0x1e5: {  	[sflag:s0] =	ssyncset.done @!p0 $0x0  }
0x1e6: {  	s15 =	simm.s32 $0x0;
	[sflag:s0] =	ssyncadd.s32 @!p0 $0xFFFFF000;
	s0 =	simm.s32 $0x0  }
.LBB2_11:
0x1e7: {  	s3 =	sshll.u32 s0, $0x4  }
0x1e8: {  	v3 =	vld [tilespmem:s3+$0x300]  }
0x1e9: {  	v4 =	vld [tilespmem:s3+$0x400];
	_ =	sdelay $0x4  }
0x1ea: {  	v3 =	vadd.f32 v3, v3;
	v4 =	vadd.f32 v4, v4;
	_ =	sdelay $0x1  }
0x1eb: {  	v3 =	vadd.f32 $-1.000000000e+00, v3;
	v4 =	vadd.f32 $-1.000000000e+00, v4;
	_ =	sdelay $0x1  }
0x1ec: {  	v3 =	vadd.f32 $1.000000000e+00, v3;
	v4 =	vadd.f32 $1.000000000e+00, v4;
	_ =	sdelay $0x1  }
0x1ed: {  	v7 =	vmul.f32 $5.000000000e-01, v3;
	v8 =	vmul.f32 $5.000000000e-01, v4;
	_ =	sdelay $0x1  }
0x1ee: {  	v3 =	vmul.f32 $1.023000000e+03, v7;
	v4 =	vmul.f32 $1.023000000e+03, v8  }
0x1ef: {  	v10 =	vmul.f32 $5.110000000e+02, v7;
	v11 =	vmul.f32 $5.110000000e+02, v8  }
0x1f0: {  	v22 =	vadd.s32 s15, v0;
	v14 =	vmul.f32 $2.550000000e+02, v7;
	v15 =	vmul.f32 $2.550000000e+02, v8  }
0x1f1: {  	v21 =	vor.u32 s3, v0;
	v18 =	vmul.f32 $1.270000000e+02, v8;
	v5 =	vtrunc.f32 v3  }
0x1f2: {  	v23 =	vand.u32 $0xF, v22;
	v6 =	vtrunc.f32 v4;
	v12 =	vtrunc.f32 v10  }
0x1f3: {  	v19 =	vshll.u32 v21, $0x4;
	v13 =	vtrunc.f32 v11;
	v16 =	vtrunc.f32 v14  }
0x1f4: {  	v25 =	vor.u32 v19, v23;
	v17 =	vtrunc.f32 v15;
	v24 =	vtrunc.f32 v18  }
0x1f5: {  	v5 =	vcvt.f32.s32 v5;
	v6 =	vcvt.f32.s32 v6  }
0x1f6: {  	v8 =	vmov s3;
	v12 =	vcvt.f32.s32 v12;
	v13 =	vcvt.f32.s32 v13  }
0x1f7: {  	v8 =	vshll.u32 v8, $0x4;
	v24 =	vcvt.f32.s32 v24;
	v5 =	vcvt.s32.f32 v5  }
0x1f8: {  	v20 =	vor.u32 v1, v8;
	v6 =	vcvt.s32.f32 v6;
	v12 =	vcvt.s32.f32 v12  }
0x1f9: {  	v31 =	vld.idx.msk [tilespmem:v25+s2+$0x0], $0xffff;
	v26 =	vor.u32 v20, v23;
	v13 =	vcvt.s32.f32 v13;
	v9 =	vsub.f32 v3, v5  }
0x1fa: {  	v6 =	vsub.f32 v4, v6;
	v10 =	vsub.f32 v10, v12;
	v12 =	vcvt.f32.s32 v16  }
0x1fb: {  	v16 =	vcvt.f32.s32 v17;
	v11 =	vsub.f32 v11, v13;
	v13 =	vmul.f32 $1.270000000e+02, v7  }
0x1fc: {  	v4 =	vsub.f32 $1.000000000e+00, v9;
	v5 =	vsub.f32 $1.000000000e+00, v6;
	v12 =	vcvt.s32.f32 v12  }
0x1fd: {  	v16 =	vcvt.s32.f32 v16;
	v7 =	vtrunc.f32 v13  }
0x1fe: {  	v37 =	vshll.u32 v31, $0x10;
	v8 =	vcvt.f32.s32 v7;
	v3 =	vmul.f32 v5, v4  }
0x1ff: {  	v17 =	vsub.f32 $1.000000000e+00, v11;
	v5 =	vmul.f32 v5, v9;
	v4 =	vmul.f32 v4, v6  }
0x200: {  	v29 =	vld.idx.msk [tilespmem:v26+s24+$0x0], $0xffff;
	v6 =	vmul.f32 v6, v9;
	v9 =	vsub.f32 $1.000000000e+00, v10;
	v14 =	vsub.f32 v14, v12  }
0x201: {  	v30 =	vld.idx.msk [tilespmem:v26+s10+$0x0], $0xffff;
	v16 =	vsub.f32 v15, v16;
	v15 =	vcvt.s32.f32 v24;
	v12 =	vcvt.s32.f32 v8  }
0x202: {  	v31 =	vand.u32 $0xFFFF0000, v31;
	v8 =	vmul.f32 v17, v10;
	v7 =	vmul.f32 v17, v9  }
0x203: {  	v17 =	vsub.f32 $1.000000000e+00, v14;
	v23 =	vsub.f32 $1.000000000e+00, v16;
	v9 =	vmul.f32 v9, v11  }
0x204: {  	v27 =	vsub.f32 v18, v15;
	v24 =	vsub.f32 v13, v12;
	v12 =	vmul.f32 v11, v10  }
0x205: {  	v32 =	vshll.u32 v29, $0x10;
	v11 =	vmul.f32 v23, v17;
	v13 =	vmul.f32 v23, v14;
	v23 =	vld.idx.msk [tilespmem:v25+s10+$0x0], $0xffff  }
0x206: {  	v29 =	vand.u32 $0xFFFF0000, v29;
	v35 =	vshll.u32 v30, $0x10;
	v32 =	vmul.f32 v32, v4  }
0x207: {  	v30 =	vand.u32 $0xFFFF0000, v30;
	v29 =	vmul.f32 v29, v6;
	v15 =	vmul.f32 v17, v16  }
0x208: {  	v28 =	vld.idx.msk [tilespmem:v25+s24+$0x0], $0xffff;
	v18 =	vsub.f32 $1.000000000e+00, v27;
	v16 =	vmul.f32 v16, v14;
	v35 =	vmul.f32 v35, v9  }
0x209: {  	s9 =	simm.s32 $0x3;
	v10 =	vsub.f32 $1.000000000e+00, v24;
	v30 =	vmul.f32 v30, v12;
	v37 =	vmul.f32 v37, v11  }
0x20a: {  	v25 =	vld.idx.msk [tilespmem:v25+s23+$0x0], $0xffff;
	v33 =	vshll.u32 v23, $0x10;
	v34 =	vand.u32 $0xFFFF0000, v23;
	v23 =	vadd.s32 s9, v0  }
0x20b: {  	v31 =	vmul.f32 v31, v13;
	v17 =	vmul.f32 v18, v10;
	v36 =	vand.u32 $0xF, v23  }
0x20c: {  	v14 =	vmul.f32 v10, v27;
	v10 =	vmul.f32 v27, v24;
	v27 =	vld.idx.msk [tilespmem:v26+s2+$0x0], $0xffff;
	v38 =	vor.u32 v19, v36  }
0x20d: {  	v18 =	vmul.f32 v18, v24;
	v24 =	vshll.u32 v28, $0x10;
	v26 =	vld.idx.msk [tilespmem:v26+s23+$0x0], $0xffff;
	v36 =	vor.u32 v20, v36  }
0x20e: {  	v28 =	vand.u32 $0xFFFF0000, v28;
	v30 =	vadd.f32 v30, v35;
	v24 =	vmul.f32 v24, v3  }
0x20f: {  	v28 =	vmul.f32 v28, v5;
	v31 =	vadd.f32 v31, v37;
	v40 =	vshll.u32 v25, $0x10  }
0x210: {  	v25 =	vand.u32 $0xFFFF0000, v25;
	v33 =	vmul.f32 v33, v7;
	v34 =	vmul.f32 v34, v8  }
0x211: {  	v40 =	vmul.f32 v40, v17;
	v25 =	vmul.f32 v25, v18;
	v24 =	vadd.f32 v28, v24;
	v41 =	vld.idx.msk [tilespmem:v38+s24+$0x0], $0xffff  }
0x212: {  	v39 =	vshll.u32 v27, $0x10;
	v27 =	vand.u32 $0xFFFF0000, v27;
	v42 =	vshll.u32 v26, $0x10;
	v43 =	vld.idx.msk [tilespmem:v36+s24+$0x0], $0xffff  }
0x213: {  	v26 =	vand.u32 $0xFFFF0000, v26;
	v39 =	vmul.f32 v39, v15;
	v27 =	vmul.f32 v27, v16;
	v44 =	vld.idx.msk [tilespmem:v38+s10+$0x0], $0xffff  }
0x214: {  	v28 =	vadd.f32 v29, v32;
	v29 =	vmul.f32 v42, v14;
	v26 =	vmul.f32 v26, v10;
	v51 =	vld.idx.msk [tilespmem:v36+s10+$0x0], $0xffff  }
0x215: {  	v33 =	vadd.f32 v34, v33;
	v25 =	vadd.f32 v25, v40;
	v52 =	vld.idx.msk [tilespmem:v38+s2+$0x0], $0xffff  }
0x216: {  	v27 =	vadd.f32 v27, v39;
	v26 =	vadd.f32 v26, v29;
	v53 =	vld.idx.msk [tilespmem:v36+s2+$0x0], $0xffff  }
0x217: {  	v28 =	vadd.f32 v28, v24;
	v30 =	vadd.f32 v30, v33;
	v29 =	vld.idx.msk [tilespmem:v38+s23+$0x0], $0xffff  }
0x218: {  	v31 =	vadd.f32 v27, v31;
	v25 =	vadd.f32 v26, v25;
	v24 =	vshll.u32 v41, $0x10  }
0x219: {  	v26 =	vld.idx.msk [tilespmem:v36+s23+$0x0], $0xffff;
	v27 =	vand.u32 $0xFFFF0000, v41;
	v54 =	vshll.u32 v43, $0x10;
	v55 =	vand.u32 $0xFFFF0000, v43  }
0x21a: {  	v56 =	vshll.u32 v44, $0x10;
	v57 =	vand.u32 $0xFFFF0000, v44;
	v58 =	vshll.u32 v51, $0x10  }
0x21b: {  	v32 =	vand.u32 $0xFFFF0000, v51;
	v59 =	vshll.u32 v52, $0x10;
	v34 =	vand.u32 $0xFFFF0000, v52  }
0x21c: {  	v60 =	vshll.u32 v53, $0x10;
	v35 =	vand.u32 $0xFFFF0000, v53;
	v61 =	vshll.u32 v29, $0x10  }
0x21d: {  	v29 =	vand.u32 $0xFFFF0000, v29;
	v62 =	vmul.f32 v24, v3;
	v27 =	vmul.f32 v27, v5  }
0x21e: {  	s9 =	simm.s32 $0x2;
	v33 =	vmul.f32 v54, v4;
	v36 =	vmul.f32 v55, v6;
	v63 =	vshll.u32 v26, $0x10  }
0x21f: {  	v24 =	vadd.s32 s9, v0;
	v37 =	vmul.f32 v56, v7;
	v38 =	vmul.f32 v57, v8  }
0x220: {  	v39 =	vmul.f32 v58, v9;
	v32 =	vmul.f32 v32, v12;
	v45 =	vand.u32 $0xF, v24  }
0x221: {  	v40 =	vmul.f32 v59, v11;
	v34 =	vmul.f32 v34, v13;
	v46 =	vor.u32 v19, v45  }
0x222: {  	v41 =	vmul.f32 v60, v15;
	v35 =	vmul.f32 v35, v16;
	v45 =	vor.u32 v20, v45  }
0x223: {  	v42 =	vmul.f32 v61, v17;
	v29 =	vmul.f32 v29, v18;
	v26 =	vand.u32 $0xFFFF0000, v26  }
0x224: {  	v44 =	vmul.f32 v63, v14;
	v27 =	vadd.f32 v27, v62;
	v33 =	vadd.f32 v36, v33  }
0x225: {  	v26 =	vmul.f32 v26, v10;
	v37 =	vadd.f32 v38, v37;
	v32 =	vadd.f32 v32, v39  }
0x226: {  	v34 =	vadd.f32 v34, v40;
	v35 =	vadd.f32 v35, v41;
	v47 =	vld.idx.msk [tilespmem:v46+s24+$0x0], $0xffff  }
0x227: {  	v29 =	vadd.f32 v29, v42;
	v26 =	vadd.f32 v26, v44;
	v48 =	vld.idx.msk [tilespmem:v45+s24+$0x0], $0xffff  }
0x228: {  	v33 =	vadd.f32 v33, v27;
	v32 =	vadd.f32 v32, v37;
	v49 =	vld.idx.msk [tilespmem:v46+s10+$0x0], $0xffff  }
0x229: {  	s9 =	simm.s32 $0x1;
	v34 =	vadd.f32 v35, v34;
	v26 =	vadd.f32 v26, v29;
	v50 =	vld.idx.msk [tilespmem:v45+s10+$0x0], $0xffff  }
0x22a: {  	v28 =	vadd.f32 v30, v28;
	v25 =	vadd.f32 v25, v31;
	v27 =	vadd.s32 s9, v0;
	v29 =	vld.idx.msk [tilespmem:v46+s2+$0x0], $0xffff  }
0x22b: {  	v31 =	vadd.f32 v32, v33;
	v30 =	vld.idx.msk [tilespmem:v45+s2+$0x0], $0xffff;
	v51 =	vadd.f32 v26, v34;
	v34 =	vshll.u32 v22, $0x8  }
0x22c: {  	v60 =	vand.u32 $0xF, v27;
	v26 =	vadd.f32 v25, v28;
	v63 =	vld.idx.msk [tilespmem:v45+s23+$0x0], $0xffff;
	v45 =	vand.u32 $0xF00, v34  }
0x22d: {  	v25 =	vadd.f32 v51, v31;
	v22 =	vshll.u32 v47, $0x10;
	v28 =	vand.u32 $0xFFFF0000, v47  }
0x22e: {  	v31 =	vshll.u32 v48, $0x10;
	v52 =	vand.u32 $0xFFFF0000, v48;
	v53 =	vshll.u32 v49, $0x10  }
0x22f: {  	v38 =	vld.idx.msk [tilespmem:v46+s23+$0x0], $0xffff;
	v54 =	vand.u32 $0xFFFF0000, v49;
	v55 =	vshll.u32 v50, $0x10;
	v37 =	vand.u32 $0xFFFF0000, v50  }
0x230: {  	v56 =	vshll.u32 v29, $0x10;
	v61 =	vand.u32 $0xFFFF0000, v29;
	v62 =	vshll.u32 v30, $0x10  }
0x231: {  	v29 =	vor.u32 v19, v60;
	v44 =	vmul.f32 v22, v3;
	v57 =	vmul.f32 v28, v5  }
0x232: {  	v28 =	vor.u32 v20, v60;
	v58 =	vmul.f32 v31, v4;
	v59 =	vmul.f32 v52, v6  }
0x233: {  	v47 =	vmul.f32 v53, v7;
	v48 =	vmul.f32 v54, v8;
	v31 =	vand.u32 $0xFFFF0000, v30  }
0x234: {  	v49 =	vmul.f32 v55, v9;
	v50 =	vmul.f32 v37, v12;
	v60 =	vshll.u32 v38, $0x10  }
0x235: {  	v22 =	vld [tilespmem:s3+$0x500];
	v51 =	vmul.f32 v56, v11;
	v52 =	vmul.f32 v61, v13;
	v61 =	vand.u32 $0xFFFF0000, v38  }
0x236: {  	v53 =	vmul.f32 v62, v15;
	v62 =	vshll.u32 v63, $0x10;
	v54 =	vmul.f32 v31, v16;
	v30 =	vld.idx.msk [tilespmem:v29+s24+$0x0], $0xffff  }
0x237: {  	v63 =	vand.u32 $0xFFFF0000, v63;
	v35 =	vmul.f32 v60, v17;
	v36 =	vmul.f32 v61, v18;
	v32 =	vld.idx.msk [tilespmem:v29+s10+$0x0], $0xffff  }
0x238: {  	v40 =	vmul.f32 v62, v14;
	v37 =	vadd.f32 v57, v44;
	v38 =	vadd.f32 v59, v58;
	v34 =	vld.idx.msk [tilespmem:v29+s2+$0x0], $0xffff  }
0x239: {  	v39 =	vadd.f32 v48, v47;
	v41 =	vadd.f32 v50, v49;
	v44 =	vmul.f32 v63, v10;
	v31 =	vld.idx.msk [tilespmem:v28+s24+$0x0], $0xffff  }
0x23a: {  	v21 =	vand.u32 v2, v21;
	s3 =	simm.s32 $0x4;
	v42 =	vadd.f32 v52, v51;
	v43 =	vadd.f32 v54, v53;
	v33 =	vld.idx.msk [tilespmem:v28+s10+$0x0], $0xffff  }
.LBB2_12:
0x23b: {  	p0 =	slt.u32 s3, $0xC;
	v45 =	vor.u32 v45, v21;
	v35 =	vadd.f32 v36, v35;
	v36 =	vadd.f32 v44, v40  }
0x23c: {  	v37 =	vadd.f32 v38, v37;
	v38 =	vadd.f32 v41, v39;
	v23 =	vshll.u32 v23, $0x8;
	v40 =	vld.idx.msk [tilespmem:v28+s2+$0x0], $0xffff  }
0x23d: {  	v39 =	vadd.f32 v43, v42;
	v23 =	vand.u32 $0xF00, v23;
	v35 =	vadd.f32 v36, v35  }
0x23e: {  	v41 =	vshll.u32 v31, $0x10;
	v36 =	vshll.u32 v30, $0x10;
	v30 =	vand.u32 $0xFFFF0000, v30;
	v29 =	vld.idx.msk [tilespmem:v29+s23+$0x0], $0xffff  }
0x23f: {  	v31 =	vand.u32 $0xFFFF0000, v31;
	v42 =	vshll.u32 v32, $0x10;
	v32 =	vand.u32 $0xFFFF0000, v32  }
0x240: {  	v43 =	vshll.u32 v33, $0x10;
	v33 =	vand.u32 $0xFFFF0000, v33;
	v44 =	vshll.u32 v34, $0x10;
	v28 =	vld.idx.msk [tilespmem:v28+s23+$0x0], $0xffff  }
0x241: {  	v36 =	vmul.f32 v36, v3;
	v30 =	vmul.f32 v30, v5;
	v34 =	vand.u32 $0xFFFF0000, v34  }
0x242: {  	v41 =	vmul.f32 v41, v4;
	v31 =	vmul.f32 v31, v6;
	v46 =	vshll.u32 v40, $0x10  }
0x243: {  	v42 =	vmul.f32 v42, v7;
	v32 =	vmul.f32 v32, v8;
	v40 =	vand.u32 $0xFFFF0000, v40  }
0x244: {  	v43 =	vmul.f32 v43, v9;
	v33 =	vmul.f32 v33, v12;
	v47 =	vshll.u32 v29, $0x10  }
0x245: {  	v44 =	vmul.f32 v44, v11;
	v34 =	vmul.f32 v34, v13;
	v29 =	vand.u32 $0xFFFF0000, v29  }
0x246: {  	v46 =	vmul.f32 v46, v15;
	v40 =	vmul.f32 v40, v16;
	v48 =	vshll.u32 v28, $0x10  }
0x247: {  	v47 =	vmul.f32 v47, v17;
	v29 =	vmul.f32 v29, v18;
	v28 =	vand.u32 $0xFFFF0000, v28  }
0x248: {  	v31 =	vadd.f32 v31, v41;
	v30 =	vadd.f32 v30, v36;
	v36 =	vmul.f32 v48, v14  }
0x249: {  	v32 =	vadd.f32 v32, v42;
	v33 =	vadd.f32 v33, v43;
	v28 =	vmul.f32 v28, v10  }
0x24a: {  	v23 =	vor.u32 v23, v21;
	v34 =	vadd.f32 v34, v44;
	v40 =	vadd.f32 v40, v46  }
0x24b: {  	v24 =	vshll.u32 v24, $0x8;
	v29 =	vadd.f32 v29, v47;
	v28 =	vadd.f32 v28, v36  }
0x24c: {  	v24 =	vand.u32 $0xF00, v24;
	v30 =	vadd.f32 v31, v30;
	v31 =	vadd.f32 v33, v32  }
0x24d: {  	v24 =	vor.u32 v24, v21;
	v32 =	vadd.f32 v40, v34;
	v28 =	vadd.f32 v28, v29  }
0x24e: {  	v27 =	vshll.u32 v27, $0x8;
	v33 =	vadd.f32 v35, v39;
	v29 =	vadd.f32 v38, v37  }
0x24f: {  	v27 =	vand.u32 $0xF00, v27;
	v30 =	vadd.f32 v31, v30;
	v28 =	vadd.f32 v28, v32  }
0x250: {  	v27 =	vor.u32 v27, v21;
	v31 =	vmul.f32 v26, v22;
	v29 =	vadd.f32 v33, v29  }
0x251: {  	v25 =	vmul.f32 v25, v22;
	v26 =	vadd.s32 s3, v0;
	v28 =	vadd.f32 v28, v30  }
0x252: {  	v30 =	vand.u32 $0xF, v26;
	v29 =	vmul.f32 v29, v22;
	[tilespmem:v45+s29+$0x0] =	vst.idx.msk $0xffff, v31  }
0x253: {  	v28 =	vmul.f32 v28, v22;
	v31 =	vor.u32 v19, v30;
	[tilespmem:v23+s29+$0x0] =	vst.idx.msk $0xffff, v25  }
0x254: {  	v25 =	vor.u32 v20, v30;
	[tilespmem:v24+s29+$0x0] =	vst.idx.msk $0xffff, v29  }
0x255: {  	[tilespmem:v27+s29+$0x0] =	vst.idx.msk $0xffff, v28;
	_ =	sdelay $0x2  }
0x256: {  	v23 =	vld.idx.msk [tilespmem:v31+s24+$0x0], $0xffff  }
0x257: {  	v24 =	vld.idx.msk [tilespmem:v25+s24+$0x0], $0xffff  }
0x258: {  	v27 =	vld.idx.msk [tilespmem:v31+s10+$0x0], $0xffff  }
0x259: {  	v28 =	vld.idx.msk [tilespmem:v25+s10+$0x0], $0xffff  }
0x25a: {  	v29 =	vld.idx.msk [tilespmem:v31+s2+$0x0], $0xffff;
	_ =	sdelay $0x1  }
0x25b: {  	v30 =	vshll.u32 v23, $0x10;
	v32 =	vld.idx.msk [tilespmem:v25+s2+$0x0], $0xffff  }
0x25c: {  	s9 =	sadd.s32 $0x3, s3;
	v33 =	vand.u32 $0xFFFF0000, v23;
	v34 =	vshll.u32 v24, $0x10;
	v24 =	vand.u32 $0xFFFF0000, v24  }
0x25d: {  	v23 =	vadd.s32 s9, v0;
	v35 =	vshll.u32 v27, $0x10;
	v27 =	vand.u32 $0xFFFF0000, v27;
	v31 =	vld.idx.msk [tilespmem:v31+s23+$0x0], $0xffff  }
0x25e: {  	v37 =	vand.u32 $0xF, v23;
	v36 =	vshll.u32 v28, $0x10;
	v28 =	vand.u32 $0xFFFF0000, v28  }
0x25f: {  	v39 =	vor.u32 v19, v37;
	v38 =	vshll.u32 v29, $0x10;
	v29 =	vand.u32 $0xFFFF0000, v29;
	v25 =	vld.idx.msk [tilespmem:v25+s23+$0x0], $0xffff  }
0x260: {  	v30 =	vmul.f32 v30, v3;
	v33 =	vmul.f32 v33, v5;
	v37 =	vor.u32 v20, v37  }
0x261: {  	v34 =	vmul.f32 v34, v4;
	v24 =	vmul.f32 v24, v6;
	v40 =	vshll.u32 v32, $0x10  }
0x262: {  	v35 =	vmul.f32 v35, v7;
	v27 =	vmul.f32 v27, v8;
	v32 =	vand.u32 $0xFFFF0000, v32  }
0x263: {  	v36 =	vmul.f32 v36, v9;
	v28 =	vmul.f32 v28, v12;
	v41 =	vshll.u32 v31, $0x10  }
0x264: {  	v38 =	vmul.f32 v38, v11;
	v29 =	vmul.f32 v29, v13;
	v31 =	vand.u32 $0xFFFF0000, v31;
	v42 =	vld.idx.msk [tilespmem:v39+s24+$0x0], $0xffff  }
0x265: {  	v40 =	vmul.f32 v40, v15;
	v32 =	vmul.f32 v32, v16;
	v43 =	vshll.u32 v25, $0x10;
	v44 =	vld.idx.msk [tilespmem:v37+s24+$0x0], $0xffff  }
0x266: {  	v41 =	vmul.f32 v41, v17;
	v31 =	vmul.f32 v31, v18;
	v25 =	vand.u32 $0xFFFF0000, v25;
	v45 =	vld.idx.msk [tilespmem:v39+s10+$0x0], $0xffff  }
0x267: {  	v30 =	vadd.f32 v33, v30;
	v24 =	vadd.f32 v24, v34;
	v33 =	vmul.f32 v43, v14;
	v34 =	vld.idx.msk [tilespmem:v37+s10+$0x0], $0xffff  }
0x268: {  	v27 =	vadd.f32 v27, v35;
	v28 =	vadd.f32 v28, v36;
	v25 =	vmul.f32 v25, v10;
	v35 =	vld.idx.msk [tilespmem:v39+s2+$0x0], $0xffff  }
0x269: {  	v29 =	vadd.f32 v29, v38;
	v32 =	vadd.f32 v32, v40;
	v36 =	vld.idx.msk [tilespmem:v37+s2+$0x0], $0xffff  }
0x26a: {  	v31 =	vadd.f32 v31, v41;
	v25 =	vadd.f32 v25, v33;
	v33 =	vld.idx.msk [tilespmem:v39+s23+$0x0], $0xffff  }
0x26b: {  	v30 =	vadd.f32 v24, v30;
	v27 =	vadd.f32 v28, v27  }
0x26c: {  	v28 =	vadd.f32 v32, v29;
	v25 =	vadd.f32 v25, v31;
	v24 =	vshll.u32 v42, $0x10;
	v29 =	vld.idx.msk [tilespmem:v37+s23+$0x0], $0xffff  }
0x26d: {  	v31 =	vand.u32 $0xFFFF0000, v42;
	v32 =	vshll.u32 v44, $0x10;
	v37 =	vand.u32 $0xFFFF0000, v44  }
0x26e: {  	v38 =	vshll.u32 v45, $0x10;
	v39 =	vand.u32 $0xFFFF0000, v45;
	v40 =	vshll.u32 v34, $0x10  }
0x26f: {  	v34 =	vand.u32 $0xFFFF0000, v34;
	v41 =	vshll.u32 v35, $0x10;
	v35 =	vand.u32 $0xFFFF0000, v35  }
0x270: {  	v42 =	vshll.u32 v36, $0x10;
	v36 =	vand.u32 $0xFFFF0000, v36;
	v43 =	vshll.u32 v33, $0x10  }
0x271: {  	v31 =	vmul.f32 v31, v5;
	v44 =	vmul.f32 v24, v3;
	v33 =	vand.u32 $0xFFFF0000, v33  }
0x272: {  	s9 =	sadd.s32 $0x2, s3;
	v32 =	vmul.f32 v32, v4;
	v37 =	vmul.f32 v37, v6;
	v45 =	vshll.u32 v29, $0x10  }
0x273: {  	v24 =	vadd.s32 s9, v0;
	v38 =	vmul.f32 v38, v7;
	v39 =	vmul.f32 v39, v8  }
0x274: {  	v46 =	vand.u32 $0xF, v24;
	v40 =	vmul.f32 v40, v9;
	v34 =	vmul.f32 v34, v12  }
0x275: {  	v47 =	vor.u32 v19, v46;
	v41 =	vmul.f32 v41, v11;
	v35 =	vmul.f32 v35, v13  }
0x276: {  	v46 =	vor.u32 v20, v46;
	v42 =	vmul.f32 v42, v15;
	v36 =	vmul.f32 v36, v16  }
0x277: {  	v43 =	vmul.f32 v43, v17;
	v33 =	vmul.f32 v33, v18;
	v29 =	vand.u32 $0xFFFF0000, v29  }
0x278: {  	v31 =	vadd.f32 v31, v44;
	v32 =	vadd.f32 v37, v32;
	v37 =	vmul.f32 v45, v14  }
0x279: {  	v38 =	vadd.f32 v39, v38;
	v34 =	vadd.f32 v34, v40;
	v29 =	vmul.f32 v29, v10  }
0x27a: {  	v35 =	vadd.f32 v35, v41;
	v36 =	vadd.f32 v36, v42;
	v39 =	vld.idx.msk [tilespmem:v47+s24+$0x0], $0xffff  }
0x27b: {  	v33 =	vadd.f32 v33, v43;
	v29 =	vadd.f32 v29, v37;
	v40 =	vld.idx.msk [tilespmem:v46+s24+$0x0], $0xffff  }
0x27c: {  	v31 =	vadd.f32 v32, v31;
	v32 =	vadd.f32 v34, v38;
	v37 =	vld.idx.msk [tilespmem:v47+s10+$0x0], $0xffff  }
0x27d: {  	v35 =	vadd.f32 v36, v35;
	v29 =	vadd.f32 v29, v33;
	v34 =	vld.idx.msk [tilespmem:v46+s10+$0x0], $0xffff  }
0x27e: {  	v27 =	vadd.f32 v27, v30;
	v25 =	vadd.f32 v25, v28;
	v28 =	vld.idx.msk [tilespmem:v47+s2+$0x0], $0xffff  }
0x27f: {  	v31 =	vadd.f32 v32, v31;
	v29 =	vadd.f32 v29, v35;
	v30 =	vld.idx.msk [tilespmem:v46+s2+$0x0], $0xffff  }
0x280: {  	v42 =	vshll.u32 v26, $0x8  }
0x281: {  	v26 =	vadd.f32 v25, v27;
	v25 =	vadd.f32 v29, v31;
	v32 =	vshll.u32 v39, $0x10  }
0x282: {  	v31 =	vand.u32 $0xFFFF0000, v39;
	v33 =	vshll.u32 v40, $0x10;
	v35 =	vand.u32 $0xFFFF0000, v40  }
0x283: {  	s9 =	sadd.s32 $0x1, s3;
	v36 =	vshll.u32 v37, $0x10;
	v37 =	vand.u32 $0xFFFF0000, v37;
	v38 =	vshll.u32 v34, $0x10;
	v39 =	vld.idx.msk [tilespmem:v47+s23+$0x0], $0xffff  }
0x284: {  	v27 =	vadd.s32 s9, v0;
	v34 =	vand.u32 $0xFFFF0000, v34;
	v40 =	vshll.u32 v28, $0x10  }
0x285: {  	v41 =	vand.u32 $0xF, v27;
	v43 =	vand.u32 $0xFFFF0000, v28;
	v44 =	vshll.u32 v30, $0x10;
	v45 =	vld.idx.msk [tilespmem:v46+s23+$0x0], $0xffff  }
0x286: {  	v29 =	vor.u32 v19, v41;
	v47 =	vmul.f32 v31, v5;
	v46 =	vmul.f32 v32, v3  }
0x287: {  	v33 =	vmul.f32 v33, v4;
	v28 =	vor.u32 v20, v41;
	v41 =	vmul.f32 v35, v6  }
0x288: {  	v48 =	vmul.f32 v36, v7;
	v49 =	vmul.f32 v37, v8;
	v31 =	vand.u32 $0xFFFF0000, v30  }
0x289: {  	v50 =	vmul.f32 v38, v9;
	v34 =	vmul.f32 v34, v12;
	v32 =	vshll.u32 v39, $0x10  }
0x28a: {  	v51 =	vmul.f32 v40, v11;
	v43 =	vmul.f32 v43, v13;
	v36 =	vand.u32 $0xFFFF0000, v39  }
.Ltmp6:
0x28b: {  	v52 =	vmul.f32 v44, v15;
	v53 =	vmul.f32 v31, v16;
	v39 =	vshll.u32 v45, $0x10;
	v30 =	vld.idx.msk [tilespmem:v29+s24+$0x0], $0xffff;
	(pc) =	sbr.rel @p0 .LBB2_12-.Ltmp6, $4  }
0x28c: {  	v35 =	vmul.f32 v32, v17;
	v36 =	vmul.f32 v36, v18;
	v44 =	vand.u32 $0xFFFF0000, v45;
	v31 =	vld.idx.msk [tilespmem:v28+s24+$0x0], $0xffff  }
0x28d: {  	v38 =	vadd.f32 v41, v33;
	v37 =	vadd.f32 v47, v46;
	v40 =	vmul.f32 v39, v14;
	v32 =	vld.idx.msk [tilespmem:v29+s10+$0x0], $0xffff  }
0x28e: {  	v41 =	vadd.f32 v34, v50;
	v39 =	vadd.f32 v49, v48;
	v44 =	vmul.f32 v44, v10;
	v33 =	vld.idx.msk [tilespmem:v28+s10+$0x0], $0xffff  }
0x28f: {  	s3 =	sadd.s32 $0x4, s3;
	v45 =	vand.u32 $0xF00, v42;
	v42 =	vadd.f32 v43, v51;
	v43 =	vadd.f32 v53, v52;
	v34 =	vld.idx.msk [tilespmem:v29+s2+$0x0], $0xffff  }
0x290: {  	v19 =	vor.u32 v45, v21;
	v20 =	vadd.f32 v36, v35;
	v50 =	vadd.f32 v44, v40  }
0x291: {  	v36 =	vadd.f32 v38, v37;
	v37 =	vadd.f32 v41, v39;
	v23 =	vshll.u32 v23, $0x8  }
0x292: {  	v52 =	vshll.u32 v30, $0x10;
	v53 =	vand.u32 $0xFFFF0000, v30;
	v39 =	vadd.f32 v43, v42  }
0x293: {  	v54 =	vshll.u32 v31, $0x10;
	v55 =	vand.u32 $0xFFFF0000, v31;
	v3 =	vmul.f32 v52, v3  }
0x294: {  	v51 =	vld.idx.msk [tilespmem:v28+s2+$0x0], $0xffff;
	v5 =	vmul.f32 v53, v5;
	v20 =	vadd.f32 v50, v20;
	v56 =	vshll.u32 v32, $0x10  }
0x295: {  	v29 =	vld.idx.msk [tilespmem:v29+s23+$0x0], $0xffff;
	v57 =	vand.u32 $0xFFFF0000, v32;
	v4 =	vmul.f32 v54, v4;
	v6 =	vmul.f32 v55, v6  }
0x296: {  	v61 =	vld.idx.msk [tilespmem:v28+s23+$0x0], $0xffff;
	v58 =	vshll.u32 v33, $0x10;
	v59 =	vand.u32 $0xFFFF0000, v33;
	v7 =	vmul.f32 v56, v7  }
0x297: {  	v8 =	vmul.f32 v57, v8;
	v3 =	vadd.f32 v5, v3;
	v56 =	vadd.f32 v37, v36  }
0x298: {  	v60 =	vshll.u32 v34, $0x10;
	v62 =	vand.u32 $0xFFFF0000, v34;
	v9 =	vmul.f32 v58, v9  }
0x299: {  	v12 =	vmul.f32 v59, v12;
	v4 =	vadd.f32 v6, v4;
	v63 =	vshll.u32 v51, $0x10  }
0x29a: {  	v40 =	vand.u32 $0xFFFF0000, v51;
	v41 =	vshll.u32 v29, $0x10;
	v11 =	vmul.f32 v60, v11  }
0x29b: {  	v13 =	vmul.f32 v62, v13;
	v29 =	vand.u32 $0xFFFF0000, v29;
	v42 =	vshll.u32 v61, $0x10  }
0x29c: {  	v28 =	vand.u32 $0xFFFF0000, v61;
	v15 =	vmul.f32 v63, v15;
	v16 =	vmul.f32 v40, v16  }
0x29d: {  	v44 =	vadd.f32 v8, v7;
	v17 =	vmul.f32 v41, v17;
	v18 =	vmul.f32 v29, v18  }
0x29e: {  	v43 =	vmul.f32 v42, v14;
	v45 =	vadd.f32 v12, v9;
	v46 =	vmul.f32 v28, v10  }
0x29f: {  	v23 =	vand.u32 $0xF00, v23;
	v47 =	vadd.f32 v13, v11;
	v48 =	vadd.f32 v16, v15  }
0x2a0: {  	v49 =	vor.u32 v23, v21;
	v50 =	vadd.f32 v18, v17;
	v5 =	vadd.f32 v46, v43  }
0x2a1: {  	v55 =	vshll.u32 v27, $0x8;
	v3 =	vadd.f32 v4, v3;
	v52 =	vadd.f32 v45, v44  }
0x2a2: {  	v51 =	vshll.u32 v24, $0x8;
	v54 =	vadd.f32 v48, v47;
	v5 =	vadd.f32 v5, v50  }
0x2a3: {  	v57 =	vadd.f32 v20, v39;
	v59 =	vand.u32 $0xF00, v55;
	v53 =	vand.u32 $0xF00, v51  }
0x2a4: {  	s0 =	sadd.s32 $0x1, s0;
	v6 =	vor.u32 v53, v21;
	v3 =	vadd.f32 v52, v3;
	v58 =	vadd.f32 v5, v54  }
0x2a5: {  	p0 =	sne.s32 s0, $0x10;
	v60 =	vmul.f32 v26, v22;
	v61 =	vadd.f32 v57, v56;
	v5 =	vor.u32 v59, v21  }
.Ltmp7:
0x2a6: {  	v62 =	vmul.f32 v25, v22;
	v3 =	vadd.f32 v58, v3;
	(pc) =	sbr.rel @p0 .LBB2_11-.Ltmp7, $4  }
0x2a7: {  	[tilespmem:v19+s29+$0x0] =	vst.idx.msk $0xffff, v60;
	v63 =	vmul.f32 v61, v22  }
0x2a8: {  	[tilespmem:v49+s29+$0x0] =	vst.idx.msk $0xffff, v62;
	v3 =	vmul.f32 v3, v22  }
0x2a9: {  	[tilespmem:v6+s29+$0x0] =	vst.idx.msk $0xffff, v63  }
0x2aa: {  	[tilespmem:v5+s29+$0x0] =	vst.idx.msk $0xffff, v3  }
.Ltmp8:
0x2ab: {  	(pc) =	sbr.rel @p1 .LBB2_18-.Ltmp8, $4  }
0x2ac: {  	s0 =	sor.u32 s31, s11  }
0x2ad: {  	s0 =	sshrl.u32 s0, $0x3  }
0x2ae: {  	s0 =	sadd.s32 s8, s0  }
0x2af: {  	[hbm4b:s0+s14] =	stream.strided.scatter [tilespmem:s29], [sflag:$0x6], $0x1000, s21, s14, $0x38;
	[tilespmem:$0x13600] =	vst v63  }
0x2b0: {  	_ =	swait.ge [sflag:s16], $0x300  }
0x2b1: {  	[sflag:s16] =	ssyncset.done $0x0  }
0x2b2: {  	s0 =	simm.s32 $0x0;
	[sflag:s16] =	ssyncadd.s32 $0xFFFFFD00  }
0x2b3: {  	v3 =	vld [tilespmem:s0+$0x100]  }
0x2b4: {  	v4 =	vld [tilespmem:s0+$0x0];
	_ =	sdelay $0x3  }
0x2b5: {  	v3 =	vadd.f32 v3, v3  }
0x2b6: {  	v4 =	vadd.f32 v4, v4  }
0x2b7: {  	v3 =	vadd.f32 $-1.000000000e+00, v3  }
0x2b8: {  	v4 =	vadd.f32 $-1.000000000e+00, v4  }
0x2b9: {  	v3 =	vadd.f32 $1.000000000e+00, v3  }
0x2ba: {  	v4 =	vadd.f32 $1.000000000e+00, v4  }
0x2bb: {  	v3 =	vmul.f32 $5.000000000e-01, v3  }
0x2bc: {  	v9 =	vmul.f32 $5.000000000e-01, v4  }
0x2bd: {  	v10 =	vmul.f32 $1.023000000e+03, v3;
	v5 =	vmul.f32 $1.270000000e+02, v3  }
0x2be: {  	v6 =	vmul.f32 $5.110000000e+02, v3;
	v7 =	vmul.f32 $1.270000000e+02, v9  }
0x2bf: {  	v4 =	vmul.f32 $2.550000000e+02, v3;
	v3 =	vtrunc.f32 v5  }
0x2c0: {  	v7 =	vtrunc.f32 v7;
	v11 =	vcvt.f32.s32 v3  }
0x2c1: {  	v5 =	vmul.f32 $1.023000000e+03, v9;
	v8 =	vcvt.f32.s32 v7  }
0x2c2: {  	v7 =	vmul.f32 $5.110000000e+02, v9;
	v3 =	vmul.f32 $2.550000000e+02, v9;
	vm1 =	vlt.s32 v11, $0x7E  }
0x2c3: {  	s3 =	simm.s32 $0x10;
	s9 =	simm.s32 $0x80;
	v9 =	vtrunc.f32 v10;
	vm0 =	vlt.s32 v8, $0x7E;
	v10 =	vnsel vm1, $0x7E, v11  }
.LBB2_16:
0x2c4: {  	p0 =	sne.s32 s9, $0x3C0;
	v11 =	vld [tilespmem:s3+$0x100];
	v6 =	vtrunc.f32 v6;
	v8 =	vnsel vm0, $0x7E, v8;
	v10 =	vshll.u32 v10, $0x7  }
0x2c5: {  	v9 =	vcvt.f32.s32 v9;
	v4 =	vtrunc.f32 v4;
	v12 =	vld [tilespmem:s3+$0x0];
	v8 =	vadd.s32 v8, v10  }
0x2c6: {  	v6 =	vcvt.f32.s32 v6;
	v4 =	vcvt.f32.s32 v4;
	[tilespmem:s0+$0x1200] =	vst v8;
	v8 =	vadd.s32 $0x80, v8  }
0x2c7: {  	v5 =	vtrunc.f32 v5;
	v7 =	vtrunc.f32 v7;
	vm0 =	vlt.s32 v9, $0x3FE;
	[tilespmem:s0+$0x1300] =	vst v8  }
0x2c8: {  	v3 =	vtrunc.f32 v3;
	v5 =	vcvt.f32.s32 v5;
	vm1 =	vlt.s32 v6, $0x1FE  }
0x2c9: {  	v7 =	vcvt.f32.s32 v7;
	v3 =	vcvt.f32.s32 v3;
	v8 =	vadd.f32 v11, v11  }
0x2ca: {  	v9 =	vnsel vm0, $0x3FE, v9;
	vm0 =	vlt.s32 v4, $0xFE;
	v10 =	vadd.f32 v12, v12  }
0x2cb: {  	v6 =	vnsel vm1, $0x1FE, v6;
	v4 =	vnsel vm0, $0xFE, v4;
	v8 =	vadd.f32 $-1.000000000e+00, v8  }
0x2cc: {  	vm0 =	vlt.s32 v5, $0x3FE;
	vm1 =	vlt.s32 v7, $0x1FE;
	v10 =	vadd.f32 $-1.000000000e+00, v10  }
0x2cd: {  	vm2 =	vlt.s32 v3, $0xFE;
	v9 =	vshll.u32 v9, $0xA;
	v8 =	vadd.f32 $1.000000000e+00, v8  }
0x2ce: {  	v6 =	vshll.u32 v6, $0x9;
	v4 =	vshll.u32 v4, $0x8;
	v10 =	vadd.f32 $1.000000000e+00, v10  }
0x2cf: {  	v5 =	vnsel vm0, $0x3FE, v5;
	v7 =	vnsel vm1, $0x1FE, v7;
	v8 =	vmul.f32 $5.000000000e-01, v8  }
0x2d0: {  	v3 =	vnsel vm2, $0xFE, v3;
	v5 =	vadd.s32 v5, v9;
	v10 =	vmul.f32 $5.000000000e-01, v10  }
0x2d1: {  	v7 =	vadd.s32 v7, v6;
	v9 =	vmul.f32 $1.023000000e+03, v8;
	v11 =	vmul.f32 $1.270000000e+02, v8;
	[tilespmem:s0+$0x600] =	vst v5  }
0x2d2: {  	v3 =	vadd.s32 v3, v4;
	v6 =	vmul.f32 $5.110000000e+02, v8;
	v12 =	vmul.f32 $1.270000000e+02, v10;
	[tilespmem:s0+$0xA00] =	vst v7  }
.Ltmp9:
0x2d3: {  	v4 =	vmul.f32 $2.550000000e+02, v8;
	v5 =	vadd.s32 $0x400, v5;
	v8 =	vtrunc.f32 v11;
	[tilespmem:s0+$0xE00] =	vst v3;
	(pc) =	sbr.rel @p0 .LBB2_16-.Ltmp9, $4  }
0x2d4: {  	v7 =	vadd.s32 $0x200, v7;
	v11 =	vtrunc.f32 v12;
	v12 =	vcvt.f32.s32 v8;
	[tilespmem:s0+$0x700] =	vst v5  }
0x2d5: {  	v5 =	vmul.f32 $1.023000000e+03, v10;
	v8 =	vcvt.f32.s32 v11;
	[tilespmem:s0+$0xB00] =	vst v7;
	v11 =	vadd.s32 $0x100, v3  }
0x2d6: {  	v7 =	vmul.f32 $5.110000000e+02, v10;
	v3 =	vmul.f32 $2.550000000e+02, v10;
	vm1 =	vlt.s32 v12, $0x7E;
	[tilespmem:s0+$0xF00] =	vst v11;
	s0 =	smov.u32 s3  }
0x2d7: {  	v9 =	vtrunc.f32 v9;
	s3 =	sshra.s32 s9, $0x2;
	s9 =	sadd.s32 $0x40, s9;
	vm0 =	vlt.s32 v8, $0x7E;
	v10 =	vnsel vm1, $0x7E, v12  }
0x2d8: {  	v11 =	vld [tilespmem:s3+$0x100]  }
0x2d9: {  	v12 =	vld [tilespmem:s3+$0x0]  }
0x2da: {  	v6 =	vtrunc.f32 v6;
	v8 =	vnsel vm0, $0x7E, v8;
	v9 =	vcvt.f32.s32 v9  }
0x2db: {  	v10 =	vshll.u32 v10, $0x7;
	v4 =	vtrunc.f32 v4;
	v5 =	vtrunc.f32 v5  }
0x2dc: {  	v7 =	vtrunc.f32 v7;
	v3 =	vtrunc.f32 v3;
	v8 =	vadd.s32 v8, v10  }
0x2dd: {  	v6 =	vcvt.f32.s32 v6;
	v4 =	vcvt.f32.s32 v4;
	v11 =	vadd.f32 v11, v11  }
0x2de: {  	v5 =	vcvt.f32.s32 v5;
	v7 =	vcvt.f32.s32 v7;
	v12 =	vadd.f32 v12, v12  }
0x2df: {  	v3 =	vcvt.f32.s32 v3;
	v10 =	vadd.s32 $0x80, v8;
	v11 =	vadd.f32 $-1.000000000e+00, v11  }
0x2e0: {  	vm4 =	vlt.s32 v9, $0x3FE;
	vm1 =	vlt.s32 v6, $0x1FE;
	v12 =	vadd.f32 $-1.000000000e+00, v12  }
0x2e1: {  	v9 =	vnsel vm4, $0x3FE, v9;
	vm5 =	vlt.s32 v4, $0xFE;
	v11 =	vadd.f32 $1.000000000e+00, v11  }
0x2e2: {  	vm6 =	vlt.s32 v5, $0x3FE;
	vm7 =	vlt.s32 v7, $0x1FE;
	v12 =	vadd.f32 $1.000000000e+00, v12  }
0x2e3: {  	vm8 =	vlt.s32 v3, $0xFE;
	v6 =	vnsel vm1, $0x1FE, v6;
	v11 =	vmul.f32 $5.000000000e-01, v11  }
0x2e4: {  	v4 =	vnsel vm5, $0xFE, v4;
	v9 =	vshll.u32 v9, $0xA;
	v12 =	vmul.f32 $5.000000000e-01, v12  }
0x2e5: {  	v5 =	vnsel vm6, $0x3FE, v5;
	v7 =	vnsel vm7, $0x1FE, v7;
	v13 =	vmul.f32 $1.270000000e+02, v11  }
0x2e6: {  	v3 =	vnsel vm8, $0xFE, v3;
	v46 =	vmul.f32 $1.270000000e+02, v12;
	v14 =	vmul.f32 $1.023000000e+03, v11  }
0x2e7: {  	v5 =	vadd.s32 v5, v9;
	v48 =	vmul.f32 $5.110000000e+02, v11;
	v49 =	vmul.f32 $2.550000000e+02, v11  }
0x2e8: {  	v6 =	vshll.u32 v6, $0x9;
	v51 =	vmul.f32 $1.023000000e+03, v12;
	v52 =	vmul.f32 $5.110000000e+02, v12  }
0x2e9: {  	v4 =	vshll.u32 v4, $0x8;
	v12 =	vmul.f32 $2.550000000e+02, v12;
	v13 =	vtrunc.f32 v13  }
0x2ea: {  	v6 =	vadd.s32 v7, v6;
	v9 =	vtrunc.f32 v46;
	v14 =	vtrunc.f32 v14  }
0x2eb: {  	v3 =	vadd.s32 v3, v4;
	v4 =	vtrunc.f32 v49;
	v12 =	vtrunc.f32 v12  }
0x2ec: {  	v53 =	vadd.s32 $0x400, v5;
	v13 =	vcvt.f32.s32 v13;
	v47 =	vcvt.f32.s32 v9  }
0x2ed: {  	[tilespmem:s0+$0x1200] =	vst v8;
	v54 =	vadd.s32 $0x200, v6;
	v9 =	vtrunc.f32 v48;
	v14 =	vcvt.f32.s32 v14  }
0x2ee: {  	[tilespmem:s0+$0x1300] =	vst v10;
	v55 =	vadd.s32 $0x100, v3;
	v4 =	vcvt.f32.s32 v4;
	v58 =	vcvt.f32.s32 v12  }
0x2ef: {  	[tilespmem:s0+$0x600] =	vst v5;
	v9 =	vcvt.f32.s32 v9;
	vm9 =	vlt.s32 v13, $0x7E;
	vm10 =	vlt.s32 v47, $0x7E  }
0x2f0: {  	[tilespmem:s0+$0xA00] =	vst v6;
	vm11 =	vlt.s32 v14, $0x3FE;
	vm13 =	vlt.s32 v4, $0xFE;
	vm2 =	vlt.s32 v58, $0xFE  }
0x2f1: {  	[tilespmem:s0+$0xE00] =	vst v3;
	v50 =	vnsel vm9, $0x7E, v13;
	v7 =	vnsel vm10, $0x7E, v47;
	v13 =	vtrunc.f32 v51  }
0x2f2: {  	[tilespmem:s0+$0x700] =	vst v53;
	vm12 =	vlt.s32 v9, $0x1FE;
	v59 =	vnsel vm11, $0x3FE, v14;
	v4 =	vnsel vm13, $0xFE, v4  }
0x2f3: {  	[tilespmem:s0+$0xB00] =	vst v54;
	v63 =	vnsel vm2, $0xFE, v58;
	v11 =	vshll.u32 v50, $0x7;
	v3 =	vcvt.f32.s32 v13  }
0x2f4: {  	[tilespmem:s0+$0xF00] =	vst v55;
	v4 =	vshll.u32 v4, $0x8;
	v7 =	vadd.s32 v7, v11;
	v11 =	vtrunc.f32 v52  }
0x2f5: {  	v4 =	vadd.s32 v63, v4;
	v57 =	vcvt.f32.s32 v11;
	vm14 =	vlt.s32 v3, $0x3FE;
	[tilespmem:s3+$0x1200] =	vst v7  }
0x2f6: {  	v60 =	vshll.u32 v59, $0xA;
	v56 =	vadd.s32 $0x80, v7;
	[tilespmem:s3+$0xE00] =	vst v4;
	v3 =	vnsel vm14, $0x3FE, v3  }
0x2f7: {  	v9 =	vnsel vm12, $0x1FE, v9;
	[tilespmem:s3+$0x1300] =	vst v56;
	vm15 =	vlt.s32 v57, $0x1FE;
	v3 =	vadd.s32 v3, v60  }
0x2f8: {  	v61 =	vshll.u32 v9, $0x9;
	v62 =	vnsel vm15, $0x1FE, v57;
	[tilespmem:s3+$0x600] =	vst v3;
	v3 =	vadd.s32 $0x400, v3  }
0x2f9: {  	v6 =	vadd.s32 v62, v61;
	[tilespmem:s3+$0x700] =	vst v3  }
0x2fa: {  	[tilespmem:s3+$0xA00] =	vst v6;
	v3 =	vadd.s32 $0x200, v6  }
0x2fb: {  	[tilespmem:s3+$0xB00] =	vst v3;
	v3 =	vadd.s32 $0x100, v4  }
0x2fc: {  	s9 =	simm.s32 $0x600;
	[tilespmem:s3+$0xF00] =	vst v3  }
0x2fd: {  	[tilespmem:s19], [sflag:$0x1] =	stream.indirect.gather [hbm4b:s1+s17], $0x10, s9, s17, $0xb8;
	[tilespmem:$0x13600] =	vst v63  }
0x2fe: {  	s15 =	simm.s32 $0x680;
	s31 =	simm.s32 $0x1E00  }
0x2ff: {  	[tilespmem:s31], [sflag:$0x1] =	stream.indirect.gather [hbm4b:s1+s17], $0x10, s15, s17, $0xb8;
	[tilespmem:$0x13600] =	vst v63  }
0x300: {  	s3 =	simm.s32 $0x700;
	s9 =	simm.s32 $0x2600  }
0x301: {  	[tilespmem:s9], [sflag:$0x1] =	stream.indirect.gather [hbm4b:s1+s17], $0x10, s3, s17, $0xb8;
	[tilespmem:$0x13600] =	vst v63  }
0x302: {  	s15 =	simm.s32 $0x780;
	s31 =	simm.s32 $0x2E00  }
0x303: {  	[tilespmem:s31], [sflag:$0x1] =	stream.indirect.gather [hbm4b:s1+s17], $0x10, s15, s17, $0xb8;
	[tilespmem:$0x13600] =	vst v63  }
0x304: {  	s9 =	simm.s32 $0xA00  }
0x305: {  	[tilespmem:s28], [sflag:$0x1] =	stream.indirect.gather [hbm4b:s5+s17], $0x10, s9, s17, $0xb8;
	[tilespmem:$0x13600] =	vst v63  }
0x306: {  	s15 =	simm.s32 $0xA80;
	s31 =	simm.s32 $0x5E00  }
0x307: {  	[tilespmem:s31], [sflag:$0x1] =	stream.indirect.gather [hbm4b:s5+s17], $0x10, s15, s17, $0xb8;
	[tilespmem:$0x13600] =	vst v63  }
0x308: {  	s3 =	simm.s32 $0xB00;
	s9 =	simm.s32 $0x6600  }
0x309: {  	[tilespmem:s9], [sflag:$0x1] =	stream.indirect.gather [hbm4b:s5+s17], $0x10, s3, s17, $0xb8;
	[tilespmem:$0x13600] =	vst v63  }
0x30a: {  	s15 =	simm.s32 $0xB80;
	s31 =	simm.s32 $0x6E00  }
0x30b: {  	[tilespmem:s31], [sflag:$0x1] =	stream.indirect.gather [hbm4b:s5+s17], $0x10, s15, s17, $0xb8;
	[tilespmem:$0x13600] =	vst v63  }
0x30c: {  	s9 =	simm.s32 $0xE00  }
0x30d: {  	[tilespmem:s13], [sflag:$0x1] =	stream.indirect.gather [hbm4b:s6+s17], $0x10, s9, s17, $0xb8;
	[tilespmem:$0x13600] =	vst v63  }
0x30e: {  	s15 =	simm.s32 $0xE80;
	s31 =	simm.s32 $0x9E00  }
0x30f: {  	[tilespmem:s31], [sflag:$0x1] =	stream.indirect.gather [hbm4b:s6+s17], $0x10, s15, s17, $0xb8;
	[tilespmem:$0x13600] =	vst v63  }
0x310: {  	s3 =	simm.s32 $0xF00;
	s9 =	simm.s32 $0xA600  }
0x311: {  	[tilespmem:s9], [sflag:$0x1] =	stream.indirect.gather [hbm4b:s6+s17], $0x10, s3, s17, $0xb8;
	[tilespmem:$0x13600] =	vst v63  }
0x312: {  	s15 =	simm.s32 $0xF80;
	s31 =	simm.s32 $0xAE00  }
0x313: {  	[tilespmem:s31], [sflag:$0x1] =	stream.indirect.gather [hbm4b:s6+s17], $0x10, s15, s17, $0xb8;
	[tilespmem:$0x13600] =	vst v63  }
0x314: {  	s9 =	simm.s32 $0x1200  }
0x315: {  	[tilespmem:s26], [sflag:$0x1] =	stream.indirect.gather [hbm4b:s7+s17], $0x10, s9, s17, $0xb8;
	[tilespmem:$0x13600] =	vst v63  }
0x316: {  	s15 =	simm.s32 $0x1280;
	s31 =	simm.s32 $0xDE00  }
0x317: {  	[tilespmem:s31], [sflag:$0x1] =	stream.indirect.gather [hbm4b:s7+s17], $0x10, s15, s17, $0xb8;
	[tilespmem:$0x13600] =	vst v63  }
.Ltmp10:
0x318: {  	_ = 	snop;
	(pc) =	sbr.rel .LBB2_4-.Ltmp10, $4  }
0x319: {  	s3 =	simm.s32 $0x1300;
	s9 =	simm.s32 $0xE600  }
0x31a: {  	[tilespmem:s9], [sflag:$0x1] =	stream.indirect.gather [hbm4b:s7+s17], $0x10, s3, s17, $0xb8;
	[tilespmem:$0x13600] =	vst v63  }
0x31b: {  	s30 =	sadd.s32 $0x1, s30;
	s15 =	simm.s32 $0x1380;
	s31 =	simm.s32 $0xEE00  }
0x31c: {  	[tilespmem:s31], [sflag:$0x1] =	stream.indirect.gather [hbm4b:s7+s17], $0x10, s15, s17, $0xb8;
	[tilespmem:$0x13600] =	vst v63  }
.LBB2_19:
0x31d: {  	_ =	sfence.sel $0x180000  }
0x31e: {  	[bflag:$0x0] =	sbarrier.arrive $0xFFFF  }
0x31f: {  	_ =	strace $0x9000004A  }
0x320: {  	s0 =	stileid.u32;
	[bflag:$0x2] =	sbarrier.arrive $0xFFFF  }
0x321: {  	p0 =	sne.s32 s0, $0x0;
	s0 =	rddreg [dreg:$0x2]  }
0x322: {  	s0 =	sadd.s32 @!p0 $0x100000, s0  }
0x323: {  	[sflag:s0] =	ssyncadd.tile.s32 @!p0 $0x1;
	_ =	shalt  }
.Lfunc_end2:
_tile_overlayer_lowered:
.L_overlay_start_2:
0x324: {  	(tag) =	ssettag $0x2  }
0x325: {  	s0 =	rddreg [dreg:$0x0];
	s2 =	stileid.u32  }
0x326: {  	s1 =	rddreg [dreg:$0x1];
	p0 =	sne.s32 s2, $0x0  }
0x327: {  	s3 =	rddreg [dreg:$0x2];
	[bflag:$0x3] =	sbarrier.arrive $0xFFFF;
	s2 =	simm.s32 @!p0 $0x1C07  }
0x328: {  	[timem:s3], [sflag:s2] =	dma.local @!p0 [hbm:s0], s1  }
0x329: {  	s0 =	simm.s32 @!p0 $0x7  }
0x32a: {  	_ =	swait.ge @!p0 [sflag:s0], s1  }
0x32b: {  	s1 =	ssub.s32 @!p0 $0x0, s1;
	[sflag:s0] =	ssyncset.done @!p0 $0x0  }
0x32c: {  	[sflag:s0] =	ssyncadd.s32 @!p0 s1  }
0x32d: {  	[bflag:$0x3] =	sbarrier.arrive $0xFFFF  }
0x32e: {  	_ =	shalt  }

// kernel: sparse-core-data-format-call.cloned.1.call-start
scs
called_computation_lowered:
.L_overlay_start_0:
0x0: {  	s2 =	sld [smem:$0x3FD9]  }
0x1: {  	s3 =	sld [smem:$0x3FFE];
	_ =	sdelay $0x1  }
0x2: {  	s1 =	srdreg.scid  }
0x3: {  	s0 =	sand.u32 $0x1, s1  }
0x4: {  	s18 =	sshll.u32 s0, $0xA;
	s2 =	sadd.s32 s3, s2  }
0x5: {  	s2 =	sadd.s32 s2, s18  }
0x6: {  	[smem:$0x3FC2] =	sst s2  }
0x7: {  	_ = 	snop  }
0x8: {  	s2 =	sld [smem:$0x3FD0];
	(tm) =	ssettm $0x1  }
0x9: {  	s19 =	sld [smem:$0x3FFB];
	_ =	sdelay $0x3  }
0xa: {  	_ =	strace s19  }
0xb: {  	s3 =	sld [smem:$0x3FFC];
	_ =	sdelay $0x3  }
0xc: {  	_ =	strace s3  }
0xd: {  	s3 =	sld [smem:$0x3FFD];
	_ =	sdelay $0x3  }
0xe: {  	_ =	strace s3  }
0xf: {  	_ =	strace $0x8FFFFFFF  }
0x10: {  	s20 =	sld [smem:$0x3FDB];
	_ =	sdelay $0x1  }
0x11: {  	s4 =	simm.s32 $_scs_section_size  }
0x12: {  	s5 =	simm.s32 $_size__tile_overlayer_lowered;
	s6 =	simm.s32 $_tile_overlayer_lowered  }
0x13: {  	s23 =	simm.s32 $0x1BFF;
	s22 =	sshll.u32 s6, $0x1;
	s3 =	sadd.s32 s4, s20  }
0x14: {  	s7 =	simm.s32 $0x0;
	s21 =	sshll.u32 s5, $0x1;
	s5 =	sadd.s32 s22, s3  }
0x15: {  	[timem:s7], [sflag:s23] =	dma.local [hbm:s5], s21  }
0x16: {  	_ =	swait.ge [sflag:s23], s21  }
0x17: {  	s4 =	ssub.s32 $0x0, s21;
	[sflag:s23] =	ssyncset.done $0x0  }
0x18: {  	[sflag:s23] =	ssyncadd.s32 s4;
	_ =	sdelay $0x1  }
0x19: {  	s24 =	simm.s32 $0x1B8B  }
0x1a: {  	_ =	swait.ge [sflag:s24], $0x1  }
0x1b: {  	[sflag:s24] =	ssyncset.done $0x0  }
0x1c: {  	s26 =	simm.s32 $0x1B8E;
	s25 =	sld [smem:$0x3FFE];
	[sflag:s24] =	ssyncadd.s32 $0xFFFFFFFF  }
0x1d: {  	s27 =	simm.s32 $execute0_lowered;
	[smem:$0x3FD2] =	sst s26  }
0x1e: {  	s5 =	sshll.u32 s27, $0x1;
	_ =	strace $0x80000046;
	[dreg:$0x1] =	wrdreg $0xFFFFFFFF  }
0x1f: {  	s28 =	simm.s32 $_size_execute0_lowered;
	s3 =	sadd.s32 s3, s5;
	[dreg:$0x0] =	wrdreg $0x0  }
0x20: {  	s5 =	sshll.u32 s28, $0x1;
	[dreg:$0x2] =	wrdreg s3  }
0x21: {  	[dreg:$0x3] =	wrdreg s5  }
0x22: {  	[dreg:$0x4] =	wrdreg $0xC0  }
0x23: {  	_ =	task [dreg:s7], $0x5FFFF  }
0x24: {  	[dreg:$0x1] =	wrdreg $0xFFFFFFFF  }
0x25: {  	[dreg:$0x0] =	wrdreg $0x60  }
0x26: {  	[dreg:$0x2] =	wrdreg s2  }
0x27: {  	[dreg:$0x3] =	wrdreg s25  }
0x28: {  	[dreg:$0x4] =	wrdreg $0x9  }
0x29: {  	_ =	task.clear_ibuf [dreg:s7], $0x5FFFF;
	_ =	strace $0x90000046  }
0x2a: {  	s29 =	simm.s32 $0x9;
	_ =	strace $0x80000048  }
0x2b: {  	_ =	swait.ge [sflag:s29], $0x1  }
0x2c: {  	[sflag:s29] =	ssyncadd.s32 $0xFFFFFFFF  }
0x2d: {  	_ =	strace $0x90000048  }
0x2e: {  	_ =	sfence  }
0x2f: {  	s30 =	sld [smem:$0x0];
	_ =	sdelay $0x2  }
0x30: {  	s31 =	sshll.u32 s1, $0xD;
	s1 =	sshrl.u32 s1, $0x2  }
0x31: {  	s3 =	sand.u32 $0x4000, s31;
	s1 =	sadd.s32 s1, s30  }
0x32: {  	s0 =	sor.u32 s3, s0;
	s1 =	sshll.u32 s1, $0x11  }
0x33: {  	s0 =	sor.u32 s1, s0  }
0x34: {  	s0 =	sadd.s32 $0x8F2B, s0  }
0x35: {  	[sflag:s0] =	ssyncadd.remote.s32 $0x1  }
0x36: {  	_ =	sfence.sel $0xFFFF  }
0x37: {  	[dreg:$0x0] =	wrdreg $0xFFFFFFFF;
	(pc) =	sbr.abs _section_cstart, $3  }
0x38: {  	[dreg:$0x1] =	wrdreg $0xFFFFFFFF  }
0x39: {  	_ =	task.clear_ibuf [dreg:s7], $0x2FFFF;
	_ =	strace $0x9FFFFFFF  }
0x3a: {  	(tm) =	ssettm $0x7FFFFFFF  }
0x3b: {  	_ =	shalt  }
tec
execute0_lowered:
.L_overlay_start_1:
0x0: {  	(tag) =	ssettag $0x1  }
0x1: {  	s2 =	rddreg [dreg:$0x0]  }
0x2: {  	s0 =	srdreg.scid;
	s13 =	rddreg [dreg:$0x1];
	_ =	strace $0x80000047  }
0x3: {  	s7 =	simm.s32 $0x1;
	s8 =	simm.s32 $0x2;
	s22 =	simm.s32 $0x0  }
0x4: {  	s15 =	simm.s32 $0x80;
	s20 =	simm.s32 $0x0;
	s1 =	sshll.u32 s0, $0x4  }
0x5: {  	s21 =	simm.s32 $0x0;
	s0 =	stileid.u32;
	s1 =	sand.u32 $0x10, s1  }
0x6: {  	s16 =	simm.s32 $0x0;
	s18 =	simm.s32 $0x0;
	s1 =	sor.u32 s0, s1  }
0x7: {  	s19 =	simm.s32 $0x0;
	s4 =	sadd.s32 $0x4200, s13;
	s3 =	sshll.u32 s1, $0x3  }
0x8: {  	s9 =	sadd.s32 $0x10200, s13;
	s10 =	sadd.s32 $0x14200, s13;
	s6 =	ssub.s32 $0x400, s3  }
0x9: {  	s11 =	sadd.s32 $0x18200, s13;
	s12 =	sadd.s32 $0x1C200, s13;
	s5 =	sand.u32 $0xF8, s6  }
.Ltmp0:
0xa: {  	s17 =	smov.u32 s3;
	p0 =	sne.s32 s5, $0x0;
	(pc) =	sbr.rel .LBB1_1-.Ltmp0, $4  }
0xb: {  	s6 =	sshrl.u32 s6, $0x8;
	s5 =	simm.s32 $0x1;
	s7 =	simm.s32 @!p0 $0x0  }
0xc: {  	[sflag:s5] =	ssyncpa.u1 $0x0;
	p0 =	por $0x0, $0x0;
	s6 =	sadd.s32 s7, s6  }
0xd: {  	[sflag:s8] =	ssyncpa.u1 $0x0;
	s7 =	sadd.s32 $0x8200, s13;
	s6 =	sshll.u32 s6, $0x3  }
0xe: {  	s8 =	sadd.s32 $0xC200, s13;
	s13 =	sadd.s32 $0x20200, s13;
	s14 =	sor.u32 $0x1, s6  }
.LBB1_7:
0xf: {  	s1 =	sadd.s32 $0x80, s16  }
0x10: {  	s20 =	sadd.s32 $0x100, s17;
	s23 =	smov.u32 s17;
	p2 =	sgt.s32 s1, $0x3FF  }
0x11: {  	s23 =	smov.u32 @p2 s20  }
0x12: {  	s25 =	smov.u32 s18;
	s20 =	sadd.s32 $0x10, s18;
	p3 =	sgt.s32 s23, $0x3FF  }
0x13: {  	s25 =	smov.u32 @p3 s20  }
0x14: {  	s1 =	simm.s32 @p2 $0x0;
	p2 =	sgt.s32 s25, $0xF  }
0x15: {  	p1 =	slt.u32 s19, $0x2;
	s25 =	simm.s32 @p2 $0x0;
	p2 =	sne.s32 s19, s14  }
.Ltmp1:
0x16: {  	s24 =	simm.s32 @!p1 $0x2;
	(pc) =	sbr.rel @!p2 .LBB1_8-.Ltmp1, $4  }
0x17: {  	s22 =	smov.u32 s16;
	s21 =	smov.u32 s18;
	_ =	swait.ge @!p1 [sflag:s24], $0x4000  }
0x18: {  	p0 =	por !p0, !p0;
	[sflag:s24] =	ssyncset.done @!p1 $0x0;
	s16 =	smov.u32 s1  }
0x19: {  	s23 =	smov.u32 @p3 s3;
	s20 =	smov.u32 s17;
	[sflag:s24] =	ssyncadd.s32 @!p1 $0xFFFFC000  }
0x1a: {  	s17 =	smov.u32 s23;
	s19 =	sadd.s32 $0x1, s19;
	s18 =	smov.u32 s25  }
.LBB1_1:
0x1b: {  	p1 =	sge.u32 s19, s6  }
0x1c: {  	s31 =	sadd.s32 $0xFFFFFFFF, s19;
	s23 =	sshll.u32 @!p1 s17, $0x7  }
0x1d: {  	s24 =	sxor.u32 @!p1 $0xFFFFFFFF, s19;
	s25 =	sand.u32 @!p1 $0x78, s16;
	s26 =	sand.u32 @!p1 $0x380, s23  }
0x1e: {  	s24 =	sshll.u32 @!p1 s24, $0xE;
	s25 =	sor.u32 @!p1 s25, s26;
	s26 =	sshll.u32 @!p1 s18, $0x11  }
0x1f: {  	s23 =	sand.u32 @!p1 $0x1FC00, s23;
	s25 =	sshrl.u32 @!p1 s25, $0x3;
	s26 =	sadd.s32 @!p1 s2, s26  }
0x20: {  	s23 =	sadd.s32 @!p1 s16, s23;
	s25 =	sadd.s32 @!p1 s25, s26;
	s26 =	sand.u32 @!p1 $0x7, s16  }
0x21: {  	s24 =	sand.u32 @!p1 $0x4000, s24;
	s23 =	sand.u32 @!p1 $0x1FF80, s23;
	s26 =	sshll.u32 @!p1 s26, $0x12  }
0x22: {  	s23 =	sadd.s32 @!p1 s23, s25;
	s25 =	sor.u32 @!p1 $0x400, s26;
	s26 =	simm.s32 @!p1 $0x100000  }
0x23: {  	[tilespmem:s24], [sflag:$0x1] =	stream.strided.gather @!p1 [hbm4b:s23+s25], $0x4000, s26, s25, $0x38;
	[tilespmem:$0x10800] =	vst v63  }
0x24: {  	p1 =	sge.u32 s31, s6  }
.Ltmp2:
0x25: {  	_ = 	snop;
	(pc) =	sbr.rel @p1 .LBB1_7-.Ltmp2, $1  }
0x26: {  	_ =	sdelay $0x3  }
0x27: {  	s23 =	simm.s32 $0x1;
	s25 =	sand.u32 $0x1, s19  }
0x28: {  	_ =	swait.ge [sflag:s5], $0x4000;
	s23 =	simm.s32 @!p0 $0x0;
	s27 =	smul.u32 $0x11000, s25  }
0x29: {  	[sflag:s5] =	ssyncset.done $0x0;
	s24 =	smul.u32 $0x11000, s23  }
0x2a: {  	s23 =	sshll.u32 s23, $0xE;
	[sflag:s5] =	ssyncadd.s32 $0xFFFFC000  }
0x2b: {  	s26 =	sor.u32 $0x40, s23;
	s23 =	sshrl.u32 s27, $0x2;
	s24 =	sshrl.u32 s24, $0x2  }
0x2c: {  	s27 =	simm.s32 $0x0;
	s25 =	sor.u32 $0x8000, s24;
	s24 =	sor.u32 $0x8000, s23  }
.LBB1_3:
0x2d: {  	v0 =	vld [tilespmem:s26+$0x30]  }
0x2e: {  	v1 =	vld [tilespmem:s26+$0xFFFFFFD0]  }
0x2f: {  	v5 =	vld [tilespmem:s26+$0xFFFFFFE0]  }
0x30: {  	v6 =	vld [tilespmem:s26+$0xFFFFFFF0]  }
0x31: {  	s28 =	sadd.s32 $0x0, s25;
	v2 =	vld [tilespmem:s26+$0x0]  }
0x32: {  	v3 =	vld [tilespmem:s26+$0x10];
	[tilespmem:s28+$0x770 ss:$0x11] =	vst.msk $0xffff, v0  }
0x33: {  	v4 =	vld [tilespmem:s26+$0x20];
	[tilespmem:s28+$0x110 ss:$0x11] =	vst.msk $0xffff, v1  }
0x34: {  	s29 =	sadd.s32 $0x80, s26;
	v0 =	vld [tilespmem:s26+$0xFFFFFFC0];
	[tilespmem:s28+$0x220 ss:$0x11] =	vst.msk $0xffff, v5  }
0x35: {  	s30 =	simm.s32 $0x2200;
	s31 =	simm.s32 $0x4400;
	v1 =	vld [tilespmem:s29+$0x30];
	[tilespmem:s28+$0x330 ss:$0x11] =	vst.msk $0xffff, v6  }
.LBB1_4:
0x36: {  	p1 =	sne.s32 s31, $0xEE00;
	v5 =	vld [tilespmem:s29+$0xFFFFFFD0];
	[tilespmem:s28+$0x440 ss:$0x11] =	vst.msk $0xffff, v2  }
0x37: {  	v6 =	vld [tilespmem:s29+$0xFFFFFFE0];
	[tilespmem:s28+$0x550 ss:$0x11] =	vst.msk $0xffff, v3  }
0x38: {  	s1 =	sshra.s32 s30, $0x2;
	s30 =	smov.u32 s31;
	v7 =	vld [tilespmem:s29+$0xFFFFFFF0];
	[tilespmem:s28+$0x660 ss:$0x11] =	vst.msk $0xffff, v4  }
.Ltmp3:
0x39: {  	v2 =	vld [tilespmem:s29+$0x0];
	[tilespmem:s28+$0x0 ss:$0x11] =	vst.msk $0xffff, v0;
	s28 =	sadd.s32 s1, s25;
	(pc) =	sbr.rel @p1 .LBB1_4-.Ltmp3, $4  }
0x3a: {  	v3 =	vld [tilespmem:s29+$0x10];
	[tilespmem:s28+$0x770 ss:$0x11] =	vst.msk $0xffff, v1  }
0x3b: {  	[tilespmem:s28+$0x110 ss:$0x11] =	vst.msk $0xffff, v5;
	v4 =	vld [tilespmem:s29+$0x20]  }
0x3c: {  	v0 =	vld [tilespmem:s29+$0xFFFFFFC0];
	[tilespmem:s28+$0x220 ss:$0x11] =	vst.msk $0xffff, v6;
	s29 =	sadd.s32 $0x80, s29  }
0x3d: {  	s31 =	sadd.s32 $0x2200, s31;
	v1 =	vld [tilespmem:s29+$0x30];
	[tilespmem:s28+$0x330 ss:$0x11] =	vst.msk $0xffff, v7  }
0x3e: {  	v5 =	vld [tilespmem:s29+$0xFFFFFFD0];
	[tilespmem:s28+$0x440 ss:$0x11] =	vst.msk $0xffff, v2  }
0x3f: {  	v58 =	vld [tilespmem:s29+$0xFFFFFFE0];
	[tilespmem:s28+$0x550 ss:$0x11] =	vst.msk $0xffff, v3  }
0x40: {  	s1 =	sshra.s32 s30, $0x2;
	v59 =	vld [tilespmem:s29+$0xFFFFFFF0];
	[tilespmem:s28+$0x660 ss:$0x11] =	vst.msk $0xffff, v4  }
0x41: {  	v60 =	vld [tilespmem:s29+$0x0];
	s1 =	sadd.s32 s1, s25;
	[tilespmem:s28+$0x0 ss:$0x11] =	vst.msk $0xffff, v0  }
0x42: {  	v61 =	vld [tilespmem:s29+$0x10];
	[tilespmem:s1+$0x770 ss:$0x11] =	vst.msk $0xffff, v1  }
0x43: {  	v62 =	vld [tilespmem:s29+$0x20];
	s27 =	sadd.s32 $0x1, s27;
	[tilespmem:s1+$0x110 ss:$0x11] =	vst.msk $0xffff, v5  }
0x44: {  	v63 =	vld [tilespmem:s29+$0xFFFFFFC0];
	p1 =	sne.s32 s27, $0x10;
	[tilespmem:s1+$0x220 ss:$0x11] =	vst.msk $0xffff, v58  }
.Ltmp4:
0x45: {  	[tilespmem:s1+$0x330 ss:$0x11] =	vst.msk $0xffff, v59;
	(pc) =	sbr.rel @p1 .LBB1_3-.Ltmp4, $4  }
0x46: {  	[tilespmem:s1+$0x440 ss:$0x11] =	vst.msk $0xffff, v60  }
0x47: {  	[tilespmem:s1+$0x550 ss:$0x11] =	vst.msk $0xffff, v61  }
0x48: {  	[tilespmem:s1+$0x660 ss:$0x11] =	vst.msk $0xffff, v62  }
0x49: {  	s26 =	sadd.s32 $0x400, s26;
	s25 =	sadd.s32 $0x1, s25;
	[tilespmem:s1+$0x0 ss:$0x11] =	vst.msk $0xffff, v63  }
0x4a: {  	s1 =	sshll.u32 s22, $0x7;
	s28 =	sshll.u32 s21, $0x3  }
0x4b: {  	s25 =	sand.u32 $0x1FC00, s1;
	s22 =	sand.u32 $0x1FC00, s28  }
0x4c: {  	s1 =	sand.u32 $0x380, s1;
	s22 =	sadd.s32 s22, s25  }
0x4d: {  	s1 =	sor.u32 s1, s22  }
0x4e: {  	s29 =	sshrl.u32 s21, $0x3;
	s20 =	sshll.u32 s20, $0xE;
	s1 =	sshrl.u32 s1, $0x3  }
0x4f: {  	s30 =	sand.u32 $0x7, s21;
	s22 =	sand.u32 $0xF, s29;
	s1 =	sand.u32 $0x3FF0, s1  }
0x50: {  	s21 =	sshll.u32 s30, $0x12;
	s26 =	sadd.s32 s4, s22;
	s31 =	sor.u32 s1, s20  }
0x51: {  	s21 =	sor.u32 $0x10, s21;
	s25 =	sadd.s32 s31, s26;
	s26 =	sadd.s32 s20, s7  }
0x52: {  	[hbm4b:s25+s21] =	stream.strided.scatter [tilespmem:s24], [sflag:$0x2], $0x800, s15, s21, $0x8;
	[tilespmem:$0x10800] =	vst v63  }
0x53: {  	s24 =	sadd.s32 s22, s26  }
0x54: {  	s27 =	sadd.s32 $0x8880, s23;
	s28 =	sadd.s32 s20, s8;
	s24 =	sadd.s32 s1, s24  }
0x55: {  	[hbm4b:s24+s21] =	stream.strided.scatter [tilespmem:s27], [sflag:$0x2], $0x800, s15, s21, $0x8;
	[tilespmem:$0x10800] =	vst v63  }
0x56: {  	s24 =	sadd.s32 s22, s28  }
0x57: {  	s30 =	sadd.s32 s20, s9;
	s29 =	sadd.s32 $0x9100, s23;
	s24 =	sadd.s32 s1, s24  }
0x58: {  	[hbm4b:s24+s21] =	stream.strided.scatter [tilespmem:s29], [sflag:$0x2], $0x800, s15, s21, $0x8;
	[tilespmem:$0x10800] =	vst v63  }
0x59: {  	s24 =	sadd.s32 s22, s30  }
0x5a: {  	s31 =	sadd.s32 $0x9980, s23;
	s25 =	sadd.s32 s20, s10;
	s24 =	sadd.s32 s1, s24  }
0x5b: {  	[hbm4b:s24+s21] =	stream.strided.scatter [tilespmem:s31], [sflag:$0x2], $0x800, s15, s21, $0x8;
	[tilespmem:$0x10800] =	vst v63  }
0x5c: {  	s24 =	sadd.s32 s22, s25  }
0x5d: {  	s26 =	sadd.s32 $0xA200, s23;
	s27 =	sadd.s32 s20, s11;
	s24 =	sadd.s32 s1, s24  }
0x5e: {  	[hbm4b:s24+s21] =	stream.strided.scatter [tilespmem:s26], [sflag:$0x2], $0x800, s15, s21, $0x8;
	[tilespmem:$0x10800] =	vst v63  }
0x5f: {  	s24 =	sadd.s32 s22, s27  }
0x60: {  	s28 =	sadd.s32 $0xAA80, s23;
	s29 =	sadd.s32 s20, s12;
	s24 =	sadd.s32 s1, s24  }
0x61: {  	[hbm4b:s24+s21] =	stream.strided.scatter [tilespmem:s28], [sflag:$0x2], $0x800, s15, s21, $0x8;
	[tilespmem:$0x10800] =	vst v63  }
.Ltmp5:
0x62: {  	s20 =	sadd.s32 s20, s13;
	s24 =	sadd.s32 s22, s29;
	(pc) =	sbr.rel .LBB1_7-.Ltmp5, $4  }
0x63: {  	s30 =	sadd.s32 $0xB300, s23;
	s20 =	sadd.s32 s22, s20;
	s24 =	sadd.s32 s1, s24  }
0x64: {  	[hbm4b:s24+s21] =	stream.strided.scatter [tilespmem:s30], [sflag:$0x2], $0x800, s15, s21, $0x8;
	[tilespmem:$0x10800] =	vst v63  }
0x65: {  	s31 =	sadd.s32 $0xBB80, s23;
	s1 =	sadd.s32 s1, s20  }
0x66: {  	[hbm4b:s1+s21] =	stream.strided.scatter [tilespmem:s31], [sflag:$0x2], $0x800, s15, s21, $0x8;
	[tilespmem:$0x10800] =	vst v63  }
.LBB1_8:
0x67: {  	_ =	sfence.sel $0x180000  }
0x68: {  	s1 =	simm.s32 $0x1;
	[bflag:$0x0] =	sbarrier.arrive $0xFFFF  }
0x69: {  	s31 =	simm.s32 $0x2;
	[sflag:s1] =	ssyncpa.u1 $0x1  }
0x6a: {  	[sflag:s31] =	ssyncpa.u1 $0x1  }
0x6b: {  	_ =	strace $0x90000047  }
0x6c: {  	[bflag:$0x2] =	sbarrier.arrive $0xFFFF  }
0x6d: {  	p0 =	sne.s32 s0, $0x0;
	s0 =	rddreg [dreg:$0x2]  }
0x6e: {  	s0 =	sadd.s32 @!p0 $0x100000, s0  }
0x6f: {  	[sflag:s0] =	ssyncadd.tile.s32 @!p0 $0x1;
	_ =	shalt  }
.Lfunc_end1:
_tile_overlayer_lowered:
.L_overlay_start_2:
0x70: {  	(tag) =	ssettag $0x2  }
0x71: {  	s0 =	rddreg [dreg:$0x0];
	s2 =	stileid.u32  }
0x72: {  	s1 =	rddreg [dreg:$0x1];
	p0 =	sne.s32 s2, $0x0  }
0x73: {  	s3 =	rddreg [dreg:$0x2];
	[bflag:$0x3] =	sbarrier.arrive $0xFFFF;
	s2 =	simm.s32 @!p0 $0x1C01  }
0x74: {  	[timem:s3], [sflag:s2] =	dma.local @!p0 [hbm:s0], s1  }
0x75: {  	s0 =	simm.s32 @!p0 $0x1  }
0x76: {  	_ =	swait.ge @!p0 [sflag:s0], s1  }
0x77: {  	s1 =	ssub.s32 @!p0 $0x0, s1;
	[sflag:s0] =	ssyncset.done @!p0 $0x0  }
0x78: {  	[sflag:s0] =	ssyncadd.s32 @!p0 s1  }
0x79: {  	[bflag:$0x3] =	sbarrier.arrive $0xFFFF  }
0x7a: {  	_ =	shalt  }

</sc_bundles>
